<compile_context>
chip_gen: v7x
topology: tpu7x:2x2x1
jax: 0.10.2.dev20260603
libtpu: 0.0.44.dev20260713+nightly
codegen_flags: <defaults>
</compile_context>

<pallas_src>
import functools

import jax
import jax.numpy as jnp
from jax import lax
from jax.experimental import pallas as pl
from jax.experimental.pallas import tpu as pltpu
from jax.experimental.pallas import tpu_sc as plsc

NPG = 1000
K = 500
H = 128
NG = 100
M = NG * K
NSORT = 1024

RPB = 10000
PADB = 10112
GRID = NG * NPG // RPB

NC = 2
NS = 16
NW = NC * NS

CHUNK = 128
MAIN_PER_W = 12
MAIN_CHUNKS = MAIN_PER_W * NW
EXTRA_CHUNKS = M // CHUNK - MAIN_CHUNKS
REM = M - (M // CHUNK) * CHUNK
REM_BASE = M - REM


def _subl_sum(a):
    acc = jnp.zeros((8, a.shape[1]), jnp.float32)
    for j in range(16):
        acc = acc + a[8 * j:8 * j + 8, :]
    q = acc[0:4, :] + acc[4:8, :]
    r2 = q[0:2, :] + q[2:4, :]
    return r2[0:1, :] + r2[1:2, :]


def _score_kernel(x_ref, g_ref, bt_ref, w1_ref, b1_ref, w2_ref, b2_ref,
                  s_ref):
    xb = x_ref[...]
    xp = jnp.concatenate(
        [xb, jnp.zeros((PADB - RPB, H), jnp.float32)], axis=0)
    xt = xp.T
    mu = _subl_sum(xt) * (1.0 / H)
    xct = xt - mu
    var = _subl_sum(xct * xct) * (1.0 / H)
    xnt = xct / jnp.sqrt(var + 1e-5) * g_ref[...] + bt_ref[...]
    ht = lax.dot_general(w1_ref[...], xnt, (((0,), (0,)), ((), ())),
                         preferred_element_type=jnp.float32)
    ht = ht + b1_ref[...]
    ht = ht * (1.0 / (1.0 + jnp.exp(-ht)))
    st = lax.dot_general(w2_ref[...], ht, (((0,), (0,)), ((), ())),
                         preferred_element_type=jnp.float32)
    st = st + b2_ref[...]
    s_ref[...] = st[:, :RPB].reshape(1, 1, RPB)


def _roll(a, sh):
    return jnp.concatenate([a[:, -sh:], a[:, :-sh]], axis=1)


def _topk_sort_kernel(s_ref, out_ref):
    s = s_ref[...]
    b = lax.bitcast_convert_type(s, jnp.int32)
    key = jnp.where(b < 0, b ^ 0x7FFFFFFF, b)
    pad = jnp.full((NG, NSORT - NPG), jnp.int32(-2147483648))
    key = jnp.concatenate([key, pad], axis=1)
    idx = lax.broadcasted_iota(jnp.int32, (NG, NSORT), 1)
    lane = lax.broadcasted_iota(jnp.int32, (1, NSORT), 1)

    ksize = 2
    while ksize <= NSORT:
        d = ksize // 2
        while d >= 1:
            upper = (lane & d) != 0
            m = ((lane & ksize) == 0) ^ upper
            kp = jnp.where(upper, _roll(key, d), _roll(key, -d))
            ip = jnp.where(upper, _roll(idx, d), _roll(idx, -d))
            win = (key > kp) | ((key == kp) & (idx < ip))
            take_self = win == m
            key = jnp.where(take_self, key, kp)
            idx = jnp.where(take_self, idx, ip)
            d //= 2
        ksize *= 2

    offs = lax.broadcasted_iota(jnp.int32, (NG, K), 0) * NPG
    out_ref[...] = idx[:, :K] + offs


def _topk_indices(x, ln_gamma, ln_beta, W1, b1, W2, b2):
    full = lambda shape: pl.BlockSpec(shape, lambda g: (0,) * len(shape))
    s3 = pl.pallas_call(
        _score_kernel,
        grid=(GRID,),
        in_specs=[
            pl.BlockSpec((RPB, H), lambda g: (g, 0)),
            full((H, 1)), full((H, 1)), full((H, H // 2)),
            full((H // 2, 1)), full((H // 2, 1)), full((1, 1)),
        ],
        out_specs=pl.BlockSpec((1, 1, RPB), lambda g: (g, 0, 0)),
        out_shape=jax.ShapeDtypeStruct((GRID, 1, RPB), jnp.float32),
    )(x, ln_gamma.reshape(H, 1), ln_beta.reshape(H, 1), W1,
      b1.reshape(H // 2, 1), W2, b2.reshape(1, 1))
    gidx2 = pl.pallas_call(
        _topk_sort_kernel,
        in_specs=[pl.BlockSpec((NG, NPG), lambda: (0, 0))],
        out_specs=pl.BlockSpec((NG, K), lambda: (0, 0)),
        out_shape=jax.ShapeDtypeStruct((NG, K), jnp.int32),
    )(s3.reshape(NG, NPG))
    return gidx2.reshape(M)


@functools.cache
def _make_gather():
    @functools.partial(
        pl.kernel,
        mesh=plsc.VectorSubcoreMesh(core_axis_name="c", subcore_axis_name="s"),
        out_type=jax.ShapeDtypeStruct((M, H), jnp.float32),
        scratch_types=[
            pltpu.VMEM((MAIN_PER_W * CHUNK,), jnp.int32),
            pltpu.VMEM((CHUNK, H), jnp.float32),
            pltpu.VMEM((CHUNK, H), jnp.float32),
            pltpu.VMEM((CHUNK,), jnp.int32),
            pltpu.VMEM((CHUNK, H), jnp.float32),
            pltpu.VMEM((REM,), jnp.int32),
            pltpu.VMEM((REM, H), jnp.float32),
            pltpu.SemaphoreType.DMA,
            pltpu.SemaphoreType.DMA,
            pltpu.SemaphoreType.DMA,
            pltpu.SemaphoreType.DMA,
            pltpu.SemaphoreType.DMA,
        ],
    )
    def _gather_rows(x_hbm, idx_hbm, out_hbm, idx_all, r0, r1, idx_e, rows_e,
                     idx_t, rows_t, g0, g1, s0, s1, se):
        wid = lax.axis_index("s") * NC + lax.axis_index("c")
        base_w = wid * (MAIN_PER_W * CHUNK)
        pltpu.sync_copy(idx_hbm.at[pl.ds(base_w, MAIN_PER_W * CHUNK)],
                        idx_all)

        rows = (r0, r1)
        gsem = (g0, g1)
        ssem = (s0, s1)
        hg = [None, None]
        hs = [None, None]
        for i in range(MAIN_PER_W):
            sl = i % 2
            if i >= 2:
                hs[sl].wait()
            hg[sl] = pltpu.async_copy(
                x_hbm.at[idx_all.at[pl.ds(i * CHUNK, CHUNK)]], rows[sl],
                gsem[sl])
            if i >= 1:
                hg[1 - sl].wait()
                hs[1 - sl] = pltpu.async_copy(
                    rows[1 - sl],
                    out_hbm.at[pl.ds(base_w + (i - 1) * CHUNK, CHUNK)],
                    ssem[1 - sl])
        last = (MAIN_PER_W - 1) % 2
        hg[last].wait()
        hs[last] = pltpu.async_copy(
            rows[last],
            out_hbm.at[pl.ds(base_w + (MAIN_PER_W - 1) * CHUNK, CHUNK)],
            ssem[last])
        hs[0].wait()
        hs[1].wait()

        @pl.when(wid < EXTRA_CHUNKS)
        def _():
            base = (MAIN_CHUNKS + wid) * CHUNK
            pltpu.sync_copy(idx_hbm.at[pl.ds(base, CHUNK)], idx_e)
            pltpu.async_copy(x_hbm.at[idx_e], rows_e, se).wait()
            pltpu.sync_copy(rows_e, out_hbm.at[pl.ds(base, CHUNK)])

        @pl.when(wid == EXTRA_CHUNKS)
        def _():
            pltpu.sync_copy(idx_hbm.at[pl.ds(REM_BASE, REM)], idx_t)
            pltpu.async_copy(x_hbm.at[idx_t], rows_t, se).wait()
            pltpu.sync_copy(rows_t, out_hbm.at[pl.ds(REM_BASE, REM)])

    return _gather_rows


def kernel(x, nodes_per_graph, ln_gamma, ln_beta, W1, b1, W2, b2):
    gidx = _topk_indices(x, ln_gamma, ln_beta, W1, b1, W2, b2)
    x_pool = _make_gather()(x, gidx)
    return (x_pool, gidx, K)

# --- scband reference (transcript-rebuilt; emitter-appended) ---
"""Pipeline reference for scband-top-kpool-18227841204839 (READ-ONLY COPY).

The authoritative reference and input builder live on the scoring server;
editing this copy changes nothing except your own understanding.
"""

import jax, jax.numpy as jnp
import numpy as np
import math

HIDDEN = 128
RATIO = 0.5

def setup_inputs(seed: int = 0) -> dict:
    key = jax.random.key(seed)
    ks = jax.random.split(key, 4)
    x = jax.random.normal(ks[0], (100000, HIDDEN), dtype=jnp.float32)
    ln_gamma = jnp.ones((HIDDEN,), dtype=jnp.float32)
    ln_beta = jnp.zeros((HIDDEN,), dtype=jnp.float32)
    # Linear1: hidden -> hidden//2 (default torch init ~ U(-1/sqrt(fan_in), 1/sqrt(fan_in)))
    lim1 = 1.0 / math.sqrt(HIDDEN)
    W1 = jax.random.uniform(ks[1], (HIDDEN, HIDDEN // 2), dtype=jnp.float32, minval=-lim1, maxval=lim1)
    b1 = jnp.zeros((HIDDEN // 2,), dtype=jnp.float32)
    # Linear2: xavier_uniform weight, bias = 1.0
    lim2 = math.sqrt(6.0 / (HIDDEN // 2 + 1))
    W2 = jax.random.uniform(ks[2], (HIDDEN // 2, 1), dtype=jnp.float32, minval=-lim2, maxval=lim2)
    b2 = jnp.ones((1,), dtype=jnp.float32)
    return {"x": x, "nodes_per_graph": 1000, "ln_gamma": ln_gamma, "ln_beta": ln_beta, "W1": W1, "b1": b1, "W2": W2, "b2": b2}

def reference(x, nodes_per_graph, ln_gamma, ln_beta, W1, b1, W2, b2):
    total_nodes = x.shape[0]
    nodes_per_graph_static = 1000
    batch_size = total_nodes // nodes_per_graph_static
    k_per_graph = max(1, int(math.ceil(RATIO * nodes_per_graph_static)))
    # LayerNorm
    mu = jnp.mean(x, axis=-1, keepdims=True)
    var = jnp.var(x, axis=-1, keepdims=True)
    xn = (x - mu) / jnp.sqrt(var + 1e-5) * ln_gamma + ln_beta
    # scorer: Linear -> SiLU -> Linear
    h = xn @ W1 + b1
    h = h * jax.nn.sigmoid(h)
    s = (h @ W2 + b2).squeeze(-1)
    s = s.reshape(batch_size, nodes_per_graph_static)
    # top-k per graph (largest, sorted)
    _, local_indices = jax.lax.top_k(s, k_per_graph)
    npg = jnp.asarray(nodes_per_graph).astype(local_indices.dtype)
    batch_offsets = jnp.arange(batch_size, dtype=local_indices.dtype)[:, None] * npg
    global_indices = (local_indices + batch_offsets).reshape(-1)
    x_pool = x[global_indices]
    return (x_pool, global_indices, k_per_graph)

if __name__ == "__main__":
    import jax
    _d = setup_inputs()
    print(jax.jit(kernel)(*tuple(_d.values())))

</pallas_src>

<mosaic_0001>
#map = affine_map<(d0, d1) -> (0, 0)>
#map1 = affine_map<(d0, d1) -> (0)>
module attributes {stable_mosaic.version = 14 : i64} {
  func.func @_gather_rows(%arg0: i32, %arg1: i32, %arg2: memref<100000x128xf32, #tpu.memory_space<hbm>>, %arg3: memref<50000xi32, #tpu.memory_space<hbm>>, %arg4: memref<50000x128xf32, #tpu.memory_space<hbm>>, %arg5: memref<1536xi32, #tpu.memory_space<vmem>>, %arg6: memref<128x128xf32, #tpu.memory_space<vmem>>, %arg7: memref<128x128xf32, #tpu.memory_space<vmem>>, %arg8: memref<128xi32, #tpu.memory_space<vmem>>, %arg9: memref<128x128xf32, #tpu.memory_space<vmem>>, %arg10: memref<80xi32, #tpu.memory_space<vmem>>, %arg11: memref<80x128xf32, #tpu.memory_space<vmem>>, %arg12: memref<!tpu.dma_semaphore, #tpu.memory_space<semaphore_mem>>, %arg13: memref<!tpu.dma_semaphore, #tpu.memory_space<semaphore_mem>>, %arg14: memref<!tpu.dma_semaphore, #tpu.memory_space<semaphore_mem>>, %arg15: memref<!tpu.dma_semaphore, #tpu.memory_space<semaphore_mem>>, %arg16: memref<!tpu.dma_semaphore, #tpu.memory_space<semaphore_mem>>) attributes {dimension_semantics = [#tpu.dimension_semantics<core_parallel>, #tpu.dimension_semantics<subcore_parallel>], iteration_bounds = array<i64: 2, 16>, scalar_prefetch = 0 : i64, scratch_operands = 12 : i64, tpu.core_type = #tpu.core_type<sc_vector_subcore>, window_params = [{transform_indices = #map}, {transform_indices = #map1}, {transform_indices = #map}]} {
    %mul3A = arith.constant 2 : i32
    %mul3A_0 = arith.muli %arg1, %mul3A : i32
    %add3A = arith.addi %mul3A_0, %arg0 : i32
    %mul3A_1 = arith.constant 1536 : i32
    %mul3A_2 = arith.muli %add3A, %mul3A_1 : i32
    "tpu.region"() ({
      %run_scoped3A = tpu.sem_alloc : memref<!tpu.dma_semaphore, #tpu.memory_space<semaphore_mem>>
      %dma_start3A_247 = tpu.memref_slice %arg3[%mul3A_2] : memref<50000xi32, #tpu.memory_space<hbm>> -> memref<1536xi32, #tpu.memory_space<hbm>>
      %dma_start3A_248 = tpu.memref_slice %arg3[%mul3A_2] : memref<50000xi32, #tpu.memory_space<hbm>> -> memref<1536xi32, #tpu.memory_space<hbm>>
      tpu.enqueue_dma source(%dma_start3A_248 : memref<1536xi32, #tpu.memory_space<hbm>>) target(%arg5 : memref<1536xi32, #tpu.memory_space<vmem>>) target_semaphore(%run_scoped3A : memref<!tpu.dma_semaphore, #tpu.memory_space<semaphore_mem>>)
      %dma_wait3A_249 = tpu.memref_slice %arg3[%mul3A_2] : memref<50000xi32, #tpu.memory_space<hbm>> -> memref<1536xi32, #tpu.memory_space<hbm>>
      %dma_wait3A_250 = tpu.memref_slice %arg3[%mul3A_2] : memref<50000xi32, #tpu.memory_space<hbm>> -> memref<1536xi32, #tpu.memory_space<hbm>>
      tpu.wait_dma2 semaphore(%run_scoped3A : memref<!tpu.dma_semaphore, #tpu.memory_space<semaphore_mem>>) src(%dma_wait3A_250 : memref<1536xi32, #tpu.memory_space<hbm>>) dst(%arg5 : memref<1536xi32, #tpu.memory_space<vmem>>)
      tpu.yield
    }) : () -> ()
    %dma_start3A = arith.constant 0 : i32
    %dma_start3A_3 = tpu.memref_slice %arg5[%dma_start3A] : memref<1536xi32, #tpu.memory_space<vmem>> -> memref<128xi32, #tpu.memory_space<vmem>>
    %dma_start3A_4 = arith.constant 0 : i32
    %dma_start3A_5 = arith.constant 0 : i32
    %dma_start3A_6 = tpu.memref_slice %arg2[%dma_start3A_4, %dma_start3A_5] : memref<100000x128xf32, #tpu.memory_space<hbm>> -> memref<100000x128xf32, #tpu.memory_space<hbm>>
    tpu.enqueue_indirect_dma source(%dma_start3A_6 : memref<100000x128xf32, #tpu.memory_space<hbm>>) target(%arg6 : memref<128x128xf32, #tpu.memory_space<vmem>>) offsets(%dma_start3A_3 : memref<128xi32, #tpu.memory_space<vmem>>) semaphore(%arg12 : memref<!tpu.dma_semaphore, #tpu.memory_space<semaphore_mem>>)
    %dma_start3A_7 = arith.constant 128 : i32
    %dma_start3A_8 = tpu.memref_slice %arg5[%dma_start3A_7] : memref<1536xi32, #tpu.memory_space<vmem>> -> memref<128xi32, #tpu.memory_space<vmem>>
    %dma_start3A_9 = arith.constant 0 : i32
    %dma_start3A_10 = arith.constant 0 : i32
    %dma_start3A_11 = tpu.memref_slice %arg2[%dma_start3A_9, %dma_start3A_10] : memref<100000x128xf32, #tpu.memory_space<hbm>> -> memref<100000x128xf32, #tpu.memory_space<hbm>>
    tpu.enqueue_indirect_dma source(%dma_start3A_11 : memref<100000x128xf32, #tpu.memory_space<hbm>>) target(%arg7 : memref<128x128xf32, #tpu.memory_space<vmem>>) offsets(%dma_start3A_8 : memref<128xi32, #tpu.memory_space<vmem>>) semaphore(%arg13 : memref<!tpu.dma_semaphore, #tpu.memory_space<semaphore_mem>>)
    %dma_wait3A = arith.constant 0 : i32
    %dma_wait3A_12 = tpu.memref_slice %arg5[%dma_wait3A] : memref<1536xi32, #tpu.memory_space<vmem>> -> memref<128xi32, #tpu.memory_space<vmem>>
    %dma_wait3A_13 = arith.constant 0 : i32
    %dma_wait3A_14 = arith.constant 0 : i32
    %dma_wait3A_15 = tpu.memref_slice %arg2[%dma_wait3A_13, %dma_wait3A_14] : memref<100000x128xf32, #tpu.memory_space<hbm>> -> memref<100000x128xf32, #tpu.memory_space<hbm>>
    tpu.wait_indirect_dma semaphore(%arg12 : memref<!tpu.dma_semaphore, #tpu.memory_space<semaphore_mem>>) src(%dma_wait3A_15 : memref<100000x128xf32, #tpu.memory_space<hbm>>) dst(%arg6 : memref<128x128xf32, #tpu.memory_space<vmem>>)
    %add3A_16 = arith.constant 0 : i32
    %add3A_17 = arith.addi %mul3A_2, %add3A_16 : i32
    %dma_start3A_18 = arith.constant 0 : i32
    %dma_start3A_19 = tpu.memref_slice %arg4[%add3A_17, %dma_start3A_18] : memref<50000x128xf32, #tpu.memory_space<hbm>> -> memref<128x128xf32, #tpu.memory_space<hbm>>
    %dma_start3A_20 = arith.constant 0 : i32
    %dma_start3A_21 = tpu.memref_slice %arg4[%add3A_17, %dma_start3A_20] : memref<50000x128xf32, #tpu.memory_space<hbm>> -> memref<128x128xf32, #tpu.memory_space<hbm>>
    tpu.enqueue_dma source(%arg6 : memref<128x128xf32, #tpu.memory_space<vmem>>) target(%dma_start3A_21 : memref<128x128xf32, #tpu.memory_space<hbm>>) target_semaphore(%arg14 : memref<!tpu.dma_semaphore, #tpu.memory_space<semaphore_mem>>)
    %dma_wait3A_22 = arith.constant 0 : i32
    %dma_wait3A_23 = tpu.memref_slice %arg4[%add3A_17, %dma_wait3A_22] : memref<50000x128xf32, #tpu.memory_space<hbm>> -> memref<128x128xf32, #tpu.memory_space<hbm>>
    %dma_wait3A_24 = arith.constant 0 : i32
    %dma_wait3A_25 = tpu.memref_slice %arg4[%add3A_17, %dma_wait3A_24] : memref<50000x128xf32, #tpu.memory_space<hbm>> -> memref<128x128xf32, #tpu.memory_space<hbm>>
    tpu.wait_dma2 semaphore(%arg14 : memref<!tpu.dma_semaphore, #tpu.memory_space<semaphore_mem>>) src(%arg6 : memref<128x128xf32, #tpu.memory_space<vmem>>) dst(%dma_wait3A_25 : memref<128x128xf32, #tpu.memory_space<hbm>>)
    %dma_start3A_26 = arith.constant 256 : i32
    %dma_start3A_27 = tpu.memref_slice %arg5[%dma_start3A_26] : memref<1536xi32, #tpu.memory_space<vmem>> -> memref<128xi32, #tpu.memory_space<vmem>>
    %dma_start3A_28 = arith.constant 0 : i32
    %dma_start3A_29 = arith.constant 0 : i32
    %dma_start3A_30 = tpu.memref_slice %arg2[%dma_start3A_28, %dma_start3A_29] : memref<100000x128xf32, #tpu.memory_space<hbm>> -> memref<100000x128xf32, #tpu.memory_space<hbm>>
    tpu.enqueue_indirect_dma source(%dma_start3A_30 : memref<100000x128xf32, #tpu.memory_space<hbm>>) target(%arg6 : memref<128x128xf32, #tpu.memory_space<vmem>>) offsets(%dma_start3A_27 : memref<128xi32, #tpu.memory_space<vmem>>) semaphore(%arg12 : memref<!tpu.dma_semaphore, #tpu.memory_space<semaphore_mem>>)
    %dma_wait3A_31 = arith.constant 128 : i32
    %dma_wait3A_32 = tpu.memref_slice %arg5[%dma_wait3A_31] : memref<1536xi32, #tpu.memory_space<vmem>> -> memref<128xi32, #tpu.memory_space<vmem>>
    %dma_wait3A_33 = arith.constant 0 : i32
    %dma_wait3A_34 = arith.constant 0 : i32
    %dma_wait3A_35 = tpu.memref_slice %arg2[%dma_wait3A_33, %dma_wait3A_34] : memref<100000x128xf32, #tpu.memory_space<hbm>> -> memref<100000x128xf32, #tpu.memory_space<hbm>>
    tpu.wait_indirect_dma semaphore(%arg13 : memref<!tpu.dma_semaphore, #tpu.memory_space<semaphore_mem>>) src(%dma_wait3A_35 : memref<100000x128xf32, #tpu.memory_space<hbm>>) dst(%arg7 : memref<128x128xf32, #tpu.memory_space<vmem>>)
    %add3A_36 = arith.constant 128 : i32
    %add3A_37 = arith.addi %mul3A_2, %add3A_36 : i32
    %dma_start3A_38 = arith.constant 0 : i32
    %dma_start3A_39 = tpu.memref_slice %arg4[%add3A_37, %dma_start3A_38] : memref<50000x128xf32, #tpu.memory_space<hbm>> -> memref<128x128xf32, #tpu.memory_space<hbm>>
    %dma_start3A_40 = arith.constant 0 : i32
    %dma_start3A_41 = tpu.memref_slice %arg4[%add3A_37, %dma_start3A_40] : memref<50000x128xf32, #tpu.memory_space<hbm>> -> memref<128x128xf32, #tpu.memory_space<hbm>>
    tpu.enqueue_dma source(%arg7 : memref<128x128xf32, #tpu.memory_space<vmem>>) target(%dma_start3A_41 : memref<128x128xf32, #tpu.memory_space<hbm>>) target_semaphore(%arg15 : memref<!tpu.dma_semaphore, #tpu.memory_space<semaphore_mem>>)
    %dma_wait3A_42 = arith.constant 0 : i32
    %dma_wait3A_43 = tpu.memref_slice %arg4[%add3A_37, %dma_wait3A_42] : memref<50000x128xf32, #tpu.memory_space<hbm>> -> memref<128x128xf32, #tpu.memory_space<hbm>>
    %dma_wait3A_44 = arith.constant 0 : i32
    %dma_wait3A_45 = tpu.memref_slice %arg4[%add3A_37, %dma_wait3A_44] : memref<50000x128xf32, #tpu.memory_space<hbm>> -> memref<128x128xf32, #tpu.memory_space<hbm>>
    tpu.wait_dma2 semaphore(%arg15 : memref<!tpu.dma_semaphore, #tpu.memory_space<semaphore_mem>>) src(%arg7 : memref<128x128xf32, #tpu.memory_space<vmem>>) dst(%dma_wait3A_45 : memref<128x128xf32, #tpu.memory_space<hbm>>)
    %dma_start3A_46 = arith.constant 384 : i32
    %dma_start3A_47 = tpu.memref_slice %arg5[%dma_start3A_46] : memref<1536xi32, #tpu.memory_space<vmem>> -> memref<128xi32, #tpu.memory_space<vmem>>
    %dma_start3A_48 = arith.constant 0 : i32
    %dma_start3A_49 = arith.constant 0 : i32
    %dma_start3A_50 = tpu.memref_slice %arg2[%dma_start3A_48, %dma_start3A_49] : memref<100000x128xf32, #tpu.memory_space<hbm>> -> memref<100000x128xf32, #tpu.memory_space<hbm>>
    tpu.enqueue_indirect_dma source(%dma_start3A_50 : memref<100000x128xf32, #tpu.memory_space<hbm>>) target(%arg7 : memref<128x128xf32, #tpu.memory_space<vmem>>) offsets(%dma_start3A_47 : memref<128xi32, #tpu.memory_space<vmem>>) semaphore(%arg13 : memref<!tpu.dma_semaphore, #tpu.memory_space<semaphore_mem>>)
    %dma_wait3A_51 = arith.constant 256 : i32
    %dma_wait3A_52 = tpu.memref_slice %arg5[%dma_wait3A_51] : memref<1536xi32, #tpu.memory_space<vmem>> -> memref<128xi32, #tpu.memory_space<vmem>>
    %dma_wait3A_53 = arith.constant 0 : i32
    %dma_wait3A_54 = arith.constant 0 : i32
    %dma_wait3A_55 = tpu.memref_slice %arg2[%dma_wait3A_53, %dma_wait3A_54] : memref<100000x128xf32, #tpu.memory_space<hbm>> -> memref<100000x128xf32, #tpu.memory_space<hbm>>
    tpu.wait_indirect_dma semaphore(%arg12 : memref<!tpu.dma_semaphore, #tpu.memory_space<semaphore_mem>>) src(%dma_wait3A_55 : memref<100000x128xf32, #tpu.memory_space<hbm>>) dst(%arg6 : memref<128x128xf32, #tpu.memory_space<vmem>>)
    %add3A_56 = arith.constant 256 : i32
    %add3A_57 = arith.addi %mul3A_2, %add3A_56 : i32
    %dma_start3A_58 = arith.constant 0 : i32
    %dma_start3A_59 = tpu.memref_slice %arg4[%add3A_57, %dma_start3A_58] : memref<50000x128xf32, #tpu.memory_space<hbm>> -> memref<128x128xf32, #tpu.memory_space<hbm>>
    %dma_start3A_60 = arith.constant 0 : i32
    %dma_start3A_61 = tpu.memref_slice %arg4[%add3A_57, %dma_start3A_60] : memref<50000x128xf32, #tpu.memory_space<hbm>> -> memref<128x128xf32, #tpu.memory_space<hbm>>
    tpu.enqueue_dma source(%arg6 : memref<128x128xf32, #tpu.memory_space<vmem>>) target(%dma_start3A_61 : memref<128x128xf32, #tpu.memory_space<hbm>>) target_semaphore(%arg14 : memref<!tpu.dma_semaphore, #tpu.memory_space<semaphore_mem>>)
    %dma_wait3A_62 = arith.constant 0 : i32
    %dma_wait3A_63 = tpu.memref_slice %arg4[%add3A_57, %dma_wait3A_62] : memref<50000x128xf32, #tpu.memory_space<hbm>> -> memref<128x128xf32, #tpu.memory_space<hbm>>
    %dma_wait3A_64 = arith.constant 0 : i32
    %dma_wait3A_65 = tpu.memref_slice %arg4[%add3A_57, %dma_wait3A_64] : memref<50000x128xf32, #tpu.memory_space<hbm>> -> memref<128x128xf32, #tpu.memory_space<hbm>>
    tpu.wait_dma2 semaphore(%arg14 : memref<!tpu.dma_semaphore, #tpu.memory_space<semaphore_mem>>) src(%arg6 : memref<128x128xf32, #tpu.memory_space<vmem>>) dst(%dma_wait3A_65 : memref<128x128xf32, #tpu.memory_space<hbm>>)
    %dma_start3A_66 = arith.constant 512 : i32
    %dma_start3A_67 = tpu.memref_slice %arg5[%dma_start3A_66] : memref<1536xi32, #tpu.memory_space<vmem>> -> memref<128xi32, #tpu.memory_space<vmem>>
    %dma_start3A_68 = arith.constant 0 : i32
    %dma_start3A_69 = arith.constant 0 : i32
    %dma_start3A_70 = tpu.memref_slice %arg2[%dma_start3A_68, %dma_start3A_69] : memref<100000x128xf32, #tpu.memory_space<hbm>> -> memref<100000x128xf32, #tpu.memory_space<hbm>>
    tpu.enqueue_indirect_dma source(%dma_start3A_70 : memref<100000x128xf32, #tpu.memory_space<hbm>>) target(%arg6 : memref<128x128xf32, #tpu.memory_space<vmem>>) offsets(%dma_start3A_67 : memref<128xi32, #tpu.memory_space<vmem>>) semaphore(%arg12 : memref<!tpu.dma_semaphore, #tpu.memory_space<semaphore_mem>>)
    %dma_wait3A_71 = arith.constant 384 : i32
    %dma_wait3A_72 = tpu.memref_slice %arg5[%dma_wait3A_71] : memref<1536xi32, #tpu.memory_space<vmem>> -> memref<128xi32, #tpu.memory_space<vmem>>
    %dma_wait3A_73 = arith.constant 0 : i32
    %dma_wait3A_74 = arith.constant 0 : i32
    %dma_wait3A_75 = tpu.memref_slice %arg2[%dma_wait3A_73, %dma_wait3A_74] : memref<100000x128xf32, #tpu.memory_space<hbm>> -> memref<100000x128xf32, #tpu.memory_space<hbm>>
    tpu.wait_indirect_dma semaphore(%arg13 : memref<!tpu.dma_semaphore, #tpu.memory_space<semaphore_mem>>) src(%dma_wait3A_75 : memref<100000x128xf32, #tpu.memory_space<hbm>>) dst(%arg7 : memref<128x128xf32, #tpu.memory_space<vmem>>)
    %add3A_76 = arith.constant 384 : i32
    %add3A_77 = arith.addi %mul3A_2, %add3A_76 : i32
    %dma_start3A_78 = arith.constant 0 : i32
    %dma_start3A_79 = tpu.memref_slice %arg4[%add3A_77, %dma_start3A_78] : memref<50000x128xf32, #tpu.memory_space<hbm>> -> memref<128x128xf32, #tpu.memory_space<hbm>>
    %dma_start3A_80 = arith.constant 0 : i32
    %dma_start3A_81 = tpu.memref_slice %arg4[%add3A_77, %dma_start3A_80] : memref<50000x128xf32, #tpu.memory_space<hbm>> -> memref<128x128xf32, #tpu.memory_space<hbm>>
    tpu.enqueue_dma source(%arg7 : memref<128x128xf32, #tpu.memory_space<vmem>>) target(%dma_start3A_81 : memref<128x128xf32, #tpu.memory_space<hbm>>) target_semaphore(%arg15 : memref<!tpu.dma_semaphore, #tpu.memory_space<semaphore_mem>>)
    %dma_wait3A_82 = arith.constant 0 : i32
    %dma_wait3A_83 = tpu.memref_slice %arg4[%add3A_77, %dma_wait3A_82] : memref<50000x128xf32, #tpu.memory_space<hbm>> -> memref<128x128xf32, #tpu.memory_space<hbm>>
    %dma_wait3A_84 = arith.constant 0 : i32
    %dma_wait3A_85 = tpu.memref_slice %arg4[%add3A_77, %dma_wait3A_84] : memref<50000x128xf32, #tpu.memory_space<hbm>> -> memref<128x128xf32, #tpu.memory_space<hbm>>
    tpu.wait_dma2 semaphore(%arg15 : memref<!tpu.dma_semaphore, #tpu.memory_space<semaphore_mem>>) src(%arg7 : memref<128x128xf32, #tpu.memory_space<vmem>>) dst(%dma_wait3A_85 : memref<128x128xf32, #tpu.memory_space<hbm>>)
    %dma_start3A_86 = arith.constant 640 : i32
    %dma_start3A_87 = tpu.memref_slice %arg5[%dma_start3A_86] : memref<1536xi32, #tpu.memory_space<vmem>> -> memref<128xi32, #tpu.memory_space<vmem>>
    %dma_start3A_88 = arith.constant 0 : i32
    %dma_start3A_89 = arith.constant 0 : i32
    %dma_start3A_90 = tpu.memref_slice %arg2[%dma_start3A_88, %dma_start3A_89] : memref<100000x128xf32, #tpu.memory_space<hbm>> -> memref<100000x128xf32, #tpu.memory_space<hbm>>
    tpu.enqueue_indirect_dma source(%dma_start3A_90 : memref<100000x128xf32, #tpu.memory_space<hbm>>) target(%arg7 : memref<128x128xf32, #tpu.memory_space<vmem>>) offsets(%dma_start3A_87 : memref<128xi32, #tpu.memory_space<vmem>>) semaphore(%arg13 : memref<!tpu.dma_semaphore, #tpu.memory_space<semaphore_mem>>)
    %dma_wait3A_91 = arith.constant 512 : i32
    %dma_wait3A_92 = tpu.memref_slice %arg5[%dma_wait3A_91] : memref<1536xi32, #tpu.memory_space<vmem>> -> memref<128xi32, #tpu.memory_space<vmem>>
    %dma_wait3A_93 = arith.constant 0 : i32
    %dma_wait3A_94 = arith.constant 0 : i32
    %dma_wait3A_95 = tpu.memref_slice %arg2[%dma_wait3A_93, %dma_wait3A_94] : memref<100000x128xf32, #tpu.memory_space<hbm>> -> memref<100000x128xf32, #tpu.memory_space<hbm>>
    tpu.wait_indirect_dma semaphore(%arg12 : memref<!tpu.dma_semaphore, #tpu.memory_space<semaphore_mem>>) src(%dma_wait3A_95 : memref<100000x128xf32, #tpu.memory_space<hbm>>) dst(%arg6 : memref<128x128xf32, #tpu.memory_space<vmem>>)
    %add3A_96 = arith.constant 512 : i32
    %add3A_97 = arith.addi %mul3A_2, %add3A_96 : i32
    %dma_start3A_98 = arith.constant 0 : i32
    %dma_start3A_99 = tpu.memref_slice %arg4[%add3A_97, %dma_start3A_98] : memref<50000x128xf32, #tpu.memory_space<hbm>> -> memref<128x128xf32, #tpu.memory_space<hbm>>
    %dma_start3A_100 = arith.constant 0 : i32
    %dma_start3A_101 = tpu.memref_slice %arg4[%add3A_97, %dma_start3A_100] : memref<50000x128xf32, #tpu.memory_space<hbm>> -> memref<128x128xf32, #tpu.memory_space<hbm>>
    tpu.enqueue_dma source(%arg6 : memref<128x128xf32, #tpu.memory_space<vmem>>) target(%dma_start3A_101 : memref<128x128xf32, #tpu.memory_space<hbm>>) target_semaphore(%arg14 : memref<!tpu.dma_semaphore, #tpu.memory_space<semaphore_mem>>)
    %dma_wait3A_102 = arith.constant 0 : i32
    %dma_wait3A_103 = tpu.memref_slice %arg4[%add3A_97, %dma_wait3A_102] : memref<50000x128xf32, #tpu.memory_space<hbm>> -> memref<128x128xf32, #tpu.memory_space<hbm>>
    %dma_wait3A_104 = arith.constant 0 : i32
    %dma_wait3A_105 = tpu.memref_slice %arg4[%add3A_97, %dma_wait3A_104] : memref<50000x128xf32, #tpu.memory_space<hbm>> -> memref<128x128xf32, #tpu.memory_space<hbm>>
    tpu.wait_dma2 semaphore(%arg14 : memref<!tpu.dma_semaphore, #tpu.memory_space<semaphore_mem>>) src(%arg6 : memref<128x128xf32, #tpu.memory_space<vmem>>) dst(%dma_wait3A_105 : memref<128x128xf32, #tpu.memory_space<hbm>>)
    %dma_start3A_106 = arith.constant 768 : i32
    %dma_start3A_107 = tpu.memref_slice %arg5[%dma_start3A_106] : memref<1536xi32, #tpu.memory_space<vmem>> -> memref<128xi32, #tpu.memory_space<vmem>>
    %dma_start3A_108 = arith.constant 0 : i32
    %dma_start3A_109 = arith.constant 0 : i32
    %dma_start3A_110 = tpu.memref_slice %arg2[%dma_start3A_108, %dma_start3A_109] : memref<100000x128xf32, #tpu.memory_space<hbm>> -> memref<100000x128xf32, #tpu.memory_space<hbm>>
    tpu.enqueue_indirect_dma source(%dma_start3A_110 : memref<100000x128xf32, #tpu.memory_space<hbm>>) target(%arg6 : memref<128x128xf32, #tpu.memory_space<vmem>>) offsets(%dma_start3A_107 : memref<128xi32, #tpu.memory_space<vmem>>) semaphore(%arg12 : memref<!tpu.dma_semaphore, #tpu.memory_space<semaphore_mem>>)
    %dma_wait3A_111 = arith.constant 640 : i32
    %dma_wait3A_112 = tpu.memref_slice %arg5[%dma_wait3A_111] : memref<1536xi32, #tpu.memory_space<vmem>> -> memref<128xi32, #tpu.memory_space<vmem>>
    %dma_wait3A_113 = arith.constant 0 : i32
    %dma_wait3A_114 = arith.constant 0 : i32
    %dma_wait3A_115 = tpu.memref_slice %arg2[%dma_wait3A_113, %dma_wait3A_114] : memref<100000x128xf32, #tpu.memory_space<hbm>> -> memref<100000x128xf32, #tpu.memory_space<hbm>>
    tpu.wait_indirect_dma semaphore(%arg13 : memref<!tpu.dma_semaphore, #tpu.memory_space<semaphore_mem>>) src(%dma_wait3A_115 : memref<100000x128xf32, #tpu.memory_space<hbm>>) dst(%arg7 : memref<128x128xf32, #tpu.memory_space<vmem>>)
    %add3A_116 = arith.constant 640 : i32
    %add3A_117 = arith.addi %mul3A_2, %add3A_116 : i32
    %dma_start3A_118 = arith.constant 0 : i32
    %dma_start3A_119 = tpu.memref_slice %arg4[%add3A_117, %dma_start3A_118] : memref<50000x128xf32, #tpu.memory_space<hbm>> -> memref<128x128xf32, #tpu.memory_space<hbm>>
    %dma_start3A_120 = arith.constant 0 : i32
    %dma_start3A_121 = tpu.memref_slice %arg4[%add3A_117, %dma_start3A_120] : memref<50000x128xf32, #tpu.memory_space<hbm>> -> memref<128x128xf32, #tpu.memory_space<hbm>>
    tpu.enqueue_dma source(%arg7 : memref<128x128xf32, #tpu.memory_space<vmem>>) target(%dma_start3A_121 : memref<128x128xf32, #tpu.memory_space<hbm>>) target_semaphore(%arg15 : memref<!tpu.dma_semaphore, #tpu.memory_space<semaphore_mem>>)
    %dma_wait3A_122 = arith.constant 0 : i32
    %dma_wait3A_123 = tpu.memref_slice %arg4[%add3A_117, %dma_wait3A_122] : memref<50000x128xf32, #tpu.memory_space<hbm>> -> memref<128x128xf32, #tpu.memory_space<hbm>>
    %dma_wait3A_124 = arith.constant 0 : i32
    %dma_wait3A_125 = tpu.memref_slice %arg4[%add3A_117, %dma_wait3A_124] : memref<50000x128xf32, #tpu.memory_space<hbm>> -> memref<128x128xf32, #tpu.memory_space<hbm>>
    tpu.wait_dma2 semaphore(%arg15 : memref<!tpu.dma_semaphore, #tpu.memory_space<semaphore_mem>>) src(%arg7 : memref<128x128xf32, #tpu.memory_space<vmem>>) dst(%dma_wait3A_125 : memref<128x128xf32, #tpu.memory_space<hbm>>)
    %dma_start3A_126 = arith.constant 896 : i32
    %dma_start3A_127 = tpu.memref_slice %arg5[%dma_start3A_126] : memref<1536xi32, #tpu.memory_space<vmem>> -> memref<128xi32, #tpu.memory_space<vmem>>
    %dma_start3A_128 = arith.constant 0 : i32
    %dma_start3A_129 = arith.constant 0 : i32
    %dma_start3A_130 = tpu.memref_slice %arg2[%dma_start3A_128, %dma_start3A_129] : memref<100000x128xf32, #tpu.memory_space<hbm>> -> memref<100000x128xf32, #tpu.memory_space<hbm>>
    tpu.enqueue_indirect_dma source(%dma_start3A_130 : memref<100000x128xf32, #tpu.memory_space<hbm>>) target(%arg7 : memref<128x128xf32, #tpu.memory_space<vmem>>) offsets(%dma_start3A_127 : memref<128xi32, #tpu.memory_space<vmem>>) semaphore(%arg13 : memref<!tpu.dma_semaphore, #tpu.memory_space<semaphore_mem>>)
    %dma_wait3A_131 = arith.constant 768 : i32
    %dma_wait3A_132 = tpu.memref_slice %arg5[%dma_wait3A_131] : memref<1536xi32, #tpu.memory_space<vmem>> -> memref<128xi32, #tpu.memory_space<vmem>>
    %dma_wait3A_133 = arith.constant 0 : i32
    %dma_wait3A_134 = arith.constant 0 : i32
    %dma_wait3A_135 = tpu.memref_slice %arg2[%dma_wait3A_133, %dma_wait3A_134] : memref<100000x128xf32, #tpu.memory_space<hbm>> -> memref<100000x128xf32, #tpu.memory_space<hbm>>
    tpu.wait_indirect_dma semaphore(%arg12 : memref<!tpu.dma_semaphore, #tpu.memory_space<semaphore_mem>>) src(%dma_wait3A_135 : memref<100000x128xf32, #tpu.memory_space<hbm>>) dst(%arg6 : memref<128x128xf32, #tpu.memory_space<vmem>>)
    %add3A_136 = arith.constant 768 : i32
    %add3A_137 = arith.addi %mul3A_2, %add3A_136 : i32
    %dma_start3A_138 = arith.constant 0 : i32
    %dma_start3A_139 = tpu.memref_slice %arg4[%add3A_137, %dma_start3A_138] : memref<50000x128xf32, #tpu.memory_space<hbm>> -> memref<128x128xf32, #tpu.memory_space<hbm>>
    %dma_start3A_140 = arith.constant 0 : i32
    %dma_start3A_141 = tpu.memref_slice %arg4[%add3A_137, %dma_start3A_140] : memref<50000x128xf32, #tpu.memory_space<hbm>> -> memref<128x128xf32, #tpu.memory_space<hbm>>
    tpu.enqueue_dma source(%arg6 : memref<128x128xf32, #tpu.memory_space<vmem>>) target(%dma_start3A_141 : memref<128x128xf32, #tpu.memory_space<hbm>>) target_semaphore(%arg14 : memref<!tpu.dma_semaphore, #tpu.memory_space<semaphore_mem>>)
    %dma_wait3A_142 = arith.constant 0 : i32
    %dma_wait3A_143 = tpu.memref_slice %arg4[%add3A_137, %dma_wait3A_142] : memref<50000x128xf32, #tpu.memory_space<hbm>> -> memref<128x128xf32, #tpu.memory_space<hbm>>
    %dma_wait3A_144 = arith.constant 0 : i32
    %dma_wait3A_145 = tpu.memref_slice %arg4[%add3A_137, %dma_wait3A_144] : memref<50000x128xf32, #tpu.memory_space<hbm>> -> memref<128x128xf32, #tpu.memory_space<hbm>>
    tpu.wait_dma2 semaphore(%arg14 : memref<!tpu.dma_semaphore, #tpu.memory_space<semaphore_mem>>) src(%arg6 : memref<128x128xf32, #tpu.memory_space<vmem>>) dst(%dma_wait3A_145 : memref<128x128xf32, #tpu.memory_space<hbm>>)
    %dma_start3A_146 = arith.constant 1024 : i32
    %dma_start3A_147 = tpu.memref_slice %arg5[%dma_start3A_146] : memref<1536xi32, #tpu.memory_space<vmem>> -> memref<128xi32, #tpu.memory_space<vmem>>
    %dma_start3A_148 = arith.constant 0 : i32
    %dma_start3A_149 = arith.constant 0 : i32
    %dma_start3A_150 = tpu.memref_slice %arg2[%dma_start3A_148, %dma_start3A_149] : memref<100000x128xf32, #tpu.memory_space<hbm>> -> memref<100000x128xf32, #tpu.memory_space<hbm>>
    tpu.enqueue_indirect_dma source(%dma_start3A_150 : memref<100000x128xf32, #tpu.memory_space<hbm>>) target(%arg6 : memref<128x128xf32, #tpu.memory_space<vmem>>) offsets(%dma_start3A_147 : memref<128xi32, #tpu.memory_space<vmem>>) semaphore(%arg12 : memref<!tpu.dma_semaphore, #tpu.memory_space<semaphore_mem>>)
    %dma_wait3A_151 = arith.constant 896 : i32
    %dma_wait3A_152 = tpu.memref_slice %arg5[%dma_wait3A_151] : memref<1536xi32, #tpu.memory_space<vmem>> -> memref<128xi32, #tpu.memory_space<vmem>>
    %dma_wait3A_153 = arith.constant 0 : i32
    %dma_wait3A_154 = arith.constant 0 : i32
    %dma_wait3A_155 = tpu.memref_slice %arg2[%dma_wait3A_153, %dma_wait3A_154] : memref<100000x128xf32, #tpu.memory_space<hbm>> -> memref<100000x128xf32, #tpu.memory_space<hbm>>
    tpu.wait_indirect_dma semaphore(%arg13 : memref<!tpu.dma_semaphore, #tpu.memory_space<semaphore_mem>>) src(%dma_wait3A_155 : memref<100000x128xf32, #tpu.memory_space<hbm>>) dst(%arg7 : memref<128x128xf32, #tpu.memory_space<vmem>>)
    %add3A_156 = arith.constant 896 : i32
    %add3A_157 = arith.addi %mul3A_2, %add3A_156 : i32
    %dma_start3A_158 = arith.constant 0 : i32
    %dma_start3A_159 = tpu.memref_slice %arg4[%add3A_157, %dma_start3A_158] : memref<50000x128xf32, #tpu.memory_space<hbm>> -> memref<128x128xf32, #tpu.memory_space<hbm>>
    %dma_start3A_160 = arith.constant 0 : i32
    %dma_start3A_161 = tpu.memref_slice %arg4[%add3A_157, %dma_start3A_160] : memref<50000x128xf32, #tpu.memory_space<hbm>> -> memref<128x128xf32, #tpu.memory_space<hbm>>
    tpu.enqueue_dma source(%arg7 : memref<128x128xf32, #tpu.memory_space<vmem>>) target(%dma_start3A_161 : memref<128x128xf32, #tpu.memory_space<hbm>>) target_semaphore(%arg15 : memref<!tpu.dma_semaphore, #tpu.memory_space<semaphore_mem>>)
    %dma_wait3A_162 = arith.constant 0 : i32
    %dma_wait3A_163 = tpu.memref_slice %arg4[%add3A_157, %dma_wait3A_162] : memref<50000x128xf32, #tpu.memory_space<hbm>> -> memref<128x128xf32, #tpu.memory_space<hbm>>
    %dma_wait3A_164 = arith.constant 0 : i32
    %dma_wait3A_165 = tpu.memref_slice %arg4[%add3A_157, %dma_wait3A_164] : memref<50000x128xf32, #tpu.memory_space<hbm>> -> memref<128x128xf32, #tpu.memory_space<hbm>>
    tpu.wait_dma2 semaphore(%arg15 : memref<!tpu.dma_semaphore, #tpu.memory_space<semaphore_mem>>) src(%arg7 : memref<128x128xf32, #tpu.memory_space<vmem>>) dst(%dma_wait3A_165 : memref<128x128xf32, #tpu.memory_space<hbm>>)
    %dma_start3A_166 = arith.constant 1152 : i32
    %dma_start3A_167 = tpu.memref_slice %arg5[%dma_start3A_166] : memref<1536xi32, #tpu.memory_space<vmem>> -> memref<128xi32, #tpu.memory_space<vmem>>
    %dma_start3A_168 = arith.constant 0 : i32
    %dma_start3A_169 = arith.constant 0 : i32
    %dma_start3A_170 = tpu.memref_slice %arg2[%dma_start3A_168, %dma_start3A_169] : memref<100000x128xf32, #tpu.memory_space<hbm>> -> memref<100000x128xf32, #tpu.memory_space<hbm>>
    tpu.enqueue_indirect_dma source(%dma_start3A_170 : memref<100000x128xf32, #tpu.memory_space<hbm>>) target(%arg7 : memref<128x128xf32, #tpu.memory_space<vmem>>) offsets(%dma_start3A_167 : memref<128xi32, #tpu.memory_space<vmem>>) semaphore(%arg13 : memref<!tpu.dma_semaphore, #tpu.memory_space<semaphore_mem>>)
    %dma_wait3A_171 = arith.constant 1024 : i32
    %dma_wait3A_172 = tpu.memref_slice %arg5[%dma_wait3A_171] : memref<1536xi32, #tpu.memory_space<vmem>> -> memref<128xi32, #tpu.memory_space<vmem>>
    %dma_wait3A_173 = arith.constant 0 : i32
    %dma_wait3A_174 = arith.constant 0 : i32
    %dma_wait3A_175 = tpu.memref_slice %arg2[%dma_wait3A_173, %dma_wait3A_174] : memref<100000x128xf32, #tpu.memory_space<hbm>> -> memref<100000x128xf32, #tpu.memory_space<hbm>>
    tpu.wait_indirect_dma semaphore(%arg12 : memref<!tpu.dma_semaphore, #tpu.memory_space<semaphore_mem>>) src(%dma_wait3A_175 : memref<100000x128xf32, #tpu.memory_space<hbm>>) dst(%arg6 : memref<128x128xf32, #tpu.memory_space<vmem>>)
    %add3A_176 = arith.constant 1024 : i32
    %add3A_177 = arith.addi %mul3A_2, %add3A_176 : i32
    %dma_start3A_178 = arith.constant 0 : i32
    %dma_start3A_179 = tpu.memref_slice %arg4[%add3A_177, %dma_start3A_178] : memref<50000x128xf32, #tpu.memory_space<hbm>> -> memref<128x128xf32, #tpu.memory_space<hbm>>
    %dma_start3A_180 = arith.constant 0 : i32
    %dma_start3A_181 = tpu.memref_slice %arg4[%add3A_177, %dma_start3A_180] : memref<50000x128xf32, #tpu.memory_space<hbm>> -> memref<128x128xf32, #tpu.memory_space<hbm>>
    tpu.enqueue_dma source(%arg6 : memref<128x128xf32, #tpu.memory_space<vmem>>) target(%dma_start3A_181 : memref<128x128xf32, #tpu.memory_space<hbm>>) target_semaphore(%arg14 : memref<!tpu.dma_semaphore, #tpu.memory_space<semaphore_mem>>)
    %dma_wait3A_182 = arith.constant 0 : i32
    %dma_wait3A_183 = tpu.memref_slice %arg4[%add3A_177, %dma_wait3A_182] : memref<50000x128xf32, #tpu.memory_space<hbm>> -> memref<128x128xf32, #tpu.memory_space<hbm>>
    %dma_wait3A_184 = arith.constant 0 : i32
    %dma_wait3A_185 = tpu.memref_slice %arg4[%add3A_177, %dma_wait3A_184] : memref<50000x128xf32, #tpu.memory_space<hbm>> -> memref<128x128xf32, #tpu.memory_space<hbm>>
    tpu.wait_dma2 semaphore(%arg14 : memref<!tpu.dma_semaphore, #tpu.memory_space<semaphore_mem>>) src(%arg6 : memref<128x128xf32, #tpu.memory_space<vmem>>) dst(%dma_wait3A_185 : memref<128x128xf32, #tpu.memory_space<hbm>>)
    %dma_start3A_186 = arith.constant 1280 : i32
    %dma_start3A_187 = tpu.memref_slice %arg5[%dma_start3A_186] : memref<1536xi32, #tpu.memory_space<vmem>> -> memref<128xi32, #tpu.memory_space<vmem>>
    %dma_start3A_188 = arith.constant 0 : i32
    %dma_start3A_189 = arith.constant 0 : i32
    %dma_start3A_190 = tpu.memref_slice %arg2[%dma_start3A_188, %dma_start3A_189] : memref<100000x128xf32, #tpu.memory_space<hbm>> -> memref<100000x128xf32, #tpu.memory_space<hbm>>
    tpu.enqueue_indirect_dma source(%dma_start3A_190 : memref<100000x128xf32, #tpu.memory_space<hbm>>) target(%arg6 : memref<128x128xf32, #tpu.memory_space<vmem>>) offsets(%dma_start3A_187 : memref<128xi32, #tpu.memory_space<vmem>>) semaphore(%arg12 : memref<!tpu.dma_semaphore, #tpu.memory_space<semaphore_mem>>)
    %dma_wait3A_191 = arith.constant 1152 : i32
    %dma_wait3A_192 = tpu.memref_slice %arg5[%dma_wait3A_191] : memref<1536xi32, #tpu.memory_space<vmem>> -> memref<128xi32, #tpu.memory_space<vmem>>
    %dma_wait3A_193 = arith.constant 0 : i32
    %dma_wait3A_194 = arith.constant 0 : i32
    %dma_wait3A_195 = tpu.memref_slice %arg2[%dma_wait3A_193, %dma_wait3A_194] : memref<100000x128xf32, #tpu.memory_space<hbm>> -> memref<100000x128xf32, #tpu.memory_space<hbm>>
    tpu.wait_indirect_dma semaphore(%arg13 : memref<!tpu.dma_semaphore, #tpu.memory_space<semaphore_mem>>) src(%dma_wait3A_195 : memref<100000x128xf32, #tpu.memory_space<hbm>>) dst(%arg7 : memref<128x128xf32, #tpu.memory_space<vmem>>)
    %add3A_196 = arith.constant 1152 : i32
    %add3A_197 = arith.addi %mul3A_2, %add3A_196 : i32
    %dma_start3A_198 = arith.constant 0 : i32
    %dma_start3A_199 = tpu.memref_slice %arg4[%add3A_197, %dma_start3A_198] : memref<50000x128xf32, #tpu.memory_space<hbm>> -> memref<128x128xf32, #tpu.memory_space<hbm>>
    %dma_start3A_200 = arith.constant 0 : i32
    %dma_start3A_201 = tpu.memref_slice %arg4[%add3A_197, %dma_start3A_200] : memref<50000x128xf32, #tpu.memory_space<hbm>> -> memref<128x128xf32, #tpu.memory_space<hbm>>
    tpu.enqueue_dma source(%arg7 : memref<128x128xf32, #tpu.memory_space<vmem>>) target(%dma_start3A_201 : memref<128x128xf32, #tpu.memory_space<hbm>>) target_semaphore(%arg15 : memref<!tpu.dma_semaphore, #tpu.memory_space<semaphore_mem>>)
    %dma_wait3A_202 = arith.constant 0 : i32
    %dma_wait3A_203 = tpu.memref_slice %arg4[%add3A_197, %dma_wait3A_202] : memref<50000x128xf32, #tpu.memory_space<hbm>> -> memref<128x128xf32, #tpu.memory_space<hbm>>
    %dma_wait3A_204 = arith.constant 0 : i32
    %dma_wait3A_205 = tpu.memref_slice %arg4[%add3A_197, %dma_wait3A_204] : memref<50000x128xf32, #tpu.memory_space<hbm>> -> memref<128x128xf32, #tpu.memory_space<hbm>>
    tpu.wait_dma2 semaphore(%arg15 : memref<!tpu.dma_semaphore, #tpu.memory_space<semaphore_mem>>) src(%arg7 : memref<128x128xf32, #tpu.memory_space<vmem>>) dst(%dma_wait3A_205 : memref<128x128xf32, #tpu.memory_space<hbm>>)
    %dma_start3A_206 = arith.constant 1408 : i32
    %dma_start3A_207 = tpu.memref_slice %arg5[%dma_start3A_206] : memref<1536xi32, #tpu.memory_space<vmem>> -> memref<128xi32, #tpu.memory_space<vmem>>
    %dma_start3A_208 = arith.constant 0 : i32
    %dma_start3A_209 = arith.constant 0 : i32
    %dma_start3A_210 = tpu.memref_slice %arg2[%dma_start3A_208, %dma_start3A_209] : memref<100000x128xf32, #tpu.memory_space<hbm>> -> memref<100000x128xf32, #tpu.memory_space<hbm>>
    tpu.enqueue_indirect_dma source(%dma_start3A_210 : memref<100000x128xf32, #tpu.memory_space<hbm>>) target(%arg7 : memref<128x128xf32, #tpu.memory_space<vmem>>) offsets(%dma_start3A_207 : memref<128xi32, #tpu.memory_space<vmem>>) semaphore(%arg13 : memref<!tpu.dma_semaphore, #tpu.memory_space<semaphore_mem>>)
    %dma_wait3A_211 = arith.constant 1280 : i32
    %dma_wait3A_212 = tpu.memref_slice %arg5[%dma_wait3A_211] : memref<1536xi32, #tpu.memory_space<vmem>> -> memref<128xi32, #tpu.memory_space<vmem>>
    %dma_wait3A_213 = arith.constant 0 : i32
    %dma_wait3A_214 = arith.constant 0 : i32
    %dma_wait3A_215 = tpu.memref_slice %arg2[%dma_wait3A_213, %dma_wait3A_214] : memref<100000x128xf32, #tpu.memory_space<hbm>> -> memref<100000x128xf32, #tpu.memory_space<hbm>>
    tpu.wait_indirect_dma semaphore(%arg12 : memref<!tpu.dma_semaphore, #tpu.memory_space<semaphore_mem>>) src(%dma_wait3A_215 : memref<100000x128xf32, #tpu.memory_space<hbm>>) dst(%arg6 : memref<128x128xf32, #tpu.memory_space<vmem>>)
    %add3A_216 = arith.constant 1280 : i32
    %add3A_217 = arith.addi %mul3A_2, %add3A_216 : i32
    %dma_start3A_218 = arith.constant 0 : i32
    %dma_start3A_219 = tpu.memref_slice %arg4[%add3A_217, %dma_start3A_218] : memref<50000x128xf32, #tpu.memory_space<hbm>> -> memref<128x128xf32, #tpu.memory_space<hbm>>
    %dma_start3A_220 = arith.constant 0 : i32
    %dma_start3A_221 = tpu.memref_slice %arg4[%add3A_217, %dma_start3A_220] : memref<50000x128xf32, #tpu.memory_space<hbm>> -> memref<128x128xf32, #tpu.memory_space<hbm>>
    tpu.enqueue_dma source(%arg6 : memref<128x128xf32, #tpu.memory_space<vmem>>) target(%dma_start3A_221 : memref<128x128xf32, #tpu.memory_space<hbm>>) target_semaphore(%arg14 : memref<!tpu.dma_semaphore, #tpu.memory_space<semaphore_mem>>)
    %dma_wait3A_222 = arith.constant 1408 : i32
    %dma_wait3A_223 = tpu.memref_slice %arg5[%dma_wait3A_222] : memref<1536xi32, #tpu.memory_space<vmem>> -> memref<128xi32, #tpu.memory_space<vmem>>
    %dma_wait3A_224 = arith.constant 0 : i32
    %dma_wait3A_225 = arith.constant 0 : i32
    %dma_wait3A_226 = tpu.memref_slice %arg2[%dma_wait3A_224, %dma_wait3A_225] : memref<100000x128xf32, #tpu.memory_space<hbm>> -> memref<100000x128xf32, #tpu.memory_space<hbm>>
    tpu.wait_indirect_dma semaphore(%arg13 : memref<!tpu.dma_semaphore, #tpu.memory_space<semaphore_mem>>) src(%dma_wait3A_226 : memref<100000x128xf32, #tpu.memory_space<hbm>>) dst(%arg7 : memref<128x128xf32, #tpu.memory_space<vmem>>)
    %add3A_227 = arith.constant 1408 : i32
    %add3A_228 = arith.addi %mul3A_2, %add3A_227 : i32
    %dma_start3A_229 = arith.constant 0 : i32
    %dma_start3A_230 = tpu.memref_slice %arg4[%add3A_228, %dma_start3A_229] : memref<50000x128xf32, #tpu.memory_space<hbm>> -> memref<128x128xf32, #tpu.memory_space<hbm>>
    %dma_start3A_231 = arith.constant 0 : i32
    %dma_start3A_232 = tpu.memref_slice %arg4[%add3A_228, %dma_start3A_231] : memref<50000x128xf32, #tpu.memory_space<hbm>> -> memref<128x128xf32, #tpu.memory_space<hbm>>
    tpu.enqueue_dma source(%arg7 : memref<128x128xf32, #tpu.memory_space<vmem>>) target(%dma_start3A_232 : memref<128x128xf32, #tpu.memory_space<hbm>>) target_semaphore(%arg15 : memref<!tpu.dma_semaphore, #tpu.memory_space<semaphore_mem>>)
    %dma_wait3A_233 = arith.constant 0 : i32
    %dma_wait3A_234 = tpu.memref_slice %arg4[%add3A_217, %dma_wait3A_233] : memref<50000x128xf32, #tpu.memory_space<hbm>> -> memref<128x128xf32, #tpu.memory_space<hbm>>
    %dma_wait3A_235 = arith.constant 0 : i32
    %dma_wait3A_236 = tpu.memref_slice %arg4[%add3A_217, %dma_wait3A_235] : memref<50000x128xf32, #tpu.memory_space<hbm>> -> memref<128x128xf32, #tpu.memory_space<hbm>>
    tpu.wait_dma2 semaphore(%arg14 : memref<!tpu.dma_semaphore, #tpu.memory_space<semaphore_mem>>) src(%arg6 : memref<128x128xf32, #tpu.memory_space<vmem>>) dst(%dma_wait3A_236 : memref<128x128xf32, #tpu.memory_space<hbm>>)
    %dma_wait3A_237 = arith.constant 0 : i32
    %dma_wait3A_238 = tpu.memref_slice %arg4[%add3A_228, %dma_wait3A_237] : memref<50000x128xf32, #tpu.memory_space<hbm>> -> memref<128x128xf32, #tpu.memory_space<hbm>>
    %dma_wait3A_239 = arith.constant 0 : i32
    %dma_wait3A_240 = tpu.memref_slice %arg4[%add3A_228, %dma_wait3A_239] : memref<50000x128xf32, #tpu.memory_space<hbm>> -> memref<128x128xf32, #tpu.memory_space<hbm>>
    tpu.wait_dma2 semaphore(%arg15 : memref<!tpu.dma_semaphore, #tpu.memory_space<semaphore_mem>>) src(%arg7 : memref<128x128xf32, #tpu.memory_space<vmem>>) dst(%dma_wait3A_240 : memref<128x128xf32, #tpu.memory_space<hbm>>)
    %lt3A = arith.constant 6 : i32
    %lt3A_241 = arith.cmpi slt, %add3A, %lt3A : i32
    %convert_element_type3A = arith.extui %lt3A_241 : i1 to i32
    %cond3A = arith.constant 0 : i32
    %cond3A_242 = arith.cmpi ne, %convert_element_type3A, %cond3A : i32
    scf.if %cond3A_242 {
      %add3A_247 = arith.constant 384 : i32
      %add3A_248 = arith.addi %add3A_247, %add3A : i32
      %mul3A_249 = arith.constant 128 : i32
      %mul3A_250 = arith.muli %add3A_248, %mul3A_249 : i32
      "tpu.region"() ({
        %run_scoped3A = tpu.sem_alloc : memref<!tpu.dma_semaphore, #tpu.memory_space<semaphore_mem>>
        %dma_start3A_257 = tpu.memref_slice %arg3[%mul3A_250] : memref<50000xi32, #tpu.memory_space<hbm>> -> memref<128xi32, #tpu.memory_space<hbm>>
        %dma_start3A_258 = tpu.memref_slice %arg3[%mul3A_250] : memref<50000xi32, #tpu.memory_space<hbm>> -> memref<128xi32, #tpu.memory_space<hbm>>
        tpu.enqueue_dma source(%dma_start3A_258 : memref<128xi32, #tpu.memory_space<hbm>>) target(%arg8 : memref<128xi32, #tpu.memory_space<vmem>>) target_semaphore(%run_scoped3A : memref<!tpu.dma_semaphore, #tpu.memory_space<semaphore_mem>>)
        %dma_wait3A_259 = tpu.memref_slice %arg3[%mul3A_250] : memref<50000xi32, #tpu.memory_space<hbm>> -> memref<128xi32, #tpu.memory_space<hbm>>
        %dma_wait3A_260 = tpu.memref_slice %arg3[%mul3A_250] : memref<50000xi32, #tpu.memory_space<hbm>> -> memref<128xi32, #tpu.memory_space<hbm>>
        tpu.wait_dma2 semaphore(%run_scoped3A : memref<!tpu.dma_semaphore, #tpu.memory_space<semaphore_mem>>) src(%dma_wait3A_260 : memref<128xi32, #tpu.memory_space<hbm>>) dst(%arg8 : memref<128xi32, #tpu.memory_space<vmem>>)
        tpu.yield
      }) : () -> ()
      %dma_start3A_251 = arith.constant 0 : i32
      %dma_start3A_252 = arith.constant 0 : i32
      %dma_start3A_253 = tpu.memref_slice %arg2[%dma_start3A_251, %dma_start3A_252] : memref<100000x128xf32, #tpu.memory_space<hbm>> -> memref<100000x128xf32, #tpu.memory_space<hbm>>
      tpu.enqueue_indirect_dma source(%dma_start3A_253 : memref<100000x128xf32, #tpu.memory_space<hbm>>) target(%arg9 : memref<128x128xf32, #tpu.memory_space<vmem>>) offsets(%arg8 : memref<128xi32, #tpu.memory_space<vmem>>) semaphore(%arg16 : memref<!tpu.dma_semaphore, #tpu.memory_space<semaphore_mem>>)
      %dma_wait3A_254 = arith.constant 0 : i32
      %dma_wait3A_255 = arith.constant 0 : i32
      %dma_wait3A_256 = tpu.memref_slice %arg2[%dma_wait3A_254, %dma_wait3A_255] : memref<100000x128xf32, #tpu.memory_space<hbm>> -> memref<100000x128xf32, #tpu.memory_space<hbm>>
      tpu.wait_indirect_dma semaphore(%arg16 : memref<!tpu.dma_semaphore, #tpu.memory_space<semaphore_mem>>) src(%dma_wait3A_256 : memref<100000x128xf32, #tpu.memory_space<hbm>>) dst(%arg9 : memref<128x128xf32, #tpu.memory_space<vmem>>)
      "tpu.region"() ({
        %run_scoped3A = tpu.sem_alloc : memref<!tpu.dma_semaphore, #tpu.memory_space<semaphore_mem>>
        %dma_start3A_257 = arith.constant 0 : i32
        %dma_start3A_258 = tpu.memref_slice %arg4[%mul3A_250, %dma_start3A_257] : memref<50000x128xf32, #tpu.memory_space<hbm>> -> memref<128x128xf32, #tpu.memory_space<hbm>>
        %dma_start3A_259 = arith.constant 0 : i32
        %dma_start3A_260 = tpu.memref_slice %arg4[%mul3A_250, %dma_start3A_259] : memref<50000x128xf32, #tpu.memory_space<hbm>> -> memref<128x128xf32, #tpu.memory_space<hbm>>
        tpu.enqueue_dma source(%arg9 : memref<128x128xf32, #tpu.memory_space<vmem>>) target(%dma_start3A_260 : memref<128x128xf32, #tpu.memory_space<hbm>>) target_semaphore(%run_scoped3A : memref<!tpu.dma_semaphore, #tpu.memory_space<semaphore_mem>>)
        %dma_wait3A_261 = arith.constant 0 : i32
        %dma_wait3A_262 = tpu.memref_slice %arg4[%mul3A_250, %dma_wait3A_261] : memref<50000x128xf32, #tpu.memory_space<hbm>> -> memref<128x128xf32, #tpu.memory_space<hbm>>
        %dma_wait3A_263 = arith.constant 0 : i32
        %dma_wait3A_264 = tpu.memref_slice %arg4[%mul3A_250, %dma_wait3A_263] : memref<50000x128xf32, #tpu.memory_space<hbm>> -> memref<128x128xf32, #tpu.memory_space<hbm>>
        tpu.wait_dma2 semaphore(%run_scoped3A : memref<!tpu.dma_semaphore, #tpu.memory_space<semaphore_mem>>) src(%arg9 : memref<128x128xf32, #tpu.memory_space<vmem>>) dst(%dma_wait3A_264 : memref<128x128xf32, #tpu.memory_space<hbm>>)
        tpu.yield
      }) : () -> ()
    } else {
    }
    %eq3A = arith.constant 6 : i32
    %eq3A_243 = arith.cmpi eq, %add3A, %eq3A : i32
    %convert_element_type3A_244 = arith.extui %eq3A_243 : i1 to i32
    %cond3A_245 = arith.constant 0 : i32
    %cond3A_246 = arith.cmpi ne, %convert_element_type3A_244, %cond3A_245 : i32
    scf.if %cond3A_246 {
      "tpu.region"() ({
        %run_scoped3A = tpu.sem_alloc : memref<!tpu.dma_semaphore, #tpu.memory_space<semaphore_mem>>
        %dma_start3A_253 = arith.constant 49920 : i32
        %dma_start3A_254 = tpu.memref_slice %arg3[%dma_start3A_253] : memref<50000xi32, #tpu.memory_space<hbm>> -> memref<80xi32, #tpu.memory_space<hbm>>
        %dma_start3A_255 = arith.constant 49920 : i32
        %dma_start3A_256 = tpu.memref_slice %arg3[%dma_start3A_255] : memref<50000xi32, #tpu.memory_space<hbm>> -> memref<80xi32, #tpu.memory_space<hbm>>
        tpu.enqueue_dma source(%dma_start3A_256 : memref<80xi32, #tpu.memory_space<hbm>>) target(%arg10 : memref<80xi32, #tpu.memory_space<vmem>>) target_semaphore(%run_scoped3A : memref<!tpu.dma_semaphore, #tpu.memory_space<semaphore_mem>>)
        %dma_wait3A_257 = arith.constant 49920 : i32
        %dma_wait3A_258 = tpu.memref_slice %arg3[%dma_wait3A_257] : memref<50000xi32, #tpu.memory_space<hbm>> -> memref<80xi32, #tpu.memory_space<hbm>>
        %dma_wait3A_259 = arith.constant 49920 : i32
        %dma_wait3A_260 = tpu.memref_slice %arg3[%dma_wait3A_259] : memref<50000xi32, #tpu.memory_space<hbm>> -> memref<80xi32, #tpu.memory_space<hbm>>
        tpu.wait_dma2 semaphore(%run_scoped3A : memref<!tpu.dma_semaphore, #tpu.memory_space<semaphore_mem>>) src(%dma_wait3A_260 : memref<80xi32, #tpu.memory_space<hbm>>) dst(%arg10 : memref<80xi32, #tpu.memory_space<vmem>>)
        tpu.yield
      }) : () -> ()
      %dma_start3A_247 = arith.constant 0 : i32
      %dma_start3A_248 = arith.constant 0 : i32
      %dma_start3A_249 = tpu.memref_slice %arg2[%dma_start3A_247, %dma_start3A_248] : memref<100000x128xf32, #tpu.memory_space<hbm>> -> memref<100000x128xf32, #tpu.memory_space<hbm>>
      tpu.enqueue_indirect_dma source(%dma_start3A_249 : memref<100000x128xf32, #tpu.memory_space<hbm>>) target(%arg11 : memref<80x128xf32, #tpu.memory_space<vmem>>) offsets(%arg10 : memref<80xi32, #tpu.memory_space<vmem>>) semaphore(%arg16 : memref<!tpu.dma_semaphore, #tpu.memory_space<semaphore_mem>>)
      %dma_wait3A_250 = arith.constant 0 : i32
      %dma_wait3A_251 = arith.constant 0 : i32
      %dma_wait3A_252 = tpu.memref_slice %arg2[%dma_wait3A_250, %dma_wait3A_251] : memref<100000x128xf32, #tpu.memory_space<hbm>> -> memref<100000x128xf32, #tpu.memory_space<hbm>>
      tpu.wait_indirect_dma semaphore(%arg16 : memref<!tpu.dma_semaphore, #tpu.memory_space<semaphore_mem>>) src(%dma_wait3A_252 : memref<100000x128xf32, #tpu.memory_space<hbm>>) dst(%arg11 : memref<80x128xf32, #tpu.memory_space<vmem>>)
      "tpu.region"() ({
        %run_scoped3A = tpu.sem_alloc : memref<!tpu.dma_semaphore, #tpu.memory_space<semaphore_mem>>
        %dma_start3A_253 = arith.constant 49920 : i32
        %dma_start3A_254 = arith.constant 0 : i32
        %dma_start3A_255 = tpu.memref_slice %arg4[%dma_start3A_253, %dma_start3A_254] : memref<50000x128xf32, #tpu.memory_space<hbm>> -> memref<80x128xf32, #tpu.memory_space<hbm>>
        %dma_start3A_256 = arith.constant 49920 : i32
        %dma_start3A_257 = arith.constant 0 : i32
        %dma_start3A_258 = tpu.memref_slice %arg4[%dma_start3A_256, %dma_start3A_257] : memref<50000x128xf32, #tpu.memory_space<hbm>> -> memref<80x128xf32, #tpu.memory_space<hbm>>
        tpu.enqueue_dma source(%arg11 : memref<80x128xf32, #tpu.memory_space<vmem>>) target(%dma_start3A_258 : memref<80x128xf32, #tpu.memory_space<hbm>>) target_semaphore(%run_scoped3A : memref<!tpu.dma_semaphore, #tpu.memory_space<semaphore_mem>>)
        %dma_wait3A_259 = arith.constant 49920 : i32
        %dma_wait3A_260 = arith.constant 0 : i32
        %dma_wait3A_261 = tpu.memref_slice %arg4[%dma_wait3A_259, %dma_wait3A_260] : memref<50000x128xf32, #tpu.memory_space<hbm>> -> memref<80x128xf32, #tpu.memory_space<hbm>>
        %dma_wait3A_262 = arith.constant 49920 : i32
        %dma_wait3A_263 = arith.constant 0 : i32
        %dma_wait3A_264 = tpu.memref_slice %arg4[%dma_wait3A_262, %dma_wait3A_263] : memref<50000x128xf32, #tpu.memory_space<hbm>> -> memref<80x128xf32, #tpu.memory_space<hbm>>
        tpu.wait_dma2 semaphore(%run_scoped3A : memref<!tpu.dma_semaphore, #tpu.memory_space<semaphore_mem>>) src(%arg11 : memref<80x128xf32, #tpu.memory_space<vmem>>) dst(%dma_wait3A_264 : memref<80x128xf32, #tpu.memory_space<hbm>>)
        tpu.yield
      }) : () -> ()
    } else {
    }
    return
  }
}

module attributes {stable_mosaic.version = 14 : i64} {
  func.func @_score_kernel(%arg0: i32, %arg1: memref<10000x128xf32, #tpu.memory_space<vmem>>, %arg2: memref<128x1xf32, #tpu.memory_space<vmem>>, %arg3: memref<128x1xf32, #tpu.memory_space<vmem>>, %arg4: memref<128x64xf32, #tpu.memory_space<vmem>>, %arg5: memref<64x1xf32, #tpu.memory_space<vmem>>, %arg6: memref<64x1xf32, #tpu.memory_space<vmem>>, %arg7: memref<1x1xf32, #tpu.memory_space<vmem>>, %arg8: memref<1x1x10000xf32, #tpu.memory_space<vmem>>) attributes {dimension_semantics = [#tpu.dimension_semantics<arbitrary>], iteration_bounds = array<i64: 10>, scalar_prefetch = 0 : i64, scratch_operands = 0 : i64, tpu.core_type = #tpu.core_type<tc>, window_params = [{transform_indices = @transform_0, window_bounds = array<i64: 10000, 128>}, {pipeline_mode = #tpu.pipeline_mode<synchronous>, transform_indices = @transform_1, window_bounds = array<i64: 128, 1>}, {pipeline_mode = #tpu.pipeline_mode<synchronous>, transform_indices = @transform_2, window_bounds = array<i64: 128, 1>}, {pipeline_mode = #tpu.pipeline_mode<synchronous>, transform_indices = @transform_3, window_bounds = array<i64: 128, 64>}, {pipeline_mode = #tpu.pipeline_mode<synchronous>, transform_indices = @transform_4, window_bounds = array<i64: 64, 1>}, {pipeline_mode = #tpu.pipeline_mode<synchronous>, transform_indices = @transform_5, window_bounds = array<i64: 64, 1>}, {pipeline_mode = #tpu.pipeline_mode<synchronous>, transform_indices = @transform_6, window_bounds = array<i64: 1, 1>}, {transform_indices = @transform_7, window_bounds = array<i64: 1, 1, 10000>}]} {
    %get3A = arith.constant 0 : index
    %get3A_0 = arith.constant 0 : index
    %get3A_1 = vector.load %arg1[%get3A, %get3A_0] : memref<10000x128xf32, #tpu.memory_space<vmem>>, vector<10000x128xf32>
    %broadcast_in_dim3A = arith.constant 0.000000e+00 : f32
    %broadcast_in_dim3A_2 = vector.broadcast %broadcast_in_dim3A : f32 to vector<112x128xf32>
    %concatenate3A = tpu.concatenate %get3A_1, %broadcast_in_dim3A_2 in 0 : vector<10000x128xf32>, vector<112x128xf32> -> vector<10112x128xf32>
    %transpose3A = tpu.transpose %concatenate3A, [1, 0] : vector<10112x128xf32> -> vector<128x10112xf32>
    %broadcast_in_dim3A_3 = arith.constant 0.000000e+00 : f32
    %broadcast_in_dim3A_4 = vector.broadcast %broadcast_in_dim3A_3 : f32 to vector<8x10112xf32>
    %slice3A = vector.extract_strided_slice %transpose3A {offsets = [0, 0], sizes = [8, 10112], strides = [1, 1]} : vector<128x10112xf32> to vector<8x10112xf32>
    %add3A = arith.addf %broadcast_in_dim3A_4, %slice3A : vector<8x10112xf32>
    %slice3A_5 = vector.extract_strided_slice %transpose3A {offsets = [8, 0], sizes = [8, 10112], strides = [1, 1]} : vector<128x10112xf32> to vector<8x10112xf32>
    %add3A_6 = arith.addf %add3A, %slice3A_5 : vector<8x10112xf32>
    %slice3A_7 = vector.extract_strided_slice %transpose3A {offsets = [16, 0], sizes = [8, 10112], strides = [1, 1]} : vector<128x10112xf32> to vector<8x10112xf32>
    %add3A_8 = arith.addf %add3A_6, %slice3A_7 : vector<8x10112xf32>
    %slice3A_9 = vector.extract_strided_slice %transpose3A {offsets = [24, 0], sizes = [8, 10112], strides = [1, 1]} : vector<128x10112xf32> to vector<8x10112xf32>
    %add3A_10 = arith.addf %add3A_8, %slice3A_9 : vector<8x10112xf32>
    %slice3A_11 = vector.extract_strided_slice %transpose3A {offsets = [32, 0], sizes = [8, 10112], strides = [1, 1]} : vector<128x10112xf32> to vector<8x10112xf32>
    %add3A_12 = arith.addf %add3A_10, %slice3A_11 : vector<8x10112xf32>
    %slice3A_13 = vector.extract_strided_slice %transpose3A {offsets = [40, 0], sizes = [8, 10112], strides = [1, 1]} : vector<128x10112xf32> to vector<8x10112xf32>
    %add3A_14 = arith.addf %add3A_12, %slice3A_13 : vector<8x10112xf32>
    %slice3A_15 = vector.extract_strided_slice %transpose3A {offsets = [48, 0], sizes = [8, 10112], strides = [1, 1]} : vector<128x10112xf32> to vector<8x10112xf32>
    %add3A_16 = arith.addf %add3A_14, %slice3A_15 : vector<8x10112xf32>
    %slice3A_17 = vector.extract_strided_slice %transpose3A {offsets = [56, 0], sizes = [8, 10112], strides = [1, 1]} : vector<128x10112xf32> to vector<8x10112xf32>
    %add3A_18 = arith.addf %add3A_16, %slice3A_17 : vector<8x10112xf32>
    %slice3A_19 = vector.extract_strided_slice %transpose3A {offsets = [64, 0], sizes = [8, 10112], strides = [1, 1]} : vector<128x10112xf32> to vector<8x10112xf32>
    %add3A_20 = arith.addf %add3A_18, %slice3A_19 : vector<8x10112xf32>
    %slice3A_21 = vector.extract_strided_slice %transpose3A {offsets = [72, 0], sizes = [8, 10112], strides = [1, 1]} : vector<128x10112xf32> to vector<8x10112xf32>
    %add3A_22 = arith.addf %add3A_20, %slice3A_21 : vector<8x10112xf32>
    %slice3A_23 = vector.extract_strided_slice %transpose3A {offsets = [80, 0], sizes = [8, 10112], strides = [1, 1]} : vector<128x10112xf32> to vector<8x10112xf32>
    %add3A_24 = arith.addf %add3A_22, %slice3A_23 : vector<8x10112xf32>
    %slice3A_25 = vector.extract_strided_slice %transpose3A {offsets = [88, 0], sizes = [8, 10112], strides = [1, 1]} : vector<128x10112xf32> to vector<8x10112xf32>
    %add3A_26 = arith.addf %add3A_24, %slice3A_25 : vector<8x10112xf32>
    %slice3A_27 = vector.extract_strided_slice %transpose3A {offsets = [96, 0], sizes = [8, 10112], strides = [1, 1]} : vector<128x10112xf32> to vector<8x10112xf32>
    %add3A_28 = arith.addf %add3A_26, %slice3A_27 : vector<8x10112xf32>
    %slice3A_29 = vector.extract_strided_slice %transpose3A {offsets = [104, 0], sizes = [8, 10112], strides = [1, 1]} : vector<128x10112xf32> to vector<8x10112xf32>
    %add3A_30 = arith.addf %add3A_28, %slice3A_29 : vector<8x10112xf32>
    %slice3A_31 = vector.extract_strided_slice %transpose3A {offsets = [112, 0], sizes = [8, 10112], strides = [1, 1]} : vector<128x10112xf32> to vector<8x10112xf32>
    %add3A_32 = arith.addf %add3A_30, %slice3A_31 : vector<8x10112xf32>
    %slice3A_33 = vector.extract_strided_slice %transpose3A {offsets = [120, 0], sizes = [8, 10112], strides = [1, 1]} : vector<128x10112xf32> to vector<8x10112xf32>
    %add3A_34 = arith.addf %add3A_32, %slice3A_33 : vector<8x10112xf32>
    %slice3A_35 = vector.extract_strided_slice %add3A_34 {offsets = [0, 0], sizes = [4, 10112], strides = [1, 1]} : vector<8x10112xf32> to vector<4x10112xf32>
    %slice3A_36 = vector.extract_strided_slice %add3A_34 {offsets = [4, 0], sizes = [4, 10112], strides = [1, 1]} : vector<8x10112xf32> to vector<4x10112xf32>
    %add3A_37 = arith.addf %slice3A_35, %slice3A_36 : vector<4x10112xf32>
    %slice3A_38 = vector.extract_strided_slice %add3A_37 {offsets = [0, 0], sizes = [2, 10112], strides = [1, 1]} : vector<4x10112xf32> to vector<2x10112xf32>
    %slice3A_39 = vector.extract_strided_slice %add3A_37 {offsets = [2, 0], sizes = [2, 10112], strides = [1, 1]} : vector<4x10112xf32> to vector<2x10112xf32>
    %add3A_40 = arith.addf %slice3A_38, %slice3A_39 : vector<2x10112xf32>
    %slice3A_41 = vector.extract_strided_slice %add3A_40 {offsets = [0, 0], sizes = [1, 10112], strides = [1, 1]} : vector<2x10112xf32> to vector<1x10112xf32>
    %slice3A_42 = vector.extract_strided_slice %add3A_40 {offsets = [1, 0], sizes = [1, 10112], strides = [1, 1]} : vector<2x10112xf32> to vector<1x10112xf32>
    %add3A_43 = arith.addf %slice3A_41, %slice3A_42 : vector<1x10112xf32>
    %mul3A = arith.constant 7.812500e-03 : f32
    %mul3A_44 = vector.broadcast %mul3A : f32 to vector<1x10112xf32>
    %mul3A_45 = arith.mulf %add3A_43, %mul3A_44 : vector<1x10112xf32>
    %sub3A = vector.broadcast %mul3A_45 : vector<1x10112xf32> to vector<128x10112xf32>
    %sub3A_46 = arith.subf %transpose3A, %sub3A : vector<128x10112xf32>
    %mul3A_47 = arith.mulf %sub3A_46, %sub3A_46 : vector<128x10112xf32>
    %broadcast_in_dim3A_48 = arith.constant 0.000000e+00 : f32
    %broadcast_in_dim3A_49 = vector.broadcast %broadcast_in_dim3A_48 : f32 to vector<8x10112xf32>
    %slice3A_50 = vector.extract_strided_slice %mul3A_47 {offsets = [0, 0], sizes = [8, 10112], strides = [1, 1]} : vector<128x10112xf32> to vector<8x10112xf32>
    %add3A_51 = arith.addf %broadcast_in_dim3A_49, %slice3A_50 : vector<8x10112xf32>
    %slice3A_52 = vector.extract_strided_slice %mul3A_47 {offsets = [8, 0], sizes = [8, 10112], strides = [1, 1]} : vector<128x10112xf32> to vector<8x10112xf32>
    %add3A_53 = arith.addf %add3A_51, %slice3A_52 : vector<8x10112xf32>
    %slice3A_54 = vector.extract_strided_slice %mul3A_47 {offsets = [16, 0], sizes = [8, 10112], strides = [1, 1]} : vector<128x10112xf32> to vector<8x10112xf32>
    %add3A_55 = arith.addf %add3A_53, %slice3A_54 : vector<8x10112xf32>
    %slice3A_56 = vector.extract_strided_slice %mul3A_47 {offsets = [24, 0], sizes = [8, 10112], strides = [1, 1]} : vector<128x10112xf32> to vector<8x10112xf32>
    %add3A_57 = arith.addf %add3A_55, %slice3A_56 : vector<8x10112xf32>
    %slice3A_58 = vector.extract_strided_slice %mul3A_47 {offsets = [32, 0], sizes = [8, 10112], strides = [1, 1]} : vector<128x10112xf32> to vector<8x10112xf32>
    %add3A_59 = arith.addf %add3A_57, %slice3A_58 : vector<8x10112xf32>
    %slice3A_60 = vector.extract_strided_slice %mul3A_47 {offsets = [40, 0], sizes = [8, 10112], strides = [1, 1]} : vector<128x10112xf32> to vector<8x10112xf32>
    %add3A_61 = arith.addf %add3A_59, %slice3A_60 : vector<8x10112xf32>
    %slice3A_62 = vector.extract_strided_slice %mul3A_47 {offsets = [48, 0], sizes = [8, 10112], strides = [1, 1]} : vector<128x10112xf32> to vector<8x10112xf32>
    %add3A_63 = arith.addf %add3A_61, %slice3A_62 : vector<8x10112xf32>
    %slice3A_64 = vector.extract_strided_slice %mul3A_47 {offsets = [56, 0], sizes = [8, 10112], strides = [1, 1]} : vector<128x10112xf32> to vector<8x10112xf32>
    %add3A_65 = arith.addf %add3A_63, %slice3A_64 : vector<8x10112xf32>
    %slice3A_66 = vector.extract_strided_slice %mul3A_47 {offsets = [64, 0], sizes = [8, 10112], strides = [1, 1]} : vector<128x10112xf32> to vector<8x10112xf32>
    %add3A_67 = arith.addf %add3A_65, %slice3A_66 : vector<8x10112xf32>
    %slice3A_68 = vector.extract_strided_slice %mul3A_47 {offsets = [72, 0], sizes = [8, 10112], strides = [1, 1]} : vector<128x10112xf32> to vector<8x10112xf32>
    %add3A_69 = arith.addf %add3A_67, %slice3A_68 : vector<8x10112xf32>
    %slice3A_70 = vector.extract_strided_slice %mul3A_47 {offsets = [80, 0], sizes = [8, 10112], strides = [1, 1]} : vector<128x10112xf32> to vector<8x10112xf32>
    %add3A_71 = arith.addf %add3A_69, %slice3A_70 : vector<8x10112xf32>
    %slice3A_72 = vector.extract_strided_slice %mul3A_47 {offsets = [88, 0], sizes = [8, 10112], strides = [1, 1]} : vector<128x10112xf32> to vector<8x10112xf32>
    %add3A_73 = arith.addf %add3A_71, %slice3A_72 : vector<8x10112xf32>
    %slice3A_74 = vector.extract_strided_slice %mul3A_47 {offsets = [96, 0], sizes = [8, 10112], strides = [1, 1]} : vector<128x10112xf32> to vector<8x10112xf32>
    %add3A_75 = arith.addf %add3A_73, %slice3A_74 : vector<8x10112xf32>
    %slice3A_76 = vector.extract_strided_slice %mul3A_47 {offsets = [104, 0], sizes = [8, 10112], strides = [1, 1]} : vector<128x10112xf32> to vector<8x10112xf32>
    %add3A_77 = arith.addf %add3A_75, %slice3A_76 : vector<8x10112xf32>
    %slice3A_78 = vector.extract_strided_slice %mul3A_47 {offsets = [112, 0], sizes = [8, 10112], strides = [1, 1]} : vector<128x10112xf32> to vector<8x10112xf32>
    %add3A_79 = arith.addf %add3A_77, %slice3A_78 : vector<8x10112xf32>
    %slice3A_80 = vector.extract_strided_slice %mul3A_47 {offsets = [120, 0], sizes = [8, 10112], strides = [1, 1]} : vector<128x10112xf32> to vector<8x10112xf32>
    %add3A_81 = arith.addf %add3A_79, %slice3A_80 : vector<8x10112xf32>
    %slice3A_82 = vector.extract_strided_slice %add3A_81 {offsets = [0, 0], sizes = [4, 10112], strides = [1, 1]} : vector<8x10112xf32> to vector<4x10112xf32>
    %slice3A_83 = vector.extract_strided_slice %add3A_81 {offsets = [4, 0], sizes = [4, 10112], strides = [1, 1]} : vector<8x10112xf32> to vector<4x10112xf32>
    %add3A_84 = arith.addf %slice3A_82, %slice3A_83 : vector<4x10112xf32>
    %slice3A_85 = vector.extract_strided_slice %add3A_84 {offsets = [0, 0], sizes = [2, 10112], strides = [1, 1]} : vector<4x10112xf32> to vector<2x10112xf32>
    %slice3A_86 = vector.extract_strided_slice %add3A_84 {offsets = [2, 0], sizes = [2, 10112], strides = [1, 1]} : vector<4x10112xf32> to vector<2x10112xf32>
    %add3A_87 = arith.addf %slice3A_85, %slice3A_86 : vector<2x10112xf32>
    %slice3A_88 = vector.extract_strided_slice %add3A_87 {offsets = [0, 0], sizes = [1, 10112], strides = [1, 1]} : vector<2x10112xf32> to vector<1x10112xf32>
    %slice3A_89 = vector.extract_strided_slice %add3A_87 {offsets = [1, 0], sizes = [1, 10112], strides = [1, 1]} : vector<2x10112xf32> to vector<1x10112xf32>
    %add3A_90 = arith.addf %slice3A_88, %slice3A_89 : vector<1x10112xf32>
    %mul3A_91 = arith.constant 7.812500e-03 : f32
    %mul3A_92 = vector.broadcast %mul3A_91 : f32 to vector<1x10112xf32>
    %mul3A_93 = arith.mulf %add3A_90, %mul3A_92 : vector<1x10112xf32>
    %add3A_94 = arith.constant 9.99999974E-6 : f32
    %add3A_95 = vector.broadcast %add3A_94 : f32 to vector<1x10112xf32>
    %add3A_96 = arith.addf %mul3A_93, %add3A_95 : vector<1x10112xf32>
    %sqrt3A = math.sqrt %add3A_96 : vector<1x10112xf32>
    %div3A = vector.broadcast %sqrt3A : vector<1x10112xf32> to vector<128x10112xf32>
    %div3A_97 = arith.divf %sub3A_46, %div3A : vector<128x10112xf32>
    %get3A_98 = arith.constant 0 : index
    %get3A_99 = arith.constant 0 : index
    %get3A_100 = vector.load %arg2[%get3A_98, %get3A_99] : memref<128x1xf32, #tpu.memory_space<vmem>>, vector<128x1xf32>
    %mul3A_101 = vector.broadcast %get3A_100 : vector<128x1xf32> to vector<128x10112xf32>
    %mul3A_102 = arith.mulf %div3A_97, %mul3A_101 : vector<128x10112xf32>
    %get3A_103 = arith.constant 0 : index
    %get3A_104 = arith.constant 0 : index
    %get3A_105 = vector.load %arg3[%get3A_103, %get3A_104] : memref<128x1xf32, #tpu.memory_space<vmem>>, vector<128x1xf32>
    %add3A_106 = vector.broadcast %get3A_105 : vector<128x1xf32> to vector<128x10112xf32>
    %add3A_107 = arith.addf %mul3A_102, %add3A_106 : vector<128x10112xf32>
    %get3A_108 = arith.constant 0 : index
    %get3A_109 = arith.constant 0 : index
    %get3A_110 = vector.load %arg4[%get3A_108, %get3A_109] : memref<128x64xf32, #tpu.memory_space<vmem>>, vector<128x64xf32>
    %dot_general3A = arith.constant dense<0.000000e+00> : vector<64x10112xf32>
    %dot_general3A_111 = tpu.matmul %get3A_110, %add3A_107, %dot_general3A {dimension_numbers = #tpu.dot_dimension_numbers<[0], [0], [1], [1], [0, 1, 1, 1], [], []>, transpose_lhs_hint = false} : vector<128x64xf32>, vector<128x10112xf32>, vector<64x10112xf32> -> vector<64x10112xf32>
    %get3A_112 = arith.constant 0 : index
    %get3A_113 = arith.constant 0 : index
    %get3A_114 = vector.load %arg5[%get3A_112, %get3A_113] : memref<64x1xf32, #tpu.memory_space<vmem>>, vector<64x1xf32>
    %add3A_115 = vector.broadcast %get3A_114 : vector<64x1xf32> to vector<64x10112xf32>
    %add3A_116 = arith.addf %dot_general3A_111, %add3A_115 : vector<64x10112xf32>
    %neg3A = arith.constant 0.000000e+00 : f32
    %neg3A_117 = vector.broadcast %neg3A : f32 to vector<64x10112xf32>
    %neg3A_118 = arith.subf %neg3A_117, %add3A_116 : vector<64x10112xf32>
    %exp3A = math.exp %neg3A_118 : vector<64x10112xf32>
    %add3A_119 = arith.constant 1.000000e+00 : f32
    %add3A_120 = vector.broadcast %add3A_119 : f32 to vector<64x10112xf32>
    %add3A_121 = arith.addf %add3A_120, %exp3A : vector<64x10112xf32>
    %div3A_122 = arith.constant 1.000000e+00 : f32
    %div3A_123 = vector.broadcast %div3A_122 : f32 to vector<64x10112xf32>
    %div3A_124 = arith.divf %div3A_123, %add3A_121 : vector<64x10112xf32>
    %mul3A_125 = arith.mulf %add3A_116, %div3A_124 : vector<64x10112xf32>
    %get3A_126 = arith.constant 0 : index
    %get3A_127 = arith.constant 0 : index
    %get3A_128 = vector.load %arg6[%get3A_126, %get3A_127] : memref<64x1xf32, #tpu.memory_space<vmem>>, vector<64x1xf32>
    %dot_general3A_129 = arith.constant dense<0.000000e+00> : vector<1x10112xf32>
    %dot_general3A_130 = tpu.matmul %get3A_128, %mul3A_125, %dot_general3A_129 {dimension_numbers = #tpu.dot_dimension_numbers<[0], [0], [1], [1], [0, 1, 1, 1], [], []>, transpose_lhs_hint = false} : vector<64x1xf32>, vector<64x10112xf32>, vector<1x10112xf32> -> vector<1x10112xf32>
    %get3A_131 = arith.constant 0 : index
    %get3A_132 = arith.constant 0 : index
    %get3A_133 = vector.load %arg7[%get3A_131, %get3A_132] : memref<1x1xf32, #tpu.memory_space<vmem>>, vector<1x1xf32>
    %add3A_134 = vector.broadcast %get3A_133 : vector<1x1xf32> to vector<1x10112xf32>
    %add3A_135 = arith.addf %dot_general3A_130, %add3A_134 : vector<1x10112xf32>
    %slice3A_136 = vector.extract_strided_slice %add3A_135 {offsets = [0, 0], sizes = [1, 10000], strides = [1, 1]} : vector<1x10112xf32> to vector<1x10000xf32>
    %reshape3A = vector.shape_cast %slice3A_136 : vector<1x10000xf32> to vector<1x1x10000xf32>
    %swap3A = arith.constant 0 : index
    %swap3A_137 = arith.constant 0 : index
    %swap3A_138 = arith.constant 0 : index
    %swap3A_139 = vector.load %arg8[%swap3A, %swap3A_137, %swap3A_138] : memref<1x1x10000xf32, #tpu.memory_space<vmem>>, vector<1x1x10000xf32>
    tpu.vector_store %arg8[%swap3A, %swap3A_137, %swap3A_138], %reshape3A {strides = array<i32>} : memref<1x1x10000xf32, #tpu.memory_space<vmem>>, vector<1x1x10000xf32>,
    return
  }
  func.func @transform_0(%arg0: i32) -> (i32, i32) {
    %c0_i32 = arith.constant 0 : i32
    %c0_i32_0 = arith.constant 0 : i32
    return %arg0, %c0_i32 : i32, i32
  }
  func.func @transform_1(%arg0: i32) -> (i32, i32) {
    %c0_i32 = arith.constant 0 : i32
    %c0_i32_0 = arith.constant 0 : i32
    %c0_i32_1 = arith.constant 0 : i32
    return %c0_i32, %c0_i32_0 : i32, i32
  }
  func.func @transform_2(%arg0: i32) -> (i32, i32) {
    %c0_i32 = arith.constant 0 : i32
    %c0_i32_0 = arith.constant 0 : i32
    %c0_i32_1 = arith.constant 0 : i32
    return %c0_i32, %c0_i32_0 : i32, i32
  }
  func.func @transform_3(%arg0: i32) -> (i32, i32) {
    %c0_i32 = arith.constant 0 : i32
    %c0_i32_0 = arith.constant 0 : i32
    %c0_i32_1 = arith.constant 0 : i32
    return %c0_i32, %c0_i32_0 : i32, i32
  }
  func.func @transform_4(%arg0: i32) -> (i32, i32) {
    %c0_i32 = arith.constant 0 : i32
    %c0_i32_0 = arith.constant 0 : i32
    %c0_i32_1 = arith.constant 0 : i32
    return %c0_i32, %c0_i32_0 : i32, i32
  }
  func.func @transform_5(%arg0: i32) -> (i32, i32) {
    %c0_i32 = arith.constant 0 : i32
    %c0_i32_0 = arith.constant 0 : i32
    %c0_i32_1 = arith.constant 0 : i32
    return %c0_i32, %c0_i32_0 : i32, i32
  }
  func.func @transform_6(%arg0: i32) -> (i32, i32) {
    %c0_i32 = arith.constant 0 : i32
    %c0_i32_0 = arith.constant 0 : i32
    %c0_i32_1 = arith.constant 0 : i32
    return %c0_i32, %c0_i32_0 : i32, i32
  }
  func.func @transform_7(%arg0: i32) -> (i32, i32, i32) {
    %c0_i32 = arith.constant 0 : i32
    %c0_i32_0 = arith.constant 0 : i32
    %c0_i32_1 = arith.constant 0 : i32
    return %arg0, %c0_i32, %c0_i32_0 : i32, i32, i32
  }
}

module attributes {stable_mosaic.version = 14 : i64} {
  func.func @_topk_sort_kernel(%arg0: memref<100x1000xf32, #tpu.memory_space<vmem>>, %arg1: memref<100x500xi32, #tpu.memory_space<vmem>>) attributes {dimension_semantics = [], scalar_prefetch = 0 : i64, scratch_operands = 0 : i64, tpu.core_type = #tpu.core_type<tc>} {
    %get3A = arith.constant 0 : index
    %get3A_0 = arith.constant 0 : index
    %get3A_1 = vector.load %arg0[%get3A, %get3A_0] : memref<100x1000xf32, #tpu.memory_space<vmem>>, vector<100x1000xf32>
    %bitcast_convert_type3A = tpu.bitcast %get3A_1 : vector<100x1000xf32> -> vector<100x1000xi32>
    %lt3A = arith.constant 0 : i32
    %lt3A_2 = vector.broadcast %lt3A : i32 to vector<100x1000xi32>
    %lt3A_3 = arith.cmpi slt, %bitcast_convert_type3A, %lt3A_2 : vector<100x1000xi32>
    %xor3A = arith.constant 2147483647 : i32
    %xor3A_4 = vector.broadcast %xor3A : i32 to vector<100x1000xi32>
    %xor3A_5 = arith.xori %bitcast_convert_type3A, %xor3A_4 : vector<100x1000xi32>
    %select_n3A = arith.select %lt3A_3, %xor3A_5, %bitcast_convert_type3A : vector<100x1000xi1>, vector<100x1000xi32>
    %broadcast_in_dim3A = arith.constant -2147483648 : i32
    %broadcast_in_dim3A_6 = vector.broadcast %broadcast_in_dim3A : i32 to vector<100x24xi32>
    %concatenate3A = tpu.concatenate %select_n3A, %broadcast_in_dim3A_6 in 1 : vector<100x1000xi32>, vector<100x24xi32> -> vector<100x1024xi32>
    %iota3A = tpu.iota {dimensions = array<i32: 1>} : vector<100x1024xi32>
    %iota3A_7 = tpu.iota {dimensions = array<i32: 1>} : vector<1x1024xi32>
    %and3A = arith.constant 1 : i32
    %and3A_8 = vector.broadcast %and3A : i32 to vector<1x1024xi32>
    %and3A_9 = arith.andi %iota3A_7, %and3A_8 : vector<1x1024xi32>
    %ne3A = arith.constant 0 : i32
    %ne3A_10 = vector.broadcast %ne3A : i32 to vector<1x1024xi32>
    %ne3A_11 = arith.cmpi ne, %and3A_9, %ne3A_10 : vector<1x1024xi32>
    %and3A_12 = arith.constant 2 : i32
    %and3A_13 = vector.broadcast %and3A_12 : i32 to vector<1x1024xi32>
    %and3A_14 = arith.andi %iota3A_7, %and3A_13 : vector<1x1024xi32>
    %eq3A = arith.constant 0 : i32
    %eq3A_15 = vector.broadcast %eq3A : i32 to vector<1x1024xi32>
    %eq3A_16 = arith.cmpi eq, %and3A_14, %eq3A_15 : vector<1x1024xi32>
    %xor3A_17 = arith.xori %eq3A_16, %ne3A_11 : vector<1x1024xi1>
    %slice3A = vector.extract_strided_slice %concatenate3A {offsets = [0, 1023], sizes = [100, 1], strides = [1, 1]} : vector<100x1024xi32> to vector<100x1xi32>
    %slice3A_18 = vector.extract_strided_slice %concatenate3A {offsets = [0, 0], sizes = [100, 1023], strides = [1, 1]} : vector<100x1024xi32> to vector<100x1023xi32>
    %concatenate3A_19 = tpu.concatenate %slice3A, %slice3A_18 in 1 : vector<100x1xi32>, vector<100x1023xi32> -> vector<100x1024xi32>
    %slice3A_20 = vector.extract_strided_slice %concatenate3A {offsets = [0, 1], sizes = [100, 1023], strides = [1, 1]} : vector<100x1024xi32> to vector<100x1023xi32>
    %slice3A_21 = vector.extract_strided_slice %concatenate3A {offsets = [0, 0], sizes = [100, 1], strides = [1, 1]} : vector<100x1024xi32> to vector<100x1xi32>
    %concatenate3A_22 = tpu.concatenate %slice3A_20, %slice3A_21 in 1 : vector<100x1023xi32>, vector<100x1xi32> -> vector<100x1024xi32>
    %broadcast_in_dim3A_23 = vector.shape_cast %ne3A_11 : vector<1x1024xi1> to vector<1x1024xi1>
    %broadcast_in_dim3A_24 = vector.broadcast %broadcast_in_dim3A_23 : vector<1x1024xi1> to vector<100x1024xi1>
    %select_n3A_25 = arith.select %broadcast_in_dim3A_24, %concatenate3A_19, %concatenate3A_22 : vector<100x1024xi1>, vector<100x1024xi32>
    %slice3A_26 = vector.extract_strided_slice %iota3A {offsets = [0, 1023], sizes = [100, 1], strides = [1, 1]} : vector<100x1024xi32> to vector<100x1xi32>
    %slice3A_27 = vector.extract_strided_slice %iota3A {offsets = [0, 0], sizes = [100, 1023], strides = [1, 1]} : vector<100x1024xi32> to vector<100x1023xi32>
    %concatenate3A_28 = tpu.concatenate %slice3A_26, %slice3A_27 in 1 : vector<100x1xi32>, vector<100x1023xi32> -> vector<100x1024xi32>
    %slice3A_29 = vector.extract_strided_slice %iota3A {offsets = [0, 1], sizes = [100, 1023], strides = [1, 1]} : vector<100x1024xi32> to vector<100x1023xi32>
    %slice3A_30 = vector.extract_strided_slice %iota3A {offsets = [0, 0], sizes = [100, 1], strides = [1, 1]} : vector<100x1024xi32> to vector<100x1xi32>
    %concatenate3A_31 = tpu.concatenate %slice3A_29, %slice3A_30 in 1 : vector<100x1023xi32>, vector<100x1xi32> -> vector<100x1024xi32>
    %broadcast_in_dim3A_32 = vector.shape_cast %ne3A_11 : vector<1x1024xi1> to vector<1x1024xi1>
    %broadcast_in_dim3A_33 = vector.broadcast %broadcast_in_dim3A_32 : vector<1x1024xi1> to vector<100x1024xi1>
    %select_n3A_34 = arith.select %broadcast_in_dim3A_33, %concatenate3A_28, %concatenate3A_31 : vector<100x1024xi1>, vector<100x1024xi32>
    %gt3A = arith.cmpi sgt, %concatenate3A, %select_n3A_25 : vector<100x1024xi32>
    %eq3A_35 = arith.cmpi eq, %concatenate3A, %select_n3A_25 : vector<100x1024xi32>
    %lt3A_36 = arith.cmpi slt, %iota3A, %select_n3A_34 : vector<100x1024xi32>
    %and3A_37 = arith.andi %eq3A_35, %lt3A_36 : vector<100x1024xi1>
    %or3A = arith.ori %gt3A, %and3A_37 : vector<100x1024xi1>
    %eq3A_38 = vector.broadcast %xor3A_17 : vector<1x1024xi1> to vector<100x1024xi1>
    %eq3A_39 = vector.broadcast %eq3A_38 : vector<100x1024xi1> to vector<100x1024xi1>
    %eq3A_40 = arith.xori %or3A, %eq3A_39 : vector<100x1024xi1>
    %eq3A_41 = arith.constant dense<true> : vector<100x1024xi1>
    %eq3A_42 = arith.xori %eq3A_40, %eq3A_41 : vector<100x1024xi1>
    %select_n3A_43 = arith.select %eq3A_42, %concatenate3A, %select_n3A_25 : vector<100x1024xi1>, vector<100x1024xi32>
    %select_n3A_44 = arith.select %eq3A_42, %iota3A, %select_n3A_34 : vector<100x1024xi1>, vector<100x1024xi32>
    %and3A_45 = arith.constant 2 : i32
    %and3A_46 = vector.broadcast %and3A_45 : i32 to vector<1x1024xi32>
    %and3A_47 = arith.andi %iota3A_7, %and3A_46 : vector<1x1024xi32>
    %ne3A_48 = arith.constant 0 : i32
    %ne3A_49 = vector.broadcast %ne3A_48 : i32 to vector<1x1024xi32>
    %ne3A_50 = arith.cmpi ne, %and3A_47, %ne3A_49 : vector<1x1024xi32>
    %and3A_51 = arith.constant 4 : i32
    %and3A_52 = vector.broadcast %and3A_51 : i32 to vector<1x1024xi32>
    %and3A_53 = arith.andi %iota3A_7, %and3A_52 : vector<1x1024xi32>
    %eq3A_54 = arith.constant 0 : i32
    %eq3A_55 = vector.broadcast %eq3A_54 : i32 to vector<1x1024xi32>
    %eq3A_56 = arith.cmpi eq, %and3A_53, %eq3A_55 : vector<1x1024xi32>
    %xor3A_57 = arith.xori %eq3A_56, %ne3A_50 : vector<1x1024xi1>
    %slice3A_58 = vector.extract_strided_slice %select_n3A_43 {offsets = [0, 1022], sizes = [100, 2], strides = [1, 1]} : vector<100x1024xi32> to vector<100x2xi32>
    %slice3A_59 = vector.extract_strided_slice %select_n3A_43 {offsets = [0, 0], sizes = [100, 1022], strides = [1, 1]} : vector<100x1024xi32> to vector<100x1022xi32>
    %concatenate3A_60 = tpu.concatenate %slice3A_58, %slice3A_59 in 1 : vector<100x2xi32>, vector<100x1022xi32> -> vector<100x1024xi32>
    %slice3A_61 = vector.extract_strided_slice %select_n3A_43 {offsets = [0, 2], sizes = [100, 1022], strides = [1, 1]} : vector<100x1024xi32> to vector<100x1022xi32>
    %slice3A_62 = vector.extract_strided_slice %select_n3A_43 {offsets = [0, 0], sizes = [100, 2], strides = [1, 1]} : vector<100x1024xi32> to vector<100x2xi32>
    %concatenate3A_63 = tpu.concatenate %slice3A_61, %slice3A_62 in 1 : vector<100x1022xi32>, vector<100x2xi32> -> vector<100x1024xi32>
    %broadcast_in_dim3A_64 = vector.shape_cast %ne3A_50 : vector<1x1024xi1> to vector<1x1024xi1>
    %broadcast_in_dim3A_65 = vector.broadcast %broadcast_in_dim3A_64 : vector<1x1024xi1> to vector<100x1024xi1>
    %select_n3A_66 = arith.select %broadcast_in_dim3A_65, %concatenate3A_60, %concatenate3A_63 : vector<100x1024xi1>, vector<100x1024xi32>
    %slice3A_67 = vector.extract_strided_slice %select_n3A_44 {offsets = [0, 1022], sizes = [100, 2], strides = [1, 1]} : vector<100x1024xi32> to vector<100x2xi32>
    %slice3A_68 = vector.extract_strided_slice %select_n3A_44 {offsets = [0, 0], sizes = [100, 1022], strides = [1, 1]} : vector<100x1024xi32> to vector<100x1022xi32>
    %concatenate3A_69 = tpu.concatenate %slice3A_67, %slice3A_68 in 1 : vector<100x2xi32>, vector<100x1022xi32> -> vector<100x1024xi32>
    %slice3A_70 = vector.extract_strided_slice %select_n3A_44 {offsets = [0, 2], sizes = [100, 1022], strides = [1, 1]} : vector<100x1024xi32> to vector<100x1022xi32>
    %slice3A_71 = vector.extract_strided_slice %select_n3A_44 {offsets = [0, 0], sizes = [100, 2], strides = [1, 1]} : vector<100x1024xi32> to vector<100x2xi32>
    %concatenate3A_72 = tpu.concatenate %slice3A_70, %slice3A_71 in 1 : vector<100x1022xi32>, vector<100x2xi32> -> vector<100x1024xi32>
    %broadcast_in_dim3A_73 = vector.shape_cast %ne3A_50 : vector<1x1024xi1> to vector<1x1024xi1>
    %broadcast_in_dim3A_74 = vector.broadcast %broadcast_in_dim3A_73 : vector<1x1024xi1> to vector<100x1024xi1>
    %select_n3A_75 = arith.select %broadcast_in_dim3A_74, %concatenate3A_69, %concatenate3A_72 : vector<100x1024xi1>, vector<100x1024xi32>
    %gt3A_76 = arith.cmpi sgt, %select_n3A_43, %select_n3A_66 : vector<100x1024xi32>
    %eq3A_77 = arith.cmpi eq, %select_n3A_43, %select_n3A_66 : vector<100x1024xi32>
    %lt3A_78 = arith.cmpi slt, %select_n3A_44, %select_n3A_75 : vector<100x1024xi32>
    %and3A_79 = arith.andi %eq3A_77, %lt3A_78 : vector<100x1024xi1>
    %or3A_80 = arith.ori %gt3A_76, %and3A_79 : vector<100x1024xi1>
    %eq3A_81 = vector.broadcast %xor3A_57 : vector<1x1024xi1> to vector<100x1024xi1>
    %eq3A_82 = vector.broadcast %eq3A_81 : vector<100x1024xi1> to vector<100x1024xi1>
    %eq3A_83 = arith.xori %or3A_80, %eq3A_82 : vector<100x1024xi1>
    %eq3A_84 = arith.constant dense<true> : vector<100x1024xi1>
    %eq3A_85 = arith.xori %eq3A_83, %eq3A_84 : vector<100x1024xi1>
    %select_n3A_86 = arith.select %eq3A_85, %select_n3A_43, %select_n3A_66 : vector<100x1024xi1>, vector<100x1024xi32>
    %select_n3A_87 = arith.select %eq3A_85, %select_n3A_44, %select_n3A_75 : vector<100x1024xi1>, vector<100x1024xi32>
    %and3A_88 = arith.constant 1 : i32
    %and3A_89 = vector.broadcast %and3A_88 : i32 to vector<1x1024xi32>
    %and3A_90 = arith.andi %iota3A_7, %and3A_89 : vector<1x1024xi32>
    %ne3A_91 = arith.constant 0 : i32
    %ne3A_92 = vector.broadcast %ne3A_91 : i32 to vector<1x1024xi32>
    %ne3A_93 = arith.cmpi ne, %and3A_90, %ne3A_92 : vector<1x1024xi32>
    %and3A_94 = arith.constant 4 : i32
    %and3A_95 = vector.broadcast %and3A_94 : i32 to vector<1x1024xi32>
    %and3A_96 = arith.andi %iota3A_7, %and3A_95 : vector<1x1024xi32>
    %eq3A_97 = arith.constant 0 : i32
    %eq3A_98 = vector.broadcast %eq3A_97 : i32 to vector<1x1024xi32>
    %eq3A_99 = arith.cmpi eq, %and3A_96, %eq3A_98 : vector<1x1024xi32>
    %xor3A_100 = arith.xori %eq3A_99, %ne3A_93 : vector<1x1024xi1>
    %slice3A_101 = vector.extract_strided_slice %select_n3A_86 {offsets = [0, 1023], sizes = [100, 1], strides = [1, 1]} : vector<100x1024xi32> to vector<100x1xi32>
    %slice3A_102 = vector.extract_strided_slice %select_n3A_86 {offsets = [0, 0], sizes = [100, 1023], strides = [1, 1]} : vector<100x1024xi32> to vector<100x1023xi32>
    %concatenate3A_103 = tpu.concatenate %slice3A_101, %slice3A_102 in 1 : vector<100x1xi32>, vector<100x1023xi32> -> vector<100x1024xi32>
    %slice3A_104 = vector.extract_strided_slice %select_n3A_86 {offsets = [0, 1], sizes = [100, 1023], strides = [1, 1]} : vector<100x1024xi32> to vector<100x1023xi32>
    %slice3A_105 = vector.extract_strided_slice %select_n3A_86 {offsets = [0, 0], sizes = [100, 1], strides = [1, 1]} : vector<100x1024xi32> to vector<100x1xi32>
    %concatenate3A_106 = tpu.concatenate %slice3A_104, %slice3A_105 in 1 : vector<100x1023xi32>, vector<100x1xi32> -> vector<100x1024xi32>
    %broadcast_in_dim3A_107 = vector.shape_cast %ne3A_93 : vector<1x1024xi1> to vector<1x1024xi1>
    %broadcast_in_dim3A_108 = vector.broadcast %broadcast_in_dim3A_107 : vector<1x1024xi1> to vector<100x1024xi1>
    %select_n3A_109 = arith.select %broadcast_in_dim3A_108, %concatenate3A_103, %concatenate3A_106 : vector<100x1024xi1>, vector<100x1024xi32>
    %slice3A_110 = vector.extract_strided_slice %select_n3A_87 {offsets = [0, 1023], sizes = [100, 1], strides = [1, 1]} : vector<100x1024xi32> to vector<100x1xi32>
    %slice3A_111 = vector.extract_strided_slice %select_n3A_87 {offsets = [0, 0], sizes = [100, 1023], strides = [1, 1]} : vector<100x1024xi32> to vector<100x1023xi32>
    %concatenate3A_112 = tpu.concatenate %slice3A_110, %slice3A_111 in 1 : vector<100x1xi32>, vector<100x1023xi32> -> vector<100x1024xi32>
    %slice3A_113 = vector.extract_strided_slice %select_n3A_87 {offsets = [0, 1], sizes = [100, 1023], strides = [1, 1]} : vector<100x1024xi32> to vector<100x1023xi32>
    %slice3A_114 = vector.extract_strided_slice %select_n3A_87 {offsets = [0, 0], sizes = [100, 1], strides = [1, 1]} : vector<100x1024xi32> to vector<100x1xi32>
    %concatenate3A_115 = tpu.concatenate %slice3A_113, %slice3A_114 in 1 : vector<100x1023xi32>, vector<100x1xi32> -> vector<100x1024xi32>
    %broadcast_in_dim3A_116 = vector.shape_cast %ne3A_93 : vector<1x1024xi1> to vector<1x1024xi1>
    %broadcast_in_dim3A_117 = vector.broadcast %broadcast_in_dim3A_116 : vector<1x1024xi1> to vector<100x1024xi1>
    %select_n3A_118 = arith.select %broadcast_in_dim3A_117, %concatenate3A_112, %concatenate3A_115 : vector<100x1024xi1>, vector<100x1024xi32>
    %gt3A_119 = arith.cmpi sgt, %select_n3A_86, %select_n3A_109 : vector<100x1024xi32>
    %eq3A_120 = arith.cmpi eq, %select_n3A_86, %select_n3A_109 : vector<100x1024xi32>
    %lt3A_121 = arith.cmpi slt, %select_n3A_87, %select_n3A_118 : vector<100x1024xi32>
    %and3A_122 = arith.andi %eq3A_120, %lt3A_121 : vector<100x1024xi1>
    %or3A_123 = arith.ori %gt3A_119, %and3A_122 : vector<100x1024xi1>
    %eq3A_124 = vector.broadcast %xor3A_100 : vector<1x1024xi1> to vector<100x1024xi1>
    %eq3A_125 = vector.broadcast %eq3A_124 : vector<100x1024xi1> to vector<100x1024xi1>
    %eq3A_126 = arith.xori %or3A_123, %eq3A_125 : vector<100x1024xi1>
    %eq3A_127 = arith.constant dense<true> : vector<100x1024xi1>
    %eq3A_128 = arith.xori %eq3A_126, %eq3A_127 : vector<100x1024xi1>
    %select_n3A_129 = arith.select %eq3A_128, %select_n3A_86, %select_n3A_109 : vector<100x1024xi1>, vector<100x1024xi32>
    %select_n3A_130 = arith.select %eq3A_128, %select_n3A_87, %select_n3A_118 : vector<100x1024xi1>, vector<100x1024xi32>
    %and3A_131 = arith.constant 4 : i32
    %and3A_132 = vector.broadcast %and3A_131 : i32 to vector<1x1024xi32>
    %and3A_133 = arith.andi %iota3A_7, %and3A_132 : vector<1x1024xi32>
    %ne3A_134 = arith.constant 0 : i32
    %ne3A_135 = vector.broadcast %ne3A_134 : i32 to vector<1x1024xi32>
    %ne3A_136 = arith.cmpi ne, %and3A_133, %ne3A_135 : vector<1x1024xi32>
    %and3A_137 = arith.constant 8 : i32
    %and3A_138 = vector.broadcast %and3A_137 : i32 to vector<1x1024xi32>
    %and3A_139 = arith.andi %iota3A_7, %and3A_138 : vector<1x1024xi32>
    %eq3A_140 = arith.constant 0 : i32
    %eq3A_141 = vector.broadcast %eq3A_140 : i32 to vector<1x1024xi32>
    %eq3A_142 = arith.cmpi eq, %and3A_139, %eq3A_141 : vector<1x1024xi32>
    %xor3A_143 = arith.xori %eq3A_142, %ne3A_136 : vector<1x1024xi1>
    %slice3A_144 = vector.extract_strided_slice %select_n3A_129 {offsets = [0, 1020], sizes = [100, 4], strides = [1, 1]} : vector<100x1024xi32> to vector<100x4xi32>
    %slice3A_145 = vector.extract_strided_slice %select_n3A_129 {offsets = [0, 0], sizes = [100, 1020], strides = [1, 1]} : vector<100x1024xi32> to vector<100x1020xi32>
    %concatenate3A_146 = tpu.concatenate %slice3A_144, %slice3A_145 in 1 : vector<100x4xi32>, vector<100x1020xi32> -> vector<100x1024xi32>
    %slice3A_147 = vector.extract_strided_slice %select_n3A_129 {offsets = [0, 4], sizes = [100, 1020], strides = [1, 1]} : vector<100x1024xi32> to vector<100x1020xi32>
    %slice3A_148 = vector.extract_strided_slice %select_n3A_129 {offsets = [0, 0], sizes = [100, 4], strides = [1, 1]} : vector<100x1024xi32> to vector<100x4xi32>
    %concatenate3A_149 = tpu.concatenate %slice3A_147, %slice3A_148 in 1 : vector<100x1020xi32>, vector<100x4xi32> -> vector<100x1024xi32>
    %broadcast_in_dim3A_150 = vector.shape_cast %ne3A_136 : vector<1x1024xi1> to vector<1x1024xi1>
    %broadcast_in_dim3A_151 = vector.broadcast %broadcast_in_dim3A_150 : vector<1x1024xi1> to vector<100x1024xi1>
    %select_n3A_152 = arith.select %broadcast_in_dim3A_151, %concatenate3A_146, %concatenate3A_149 : vector<100x1024xi1>, vector<100x1024xi32>
    %slice3A_153 = vector.extract_strided_slice %select_n3A_130 {offsets = [0, 1020], sizes = [100, 4], strides = [1, 1]} : vector<100x1024xi32> to vector<100x4xi32>
    %slice3A_154 = vector.extract_strided_slice %select_n3A_130 {offsets = [0, 0], sizes = [100, 1020], strides = [1, 1]} : vector<100x1024xi32> to vector<100x1020xi32>
    %concatenate3A_155 = tpu.concatenate %slice3A_153, %slice3A_154 in 1 : vector<100x4xi32>, vector<100x1020xi32> -> vector<100x1024xi32>
    %slice3A_156 = vector.extract_strided_slice %select_n3A_130 {offsets = [0, 4], sizes = [100, 1020], strides = [1, 1]} : vector<100x1024xi32> to vector<100x1020xi32>
    %slice3A_157 = vector.extract_strided_slice %select_n3A_130 {offsets = [0, 0], sizes = [100, 4], strides = [1, 1]} : vector<100x1024xi32> to vector<100x4xi32>
    %concatenate3A_158 = tpu.concatenate %slice3A_156, %slice3A_157 in 1 : vector<100x1020xi32>, vector<100x4xi32> -> vector<100x1024xi32>
    %broadcast_in_dim3A_159 = vector.shape_cast %ne3A_136 : vector<1x1024xi1> to vector<1x1024xi1>
    %broadcast_in_dim3A_160 = vector.broadcast %broadcast_in_dim3A_159 : vector<1x1024xi1> to vector<100x1024xi1>
    %select_n3A_161 = arith.select %broadcast_in_dim3A_160, %concatenate3A_155, %concatenate3A_158 : vector<100x1024xi1>, vector<100x1024xi32>
    %gt3A_162 = arith.cmpi sgt, %select_n3A_129, %select_n3A_152 : vector<100x1024xi32>
    %eq3A_163 = arith.cmpi eq, %select_n3A_129, %select_n3A_152 : vector<100x1024xi32>
    %lt3A_164 = arith.cmpi slt, %select_n3A_130, %select_n3A_161 : vector<100x1024xi32>
    %and3A_165 = arith.andi %eq3A_163, %lt3A_164 : vector<100x1024xi1>
    %or3A_166 = arith.ori %gt3A_162, %and3A_165 : vector<100x1024xi1>
    %eq3A_167 = vector.broadcast %xor3A_143 : vector<1x1024xi1> to vector<100x1024xi1>
    %eq3A_168 = vector.broadcast %eq3A_167 : vector<100x1024xi1> to vector<100x1024xi1>
    %eq3A_169 = arith.xori %or3A_166, %eq3A_168 : vector<100x1024xi1>
    %eq3A_170 = arith.constant dense<true> : vector<100x1024xi1>
    %eq3A_171 = arith.xori %eq3A_169, %eq3A_170 : vector<100x1024xi1>
    %select_n3A_172 = arith.select %eq3A_171, %select_n3A_129, %select_n3A_152 : vector<100x1024xi1>, vector<100x1024xi32>
    %select_n3A_173 = arith.select %eq3A_171, %select_n3A_130, %select_n3A_161 : vector<100x1024xi1>, vector<100x1024xi32>
    %and3A_174 = arith.constant 2 : i32
    %and3A_175 = vector.broadcast %and3A_174 : i32 to vector<1x1024xi32>
    %and3A_176 = arith.andi %iota3A_7, %and3A_175 : vector<1x1024xi32>
    %ne3A_177 = arith.constant 0 : i32
    %ne3A_178 = vector.broadcast %ne3A_177 : i32 to vector<1x1024xi32>
    %ne3A_179 = arith.cmpi ne, %and3A_176, %ne3A_178 : vector<1x1024xi32>
    %and3A_180 = arith.constant 8 : i32
    %and3A_181 = vector.broadcast %and3A_180 : i32 to vector<1x1024xi32>
    %and3A_182 = arith.andi %iota3A_7, %and3A_181 : vector<1x1024xi32>
    %eq3A_183 = arith.constant 0 : i32
    %eq3A_184 = vector.broadcast %eq3A_183 : i32 to vector<1x1024xi32>
    %eq3A_185 = arith.cmpi eq, %and3A_182, %eq3A_184 : vector<1x1024xi32>
    %xor3A_186 = arith.xori %eq3A_185, %ne3A_179 : vector<1x1024xi1>
    %slice3A_187 = vector.extract_strided_slice %select_n3A_172 {offsets = [0, 1022], sizes = [100, 2], strides = [1, 1]} : vector<100x1024xi32> to vector<100x2xi32>
    %slice3A_188 = vector.extract_strided_slice %select_n3A_172 {offsets = [0, 0], sizes = [100, 1022], strides = [1, 1]} : vector<100x1024xi32> to vector<100x1022xi32>
    %concatenate3A_189 = tpu.concatenate %slice3A_187, %slice3A_188 in 1 : vector<100x2xi32>, vector<100x1022xi32> -> vector<100x1024xi32>
    %slice3A_190 = vector.extract_strided_slice %select_n3A_172 {offsets = [0, 2], sizes = [100, 1022], strides = [1, 1]} : vector<100x1024xi32> to vector<100x1022xi32>
    %slice3A_191 = vector.extract_strided_slice %select_n3A_172 {offsets = [0, 0], sizes = [100, 2], strides = [1, 1]} : vector<100x1024xi32> to vector<100x2xi32>
    %concatenate3A_192 = tpu.concatenate %slice3A_190, %slice3A_191 in 1 : vector<100x1022xi32>, vector<100x2xi32> -> vector<100x1024xi32>
    %broadcast_in_dim3A_193 = vector.shape_cast %ne3A_179 : vector<1x1024xi1> to vector<1x1024xi1>
    %broadcast_in_dim3A_194 = vector.broadcast %broadcast_in_dim3A_193 : vector<1x1024xi1> to vector<100x1024xi1>
    %select_n3A_195 = arith.select %broadcast_in_dim3A_194, %concatenate3A_189, %concatenate3A_192 : vector<100x1024xi1>, vector<100x1024xi32>
    %slice3A_196 = vector.extract_strided_slice %select_n3A_173 {offsets = [0, 1022], sizes = [100, 2], strides = [1, 1]} : vector<100x1024xi32> to vector<100x2xi32>
    %slice3A_197 = vector.extract_strided_slice %select_n3A_173 {offsets = [0, 0], sizes = [100, 1022], strides = [1, 1]} : vector<100x1024xi32> to vector<100x1022xi32>
    %concatenate3A_198 = tpu.concatenate %slice3A_196, %slice3A_197 in 1 : vector<100x2xi32>, vector<100x1022xi32> -> vector<100x1024xi32>
    %slice3A_199 = vector.extract_strided_slice %select_n3A_173 {offsets = [0, 2], sizes = [100, 1022], strides = [1, 1]} : vector<100x1024xi32> to vector<100x1022xi32>
    %slice3A_200 = vector.extract_strided_slice %select_n3A_173 {offsets = [0, 0], sizes = [100, 2], strides = [1, 1]} : vector<100x1024xi32> to vector<100x2xi32>
    %concatenate3A_201 = tpu.concatenate %slice3A_199, %slice3A_200 in 1 : vector<100x1022xi32>, vector<100x2xi32> -> vector<100x1024xi32>
    %broadcast_in_dim3A_202 = vector.shape_cast %ne3A_179 : vector<1x1024xi1> to vector<1x1024xi1>
    %broadcast_in_dim3A_203 = vector.broadcast %broadcast_in_dim3A_202 : vector<1x1024xi1> to vector<100x1024xi1>
    %select_n3A_204 = arith.select %broadcast_in_dim3A_203, %concatenate3A_198, %concatenate3A_201 : vector<100x1024xi1>, vector<100x1024xi32>
    %gt3A_205 = arith.cmpi sgt, %select_n3A_172, %select_n3A_195 : vector<100x1024xi32>
    %eq3A_206 = arith.cmpi eq, %select_n3A_172, %select_n3A_195 : vector<100x1024xi32>
    %lt3A_207 = arith.cmpi slt, %select_n3A_173, %select_n3A_204 : vector<100x1024xi32>
    %and3A_208 = arith.andi %eq3A_206, %lt3A_207 : vector<100x1024xi1>
    %or3A_209 = arith.ori %gt3A_205, %and3A_208 : vector<100x1024xi1>
    %eq3A_210 = vector.broadcast %xor3A_186 : vector<1x1024xi1> to vector<100x1024xi1>
    %eq3A_211 = vector.broadcast %eq3A_210 : vector<100x1024xi1> to vector<100x1024xi1>
    %eq3A_212 = arith.xori %or3A_209, %eq3A_211 : vector<100x1024xi1>
    %eq3A_213 = arith.constant dense<true> : vector<100x1024xi1>
    %eq3A_214 = arith.xori %eq3A_212, %eq3A_213 : vector<100x1024xi1>
    %select_n3A_215 = arith.select %eq3A_214, %select_n3A_172, %select_n3A_195 : vector<100x1024xi1>, vector<100x1024xi32>
    %select_n3A_216 = arith.select %eq3A_214, %select_n3A_173, %select_n3A_204 : vector<100x1024xi1>, vector<100x1024xi32>
    %and3A_217 = arith.constant 1 : i32
    %and3A_218 = vector.broadcast %and3A_217 : i32 to vector<1x1024xi32>
    %and3A_219 = arith.andi %iota3A_7, %and3A_218 : vector<1x1024xi32>
    %ne3A_220 = arith.constant 0 : i32
    %ne3A_221 = vector.broadcast %ne3A_220 : i32 to vector<1x1024xi32>
    %ne3A_222 = arith.cmpi ne, %and3A_219, %ne3A_221 : vector<1x1024xi32>
    %and3A_223 = arith.constant 8 : i32
    %and3A_224 = vector.broadcast %and3A_223 : i32 to vector<1x1024xi32>
    %and3A_225 = arith.andi %iota3A_7, %and3A_224 : vector<1x1024xi32>
    %eq3A_226 = arith.constant 0 : i32
    %eq3A_227 = vector.broadcast %eq3A_226 : i32 to vector<1x1024xi32>
    %eq3A_228 = arith.cmpi eq, %and3A_225, %eq3A_227 : vector<1x1024xi32>
    %xor3A_229 = arith.xori %eq3A_228, %ne3A_222 : vector<1x1024xi1>
    %slice3A_230 = vector.extract_strided_slice %select_n3A_215 {offsets = [0, 1023], sizes = [100, 1], strides = [1, 1]} : vector<100x1024xi32> to vector<100x1xi32>
    %slice3A_231 = vector.extract_strided_slice %select_n3A_215 {offsets = [0, 0], sizes = [100, 1023], strides = [1, 1]} : vector<100x1024xi32> to vector<100x1023xi32>
    %concatenate3A_232 = tpu.concatenate %slice3A_230, %slice3A_231 in 1 : vector<100x1xi32>, vector<100x1023xi32> -> vector<100x1024xi32>
    %slice3A_233 = vector.extract_strided_slice %select_n3A_215 {offsets = [0, 1], sizes = [100, 1023], strides = [1, 1]} : vector<100x1024xi32> to vector<100x1023xi32>
    %slice3A_234 = vector.extract_strided_slice %select_n3A_215 {offsets = [0, 0], sizes = [100, 1], strides = [1, 1]} : vector<100x1024xi32> to vector<100x1xi32>
    %concatenate3A_235 = tpu.concatenate %slice3A_233, %slice3A_234 in 1 : vector<100x1023xi32>, vector<100x1xi32> -> vector<100x1024xi32>
    %broadcast_in_dim3A_236 = vector.shape_cast %ne3A_222 : vector<1x1024xi1> to vector<1x1024xi1>
    %broadcast_in_dim3A_237 = vector.broadcast %broadcast_in_dim3A_236 : vector<1x1024xi1> to vector<100x1024xi1>
    %select_n3A_238 = arith.select %broadcast_in_dim3A_237, %concatenate3A_232, %concatenate3A_235 : vector<100x1024xi1>, vector<100x1024xi32>
    %slice3A_239 = vector.extract_strided_slice %select_n3A_216 {offsets = [0, 1023], sizes = [100, 1], strides = [1, 1]} : vector<100x1024xi32> to vector<100x1xi32>
    %slice3A_240 = vector.extract_strided_slice %select_n3A_216 {offsets = [0, 0], sizes = [100, 1023], strides = [1, 1]} : vector<100x1024xi32> to vector<100x1023xi32>
    %concatenate3A_241 = tpu.concatenate %slice3A_239, %slice3A_240 in 1 : vector<100x1xi32>, vector<100x1023xi32> -> vector<100x1024xi32>
    %slice3A_242 = vector.extract_strided_slice %select_n3A_216 {offsets = [0, 1], sizes = [100, 1023], strides = [1, 1]} : vector<100x1024xi32> to vector<100x1023xi32>
    %slice3A_243 = vector.extract_strided_slice %select_n3A_216 {offsets = [0, 0], sizes = [100, 1], strides = [1, 1]} : vector<100x1024xi32> to vector<100x1xi32>
    %concatenate3A_244 = tpu.concatenate %slice3A_242, %slice3A_243 in 1 : vector<100x1023xi32>, vector<100x1xi32> -> vector<100x1024xi32>
    %broadcast_in_dim3A_245 = vector.shape_cast %ne3A_222 : vector<1x1024xi1> to vector<1x1024xi1>
    %broadcast_in_dim3A_246 = vector.broadcast %broadcast_in_dim3A_245 : vector<1x1024xi1> to vector<100x1024xi1>
    %select_n3A_247 = arith.select %broadcast_in_dim3A_246, %concatenate3A_241, %concatenate3A_244 : vector<100x1024xi1>, vector<100x1024xi32>
    %gt3A_248 = arith.cmpi sgt, %select_n3A_215, %select_n3A_238 : vector<100x1024xi32>
    %eq3A_249 = arith.cmpi eq, %select_n3A_215, %select_n3A_238 : vector<100x1024xi32>
    %lt3A_250 = arith.cmpi slt, %select_n3A_216, %select_n3A_247 : vector<100x1024xi32>
    %and3A_251 = arith.andi %eq3A_249, %lt3A_250 : vector<100x1024xi1>
    %or3A_252 = arith.ori %gt3A_248, %and3A_251 : vector<100x1024xi1>
    %eq3A_253 = vector.broadcast %xor3A_229 : vector<1x1024xi1> to vector<100x1024xi1>
    %eq3A_254 = vector.broadcast %eq3A_253 : vector<100x1024xi1> to vector<100x1024xi1>
    %eq3A_255 = arith.xori %or3A_252, %eq3A_254 : vector<100x1024xi1>
    %eq3A_256 = arith.constant dense<true> : vector<100x1024xi1>
    %eq3A_257 = arith.xori %eq3A_255, %eq3A_256 : vector<100x1024xi1>
    %select_n3A_258 = arith.select %eq3A_257, %select_n3A_215, %select_n3A_238 : vector<100x1024xi1>, vector<100x1024xi32>
    %select_n3A_259 = arith.select %eq3A_257, %select_n3A_216, %select_n3A_247 : vector<100x1024xi1>, vector<100x1024xi32>
    %and3A_260 = arith.constant 8 : i32
    %and3A_261 = vector.broadcast %and3A_260 : i32 to vector<1x1024xi32>
    %and3A_262 = arith.andi %iota3A_7, %and3A_261 : vector<1x1024xi32>
    %ne3A_263 = arith.constant 0 : i32
    %ne3A_264 = vector.broadcast %ne3A_263 : i32 to vector<1x1024xi32>
    %ne3A_265 = arith.cmpi ne, %and3A_262, %ne3A_264 : vector<1x1024xi32>
    %and3A_266 = arith.constant 16 : i32
    %and3A_267 = vector.broadcast %and3A_266 : i32 to vector<1x1024xi32>
    %and3A_268 = arith.andi %iota3A_7, %and3A_267 : vector<1x1024xi32>
    %eq3A_269 = arith.constant 0 : i32
    %eq3A_270 = vector.broadcast %eq3A_269 : i32 to vector<1x1024xi32>
    %eq3A_271 = arith.cmpi eq, %and3A_268, %eq3A_270 : vector<1x1024xi32>
    %xor3A_272 = arith.xori %eq3A_271, %ne3A_265 : vector<1x1024xi1>
    %slice3A_273 = vector.extract_strided_slice %select_n3A_258 {offsets = [0, 1016], sizes = [100, 8], strides = [1, 1]} : vector<100x1024xi32> to vector<100x8xi32>
    %slice3A_274 = vector.extract_strided_slice %select_n3A_258 {offsets = [0, 0], sizes = [100, 1016], strides = [1, 1]} : vector<100x1024xi32> to vector<100x1016xi32>
    %concatenate3A_275 = tpu.concatenate %slice3A_273, %slice3A_274 in 1 : vector<100x8xi32>, vector<100x1016xi32> -> vector<100x1024xi32>
    %slice3A_276 = vector.extract_strided_slice %select_n3A_258 {offsets = [0, 8], sizes = [100, 1016], strides = [1, 1]} : vector<100x1024xi32> to vector<100x1016xi32>
    %slice3A_277 = vector.extract_strided_slice %select_n3A_258 {offsets = [0, 0], sizes = [100, 8], strides = [1, 1]} : vector<100x1024xi32> to vector<100x8xi32>
    %concatenate3A_278 = tpu.concatenate %slice3A_276, %slice3A_277 in 1 : vector<100x1016xi32>, vector<100x8xi32> -> vector<100x1024xi32>
    %broadcast_in_dim3A_279 = vector.shape_cast %ne3A_265 : vector<1x1024xi1> to vector<1x1024xi1>
    %broadcast_in_dim3A_280 = vector.broadcast %broadcast_in_dim3A_279 : vector<1x1024xi1> to vector<100x1024xi1>
    %select_n3A_281 = arith.select %broadcast_in_dim3A_280, %concatenate3A_275, %concatenate3A_278 : vector<100x1024xi1>, vector<100x1024xi32>
    %slice3A_282 = vector.extract_strided_slice %select_n3A_259 {offsets = [0, 1016], sizes = [100, 8], strides = [1, 1]} : vector<100x1024xi32> to vector<100x8xi32>
    %slice3A_283 = vector.extract_strided_slice %select_n3A_259 {offsets = [0, 0], sizes = [100, 1016], strides = [1, 1]} : vector<100x1024xi32> to vector<100x1016xi32>
    %concatenate3A_284 = tpu.concatenate %slice3A_282, %slice3A_283 in 1 : vector<100x8xi32>, vector<100x1016xi32> -> vector<100x1024xi32>
    %slice3A_285 = vector.extract_strided_slice %select_n3A_259 {offsets = [0, 8], sizes = [100, 1016], strides = [1, 1]} : vector<100x1024xi32> to vector<100x1016xi32>
    %slice3A_286 = vector.extract_strided_slice %select_n3A_259 {offsets = [0, 0], sizes = [100, 8], strides = [1, 1]} : vector<100x1024xi32> to vector<100x8xi32>
    %concatenate3A_287 = tpu.concatenate %slice3A_285, %slice3A_286 in 1 : vector<100x1016xi32>, vector<100x8xi32> -> vector<100x1024xi32>
    %broadcast_in_dim3A_288 = vector.shape_cast %ne3A_265 : vector<1x1024xi1> to vector<1x1024xi1>
    %broadcast_in_dim3A_289 = vector.broadcast %broadcast_in_dim3A_288 : vector<1x1024xi1> to vector<100x1024xi1>
    %select_n3A_290 = arith.select %broadcast_in_dim3A_289, %concatenate3A_284, %concatenate3A_287 : vector<100x1024xi1>, vector<100x1024xi32>
    %gt3A_291 = arith.cmpi sgt, %select_n3A_258, %select_n3A_281 : vector<100x1024xi32>
    %eq3A_292 = arith.cmpi eq, %select_n3A_258, %select_n3A_281 : vector<100x1024xi32>
    %lt3A_293 = arith.cmpi slt, %select_n3A_259, %select_n3A_290 : vector<100x1024xi32>
    %and3A_294 = arith.andi %eq3A_292, %lt3A_293 : vector<100x1024xi1>
    %or3A_295 = arith.ori %gt3A_291, %and3A_294 : vector<100x1024xi1>
    %eq3A_296 = vector.broadcast %xor3A_272 : vector<1x1024xi1> to vector<100x1024xi1>
    %eq3A_297 = vector.broadcast %eq3A_296 : vector<100x1024xi1> to vector<100x1024xi1>
    %eq3A_298 = arith.xori %or3A_295, %eq3A_297 : vector<100x1024xi1>
    %eq3A_299 = arith.constant dense<true> : vector<100x1024xi1>
    %eq3A_300 = arith.xori %eq3A_298, %eq3A_299 : vector<100x1024xi1>
    %select_n3A_301 = arith.select %eq3A_300, %select_n3A_258, %select_n3A_281 : vector<100x1024xi1>, vector<100x1024xi32>
    %select_n3A_302 = arith.select %eq3A_300, %select_n3A_259, %select_n3A_290 : vector<100x1024xi1>, vector<100x1024xi32>
    %and3A_303 = arith.constant 4 : i32
    %and3A_304 = vector.broadcast %and3A_303 : i32 to vector<1x1024xi32>
    %and3A_305 = arith.andi %iota3A_7, %and3A_304 : vector<1x1024xi32>
    %ne3A_306 = arith.constant 0 : i32
    %ne3A_307 = vector.broadcast %ne3A_306 : i32 to vector<1x1024xi32>
    %ne3A_308 = arith.cmpi ne, %and3A_305, %ne3A_307 : vector<1x1024xi32>
    %and3A_309 = arith.constant 16 : i32
    %and3A_310 = vector.broadcast %and3A_309 : i32 to vector<1x1024xi32>
    %and3A_311 = arith.andi %iota3A_7, %and3A_310 : vector<1x1024xi32>
    %eq3A_312 = arith.constant 0 : i32
    %eq3A_313 = vector.broadcast %eq3A_312 : i32 to vector<1x1024xi32>
    %eq3A_314 = arith.cmpi eq, %and3A_311, %eq3A_313 : vector<1x1024xi32>
    %xor3A_315 = arith.xori %eq3A_314, %ne3A_308 : vector<1x1024xi1>
    %slice3A_316 = vector.extract_strided_slice %select_n3A_301 {offsets = [0, 1020], sizes = [100, 4], strides = [1, 1]} : vector<100x1024xi32> to vector<100x4xi32>
    %slice3A_317 = vector.extract_strided_slice %select_n3A_301 {offsets = [0, 0], sizes = [100, 1020], strides = [1, 1]} : vector<100x1024xi32> to vector<100x1020xi32>
    %concatenate3A_318 = tpu.concatenate %slice3A_316, %slice3A_317 in 1 : vector<100x4xi32>, vector<100x1020xi32> -> vector<100x1024xi32>
    %slice3A_319 = vector.extract_strided_slice %select_n3A_301 {offsets = [0, 4], sizes = [100, 1020], strides = [1, 1]} : vector<100x1024xi32> to vector<100x1020xi32>
    %slice3A_320 = vector.extract_strided_slice %select_n3A_301 {offsets = [0, 0], sizes = [100, 4], strides = [1, 1]} : vector<100x1024xi32> to vector<100x4xi32>
    %concatenate3A_321 = tpu.concatenate %slice3A_319, %slice3A_320 in 1 : vector<100x1020xi32>, vector<100x4xi32> -> vector<100x1024xi32>
    %broadcast_in_dim3A_322 = vector.shape_cast %ne3A_308 : vector<1x1024xi1> to vector<1x1024xi1>
    %broadcast_in_dim3A_323 = vector.broadcast %broadcast_in_dim3A_322 : vector<1x1024xi1> to vector<100x1024xi1>
    %select_n3A_324 = arith.select %broadcast_in_dim3A_323, %concatenate3A_318, %concatenate3A_321 : vector<100x1024xi1>, vector<100x1024xi32>
    %slice3A_325 = vector.extract_strided_slice %select_n3A_302 {offsets = [0, 1020], sizes = [100, 4], strides = [1, 1]} : vector<100x1024xi32> to vector<100x4xi32>
    %slice3A_326 = vector.extract_strided_slice %select_n3A_302 {offsets = [0, 0], sizes = [100, 1020], strides = [1, 1]} : vector<100x1024xi32> to vector<100x1020xi32>
    %concatenate3A_327 = tpu.concatenate %slice3A_325, %slice3A_326 in 1 : vector<100x4xi32>, vector<100x1020xi32> -> vector<100x1024xi32>
    %slice3A_328 = vector.extract_strided_slice %select_n3A_302 {offsets = [0, 4], sizes = [100, 1020], strides = [1, 1]} : vector<100x1024xi32> to vector<100x1020xi32>
    %slice3A_329 = vector.extract_strided_slice %select_n3A_302 {offsets = [0, 0], sizes = [100, 4], strides = [1, 1]} : vector<100x1024xi32> to vector<100x4xi32>
    %concatenate3A_330 = tpu.concatenate %slice3A_328, %slice3A_329 in 1 : vector<100x1020xi32>, vector<100x4xi32> -> vector<100x1024xi32>
    %broadcast_in_dim3A_331 = vector.shape_cast %ne3A_308 : vector<1x1024xi1> to vector<1x1024xi1>
    %broadcast_in_dim3A_332 = vector.broadcast %broadcast_in_dim3A_331 : vector<1x1024xi1> to vector<100x1024xi1>
    %select_n3A_333 = arith.select %broadcast_in_dim3A_332, %concatenate3A_327, %concatenate3A_330 : vector<100x1024xi1>, vector<100x1024xi32>
    %gt3A_334 = arith.cmpi sgt, %select_n3A_301, %select_n3A_324 : vector<100x1024xi32>
    %eq3A_335 = arith.cmpi eq, %select_n3A_301, %select_n3A_324 : vector<100x1024xi32>
    %lt3A_336 = arith.cmpi slt, %select_n3A_302, %select_n3A_333 : vector<100x1024xi32>
    %and3A_337 = arith.andi %eq3A_335, %lt3A_336 : vector<100x1024xi1>
    %or3A_338 = arith.ori %gt3A_334, %and3A_337 : vector<100x1024xi1>
    %eq3A_339 = vector.broadcast %xor3A_315 : vector<1x1024xi1> to vector<100x1024xi1>
    %eq3A_340 = vector.broadcast %eq3A_339 : vector<100x1024xi1> to vector<100x1024xi1>
    %eq3A_341 = arith.xori %or3A_338, %eq3A_340 : vector<100x1024xi1>
    %eq3A_342 = arith.constant dense<true> : vector<100x1024xi1>
    %eq3A_343 = arith.xori %eq3A_341, %eq3A_342 : vector<100x1024xi1>
    %select_n3A_344 = arith.select %eq3A_343, %select_n3A_301, %select_n3A_324 : vector<100x1024xi1>, vector<100x1024xi32>
    %select_n3A_345 = arith.select %eq3A_343, %select_n3A_302, %select_n3A_333 : vector<100x1024xi1>, vector<100x1024xi32>
    %and3A_346 = arith.constant 2 : i32
    %and3A_347 = vector.broadcast %and3A_346 : i32 to vector<1x1024xi32>
    %and3A_348 = arith.andi %iota3A_7, %and3A_347 : vector<1x1024xi32>
    %ne3A_349 = arith.constant 0 : i32
    %ne3A_350 = vector.broadcast %ne3A_349 : i32 to vector<1x1024xi32>
    %ne3A_351 = arith.cmpi ne, %and3A_348, %ne3A_350 : vector<1x1024xi32>
    %and3A_352 = arith.constant 16 : i32
    %and3A_353 = vector.broadcast %and3A_352 : i32 to vector<1x1024xi32>
    %and3A_354 = arith.andi %iota3A_7, %and3A_353 : vector<1x1024xi32>
    %eq3A_355 = arith.constant 0 : i32
    %eq3A_356 = vector.broadcast %eq3A_355 : i32 to vector<1x1024xi32>
    %eq3A_357 = arith.cmpi eq, %and3A_354, %eq3A_356 : vector<1x1024xi32>
    %xor3A_358 = arith.xori %eq3A_357, %ne3A_351 : vector<1x1024xi1>
    %slice3A_359 = vector.extract_strided_slice %select_n3A_344 {offsets = [0, 1022], sizes = [100, 2], strides = [1, 1]} : vector<100x1024xi32> to vector<100x2xi32>
    %slice3A_360 = vector.extract_strided_slice %select_n3A_344 {offsets = [0, 0], sizes = [100, 1022], strides = [1, 1]} : vector<100x1024xi32> to vector<100x1022xi32>
    %concatenate3A_361 = tpu.concatenate %slice3A_359, %slice3A_360 in 1 : vector<100x2xi32>, vector<100x1022xi32> -> vector<100x1024xi32>
    %slice3A_362 = vector.extract_strided_slice %select_n3A_344 {offsets = [0, 2], sizes = [100, 1022], strides = [1, 1]} : vector<100x1024xi32> to vector<100x1022xi32>
    %slice3A_363 = vector.extract_strided_slice %select_n3A_344 {offsets = [0, 0], sizes = [100, 2], strides = [1, 1]} : vector<100x1024xi32> to vector<100x2xi32>
    %concatenate3A_364 = tpu.concatenate %slice3A_362, %slice3A_363 in 1 : vector<100x1022xi32>, vector<100x2xi32> -> vector<100x1024xi32>
    %broadcast_in_dim3A_365 = vector.shape_cast %ne3A_351 : vector<1x1024xi1> to vector<1x1024xi1>
    %broadcast_in_dim3A_366 = vector.broadcast %broadcast_in_dim3A_365 : vector<1x1024xi1> to vector<100x1024xi1>
    %select_n3A_367 = arith.select %broadcast_in_dim3A_366, %concatenate3A_361, %concatenate3A_364 : vector<100x1024xi1>, vector<100x1024xi32>
    %slice3A_368 = vector.extract_strided_slice %select_n3A_345 {offsets = [0, 1022], sizes = [100, 2], strides = [1, 1]} : vector<100x1024xi32> to vector<100x2xi32>
    %slice3A_369 = vector.extract_strided_slice %select_n3A_345 {offsets = [0, 0], sizes = [100, 1022], strides = [1, 1]} : vector<100x1024xi32> to vector<100x1022xi32>
    %concatenate3A_370 = tpu.concatenate %slice3A_368, %slice3A_369 in 1 : vector<100x2xi32>, vector<100x1022xi32> -> vector<100x1024xi32>
    %slice3A_371 = vector.extract_strided_slice %select_n3A_345 {offsets = [0, 2], sizes = [100, 1022], strides = [1, 1]} : vector<100x1024xi32> to vector<100x1022xi32>
    %slice3A_372 = vector.extract_strided_slice %select_n3A_345 {offsets = [0, 0], sizes = [100, 2], strides = [1, 1]} : vector<100x1024xi32> to vector<100x2xi32>
    %concatenate3A_373 = tpu.concatenate %slice3A_371, %slice3A_372 in 1 : vector<100x1022xi32>, vector<100x2xi32> -> vector<100x1024xi32>
    %broadcast_in_dim3A_374 = vector.shape_cast %ne3A_351 : vector<1x1024xi1> to vector<1x1024xi1>
    %broadcast_in_dim3A_375 = vector.broadcast %broadcast_in_dim3A_374 : vector<1x1024xi1> to vector<100x1024xi1>
    %select_n3A_376 = arith.select %broadcast_in_dim3A_375, %concatenate3A_370, %concatenate3A_373 : vector<100x1024xi1>, vector<100x1024xi32>
    %gt3A_377 = arith.cmpi sgt, %select_n3A_344, %select_n3A_367 : vector<100x1024xi32>
    %eq3A_378 = arith.cmpi eq, %select_n3A_344, %select_n3A_367 : vector<100x1024xi32>
    %lt3A_379 = arith.cmpi slt, %select_n3A_345, %select_n3A_376 : vector<100x1024xi32>
    %and3A_380 = arith.andi %eq3A_378, %lt3A_379 : vector<100x1024xi1>
    %or3A_381 = arith.ori %gt3A_377, %and3A_380 : vector<100x1024xi1>
    %eq3A_382 = vector.broadcast %xor3A_358 : vector<1x1024xi1> to vector<100x1024xi1>
    %eq3A_383 = vector.broadcast %eq3A_382 : vector<100x1024xi1> to vector<100x1024xi1>
    %eq3A_384 = arith.xori %or3A_381, %eq3A_383 : vector<100x1024xi1>
    %eq3A_385 = arith.constant dense<true> : vector<100x1024xi1>
    %eq3A_386 = arith.xori %eq3A_384, %eq3A_385 : vector<100x1024xi1>
    %select_n3A_387 = arith.select %eq3A_386, %select_n3A_344, %select_n3A_367 : vector<100x1024xi1>, vector<100x1024xi32>
    %select_n3A_388 = arith.select %eq3A_386, %select_n3A_345, %select_n3A_376 : vector<100x1024xi1>, vector<100x1024xi32>
    %and3A_389 = arith.constant 1 : i32
    %and3A_390 = vector.broadcast %and3A_389 : i32 to vector<1x1024xi32>
    %and3A_391 = arith.andi %iota3A_7, %and3A_390 : vector<1x1024xi32>
    %ne3A_392 = arith.constant 0 : i32
    %ne3A_393 = vector.broadcast %ne3A_392 : i32 to vector<1x1024xi32>
    %ne3A_394 = arith.cmpi ne, %and3A_391, %ne3A_393 : vector<1x1024xi32>
    %and3A_395 = arith.constant 16 : i32
    %and3A_396 = vector.broadcast %and3A_395 : i32 to vector<1x1024xi32>
    %and3A_397 = arith.andi %iota3A_7, %and3A_396 : vector<1x1024xi32>
    %eq3A_398 = arith.constant 0 : i32
    %eq3A_399 = vector.broadcast %eq3A_398 : i32 to vector<1x1024xi32>
    %eq3A_400 = arith.cmpi eq, %and3A_397, %eq3A_399 : vector<1x1024xi32>
    %xor3A_401 = arith.xori %eq3A_400, %ne3A_394 : vector<1x1024xi1>
    %slice3A_402 = vector.extract_strided_slice %select_n3A_387 {offsets = [0, 1023], sizes = [100, 1], strides = [1, 1]} : vector<100x1024xi32> to vector<100x1xi32>
    %slice3A_403 = vector.extract_strided_slice %select_n3A_387 {offsets = [0, 0], sizes = [100, 1023], strides = [1, 1]} : vector<100x1024xi32> to vector<100x1023xi32>
    %concatenate3A_404 = tpu.concatenate %slice3A_402, %slice3A_403 in 1 : vector<100x1xi32>, vector<100x1023xi32> -> vector<100x1024xi32>
    %slice3A_405 = vector.extract_strided_slice %select_n3A_387 {offsets = [0, 1], sizes = [100, 1023], strides = [1, 1]} : vector<100x1024xi32> to vector<100x1023xi32>
    %slice3A_406 = vector.extract_strided_slice %select_n3A_387 {offsets = [0, 0], sizes = [100, 1], strides = [1, 1]} : vector<100x1024xi32> to vector<100x1xi32>
    %concatenate3A_407 = tpu.concatenate %slice3A_405, %slice3A_406 in 1 : vector<100x1023xi32>, vector<100x1xi32> -> vector<100x1024xi32>
    %broadcast_in_dim3A_408 = vector.shape_cast %ne3A_394 : vector<1x1024xi1> to vector<1x1024xi1>
    %broadcast_in_dim3A_409 = vector.broadcast %broadcast_in_dim3A_408 : vector<1x1024xi1> to vector<100x1024xi1>
    %select_n3A_410 = arith.select %broadcast_in_dim3A_409, %concatenate3A_404, %concatenate3A_407 : vector<100x1024xi1>, vector<100x1024xi32>
    %slice3A_411 = vector.extract_strided_slice %select_n3A_388 {offsets = [0, 1023], sizes = [100, 1], strides = [1, 1]} : vector<100x1024xi32> to vector<100x1xi32>
    %slice3A_412 = vector.extract_strided_slice %select_n3A_388 {offsets = [0, 0], sizes = [100, 1023], strides = [1, 1]} : vector<100x1024xi32> to vector<100x1023xi32>
    %concatenate3A_413 = tpu.concatenate %slice3A_411, %slice3A_412 in 1 : vector<100x1xi32>, vector<100x1023xi32> -> vector<100x1024xi32>
    %slice3A_414 = vector.extract_strided_slice %select_n3A_388 {offsets = [0, 1], sizes = [100, 1023], strides = [1, 1]} : vector<100x1024xi32> to vector<100x1023xi32>
    %slice3A_415 = vector.extract_strided_slice %select_n3A_388 {offsets = [0, 0], sizes = [100, 1], strides = [1, 1]} : vector<100x1024xi32> to vector<100x1xi32>
    %concatenate3A_416 = tpu.concatenate %slice3A_414, %slice3A_415 in 1 : vector<100x1023xi32>, vector<100x1xi32> -> vector<100x1024xi32>
    %broadcast_in_dim3A_417 = vector.shape_cast %ne3A_394 : vector<1x1024xi1> to vector<1x1024xi1>
    %broadcast_in_dim3A_418 = vector.broadcast %broadcast_in_dim3A_417 : vector<1x1024xi1> to vector<100x1024xi1>
    %select_n3A_419 = arith.select %broadcast_in_dim3A_418, %concatenate3A_413, %concatenate3A_416 : vector<100x1024xi1>, vector<100x1024xi32>
    %gt3A_420 = arith.cmpi sgt, %select_n3A_387, %select_n3A_410 : vector<100x1024xi32>
    %eq3A_421 = arith.cmpi eq, %select_n3A_387, %select_n3A_410 : vector<100x1024xi32>
    %lt3A_422 = arith.cmpi slt, %select_n3A_388, %select_n3A_419 : vector<100x1024xi32>
    %and3A_423 = arith.andi %eq3A_421, %lt3A_422 : vector<100x1024xi1>
    %or3A_424 = arith.ori %gt3A_420, %and3A_423 : vector<100x1024xi1>
    %eq3A_425 = vector.broadcast %xor3A_401 : vector<1x1024xi1> to vector<100x1024xi1>
    %eq3A_426 = vector.broadcast %eq3A_425 : vector<100x1024xi1> to vector<100x1024xi1>
    %eq3A_427 = arith.xori %or3A_424, %eq3A_426 : vector<100x1024xi1>
    %eq3A_428 = arith.constant dense<true> : vector<100x1024xi1>
    %eq3A_429 = arith.xori %eq3A_427, %eq3A_428 : vector<100x1024xi1>
    %select_n3A_430 = arith.select %eq3A_429, %select_n3A_387, %select_n3A_410 : vector<100x1024xi1>, vector<100x1024xi32>
    %select_n3A_431 = arith.select %eq3A_429, %select_n3A_388, %select_n3A_419 : vector<100x1024xi1>, vector<100x1024xi32>
    %and3A_432 = arith.constant 16 : i32
    %and3A_433 = vector.broadcast %and3A_432 : i32 to vector<1x1024xi32>
    %and3A_434 = arith.andi %iota3A_7, %and3A_433 : vector<1x1024xi32>
    %ne3A_435 = arith.constant 0 : i32
    %ne3A_436 = vector.broadcast %ne3A_435 : i32 to vector<1x1024xi32>
    %ne3A_437 = arith.cmpi ne, %and3A_434, %ne3A_436 : vector<1x1024xi32>
    %and3A_438 = arith.constant 32 : i32
    %and3A_439 = vector.broadcast %and3A_438 : i32 to vector<1x1024xi32>
    %and3A_440 = arith.andi %iota3A_7, %and3A_439 : vector<1x1024xi32>
    %eq3A_441 = arith.constant 0 : i32
    %eq3A_442 = vector.broadcast %eq3A_441 : i32 to vector<1x1024xi32>
    %eq3A_443 = arith.cmpi eq, %and3A_440, %eq3A_442 : vector<1x1024xi32>
    %xor3A_444 = arith.xori %eq3A_443, %ne3A_437 : vector<1x1024xi1>
    %slice3A_445 = vector.extract_strided_slice %select_n3A_430 {offsets = [0, 1008], sizes = [100, 16], strides = [1, 1]} : vector<100x1024xi32> to vector<100x16xi32>
    %slice3A_446 = vector.extract_strided_slice %select_n3A_430 {offsets = [0, 0], sizes = [100, 1008], strides = [1, 1]} : vector<100x1024xi32> to vector<100x1008xi32>
    %concatenate3A_447 = tpu.concatenate %slice3A_445, %slice3A_446 in 1 : vector<100x16xi32>, vector<100x1008xi32> -> vector<100x1024xi32>
    %slice3A_448 = vector.extract_strided_slice %select_n3A_430 {offsets = [0, 16], sizes = [100, 1008], strides = [1, 1]} : vector<100x1024xi32> to vector<100x1008xi32>
    %slice3A_449 = vector.extract_strided_slice %select_n3A_430 {offsets = [0, 0], sizes = [100, 16], strides = [1, 1]} : vector<100x1024xi32> to vector<100x16xi32>
    %concatenate3A_450 = tpu.concatenate %slice3A_448, %slice3A_449 in 1 : vector<100x1008xi32>, vector<100x16xi32> -> vector<100x1024xi32>
    %broadcast_in_dim3A_451 = vector.shape_cast %ne3A_437 : vector<1x1024xi1> to vector<1x1024xi1>
    %broadcast_in_dim3A_452 = vector.broadcast %broadcast_in_dim3A_451 : vector<1x1024xi1> to vector<100x1024xi1>
    %select_n3A_453 = arith.select %broadcast_in_dim3A_452, %concatenate3A_447, %concatenate3A_450 : vector<100x1024xi1>, vector<100x1024xi32>
    %slice3A_454 = vector.extract_strided_slice %select_n3A_431 {offsets = [0, 1008], sizes = [100, 16], strides = [1, 1]} : vector<100x1024xi32> to vector<100x16xi32>
    %slice3A_455 = vector.extract_strided_slice %select_n3A_431 {offsets = [0, 0], sizes = [100, 1008], strides = [1, 1]} : vector<100x1024xi32> to vector<100x1008xi32>
    %concatenate3A_456 = tpu.concatenate %slice3A_454, %slice3A_455 in 1 : vector<100x16xi32>, vector<100x1008xi32> -> vector<100x1024xi32>
    %slice3A_457 = vector.extract_strided_slice %select_n3A_431 {offsets = [0, 16], sizes = [100, 1008], strides = [1, 1]} : vector<100x1024xi32> to vector<100x1008xi32>
    %slice3A_458 = vector.extract_strided_slice %select_n3A_431 {offsets = [0, 0], sizes = [100, 16], strides = [1, 1]} : vector<100x1024xi32> to vector<100x16xi32>
    %concatenate3A_459 = tpu.concatenate %slice3A_457, %slice3A_458 in 1 : vector<100x1008xi32>, vector<100x16xi32> -> vector<100x1024xi32>
    %broadcast_in_dim3A_460 = vector.shape_cast %ne3A_437 : vector<1x1024xi1> to vector<1x1024xi1>
    %broadcast_in_dim3A_461 = vector.broadcast %broadcast_in_dim3A_460 : vector<1x1024xi1> to vector<100x1024xi1>
    %select_n3A_462 = arith.select %broadcast_in_dim3A_461, %concatenate3A_456, %concatenate3A_459 : vector<100x1024xi1>, vector<100x1024xi32>
    %gt3A_463 = arith.cmpi sgt, %select_n3A_430, %select_n3A_453 : vector<100x1024xi32>
    %eq3A_464 = arith.cmpi eq, %select_n3A_430, %select_n3A_453 : vector<100x1024xi32>
    %lt3A_465 = arith.cmpi slt, %select_n3A_431, %select_n3A_462 : vector<100x1024xi32>
    %and3A_466 = arith.andi %eq3A_464, %lt3A_465 : vector<100x1024xi1>
    %or3A_467 = arith.ori %gt3A_463, %and3A_466 : vector<100x1024xi1>
    %eq3A_468 = vector.broadcast %xor3A_444 : vector<1x1024xi1> to vector<100x1024xi1>
    %eq3A_469 = vector.broadcast %eq3A_468 : vector<100x1024xi1> to vector<100x1024xi1>
    %eq3A_470 = arith.xori %or3A_467, %eq3A_469 : vector<100x1024xi1>
    %eq3A_471 = arith.constant dense<true> : vector<100x1024xi1>
    %eq3A_472 = arith.xori %eq3A_470, %eq3A_471 : vector<100x1024xi1>
    %select_n3A_473 = arith.select %eq3A_472, %select_n3A_430, %select_n3A_453 : vector<100x1024xi1>, vector<100x1024xi32>
    %select_n3A_474 = arith.select %eq3A_472, %select_n3A_431, %select_n3A_462 : vector<100x1024xi1>, vector<100x1024xi32>
    %and3A_475 = arith.constant 8 : i32
    %and3A_476 = vector.broadcast %and3A_475 : i32 to vector<1x1024xi32>
    %and3A_477 = arith.andi %iota3A_7, %and3A_476 : vector<1x1024xi32>
    %ne3A_478 = arith.constant 0 : i32
    %ne3A_479 = vector.broadcast %ne3A_478 : i32 to vector<1x1024xi32>
    %ne3A_480 = arith.cmpi ne, %and3A_477, %ne3A_479 : vector<1x1024xi32>
    %and3A_481 = arith.constant 32 : i32
    %and3A_482 = vector.broadcast %and3A_481 : i32 to vector<1x1024xi32>
    %and3A_483 = arith.andi %iota3A_7, %and3A_482 : vector<1x1024xi32>
    %eq3A_484 = arith.constant 0 : i32
    %eq3A_485 = vector.broadcast %eq3A_484 : i32 to vector<1x1024xi32>
    %eq3A_486 = arith.cmpi eq, %and3A_483, %eq3A_485 : vector<1x1024xi32>
    %xor3A_487 = arith.xori %eq3A_486, %ne3A_480 : vector<1x1024xi1>
    %slice3A_488 = vector.extract_strided_slice %select_n3A_473 {offsets = [0, 1016], sizes = [100, 8], strides = [1, 1]} : vector<100x1024xi32> to vector<100x8xi32>
    %slice3A_489 = vector.extract_strided_slice %select_n3A_473 {offsets = [0, 0], sizes = [100, 1016], strides = [1, 1]} : vector<100x1024xi32> to vector<100x1016xi32>
    %concatenate3A_490 = tpu.concatenate %slice3A_488, %slice3A_489 in 1 : vector<100x8xi32>, vector<100x1016xi32> -> vector<100x1024xi32>
    %slice3A_491 = vector.extract_strided_slice %select_n3A_473 {offsets = [0, 8], sizes = [100, 1016], strides = [1, 1]} : vector<100x1024xi32> to vector<100x1016xi32>
    %slice3A_492 = vector.extract_strided_slice %select_n3A_473 {offsets = [0, 0], sizes = [100, 8], strides = [1, 1]} : vector<100x1024xi32> to vector<100x8xi32>
    %concatenate3A_493 = tpu.concatenate %slice3A_491, %slice3A_492 in 1 : vector<100x1016xi32>, vector<100x8xi32> -> vector<100x1024xi32>
    %broadcast_in_dim3A_494 = vector.shape_cast %ne3A_480 : vector<1x1024xi1> to vector<1x1024xi1>
    %broadcast_in_dim3A_495 = vector.broadcast %broadcast_in_dim3A_494 : vector<1x1024xi1> to vector<100x1024xi1>
    %select_n3A_496 = arith.select %broadcast_in_dim3A_495, %concatenate3A_490, %concatenate3A_493 : vector<100x1024xi1>, vector<100x1024xi32>
    %slice3A_497 = vector.extract_strided_slice %select_n3A_474 {offsets = [0, 1016], sizes = [100, 8], strides = [1, 1]} : vector<100x1024xi32> to vector<100x8xi32>
    %slice3A_498 = vector.extract_strided_slice %select_n3A_474 {offsets = [0, 0], sizes = [100, 1016], strides = [1, 1]} : vector<100x1024xi32> to vector<100x1016xi32>
    %concatenate3A_499 = tpu.concatenate %slice3A_497, %slice3A_498 in 1 : vector<100x8xi32>, vector<100x1016xi32> -> vector<100x1024xi32>
    %slice3A_500 = vector.extract_strided_slice %select_n3A_474 {offsets = [0, 8], sizes = [100, 1016], strides = [1, 1]} : vector<100x1024xi32> to vector<100x1016xi32>
    %slice3A_501 = vector.extract_strided_slice %select_n3A_474 {offsets = [0, 0], sizes = [100, 8], strides = [1, 1]} : vector<100x1024xi32> to vector<100x8xi32>
    %concatenate3A_502 = tpu.concatenate %slice3A_500, %slice3A_501 in 1 : vector<100x1016xi32>, vector<100x8xi32> -> vector<100x1024xi32>
    %broadcast_in_dim3A_503 = vector.shape_cast %ne3A_480 : vector<1x1024xi1> to vector<1x1024xi1>
    %broadcast_in_dim3A_504 = vector.broadcast %broadcast_in_dim3A_503 : vector<1x1024xi1> to vector<100x1024xi1>
    %select_n3A_505 = arith.select %broadcast_in_dim3A_504, %concatenate3A_499, %concatenate3A_502 : vector<100x1024xi1>, vector<100x1024xi32>
    %gt3A_506 = arith.cmpi sgt, %select_n3A_473, %select_n3A_496 : vector<100x1024xi32>
    %eq3A_507 = arith.cmpi eq, %select_n3A_473, %select_n3A_496 : vector<100x1024xi32>
    %lt3A_508 = arith.cmpi slt, %select_n3A_474, %select_n3A_505 : vector<100x1024xi32>
    %and3A_509 = arith.andi %eq3A_507, %lt3A_508 : vector<100x1024xi1>
    %or3A_510 = arith.ori %gt3A_506, %and3A_509 : vector<100x1024xi1>
    %eq3A_511 = vector.broadcast %xor3A_487 : vector<1x1024xi1> to vector<100x1024xi1>
    %eq3A_512 = vector.broadcast %eq3A_511 : vector<100x1024xi1> to vector<100x1024xi1>
    %eq3A_513 = arith.xori %or3A_510, %eq3A_512 : vector<100x1024xi1>
    %eq3A_514 = arith.constant dense<true> : vector<100x1024xi1>
    %eq3A_515 = arith.xori %eq3A_513, %eq3A_514 : vector<100x1024xi1>
    %select_n3A_516 = arith.select %eq3A_515, %select_n3A_473, %select_n3A_496 : vector<100x1024xi1>, vector<100x1024xi32>
    %select_n3A_517 = arith.select %eq3A_515, %select_n3A_474, %select_n3A_505 : vector<100x1024xi1>, vector<100x1024xi32>
    %and3A_518 = arith.constant 4 : i32
    %and3A_519 = vector.broadcast %and3A_518 : i32 to vector<1x1024xi32>
    %and3A_520 = arith.andi %iota3A_7, %and3A_519 : vector<1x1024xi32>
    %ne3A_521 = arith.constant 0 : i32
    %ne3A_522 = vector.broadcast %ne3A_521 : i32 to vector<1x1024xi32>
    %ne3A_523 = arith.cmpi ne, %and3A_520, %ne3A_522 : vector<1x1024xi32>
    %and3A_524 = arith.constant 32 : i32
    %and3A_525 = vector.broadcast %and3A_524 : i32 to vector<1x1024xi32>
    %and3A_526 = arith.andi %iota3A_7, %and3A_525 : vector<1x1024xi32>
    %eq3A_527 = arith.constant 0 : i32
    %eq3A_528 = vector.broadcast %eq3A_527 : i32 to vector<1x1024xi32>
    %eq3A_529 = arith.cmpi eq, %and3A_526, %eq3A_528 : vector<1x1024xi32>
    %xor3A_530 = arith.xori %eq3A_529, %ne3A_523 : vector<1x1024xi1>
    %slice3A_531 = vector.extract_strided_slice %select_n3A_516 {offsets = [0, 1020], sizes = [100, 4], strides = [1, 1]} : vector<100x1024xi32> to vector<100x4xi32>
    %slice3A_532 = vector.extract_strided_slice %select_n3A_516 {offsets = [0, 0], sizes = [100, 1020], strides = [1, 1]} : vector<100x1024xi32> to vector<100x1020xi32>
    %concatenate3A_533 = tpu.concatenate %slice3A_531, %slice3A_532 in 1 : vector<100x4xi32>, vector<100x1020xi32> -> vector<100x1024xi32>
    %slice3A_534 = vector.extract_strided_slice %select_n3A_516 {offsets = [0, 4], sizes = [100, 1020], strides = [1, 1]} : vector<100x1024xi32> to vector<100x1020xi32>
    %slice3A_535 = vector.extract_strided_slice %select_n3A_516 {offsets = [0, 0], sizes = [100, 4], strides = [1, 1]} : vector<100x1024xi32> to vector<100x4xi32>
    %concatenate3A_536 = tpu.concatenate %slice3A_534, %slice3A_535 in 1 : vector<100x1020xi32>, vector<100x4xi32> -> vector<100x1024xi32>
    %broadcast_in_dim3A_537 = vector.shape_cast %ne3A_523 : vector<1x1024xi1> to vector<1x1024xi1>
    %broadcast_in_dim3A_538 = vector.broadcast %broadcast_in_dim3A_537 : vector<1x1024xi1> to vector<100x1024xi1>
    %select_n3A_539 = arith.select %broadcast_in_dim3A_538, %concatenate3A_533, %concatenate3A_536 : vector<100x1024xi1>, vector<100x1024xi32>
    %slice3A_540 = vector.extract_strided_slice %select_n3A_517 {offsets = [0, 1020], sizes = [100, 4], strides = [1, 1]} : vector<100x1024xi32> to vector<100x4xi32>
    %slice3A_541 = vector.extract_strided_slice %select_n3A_517 {offsets = [0, 0], sizes = [100, 1020], strides = [1, 1]} : vector<100x1024xi32> to vector<100x1020xi32>
    %concatenate3A_542 = tpu.concatenate %slice3A_540, %slice3A_541 in 1 : vector<100x4xi32>, vector<100x1020xi32> -> vector<100x1024xi32>
    %slice3A_543 = vector.extract_strided_slice %select_n3A_517 {offsets = [0, 4], sizes = [100, 1020], strides = [1, 1]} : vector<100x1024xi32> to vector<100x1020xi32>
    %slice3A_544 = vector.extract_strided_slice %select_n3A_517 {offsets = [0, 0], sizes = [100, 4], strides = [1, 1]} : vector<100x1024xi32> to vector<100x4xi32>
    %concatenate3A_545 = tpu.concatenate %slice3A_543, %slice3A_544 in 1 : vector<100x1020xi32>, vector<100x4xi32> -> vector<100x1024xi32>
    %broadcast_in_dim3A_546 = vector.shape_cast %ne3A_523 : vector<1x1024xi1> to vector<1x1024xi1>
    %broadcast_in_dim3A_547 = vector.broadcast %broadcast_in_dim3A_546 : vector<1x1024xi1> to vector<100x1024xi1>
    %select_n3A_548 = arith.select %broadcast_in_dim3A_547, %concatenate3A_542, %concatenate3A_545 : vector<100x1024xi1>, vector<100x1024xi32>
    %gt3A_549 = arith.cmpi sgt, %select_n3A_516, %select_n3A_539 : vector<100x1024xi32>
    %eq3A_550 = arith.cmpi eq, %select_n3A_516, %select_n3A_539 : vector<100x1024xi32>
    %lt3A_551 = arith.cmpi slt, %select_n3A_517, %select_n3A_548 : vector<100x1024xi32>
    %and3A_552 = arith.andi %eq3A_550, %lt3A_551 : vector<100x1024xi1>
    %or3A_553 = arith.ori %gt3A_549, %and3A_552 : vector<100x1024xi1>
    %eq3A_554 = vector.broadcast %xor3A_530 : vector<1x1024xi1> to vector<100x1024xi1>
    %eq3A_555 = vector.broadcast %eq3A_554 : vector<100x1024xi1> to vector<100x1024xi1>
    %eq3A_556 = arith.xori %or3A_553, %eq3A_555 : vector<100x1024xi1>
    %eq3A_557 = arith.constant dense<true> : vector<100x1024xi1>
    %eq3A_558 = arith.xori %eq3A_556, %eq3A_557 : vector<100x1024xi1>
    %select_n3A_559 = arith.select %eq3A_558, %select_n3A_516, %select_n3A_539 : vector<100x1024xi1>, vector<100x1024xi32>
    %select_n3A_560 = arith.select %eq3A_558, %select_n3A_517, %select_n3A_548 : vector<100x1024xi1>, vector<100x1024xi32>
    %and3A_561 = arith.constant 2 : i32
    %and3A_562 = vector.broadcast %and3A_561 : i32 to vector<1x1024xi32>
    %and3A_563 = arith.andi %iota3A_7, %and3A_562 : vector<1x1024xi32>
    %ne3A_564 = arith.constant 0 : i32
    %ne3A_565 = vector.broadcast %ne3A_564 : i32 to vector<1x1024xi32>
    %ne3A_566 = arith.cmpi ne, %and3A_563, %ne3A_565 : vector<1x1024xi32>
    %and3A_567 = arith.constant 32 : i32
    %and3A_568 = vector.broadcast %and3A_567 : i32 to vector<1x1024xi32>
    %and3A_569 = arith.andi %iota3A_7, %and3A_568 : vector<1x1024xi32>
    %eq3A_570 = arith.constant 0 : i32
    %eq3A_571 = vector.broadcast %eq3A_570 : i32 to vector<1x1024xi32>
    %eq3A_572 = arith.cmpi eq, %and3A_569, %eq3A_571 : vector<1x1024xi32>
    %xor3A_573 = arith.xori %eq3A_572, %ne3A_566 : vector<1x1024xi1>
    %slice3A_574 = vector.extract_strided_slice %select_n3A_559 {offsets = [0, 1022], sizes = [100, 2], strides = [1, 1]} : vector<100x1024xi32> to vector<100x2xi32>
    %slice3A_575 = vector.extract_strided_slice %select_n3A_559 {offsets = [0, 0], sizes = [100, 1022], strides = [1, 1]} : vector<100x1024xi32> to vector<100x1022xi32>
    %concatenate3A_576 = tpu.concatenate %slice3A_574, %slice3A_575 in 1 : vector<100x2xi32>, vector<100x1022xi32> -> vector<100x1024xi32>
    %slice3A_577 = vector.extract_strided_slice %select_n3A_559 {offsets = [0, 2], sizes = [100, 1022], strides = [1, 1]} : vector<100x1024xi32> to vector<100x1022xi32>
    %slice3A_578 = vector.extract_strided_slice %select_n3A_559 {offsets = [0, 0], sizes = [100, 2], strides = [1, 1]} : vector<100x1024xi32> to vector<100x2xi32>
    %concatenate3A_579 = tpu.concatenate %slice3A_577, %slice3A_578 in 1 : vector<100x1022xi32>, vector<100x2xi32> -> vector<100x1024xi32>
    %broadcast_in_dim3A_580 = vector.shape_cast %ne3A_566 : vector<1x1024xi1> to vector<1x1024xi1>
    %broadcast_in_dim3A_581 = vector.broadcast %broadcast_in_dim3A_580 : vector<1x1024xi1> to vector<100x1024xi1>
    %select_n3A_582 = arith.select %broadcast_in_dim3A_581, %concatenate3A_576, %concatenate3A_579 : vector<100x1024xi1>, vector<100x1024xi32>
    %slice3A_583 = vector.extract_strided_slice %select_n3A_560 {offsets = [0, 1022], sizes = [100, 2], strides = [1, 1]} : vector<100x1024xi32> to vector<100x2xi32>
    %slice3A_584 = vector.extract_strided_slice %select_n3A_560 {offsets = [0, 0], sizes = [100, 1022], strides = [1, 1]} : vector<100x1024xi32> to vector<100x1022xi32>
    %concatenate3A_585 = tpu.concatenate %slice3A_583, %slice3A_584 in 1 : vector<100x2xi32>, vector<100x1022xi32> -> vector<100x1024xi32>
    %slice3A_586 = vector.extract_strided_slice %select_n3A_560 {offsets = [0, 2], sizes = [100, 1022], strides = [1, 1]} : vector<100x1024xi32> to vector<100x1022xi32>
    %slice3A_587 = vector.extract_strided_slice %select_n3A_560 {offsets = [0, 0], sizes = [100, 2], strides = [1, 1]} : vector<100x1024xi32> to vector<100x2xi32>
    %concatenate3A_588 = tpu.concatenate %slice3A_586, %slice3A_587 in 1 : vector<100x1022xi32>, vector<100x2xi32> -> vector<100x1024xi32>
    %broadcast_in_dim3A_589 = vector.shape_cast %ne3A_566 : vector<1x1024xi1> to vector<1x1024xi1>
    %broadcast_in_dim3A_590 = vector.broadcast %broadcast_in_dim3A_589 : vector<1x1024xi1> to vector<100x1024xi1>
    %select_n3A_591 = arith.select %broadcast_in_dim3A_590, %concatenate3A_585, %concatenate3A_588 : vector<100x1024xi1>, vector<100x1024xi32>
    %gt3A_592 = arith.cmpi sgt, %select_n3A_559, %select_n3A_582 : vector<100x1024xi32>
    %eq3A_593 = arith.cmpi eq, %select_n3A_559, %select_n3A_582 : vector<100x1024xi32>
    %lt3A_594 = arith.cmpi slt, %select_n3A_560, %select_n3A_591 : vector<100x1024xi32>
    %and3A_595 = arith.andi %eq3A_593, %lt3A_594 : vector<100x1024xi1>
    %or3A_596 = arith.ori %gt3A_592, %and3A_595 : vector<100x1024xi1>
    %eq3A_597 = vector.broadcast %xor3A_573 : vector<1x1024xi1> to vector<100x1024xi1>
    %eq3A_598 = vector.broadcast %eq3A_597 : vector<100x1024xi1> to vector<100x1024xi1>
    %eq3A_599 = arith.xori %or3A_596, %eq3A_598 : vector<100x1024xi1>
    %eq3A_600 = arith.constant dense<true> : vector<100x1024xi1>
    %eq3A_601 = arith.xori %eq3A_599, %eq3A_600 : vector<100x1024xi1>
    %select_n3A_602 = arith.select %eq3A_601, %select_n3A_559, %select_n3A_582 : vector<100x1024xi1>, vector<100x1024xi32>
    %select_n3A_603 = arith.select %eq3A_601, %select_n3A_560, %select_n3A_591 : vector<100x1024xi1>, vector<100x1024xi32>
    %and3A_604 = arith.constant 1 : i32
    %and3A_605 = vector.broadcast %and3A_604 : i32 to vector<1x1024xi32>
    %and3A_606 = arith.andi %iota3A_7, %and3A_605 : vector<1x1024xi32>
    %ne3A_607 = arith.constant 0 : i32
    %ne3A_608 = vector.broadcast %ne3A_607 : i32 to vector<1x1024xi32>
    %ne3A_609 = arith.cmpi ne, %and3A_606, %ne3A_608 : vector<1x1024xi32>
    %and3A_610 = arith.constant 32 : i32
    %and3A_611 = vector.broadcast %and3A_610 : i32 to vector<1x1024xi32>
    %and3A_612 = arith.andi %iota3A_7, %and3A_611 : vector<1x1024xi32>
    %eq3A_613 = arith.constant 0 : i32
    %eq3A_614 = vector.broadcast %eq3A_613 : i32 to vector<1x1024xi32>
    %eq3A_615 = arith.cmpi eq, %and3A_612, %eq3A_614 : vector<1x1024xi32>
    %xor3A_616 = arith.xori %eq3A_615, %ne3A_609 : vector<1x1024xi1>
    %slice3A_617 = vector.extract_strided_slice %select_n3A_602 {offsets = [0, 1023], sizes = [100, 1], strides = [1, 1]} : vector<100x1024xi32> to vector<100x1xi32>
    %slice3A_618 = vector.extract_strided_slice %select_n3A_602 {offsets = [0, 0], sizes = [100, 1023], strides = [1, 1]} : vector<100x1024xi32> to vector<100x1023xi32>
    %concatenate3A_619 = tpu.concatenate %slice3A_617, %slice3A_618 in 1 : vector<100x1xi32>, vector<100x1023xi32> -> vector<100x1024xi32>
    %slice3A_620 = vector.extract_strided_slice %select_n3A_602 {offsets = [0, 1], sizes = [100, 1023], strides = [1, 1]} : vector<100x1024xi32> to vector<100x1023xi32>
    %slice3A_621 = vector.extract_strided_slice %select_n3A_602 {offsets = [0, 0], sizes = [100, 1], strides = [1, 1]} : vector<100x1024xi32> to vector<100x1xi32>
    %concatenate3A_622 = tpu.concatenate %slice3A_620, %slice3A_621 in 1 : vector<100x1023xi32>, vector<100x1xi32> -> vector<100x1024xi32>
    %broadcast_in_dim3A_623 = vector.shape_cast %ne3A_609 : vector<1x1024xi1> to vector<1x1024xi1>
    %broadcast_in_dim3A_624 = vector.broadcast %broadcast_in_dim3A_623 : vector<1x1024xi1> to vector<100x1024xi1>
    %select_n3A_625 = arith.select %broadcast_in_dim3A_624, %concatenate3A_619, %concatenate3A_622 : vector<100x1024xi1>, vector<100x1024xi32>
    %slice3A_626 = vector.extract_strided_slice %select_n3A_603 {offsets = [0, 1023], sizes = [100, 1], strides = [1, 1]} : vector<100x1024xi32> to vector<100x1xi32>
    %slice3A_627 = vector.extract_strided_slice %select_n3A_603 {offsets = [0, 0], sizes = [100, 1023], strides = [1, 1]} : vector<100x1024xi32> to vector<100x1023xi32>
    %concatenate3A_628 = tpu.concatenate %slice3A_626, %slice3A_627 in 1 : vector<100x1xi32>, vector<100x1023xi32> -> vector<100x1024xi32>
    %slice3A_629 = vector.extract_strided_slice %select_n3A_603 {offsets = [0, 1], sizes = [100, 1023], strides = [1, 1]} : vector<100x1024xi32> to vector<100x1023xi32>
    %slice3A_630 = vector.extract_strided_slice %select_n3A_603 {offsets = [0, 0], sizes = [100, 1], strides = [1, 1]} : vector<100x1024xi32> to vector<100x1xi32>
    %concatenate3A_631 = tpu.concatenate %slice3A_629, %slice3A_630 in 1 : vector<100x1023xi32>, vector<100x1xi32> -> vector<100x1024xi32>
    %broadcast_in_dim3A_632 = vector.shape_cast %ne3A_609 : vector<1x1024xi1> to vector<1x1024xi1>
    %broadcast_in_dim3A_633 = vector.broadcast %broadcast_in_dim3A_632 : vector<1x1024xi1> to vector<100x1024xi1>
    %select_n3A_634 = arith.select %broadcast_in_dim3A_633, %concatenate3A_628, %concatenate3A_631 : vector<100x1024xi1>, vector<100x1024xi32>
    %gt3A_635 = arith.cmpi sgt, %select_n3A_602, %select_n3A_625 : vector<100x1024xi32>
    %eq3A_636 = arith.cmpi eq, %select_n3A_602, %select_n3A_625 : vector<100x1024xi32>
    %lt3A_637 = arith.cmpi slt, %select_n3A_603, %select_n3A_634 : vector<100x1024xi32>
    %and3A_638 = arith.andi %eq3A_636, %lt3A_637 : vector<100x1024xi1>
    %or3A_639 = arith.ori %gt3A_635, %and3A_638 : vector<100x1024xi1>
    %eq3A_640 = vector.broadcast %xor3A_616 : vector<1x1024xi1> to vector<100x1024xi1>
    %eq3A_641 = vector.broadcast %eq3A_640 : vector<100x1024xi1> to vector<100x1024xi1>
    %eq3A_642 = arith.xori %or3A_639, %eq3A_641 : vector<100x1024xi1>
    %eq3A_643 = arith.constant dense<true> : vector<100x1024xi1>
    %eq3A_644 = arith.xori %eq3A_642, %eq3A_643 : vector<100x1024xi1>
    %select_n3A_645 = arith.select %eq3A_644, %select_n3A_602, %select_n3A_625 : vector<100x1024xi1>, vector<100x1024xi32>
    %select_n3A_646 = arith.select %eq3A_644, %select_n3A_603, %select_n3A_634 : vector<100x1024xi1>, vector<100x1024xi32>
    %and3A_647 = arith.constant 32 : i32
    %and3A_648 = vector.broadcast %and3A_647 : i32 to vector<1x1024xi32>
    %and3A_649 = arith.andi %iota3A_7, %and3A_648 : vector<1x1024xi32>
    %ne3A_650 = arith.constant 0 : i32
    %ne3A_651 = vector.broadcast %ne3A_650 : i32 to vector<1x1024xi32>
    %ne3A_652 = arith.cmpi ne, %and3A_649, %ne3A_651 : vector<1x1024xi32>
    %and3A_653 = arith.constant 64 : i32
    %and3A_654 = vector.broadcast %and3A_653 : i32 to vector<1x1024xi32>
    %and3A_655 = arith.andi %iota3A_7, %and3A_654 : vector<1x1024xi32>
    %eq3A_656 = arith.constant 0 : i32
    %eq3A_657 = vector.broadcast %eq3A_656 : i32 to vector<1x1024xi32>
    %eq3A_658 = arith.cmpi eq, %and3A_655, %eq3A_657 : vector<1x1024xi32>
    %xor3A_659 = arith.xori %eq3A_658, %ne3A_652 : vector<1x1024xi1>
    %slice3A_660 = vector.extract_strided_slice %select_n3A_645 {offsets = [0, 992], sizes = [100, 32], strides = [1, 1]} : vector<100x1024xi32> to vector<100x32xi32>
    %slice3A_661 = vector.extract_strided_slice %select_n3A_645 {offsets = [0, 0], sizes = [100, 992], strides = [1, 1]} : vector<100x1024xi32> to vector<100x992xi32>
    %concatenate3A_662 = tpu.concatenate %slice3A_660, %slice3A_661 in 1 : vector<100x32xi32>, vector<100x992xi32> -> vector<100x1024xi32>
    %slice3A_663 = vector.extract_strided_slice %select_n3A_645 {offsets = [0, 32], sizes = [100, 992], strides = [1, 1]} : vector<100x1024xi32> to vector<100x992xi32>
    %slice3A_664 = vector.extract_strided_slice %select_n3A_645 {offsets = [0, 0], sizes = [100, 32], strides = [1, 1]} : vector<100x1024xi32> to vector<100x32xi32>
    %concatenate3A_665 = tpu.concatenate %slice3A_663, %slice3A_664 in 1 : vector<100x992xi32>, vector<100x32xi32> -> vector<100x1024xi32>
    %broadcast_in_dim3A_666 = vector.shape_cast %ne3A_652 : vector<1x1024xi1> to vector<1x1024xi1>
    %broadcast_in_dim3A_667 = vector.broadcast %broadcast_in_dim3A_666 : vector<1x1024xi1> to vector<100x1024xi1>
    %select_n3A_668 = arith.select %broadcast_in_dim3A_667, %concatenate3A_662, %concatenate3A_665 : vector<100x1024xi1>, vector<100x1024xi32>
    %slice3A_669 = vector.extract_strided_slice %select_n3A_646 {offsets = [0, 992], sizes = [100, 32], strides = [1, 1]} : vector<100x1024xi32> to vector<100x32xi32>
    %slice3A_670 = vector.extract_strided_slice %select_n3A_646 {offsets = [0, 0], sizes = [100, 992], strides = [1, 1]} : vector<100x1024xi32> to vector<100x992xi32>
    %concatenate3A_671 = tpu.concatenate %slice3A_669, %slice3A_670 in 1 : vector<100x32xi32>, vector<100x992xi32> -> vector<100x1024xi32>
    %slice3A_672 = vector.extract_strided_slice %select_n3A_646 {offsets = [0, 32], sizes = [100, 992], strides = [1, 1]} : vector<100x1024xi32> to vector<100x992xi32>
    %slice3A_673 = vector.extract_strided_slice %select_n3A_646 {offsets = [0, 0], sizes = [100, 32], strides = [1, 1]} : vector<100x1024xi32> to vector<100x32xi32>
    %concatenate3A_674 = tpu.concatenate %slice3A_672, %slice3A_673 in 1 : vector<100x992xi32>, vector<100x32xi32> -> vector<100x1024xi32>
    %broadcast_in_dim3A_675 = vector.shape_cast %ne3A_652 : vector<1x1024xi1> to vector<1x1024xi1>
    %broadcast_in_dim3A_676 = vector.broadcast %broadcast_in_dim3A_675 : vector<1x1024xi1> to vector<100x1024xi1>
    %select_n3A_677 = arith.select %broadcast_in_dim3A_676, %concatenate3A_671, %concatenate3A_674 : vector<100x1024xi1>, vector<100x1024xi32>
    %gt3A_678 = arith.cmpi sgt, %select_n3A_645, %select_n3A_668 : vector<100x1024xi32>
    %eq3A_679 = arith.cmpi eq, %select_n3A_645, %select_n3A_668 : vector<100x1024xi32>
    %lt3A_680 = arith.cmpi slt, %select_n3A_646, %select_n3A_677 : vector<100x1024xi32>
    %and3A_681 = arith.andi %eq3A_679, %lt3A_680 : vector<100x1024xi1>
    %or3A_682 = arith.ori %gt3A_678, %and3A_681 : vector<100x1024xi1>
    %eq3A_683 = vector.broadcast %xor3A_659 : vector<1x1024xi1> to vector<100x1024xi1>
    %eq3A_684 = vector.broadcast %eq3A_683 : vector<100x1024xi1> to vector<100x1024xi1>
    %eq3A_685 = arith.xori %or3A_682, %eq3A_684 : vector<100x1024xi1>
    %eq3A_686 = arith.constant dense<true> : vector<100x1024xi1>
    %eq3A_687 = arith.xori %eq3A_685, %eq3A_686 : vector<100x1024xi1>
    %select_n3A_688 = arith.select %eq3A_687, %select_n3A_645, %select_n3A_668 : vector<100x1024xi1>, vector<100x1024xi32>
    %select_n3A_689 = arith.select %eq3A_687, %select_n3A_646, %select_n3A_677 : vector<100x1024xi1>, vector<100x1024xi32>
    %and3A_690 = arith.constant 16 : i32
    %and3A_691 = vector.broadcast %and3A_690 : i32 to vector<1x1024xi32>
    %and3A_692 = arith.andi %iota3A_7, %and3A_691 : vector<1x1024xi32>
    %ne3A_693 = arith.constant 0 : i32
    %ne3A_694 = vector.broadcast %ne3A_693 : i32 to vector<1x1024xi32>
    %ne3A_695 = arith.cmpi ne, %and3A_692, %ne3A_694 : vector<1x1024xi32>
    %and3A_696 = arith.constant 64 : i32
    %and3A_697 = vector.broadcast %and3A_696 : i32 to vector<1x1024xi32>
    %and3A_698 = arith.andi %iota3A_7, %and3A_697 : vector<1x1024xi32>
    %eq3A_699 = arith.constant 0 : i32
    %eq3A_700 = vector.broadcast %eq3A_699 : i32 to vector<1x1024xi32>
    %eq3A_701 = arith.cmpi eq, %and3A_698, %eq3A_700 : vector<1x1024xi32>
    %xor3A_702 = arith.xori %eq3A_701, %ne3A_695 : vector<1x1024xi1>
    %slice3A_703 = vector.extract_strided_slice %select_n3A_688 {offsets = [0, 1008], sizes = [100, 16], strides = [1, 1]} : vector<100x1024xi32> to vector<100x16xi32>
    %slice3A_704 = vector.extract_strided_slice %select_n3A_688 {offsets = [0, 0], sizes = [100, 1008], strides = [1, 1]} : vector<100x1024xi32> to vector<100x1008xi32>
    %concatenate3A_705 = tpu.concatenate %slice3A_703, %slice3A_704 in 1 : vector<100x16xi32>, vector<100x1008xi32> -> vector<100x1024xi32>
    %slice3A_706 = vector.extract_strided_slice %select_n3A_688 {offsets = [0, 16], sizes = [100, 1008], strides = [1, 1]} : vector<100x1024xi32> to vector<100x1008xi32>
    %slice3A_707 = vector.extract_strided_slice %select_n3A_688 {offsets = [0, 0], sizes = [100, 16], strides = [1, 1]} : vector<100x1024xi32> to vector<100x16xi32>
    %concatenate3A_708 = tpu.concatenate %slice3A_706, %slice3A_707 in 1 : vector<100x1008xi32>, vector<100x16xi32> -> vector<100x1024xi32>
    %broadcast_in_dim3A_709 = vector.shape_cast %ne3A_695 : vector<1x1024xi1> to vector<1x1024xi1>
    %broadcast_in_dim3A_710 = vector.broadcast %broadcast_in_dim3A_709 : vector<1x1024xi1> to vector<100x1024xi1>
    %select_n3A_711 = arith.select %broadcast_in_dim3A_710, %concatenate3A_705, %concatenate3A_708 : vector<100x1024xi1>, vector<100x1024xi32>
    %slice3A_712 = vector.extract_strided_slice %select_n3A_689 {offsets = [0, 1008], sizes = [100, 16], strides = [1, 1]} : vector<100x1024xi32> to vector<100x16xi32>
    %slice3A_713 = vector.extract_strided_slice %select_n3A_689 {offsets = [0, 0], sizes = [100, 1008], strides = [1, 1]} : vector<100x1024xi32> to vector<100x1008xi32>
    %concatenate3A_714 = tpu.concatenate %slice3A_712, %slice3A_713 in 1 : vector<100x16xi32>, vector<100x1008xi32> -> vector<100x1024xi32>
    %slice3A_715 = vector.extract_strided_slice %select_n3A_689 {offsets = [0, 16], sizes = [100, 1008], strides = [1, 1]} : vector<100x1024xi32> to vector<100x1008xi32>
    %slice3A_716 = vector.extract_strided_slice %select_n3A_689 {offsets = [0, 0], sizes = [100, 16], strides = [1, 1]} : vector<100x1024xi32> to vector<100x16xi32>
    %concatenate3A_717 = tpu.concatenate %slice3A_715, %slice3A_716 in 1 : vector<100x1008xi32>, vector<100x16xi32> -> vector<100x1024xi32>
    %broadcast_in_dim3A_718 = vector.shape_cast %ne3A_695 : vector<1x1024xi1> to vector<1x1024xi1>
    %broadcast_in_dim3A_719 = vector.broadcast %broadcast_in_dim3A_718 : vector<1x1024xi1> to vector<100x1024xi1>
    %select_n3A_720 = arith.select %broadcast_in_dim3A_719, %concatenate3A_714, %concatenate3A_717 : vector<100x1024xi1>, vector<100x1024xi32>
    %gt3A_721 = arith.cmpi sgt, %select_n3A_688, %select_n3A_711 : vector<100x1024xi32>
    %eq3A_722 = arith.cmpi eq, %select_n3A_688, %select_n3A_711 : vector<100x1024xi32>
    %lt3A_723 = arith.cmpi slt, %select_n3A_689, %select_n3A_720 : vector<100x1024xi32>
    %and3A_724 = arith.andi %eq3A_722, %lt3A_723 : vector<100x1024xi1>
    %or3A_725 = arith.ori %gt3A_721, %and3A_724 : vector<100x1024xi1>
    %eq3A_726 = vector.broadcast %xor3A_702 : vector<1x1024xi1> to vector<100x1024xi1>
    %eq3A_727 = vector.broadcast %eq3A_726 : vector<100x1024xi1> to vector<100x1024xi1>
    %eq3A_728 = arith.xori %or3A_725, %eq3A_727 : vector<100x1024xi1>
    %eq3A_729 = arith.constant dense<true> : vector<100x1024xi1>
    %eq3A_730 = arith.xori %eq3A_728, %eq3A_729 : vector<100x1024xi1>
    %select_n3A_731 = arith.select %eq3A_730, %select_n3A_688, %select_n3A_711 : vector<100x1024xi1>, vector<100x1024xi32>
    %select_n3A_732 = arith.select %eq3A_730, %select_n3A_689, %select_n3A_720 : vector<100x1024xi1>, vector<100x1024xi32>
    %and3A_733 = arith.constant 8 : i32
    %and3A_734 = vector.broadcast %and3A_733 : i32 to vector<1x1024xi32>
    %and3A_735 = arith.andi %iota3A_7, %and3A_734 : vector<1x1024xi32>
    %ne3A_736 = arith.constant 0 : i32
    %ne3A_737 = vector.broadcast %ne3A_736 : i32 to vector<1x1024xi32>
    %ne3A_738 = arith.cmpi ne, %and3A_735, %ne3A_737 : vector<1x1024xi32>
    %and3A_739 = arith.constant 64 : i32
    %and3A_740 = vector.broadcast %and3A_739 : i32 to vector<1x1024xi32>
    %and3A_741 = arith.andi %iota3A_7, %and3A_740 : vector<1x1024xi32>
    %eq3A_742 = arith.constant 0 : i32
    %eq3A_743 = vector.broadcast %eq3A_742 : i32 to vector<1x1024xi32>
    %eq3A_744 = arith.cmpi eq, %and3A_741, %eq3A_743 : vector<1x1024xi32>
    %xor3A_745 = arith.xori %eq3A_744, %ne3A_738 : vector<1x1024xi1>
    %slice3A_746 = vector.extract_strided_slice %select_n3A_731 {offsets = [0, 1016], sizes = [100, 8], strides = [1, 1]} : vector<100x1024xi32> to vector<100x8xi32>
    %slice3A_747 = vector.extract_strided_slice %select_n3A_731 {offsets = [0, 0], sizes = [100, 1016], strides = [1, 1]} : vector<100x1024xi32> to vector<100x1016xi32>
    %concatenate3A_748 = tpu.concatenate %slice3A_746, %slice3A_747 in 1 : vector<100x8xi32>, vector<100x1016xi32> -> vector<100x1024xi32>
    %slice3A_749 = vector.extract_strided_slice %select_n3A_731 {offsets = [0, 8], sizes = [100, 1016], strides = [1, 1]} : vector<100x1024xi32> to vector<100x1016xi32>
    %slice3A_750 = vector.extract_strided_slice %select_n3A_731 {offsets = [0, 0], sizes = [100, 8], strides = [1, 1]} : vector<100x1024xi32> to vector<100x8xi32>
    %concatenate3A_751 = tpu.concatenate %slice3A_749, %slice3A_750 in 1 : vector<100x1016xi32>, vector<100x8xi32> -> vector<100x1024xi32>
    %broadcast_in_dim3A_752 = vector.shape_cast %ne3A_738 : vector<1x1024xi1> to vector<1x1024xi1>
    %broadcast_in_dim3A_753 = vector.broadcast %broadcast_in_dim3A_752 : vector<1x1024xi1> to vector<100x1024xi1>
    %select_n3A_754 = arith.select %broadcast_in_dim3A_753, %concatenate3A_748, %concatenate3A_751 : vector<100x1024xi1>, vector<100x1024xi32>
    %slice3A_755 = vector.extract_strided_slice %select_n3A_732 {offsets = [0, 1016], sizes = [100, 8], strides = [1, 1]} : vector<100x1024xi32> to vector<100x8xi32>
    %slice3A_756 = vector.extract_strided_slice %select_n3A_732 {offsets = [0, 0], sizes = [100, 1016], strides = [1, 1]} : vector<100x1024xi32> to vector<100x1016xi32>
    %concatenate3A_757 = tpu.concatenate %slice3A_755, %slice3A_756 in 1 : vector<100x8xi32>, vector<100x1016xi32> -> vector<100x1024xi32>
    %slice3A_758 = vector.extract_strided_slice %select_n3A_732 {offsets = [0, 8], sizes = [100, 1016], strides = [1, 1]} : vector<100x1024xi32> to vector<100x1016xi32>
    %slice3A_759 = vector.extract_strided_slice %select_n3A_732 {offsets = [0, 0], sizes = [100, 8], strides = [1, 1]} : vector<100x1024xi32> to vector<100x8xi32>
    %concatenate3A_760 = tpu.concatenate %slice3A_758, %slice3A_759 in 1 : vector<100x1016xi32>, vector<100x8xi32> -> vector<100x1024xi32>
    %broadcast_in_dim3A_761 = vector.shape_cast %ne3A_738 : vector<1x1024xi1> to vector<1x1024xi1>
    %broadcast_in_dim3A_762 = vector.broadcast %broadcast_in_dim3A_761 : vector<1x1024xi1> to vector<100x1024xi1>
    %select_n3A_763 = arith.select %broadcast_in_dim3A_762, %concatenate3A_757, %concatenate3A_760 : vector<100x1024xi1>, vector<100x1024xi32>
    %gt3A_764 = arith.cmpi sgt, %select_n3A_731, %select_n3A_754 : vector<100x1024xi32>
    %eq3A_765 = arith.cmpi eq, %select_n3A_731, %select_n3A_754 : vector<100x1024xi32>
    %lt3A_766 = arith.cmpi slt, %select_n3A_732, %select_n3A_763 : vector<100x1024xi32>
    %and3A_767 = arith.andi %eq3A_765, %lt3A_766 : vector<100x1024xi1>
    %or3A_768 = arith.ori %gt3A_764, %and3A_767 : vector<100x1024xi1>
    %eq3A_769 = vector.broadcast %xor3A_745 : vector<1x1024xi1> to vector<100x1024xi1>
    %eq3A_770 = vector.broadcast %eq3A_769 : vector<100x1024xi1> to vector<100x1024xi1>
    %eq3A_771 = arith.xori %or3A_768, %eq3A_770 : vector<100x1024xi1>
    %eq3A_772 = arith.constant dense<true> : vector<100x1024xi1>
    %eq3A_773 = arith.xori %eq3A_771, %eq3A_772 : vector<100x1024xi1>
    %select_n3A_774 = arith.select %eq3A_773, %select_n3A_731, %select_n3A_754 : vector<100x1024xi1>, vector<100x1024xi32>
    %select_n3A_775 = arith.select %eq3A_773, %select_n3A_732, %select_n3A_763 : vector<100x1024xi1>, vector<100x1024xi32>
    %and3A_776 = arith.constant 4 : i32
    %and3A_777 = vector.broadcast %and3A_776 : i32 to vector<1x1024xi32>
    %and3A_778 = arith.andi %iota3A_7, %and3A_777 : vector<1x1024xi32>
    %ne3A_779 = arith.constant 0 : i32
    %ne3A_780 = vector.broadcast %ne3A_779 : i32 to vector<1x1024xi32>
    %ne3A_781 = arith.cmpi ne, %and3A_778, %ne3A_780 : vector<1x1024xi32>
    %and3A_782 = arith.constant 64 : i32
    %and3A_783 = vector.broadcast %and3A_782 : i32 to vector<1x1024xi32>
    %and3A_784 = arith.andi %iota3A_7, %and3A_783 : vector<1x1024xi32>
    %eq3A_785 = arith.constant 0 : i32
    %eq3A_786 = vector.broadcast %eq3A_785 : i32 to vector<1x1024xi32>
    %eq3A_787 = arith.cmpi eq, %and3A_784, %eq3A_786 : vector<1x1024xi32>
    %xor3A_788 = arith.xori %eq3A_787, %ne3A_781 : vector<1x1024xi1>
    %slice3A_789 = vector.extract_strided_slice %select_n3A_774 {offsets = [0, 1020], sizes = [100, 4], strides = [1, 1]} : vector<100x1024xi32> to vector<100x4xi32>
    %slice3A_790 = vector.extract_strided_slice %select_n3A_774 {offsets = [0, 0], sizes = [100, 1020], strides = [1, 1]} : vector<100x1024xi32> to vector<100x1020xi32>
    %concatenate3A_791 = tpu.concatenate %slice3A_789, %slice3A_790 in 1 : vector<100x4xi32>, vector<100x1020xi32> -> vector<100x1024xi32>
    %slice3A_792 = vector.extract_strided_slice %select_n3A_774 {offsets = [0, 4], sizes = [100, 1020], strides = [1, 1]} : vector<100x1024xi32> to vector<100x1020xi32>
    %slice3A_793 = vector.extract_strided_slice %select_n3A_774 {offsets = [0, 0], sizes = [100, 4], strides = [1, 1]} : vector<100x1024xi32> to vector<100x4xi32>
    %concatenate3A_794 = tpu.concatenate %slice3A_792, %slice3A_793 in 1 : vector<100x1020xi32>, vector<100x4xi32> -> vector<100x1024xi32>
    %broadcast_in_dim3A_795 = vector.shape_cast %ne3A_781 : vector<1x1024xi1> to vector<1x1024xi1>
    %broadcast_in_dim3A_796 = vector.broadcast %broadcast_in_dim3A_795 : vector<1x1024xi1> to vector<100x1024xi1>
    %select_n3A_797 = arith.select %broadcast_in_dim3A_796, %concatenate3A_791, %concatenate3A_794 : vector<100x1024xi1>, vector<100x1024xi32>
    %slice3A_798 = vector.extract_strided_slice %select_n3A_775 {offsets = [0, 1020], sizes = [100, 4], strides = [1, 1]} : vector<100x1024xi32> to vector<100x4xi32>
    %slice3A_799 = vector.extract_strided_slice %select_n3A_775 {offsets = [0, 0], sizes = [100, 1020], strides = [1, 1]} : vector<100x1024xi32> to vector<100x1020xi32>
    %concatenate3A_800 = tpu.concatenate %slice3A_798, %slice3A_799 in 1 : vector<100x4xi32>, vector<100x1020xi32> -> vector<100x1024xi32>
    %slice3A_801 = vector.extract_strided_slice %select_n3A_775 {offsets = [0, 4], sizes = [100, 1020], strides = [1, 1]} : vector<100x1024xi32> to vector<100x1020xi32>
    %slice3A_802 = vector.extract_strided_slice %select_n3A_775 {offsets = [0, 0], sizes = [100, 4], strides = [1, 1]} : vector<100x1024xi32> to vector<100x4xi32>
    %concatenate3A_803 = tpu.concatenate %slice3A_801, %slice3A_802 in 1 : vector<100x1020xi32>, vector<100x4xi32> -> vector<100x1024xi32>
    %broadcast_in_dim3A_804 = vector.shape_cast %ne3A_781 : vector<1x1024xi1> to vector<1x1024xi1>
    %broadcast_in_dim3A_805 = vector.broadcast %broadcast_in_dim3A_804 : vector<1x1024xi1> to vector<100x1024xi1>
    %select_n3A_806 = arith.select %broadcast_in_dim3A_805, %concatenate3A_800, %concatenate3A_803 : vector<100x1024xi1>, vector<100x1024xi32>
    %gt3A_807 = arith.cmpi sgt, %select_n3A_774, %select_n3A_797 : vector<100x1024xi32>
    %eq3A_808 = arith.cmpi eq, %select_n3A_774, %select_n3A_797 : vector<100x1024xi32>
    %lt3A_809 = arith.cmpi slt, %select_n3A_775, %select_n3A_806 : vector<100x1024xi32>
    %and3A_810 = arith.andi %eq3A_808, %lt3A_809 : vector<100x1024xi1>
    %or3A_811 = arith.ori %gt3A_807, %and3A_810 : vector<100x1024xi1>
    %eq3A_812 = vector.broadcast %xor3A_788 : vector<1x1024xi1> to vector<100x1024xi1>
    %eq3A_813 = vector.broadcast %eq3A_812 : vector<100x1024xi1> to vector<100x1024xi1>
    %eq3A_814 = arith.xori %or3A_811, %eq3A_813 : vector<100x1024xi1>
    %eq3A_815 = arith.constant dense<true> : vector<100x1024xi1>
    %eq3A_816 = arith.xori %eq3A_814, %eq3A_815 : vector<100x1024xi1>
    %select_n3A_817 = arith.select %eq3A_816, %select_n3A_774, %select_n3A_797 : vector<100x1024xi1>, vector<100x1024xi32>
    %select_n3A_818 = arith.select %eq3A_816, %select_n3A_775, %select_n3A_806 : vector<100x1024xi1>, vector<100x1024xi32>
    %and3A_819 = arith.constant 2 : i32
    %and3A_820 = vector.broadcast %and3A_819 : i32 to vector<1x1024xi32>
    %and3A_821 = arith.andi %iota3A_7, %and3A_820 : vector<1x1024xi32>
    %ne3A_822 = arith.constant 0 : i32
    %ne3A_823 = vector.broadcast %ne3A_822 : i32 to vector<1x1024xi32>
    %ne3A_824 = arith.cmpi ne, %and3A_821, %ne3A_823 : vector<1x1024xi32>
    %and3A_825 = arith.constant 64 : i32
    %and3A_826 = vector.broadcast %and3A_825 : i32 to vector<1x1024xi32>
    %and3A_827 = arith.andi %iota3A_7, %and3A_826 : vector<1x1024xi32>
    %eq3A_828 = arith.constant 0 : i32
    %eq3A_829 = vector.broadcast %eq3A_828 : i32 to vector<1x1024xi32>
    %eq3A_830 = arith.cmpi eq, %and3A_827, %eq3A_829 : vector<1x1024xi32>
    %xor3A_831 = arith.xori %eq3A_830, %ne3A_824 : vector<1x1024xi1>
    %slice3A_832 = vector.extract_strided_slice %select_n3A_817 {offsets = [0, 1022], sizes = [100, 2], strides = [1, 1]} : vector<100x1024xi32> to vector<100x2xi32>
    %slice3A_833 = vector.extract_strided_slice %select_n3A_817 {offsets = [0, 0], sizes = [100, 1022], strides = [1, 1]} : vector<100x1024xi32> to vector<100x1022xi32>
    %concatenate3A_834 = tpu.concatenate %slice3A_832, %slice3A_833 in 1 : vector<100x2xi32>, vector<100x1022xi32> -> vector<100x1024xi32>
    %slice3A_835 = vector.extract_strided_slice %select_n3A_817 {offsets = [0, 2], sizes = [100, 1022], strides = [1, 1]} : vector<100x1024xi32> to vector<100x1022xi32>
    %slice3A_836 = vector.extract_strided_slice %select_n3A_817 {offsets = [0, 0], sizes = [100, 2], strides = [1, 1]} : vector<100x1024xi32> to vector<100x2xi32>
    %concatenate3A_837 = tpu.concatenate %slice3A_835, %slice3A_836 in 1 : vector<100x1022xi32>, vector<100x2xi32> -> vector<100x1024xi32>
    %broadcast_in_dim3A_838 = vector.shape_cast %ne3A_824 : vector<1x1024xi1> to vector<1x1024xi1>
    %broadcast_in_dim3A_839 = vector.broadcast %broadcast_in_dim3A_838 : vector<1x1024xi1> to vector<100x1024xi1>
    %select_n3A_840 = arith.select %broadcast_in_dim3A_839, %concatenate3A_834, %concatenate3A_837 : vector<100x1024xi1>, vector<100x1024xi32>
    %slice3A_841 = vector.extract_strided_slice %select_n3A_818 {offsets = [0, 1022], sizes = [100, 2], strides = [1, 1]} : vector<100x1024xi32> to vector<100x2xi32>
    %slice3A_842 = vector.extract_strided_slice %select_n3A_818 {offsets = [0, 0], sizes = [100, 1022], strides = [1, 1]} : vector<100x1024xi32> to vector<100x1022xi32>
    %concatenate3A_843 = tpu.concatenate %slice3A_841, %slice3A_842 in 1 : vector<100x2xi32>, vector<100x1022xi32> -> vector<100x1024xi32>
    %slice3A_844 = vector.extract_strided_slice %select_n3A_818 {offsets = [0, 2], sizes = [100, 1022], strides = [1, 1]} : vector<100x1024xi32> to vector<100x1022xi32>
    %slice3A_845 = vector.extract_strided_slice %select_n3A_818 {offsets = [0, 0], sizes = [100, 2], strides = [1, 1]} : vector<100x1024xi32> to vector<100x2xi32>
    %concatenate3A_846 = tpu.concatenate %slice3A_844, %slice3A_845 in 1 : vector<100x1022xi32>, vector<100x2xi32> -> vector<100x1024xi32>
    %broadcast_in_dim3A_847 = vector.shape_cast %ne3A_824 : vector<1x1024xi1> to vector<1x1024xi1>
    %broadcast_in_dim3A_848 = vector.broadcast %broadcast_in_dim3A_847 : vector<1x1024xi1> to vector<100x1024xi1>
    %select_n3A_849 = arith.select %broadcast_in_dim3A_848, %concatenate3A_843, %concatenate3A_846 : vector<100x1024xi1>, vector<100x1024xi32>
    %gt3A_850 = arith.cmpi sgt, %select_n3A_817, %select_n3A_840 : vector<100x1024xi32>
    %eq3A_851 = arith.cmpi eq, %select_n3A_817, %select_n3A_840 : vector<100x1024xi32>
    %lt3A_852 = arith.cmpi slt, %select_n3A_818, %select_n3A_849 : vector<100x1024xi32>
    %and3A_853 = arith.andi %eq3A_851, %lt3A_852 : vector<100x1024xi1>
    %or3A_854 = arith.ori %gt3A_850, %and3A_853 : vector<100x1024xi1>
    %eq3A_855 = vector.broadcast %xor3A_831 : vector<1x1024xi1> to vector<100x1024xi1>
    %eq3A_856 = vector.broadcast %eq3A_855 : vector<100x1024xi1> to vector<100x1024xi1>
    %eq3A_857 = arith.xori %or3A_854, %eq3A_856 : vector<100x1024xi1>
    %eq3A_858 = arith.constant dense<true> : vector<100x1024xi1>
    %eq3A_859 = arith.xori %eq3A_857, %eq3A_858 : vector<100x1024xi1>
    %select_n3A_860 = arith.select %eq3A_859, %select_n3A_817, %select_n3A_840 : vector<100x1024xi1>, vector<100x1024xi32>
    %select_n3A_861 = arith.select %eq3A_859, %select_n3A_818, %select_n3A_849 : vector<100x1024xi1>, vector<100x1024xi32>
    %and3A_862 = arith.constant 1 : i32
    %and3A_863 = vector.broadcast %and3A_862 : i32 to vector<1x1024xi32>
    %and3A_864 = arith.andi %iota3A_7, %and3A_863 : vector<1x1024xi32>
    %ne3A_865 = arith.constant 0 : i32
    %ne3A_866 = vector.broadcast %ne3A_865 : i32 to vector<1x1024xi32>
    %ne3A_867 = arith.cmpi ne, %and3A_864, %ne3A_866 : vector<1x1024xi32>
    %and3A_868 = arith.constant 64 : i32
    %and3A_869 = vector.broadcast %and3A_868 : i32 to vector<1x1024xi32>
    %and3A_870 = arith.andi %iota3A_7, %and3A_869 : vector<1x1024xi32>
    %eq3A_871 = arith.constant 0 : i32
    %eq3A_872 = vector.broadcast %eq3A_871 : i32 to vector<1x1024xi32>
    %eq3A_873 = arith.cmpi eq, %and3A_870, %eq3A_872 : vector<1x1024xi32>
    %xor3A_874 = arith.xori %eq3A_873, %ne3A_867 : vector<1x1024xi1>
    %slice3A_875 = vector.extract_strided_slice %select_n3A_860 {offsets = [0, 1023], sizes = [100, 1], strides = [1, 1]} : vector<100x1024xi32> to vector<100x1xi32>
    %slice3A_876 = vector.extract_strided_slice %select_n3A_860 {offsets = [0, 0], sizes = [100, 1023], strides = [1, 1]} : vector<100x1024xi32> to vector<100x1023xi32>
    %concatenate3A_877 = tpu.concatenate %slice3A_875, %slice3A_876 in 1 : vector<100x1xi32>, vector<100x1023xi32> -> vector<100x1024xi32>
    %slice3A_878 = vector.extract_strided_slice %select_n3A_860 {offsets = [0, 1], sizes = [100, 1023], strides = [1, 1]} : vector<100x1024xi32> to vector<100x1023xi32>
    %slice3A_879 = vector.extract_strided_slice %select_n3A_860 {offsets = [0, 0], sizes = [100, 1], strides = [1, 1]} : vector<100x1024xi32> to vector<100x1xi32>
    %concatenate3A_880 = tpu.concatenate %slice3A_878, %slice3A_879 in 1 : vector<100x1023xi32>, vector<100x1xi32> -> vector<100x1024xi32>
    %broadcast_in_dim3A_881 = vector.shape_cast %ne3A_867 : vector<1x1024xi1> to vector<1x1024xi1>
    %broadcast_in_dim3A_882 = vector.broadcast %broadcast_in_dim3A_881 : vector<1x1024xi1> to vector<100x1024xi1>
    %select_n3A_883 = arith.select %broadcast_in_dim3A_882, %concatenate3A_877, %concatenate3A_880 : vector<100x1024xi1>, vector<100x1024xi32>
    %slice3A_884 = vector.extract_strided_slice %select_n3A_861 {offsets = [0, 1023], sizes = [100, 1], strides = [1, 1]} : vector<100x1024xi32> to vector<100x1xi32>
    %slice3A_885 = vector.extract_strided_slice %select_n3A_861 {offsets = [0, 0], sizes = [100, 1023], strides = [1, 1]} : vector<100x1024xi32> to vector<100x1023xi32>
    %concatenate3A_886 = tpu.concatenate %slice3A_884, %slice3A_885 in 1 : vector<100x1xi32>, vector<100x1023xi32> -> vector<100x1024xi32>
    %slice3A_887 = vector.extract_strided_slice %select_n3A_861 {offsets = [0, 1], sizes = [100, 1023], strides = [1, 1]} : vector<100x1024xi32> to vector<100x1023xi32>
    %slice3A_888 = vector.extract_strided_slice %select_n3A_861 {offsets = [0, 0], sizes = [100, 1], strides = [1, 1]} : vector<100x1024xi32> to vector<100x1xi32>
    %concatenate3A_889 = tpu.concatenate %slice3A_887, %slice3A_888 in 1 : vector<100x1023xi32>, vector<100x1xi32> -> vector<100x1024xi32>
    %broadcast_in_dim3A_890 = vector.shape_cast %ne3A_867 : vector<1x1024xi1> to vector<1x1024xi1>
    %broadcast_in_dim3A_891 = vector.broadcast %broadcast_in_dim3A_890 : vector<1x1024xi1> to vector<100x1024xi1>
    %select_n3A_892 = arith.select %broadcast_in_dim3A_891, %concatenate3A_886, %concatenate3A_889 : vector<100x1024xi1>, vector<100x1024xi32>
    %gt3A_893 = arith.cmpi sgt, %select_n3A_860, %select_n3A_883 : vector<100x1024xi32>
    %eq3A_894 = arith.cmpi eq, %select_n3A_860, %select_n3A_883 : vector<100x1024xi32>
    %lt3A_895 = arith.cmpi slt, %select_n3A_861, %select_n3A_892 : vector<100x1024xi32>
    %and3A_896 = arith.andi %eq3A_894, %lt3A_895 : vector<100x1024xi1>
    %or3A_897 = arith.ori %gt3A_893, %and3A_896 : vector<100x1024xi1>
    %eq3A_898 = vector.broadcast %xor3A_874 : vector<1x1024xi1> to vector<100x1024xi1>
    %eq3A_899 = vector.broadcast %eq3A_898 : vector<100x1024xi1> to vector<100x1024xi1>
    %eq3A_900 = arith.xori %or3A_897, %eq3A_899 : vector<100x1024xi1>
    %eq3A_901 = arith.constant dense<true> : vector<100x1024xi1>
    %eq3A_902 = arith.xori %eq3A_900, %eq3A_901 : vector<100x1024xi1>
    %select_n3A_903 = arith.select %eq3A_902, %select_n3A_860, %select_n3A_883 : vector<100x1024xi1>, vector<100x1024xi32>
    %select_n3A_904 = arith.select %eq3A_902, %select_n3A_861, %select_n3A_892 : vector<100x1024xi1>, vector<100x1024xi32>
    %and3A_905 = arith.constant 64 : i32
    %and3A_906 = vector.broadcast %and3A_905 : i32 to vector<1x1024xi32>
    %and3A_907 = arith.andi %iota3A_7, %and3A_906 : vector<1x1024xi32>
    %ne3A_908 = arith.constant 0 : i32
    %ne3A_909 = vector.broadcast %ne3A_908 : i32 to vector<1x1024xi32>
    %ne3A_910 = arith.cmpi ne, %and3A_907, %ne3A_909 : vector<1x1024xi32>
    %and3A_911 = arith.constant 128 : i32
    %and3A_912 = vector.broadcast %and3A_911 : i32 to vector<1x1024xi32>
    %and3A_913 = arith.andi %iota3A_7, %and3A_912 : vector<1x1024xi32>
    %eq3A_914 = arith.constant 0 : i32
    %eq3A_915 = vector.broadcast %eq3A_914 : i32 to vector<1x1024xi32>
    %eq3A_916 = arith.cmpi eq, %and3A_913, %eq3A_915 : vector<1x1024xi32>
    %xor3A_917 = arith.xori %eq3A_916, %ne3A_910 : vector<1x1024xi1>
    %slice3A_918 = vector.extract_strided_slice %select_n3A_903 {offsets = [0, 960], sizes = [100, 64], strides = [1, 1]} : vector<100x1024xi32> to vector<100x64xi32>
    %slice3A_919 = vector.extract_strided_slice %select_n3A_903 {offsets = [0, 0], sizes = [100, 960], strides = [1, 1]} : vector<100x1024xi32> to vector<100x960xi32>
    %concatenate3A_920 = tpu.concatenate %slice3A_918, %slice3A_919 in 1 : vector<100x64xi32>, vector<100x960xi32> -> vector<100x1024xi32>
    %slice3A_921 = vector.extract_strided_slice %select_n3A_903 {offsets = [0, 64], sizes = [100, 960], strides = [1, 1]} : vector<100x1024xi32> to vector<100x960xi32>
    %slice3A_922 = vector.extract_strided_slice %select_n3A_903 {offsets = [0, 0], sizes = [100, 64], strides = [1, 1]} : vector<100x1024xi32> to vector<100x64xi32>
    %concatenate3A_923 = tpu.concatenate %slice3A_921, %slice3A_922 in 1 : vector<100x960xi32>, vector<100x64xi32> -> vector<100x1024xi32>
    %broadcast_in_dim3A_924 = vector.shape_cast %ne3A_910 : vector<1x1024xi1> to vector<1x1024xi1>
    %broadcast_in_dim3A_925 = vector.broadcast %broadcast_in_dim3A_924 : vector<1x1024xi1> to vector<100x1024xi1>
    %select_n3A_926 = arith.select %broadcast_in_dim3A_925, %concatenate3A_920, %concatenate3A_923 : vector<100x1024xi1>, vector<100x1024xi32>
    %slice3A_927 = vector.extract_strided_slice %select_n3A_904 {offsets = [0, 960], sizes = [100, 64], strides = [1, 1]} : vector<100x1024xi32> to vector<100x64xi32>
    %slice3A_928 = vector.extract_strided_slice %select_n3A_904 {offsets = [0, 0], sizes = [100, 960], strides = [1, 1]} : vector<100x1024xi32> to vector<100x960xi32>
    %concatenate3A_929 = tpu.concatenate %slice3A_927, %slice3A_928 in 1 : vector<100x64xi32>, vector<100x960xi32> -> vector<100x1024xi32>
    %slice3A_930 = vector.extract_strided_slice %select_n3A_904 {offsets = [0, 64], sizes = [100, 960], strides = [1, 1]} : vector<100x1024xi32> to vector<100x960xi32>
    %slice3A_931 = vector.extract_strided_slice %select_n3A_904 {offsets = [0, 0], sizes = [100, 64], strides = [1, 1]} : vector<100x1024xi32> to vector<100x64xi32>
    %concatenate3A_932 = tpu.concatenate %slice3A_930, %slice3A_931 in 1 : vector<100x960xi32>, vector<100x64xi32> -> vector<100x1024xi32>
    %broadcast_in_dim3A_933 = vector.shape_cast %ne3A_910 : vector<1x1024xi1> to vector<1x1024xi1>
    %broadcast_in_dim3A_934 = vector.broadcast %broadcast_in_dim3A_933 : vector<1x1024xi1> to vector<100x1024xi1>
    %select_n3A_935 = arith.select %broadcast_in_dim3A_934, %concatenate3A_929, %concatenate3A_932 : vector<100x1024xi1>, vector<100x1024xi32>
    %gt3A_936 = arith.cmpi sgt, %select_n3A_903, %select_n3A_926 : vector<100x1024xi32>
    %eq3A_937 = arith.cmpi eq, %select_n3A_903, %select_n3A_926 : vector<100x1024xi32>
    %lt3A_938 = arith.cmpi slt, %select_n3A_904, %select_n3A_935 : vector<100x1024xi32>
    %and3A_939 = arith.andi %eq3A_937, %lt3A_938 : vector<100x1024xi1>
    %or3A_940 = arith.ori %gt3A_936, %and3A_939 : vector<100x1024xi1>
    %eq3A_941 = vector.broadcast %xor3A_917 : vector<1x1024xi1> to vector<100x1024xi1>
    %eq3A_942 = vector.broadcast %eq3A_941 : vector<100x1024xi1> to vector<100x1024xi1>
    %eq3A_943 = arith.xori %or3A_940, %eq3A_942 : vector<100x1024xi1>
    %eq3A_944 = arith.constant dense<true> : vector<100x1024xi1>
    %eq3A_945 = arith.xori %eq3A_943, %eq3A_944 : vector<100x1024xi1>
    %select_n3A_946 = arith.select %eq3A_945, %select_n3A_903, %select_n3A_926 : vector<100x1024xi1>, vector<100x1024xi32>
    %select_n3A_947 = arith.select %eq3A_945, %select_n3A_904, %select_n3A_935 : vector<100x1024xi1>, vector<100x1024xi32>
    %and3A_948 = arith.constant 32 : i32
    %and3A_949 = vector.broadcast %and3A_948 : i32 to vector<1x1024xi32>
    %and3A_950 = arith.andi %iota3A_7, %and3A_949 : vector<1x1024xi32>
    %ne3A_951 = arith.constant 0 : i32
    %ne3A_952 = vector.broadcast %ne3A_951 : i32 to vector<1x1024xi32>
    %ne3A_953 = arith.cmpi ne, %and3A_950, %ne3A_952 : vector<1x1024xi32>
    %and3A_954 = arith.constant 128 : i32
    %and3A_955 = vector.broadcast %and3A_954 : i32 to vector<1x1024xi32>
    %and3A_956 = arith.andi %iota3A_7, %and3A_955 : vector<1x1024xi32>
    %eq3A_957 = arith.constant 0 : i32
    %eq3A_958 = vector.broadcast %eq3A_957 : i32 to vector<1x1024xi32>
    %eq3A_959 = arith.cmpi eq, %and3A_956, %eq3A_958 : vector<1x1024xi32>
    %xor3A_960 = arith.xori %eq3A_959, %ne3A_953 : vector<1x1024xi1>
    %slice3A_961 = vector.extract_strided_slice %select_n3A_946 {offsets = [0, 992], sizes = [100, 32], strides = [1, 1]} : vector<100x1024xi32> to vector<100x32xi32>
    %slice3A_962 = vector.extract_strided_slice %select_n3A_946 {offsets = [0, 0], sizes = [100, 992], strides = [1, 1]} : vector<100x1024xi32> to vector<100x992xi32>
    %concatenate3A_963 = tpu.concatenate %slice3A_961, %slice3A_962 in 1 : vector<100x32xi32>, vector<100x992xi32> -> vector<100x1024xi32>
    %slice3A_964 = vector.extract_strided_slice %select_n3A_946 {offsets = [0, 32], sizes = [100, 992], strides = [1, 1]} : vector<100x1024xi32> to vector<100x992xi32>
    %slice3A_965 = vector.extract_strided_slice %select_n3A_946 {offsets = [0, 0], sizes = [100, 32], strides = [1, 1]} : vector<100x1024xi32> to vector<100x32xi32>
    %concatenate3A_966 = tpu.concatenate %slice3A_964, %slice3A_965 in 1 : vector<100x992xi32>, vector<100x32xi32> -> vector<100x1024xi32>
    %broadcast_in_dim3A_967 = vector.shape_cast %ne3A_953 : vector<1x1024xi1> to vector<1x1024xi1>
    %broadcast_in_dim3A_968 = vector.broadcast %broadcast_in_dim3A_967 : vector<1x1024xi1> to vector<100x1024xi1>
    %select_n3A_969 = arith.select %broadcast_in_dim3A_968, %concatenate3A_963, %concatenate3A_966 : vector<100x1024xi1>, vector<100x1024xi32>
    %slice3A_970 = vector.extract_strided_slice %select_n3A_947 {offsets = [0, 992], sizes = [100, 32], strides = [1, 1]} : vector<100x1024xi32> to vector<100x32xi32>
    %slice3A_971 = vector.extract_strided_slice %select_n3A_947 {offsets = [0, 0], sizes = [100, 992], strides = [1, 1]} : vector<100x1024xi32> to vector<100x992xi32>
    %concatenate3A_972 = tpu.concatenate %slice3A_970, %slice3A_971 in 1 : vector<100x32xi32>, vector<100x992xi32> -> vector<100x1024xi32>
    %slice3A_973 = vector.extract_strided_slice %select_n3A_947 {offsets = [0, 32], sizes = [100, 992], strides = [1, 1]} : vector<100x1024xi32> to vector<100x992xi32>
    %slice3A_974 = vector.extract_strided_slice %select_n3A_947 {offsets = [0, 0], sizes = [100, 32], strides = [1, 1]} : vector<100x1024xi32> to vector<100x32xi32>
    %concatenate3A_975 = tpu.concatenate %slice3A_973, %slice3A_974 in 1 : vector<100x992xi32>, vector<100x32xi32> -> vector<100x1024xi32>
    %broadcast_in_dim3A_976 = vector.shape_cast %ne3A_953 : vector<1x1024xi1> to vector<1x1024xi1>
    %broadcast_in_dim3A_977 = vector.broadcast %broadcast_in_dim3A_976 : vector<1x1024xi1> to vector<100x1024xi1>
    %select_n3A_978 = arith.select %broadcast_in_dim3A_977, %concatenate3A_972, %concatenate3A_975 : vector<100x1024xi1>, vector<100x1024xi32>
    %gt3A_979 = arith.cmpi sgt, %select_n3A_946, %select_n3A_969 : vector<100x1024xi32>
    %eq3A_980 = arith.cmpi eq, %select_n3A_946, %select_n3A_969 : vector<100x1024xi32>
    %lt3A_981 = arith.cmpi slt, %select_n3A_947, %select_n3A_978 : vector<100x1024xi32>
    %and3A_982 = arith.andi %eq3A_980, %lt3A_981 : vector<100x1024xi1>
    %or3A_983 = arith.ori %gt3A_979, %and3A_982 : vector<100x1024xi1>
    %eq3A_984 = vector.broadcast %xor3A_960 : vector<1x1024xi1> to vector<100x1024xi1>
    %eq3A_985 = vector.broadcast %eq3A_984 : vector<100x1024xi1> to vector<100x1024xi1>
    %eq3A_986 = arith.xori %or3A_983, %eq3A_985 : vector<100x1024xi1>
    %eq3A_987 = arith.constant dense<true> : vector<100x1024xi1>
    %eq3A_988 = arith.xori %eq3A_986, %eq3A_987 : vector<100x1024xi1>
    %select_n3A_989 = arith.select %eq3A_988, %select_n3A_946, %select_n3A_969 : vector<100x1024xi1>, vector<100x1024xi32>
    %select_n3A_990 = arith.select %eq3A_988, %select_n3A_947, %select_n3A_978 : vector<100x1024xi1>, vector<100x1024xi32>
    %and3A_991 = arith.constant 16 : i32
    %and3A_992 = vector.broadcast %and3A_991 : i32 to vector<1x1024xi32>
    %and3A_993 = arith.andi %iota3A_7, %and3A_992 : vector<1x1024xi32>
    %ne3A_994 = arith.constant 0 : i32
    %ne3A_995 = vector.broadcast %ne3A_994 : i32 to vector<1x1024xi32>
    %ne3A_996 = arith.cmpi ne, %and3A_993, %ne3A_995 : vector<1x1024xi32>
    %and3A_997 = arith.constant 128 : i32
    %and3A_998 = vector.broadcast %and3A_997 : i32 to vector<1x1024xi32>
    %and3A_999 = arith.andi %iota3A_7, %and3A_998 : vector<1x1024xi32>
    %eq3A_1000 = arith.constant 0 : i32
    %eq3A_1001 = vector.broadcast %eq3A_1000 : i32 to vector<1x1024xi32>
    %eq3A_1002 = arith.cmpi eq, %and3A_999, %eq3A_1001 : vector<1x1024xi32>
    %xor3A_1003 = arith.xori %eq3A_1002, %ne3A_996 : vector<1x1024xi1>
    %slice3A_1004 = vector.extract_strided_slice %select_n3A_989 {offsets = [0, 1008], sizes = [100, 16], strides = [1, 1]} : vector<100x1024xi32> to vector<100x16xi32>
    %slice3A_1005 = vector.extract_strided_slice %select_n3A_989 {offsets = [0, 0], sizes = [100, 1008], strides = [1, 1]} : vector<100x1024xi32> to vector<100x1008xi32>
    %concatenate3A_1006 = tpu.concatenate %slice3A_1004, %slice3A_1005 in 1 : vector<100x16xi32>, vector<100x1008xi32> -> vector<100x1024xi32>
    %slice3A_1007 = vector.extract_strided_slice %select_n3A_989 {offsets = [0, 16], sizes = [100, 1008], strides = [1, 1]} : vector<100x1024xi32> to vector<100x1008xi32>
    %slice3A_1008 = vector.extract_strided_slice %select_n3A_989 {offsets = [0, 0], sizes = [100, 16], strides = [1, 1]} : vector<100x1024xi32> to vector<100x16xi32>
    %concatenate3A_1009 = tpu.concatenate %slice3A_1007, %slice3A_1008 in 1 : vector<100x1008xi32>, vector<100x16xi32> -> vector<100x1024xi32>
    %broadcast_in_dim3A_1010 = vector.shape_cast %ne3A_996 : vector<1x1024xi1> to vector<1x1024xi1>
    %broadcast_in_dim3A_1011 = vector.broadcast %broadcast_in_dim3A_1010 : vector<1x1024xi1> to vector<100x1024xi1>
    %select_n3A_1012 = arith.select %broadcast_in_dim3A_1011, %concatenate3A_1006, %concatenate3A_1009 : vector<100x1024xi1>, vector<100x1024xi32>
    %slice3A_1013 = vector.extract_strided_slice %select_n3A_990 {offsets = [0, 1008], sizes = [100, 16], strides = [1, 1]} : vector<100x1024xi32> to vector<100x16xi32>
    %slice3A_1014 = vector.extract_strided_slice %select_n3A_990 {offsets = [0, 0], sizes = [100, 1008], strides = [1, 1]} : vector<100x1024xi32> to vector<100x1008xi32>
    %concatenate3A_1015 = tpu.concatenate %slice3A_1013, %slice3A_1014 in 1 : vector<100x16xi32>, vector<100x1008xi32> -> vector<100x1024xi32>
    %slice3A_1016 = vector.extract_strided_slice %select_n3A_990 {offsets = [0, 16], sizes = [100, 1008], strides = [1, 1]} : vector<100x1024xi32> to vector<100x1008xi32>
    %slice3A_1017 = vector.extract_strided_slice %select_n3A_990 {offsets = [0, 0], sizes = [100, 16], strides = [1, 1]} : vector<100x1024xi32> to vector<100x16xi32>
    %concatenate3A_1018 = tpu.concatenate %slice3A_1016, %slice3A_1017 in 1 : vector<100x1008xi32>, vector<100x16xi32> -> vector<100x1024xi32>
    %broadcast_in_dim3A_1019 = vector.shape_cast %ne3A_996 : vector<1x1024xi1> to vector<1x1024xi1>
    %broadcast_in_dim3A_1020 = vector.broadcast %broadcast_in_dim3A_1019 : vector<1x1024xi1> to vector<100x1024xi1>
    %select_n3A_1021 = arith.select %broadcast_in_dim3A_1020, %concatenate3A_1015, %concatenate3A_1018 : vector<100x1024xi1>, vector<100x1024xi32>
    %gt3A_1022 = arith.cmpi sgt, %select_n3A_989, %select_n3A_1012 : vector<100x1024xi32>
    %eq3A_1023 = arith.cmpi eq, %select_n3A_989, %select_n3A_1012 : vector<100x1024xi32>
    %lt3A_1024 = arith.cmpi slt, %select_n3A_990, %select_n3A_1021 : vector<100x1024xi32>
    %and3A_1025 = arith.andi %eq3A_1023, %lt3A_1024 : vector<100x1024xi1>
    %or3A_1026 = arith.ori %gt3A_1022, %and3A_1025 : vector<100x1024xi1>
    %eq3A_1027 = vector.broadcast %xor3A_1003 : vector<1x1024xi1> to vector<100x1024xi1>
    %eq3A_1028 = vector.broadcast %eq3A_1027 : vector<100x1024xi1> to vector<100x1024xi1>
    %eq3A_1029 = arith.xori %or3A_1026, %eq3A_1028 : vector<100x1024xi1>
    %eq3A_1030 = arith.constant dense<true> : vector<100x1024xi1>
    %eq3A_1031 = arith.xori %eq3A_1029, %eq3A_1030 : vector<100x1024xi1>
    %select_n3A_1032 = arith.select %eq3A_1031, %select_n3A_989, %select_n3A_1012 : vector<100x1024xi1>, vector<100x1024xi32>
    %select_n3A_1033 = arith.select %eq3A_1031, %select_n3A_990, %select_n3A_1021 : vector<100x1024xi1>, vector<100x1024xi32>
    %and3A_1034 = arith.constant 8 : i32
    %and3A_1035 = vector.broadcast %and3A_1034 : i32 to vector<1x1024xi32>
    %and3A_1036 = arith.andi %iota3A_7, %and3A_1035 : vector<1x1024xi32>
    %ne3A_1037 = arith.constant 0 : i32
    %ne3A_1038 = vector.broadcast %ne3A_1037 : i32 to vector<1x1024xi32>
    %ne3A_1039 = arith.cmpi ne, %and3A_1036, %ne3A_1038 : vector<1x1024xi32>
    %and3A_1040 = arith.constant 128 : i32
    %and3A_1041 = vector.broadcast %and3A_1040 : i32 to vector<1x1024xi32>
    %and3A_1042 = arith.andi %iota3A_7, %and3A_1041 : vector<1x1024xi32>
    %eq3A_1043 = arith.constant 0 : i32
    %eq3A_1044 = vector.broadcast %eq3A_1043 : i32 to vector<1x1024xi32>
    %eq3A_1045 = arith.cmpi eq, %and3A_1042, %eq3A_1044 : vector<1x1024xi32>
    %xor3A_1046 = arith.xori %eq3A_1045, %ne3A_1039 : vector<1x1024xi1>
    %slice3A_1047 = vector.extract_strided_slice %select_n3A_1032 {offsets = [0, 1016], sizes = [100, 8], strides = [1, 1]} : vector<100x1024xi32> to vector<100x8xi32>
    %slice3A_1048 = vector.extract_strided_slice %select_n3A_1032 {offsets = [0, 0], sizes = [100, 1016], strides = [1, 1]} : vector<100x1024xi32> to vector<100x1016xi32>
    %concatenate3A_1049 = tpu.concatenate %slice3A_1047, %slice3A_1048 in 1 : vector<100x8xi32>, vector<100x1016xi32> -> vector<100x1024xi32>
    %slice3A_1050 = vector.extract_strided_slice %select_n3A_1032 {offsets = [0, 8], sizes = [100, 1016], strides = [1, 1]} : vector<100x1024xi32> to vector<100x1016xi32>
    %slice3A_1051 = vector.extract_strided_slice %select_n3A_1032 {offsets = [0, 0], sizes = [100, 8], strides = [1, 1]} : vector<100x1024xi32> to vector<100x8xi32>
    %concatenate3A_1052 = tpu.concatenate %slice3A_1050, %slice3A_1051 in 1 : vector<100x1016xi32>, vector<100x8xi32> -> vector<100x1024xi32>
    %broadcast_in_dim3A_1053 = vector.shape_cast %ne3A_1039 : vector<1x1024xi1> to vector<1x1024xi1>
    %broadcast_in_dim3A_1054 = vector.broadcast %broadcast_in_dim3A_1053 : vector<1x1024xi1> to vector<100x1024xi1>
    %select_n3A_1055 = arith.select %broadcast_in_dim3A_1054, %concatenate3A_1049, %concatenate3A_1052 : vector<100x1024xi1>, vector<100x1024xi32>
    %slice3A_1056 = vector.extract_strided_slice %select_n3A_1033 {offsets = [0, 1016], sizes = [100, 8], strides = [1, 1]} : vector<100x1024xi32> to vector<100x8xi32>
    %slice3A_1057 = vector.extract_strided_slice %select_n3A_1033 {offsets = [0, 0], sizes = [100, 1016], strides = [1, 1]} : vector<100x1024xi32> to vector<100x1016xi32>
    %concatenate3A_1058 = tpu.concatenate %slice3A_1056, %slice3A_1057 in 1 : vector<100x8xi32>, vector<100x1016xi32> -> vector<100x1024xi32>
    %slice3A_1059 = vector.extract_strided_slice %select_n3A_1033 {offsets = [0, 8], sizes = [100, 1016], strides = [1, 1]} : vector<100x1024xi32> to vector<100x1016xi32>
    %slice3A_1060 = vector.extract_strided_slice %select_n3A_1033 {offsets = [0, 0], sizes = [100, 8], strides = [1, 1]} : vector<100x1024xi32> to vector<100x8xi32>
    %concatenate3A_1061 = tpu.concatenate %slice3A_1059, %slice3A_1060 in 1 : vector<100x1016xi32>, vector<100x8xi32> -> vector<100x1024xi32>
    %broadcast_in_dim3A_1062 = vector.shape_cast %ne3A_1039 : vector<1x1024xi1> to vector<1x1024xi1>
    %broadcast_in_dim3A_1063 = vector.broadcast %broadcast_in_dim3A_1062 : vector<1x1024xi1> to vector<100x1024xi1>
    %select_n3A_1064 = arith.select %broadcast_in_dim3A_1063, %concatenate3A_1058, %concatenate3A_1061 : vector<100x1024xi1>, vector<100x1024xi32>
    %gt3A_1065 = arith.cmpi sgt, %select_n3A_1032, %select_n3A_1055 : vector<100x1024xi32>
    %eq3A_1066 = arith.cmpi eq, %select_n3A_1032, %select_n3A_1055 : vector<100x1024xi32>
    %lt3A_1067 = arith.cmpi slt, %select_n3A_1033, %select_n3A_1064 : vector<100x1024xi32>
    %and3A_1068 = arith.andi %eq3A_1066, %lt3A_1067 : vector<100x1024xi1>
    %or3A_1069 = arith.ori %gt3A_1065, %and3A_1068 : vector<100x1024xi1>
    %eq3A_1070 = vector.broadcast %xor3A_1046 : vector<1x1024xi1> to vector<100x1024xi1>
    %eq3A_1071 = vector.broadcast %eq3A_1070 : vector<100x1024xi1> to vector<100x1024xi1>
    %eq3A_1072 = arith.xori %or3A_1069, %eq3A_1071 : vector<100x1024xi1>
    %eq3A_1073 = arith.constant dense<true> : vector<100x1024xi1>
    %eq3A_1074 = arith.xori %eq3A_1072, %eq3A_1073 : vector<100x1024xi1>
    %select_n3A_1075 = arith.select %eq3A_1074, %select_n3A_1032, %select_n3A_1055 : vector<100x1024xi1>, vector<100x1024xi32>
    %select_n3A_1076 = arith.select %eq3A_1074, %select_n3A_1033, %select_n3A_1064 : vector<100x1024xi1>, vector<100x1024xi32>
    %and3A_1077 = arith.constant 4 : i32
    %and3A_1078 = vector.broadcast %and3A_1077 : i32 to vector<1x1024xi32>
    %and3A_1079 = arith.andi %iota3A_7, %and3A_1078 : vector<1x1024xi32>
    %ne3A_1080 = arith.constant 0 : i32
    %ne3A_1081 = vector.broadcast %ne3A_1080 : i32 to vector<1x1024xi32>
    %ne3A_1082 = arith.cmpi ne, %and3A_1079, %ne3A_1081 : vector<1x1024xi32>
    %and3A_1083 = arith.constant 128 : i32
    %and3A_1084 = vector.broadcast %and3A_1083 : i32 to vector<1x1024xi32>
    %and3A_1085 = arith.andi %iota3A_7, %and3A_1084 : vector<1x1024xi32>
    %eq3A_1086 = arith.constant 0 : i32
    %eq3A_1087 = vector.broadcast %eq3A_1086 : i32 to vector<1x1024xi32>
    %eq3A_1088 = arith.cmpi eq, %and3A_1085, %eq3A_1087 : vector<1x1024xi32>
    %xor3A_1089 = arith.xori %eq3A_1088, %ne3A_1082 : vector<1x1024xi1>
    %slice3A_1090 = vector.extract_strided_slice %select_n3A_1075 {offsets = [0, 1020], sizes = [100, 4], strides = [1, 1]} : vector<100x1024xi32> to vector<100x4xi32>
    %slice3A_1091 = vector.extract_strided_slice %select_n3A_1075 {offsets = [0, 0], sizes = [100, 1020], strides = [1, 1]} : vector<100x1024xi32> to vector<100x1020xi32>
    %concatenate3A_1092 = tpu.concatenate %slice3A_1090, %slice3A_1091 in 1 : vector<100x4xi32>, vector<100x1020xi32> -> vector<100x1024xi32>
    %slice3A_1093 = vector.extract_strided_slice %select_n3A_1075 {offsets = [0, 4], sizes = [100, 1020], strides = [1, 1]} : vector<100x1024xi32> to vector<100x1020xi32>
    %slice3A_1094 = vector.extract_strided_slice %select_n3A_1075 {offsets = [0, 0], sizes = [100, 4], strides = [1, 1]} : vector<100x1024xi32> to vector<100x4xi32>
    %concatenate3A_1095 = tpu.concatenate %slice3A_1093, %slice3A_1094 in 1 : vector<100x1020xi32>, vector<100x4xi32> -> vector<100x1024xi32>
    %broadcast_in_dim3A_1096 = vector.shape_cast %ne3A_1082 : vector<1x1024xi1> to vector<1x1024xi1>
    %broadcast_in_dim3A_1097 = vector.broadcast %broadcast_in_dim3A_1096 : vector<1x1024xi1> to vector<100x1024xi1>
    %select_n3A_1098 = arith.select %broadcast_in_dim3A_1097, %concatenate3A_1092, %concatenate3A_1095 : vector<100x1024xi1>, vector<100x1024xi32>
    %slice3A_1099 = vector.extract_strided_slice %select_n3A_1076 {offsets = [0, 1020], sizes = [100, 4], strides = [1, 1]} : vector<100x1024xi32> to vector<100x4xi32>
    %slice3A_1100 = vector.extract_strided_slice %select_n3A_1076 {offsets = [0, 0], sizes = [100, 1020], strides = [1, 1]} : vector<100x1024xi32> to vector<100x1020xi32>
    %concatenate3A_1101 = tpu.concatenate %slice3A_1099, %slice3A_1100 in 1 : vector<100x4xi32>, vector<100x1020xi32> -> vector<100x1024xi32>
    %slice3A_1102 = vector.extract_strided_slice %select_n3A_1076 {offsets = [0, 4], sizes = [100, 1020], strides = [1, 1]} : vector<100x1024xi32> to vector<100x1020xi32>
    %slice3A_1103 = vector.extract_strided_slice %select_n3A_1076 {offsets = [0, 0], sizes = [100, 4], strides = [1, 1]} : vector<100x1024xi32> to vector<100x4xi32>
    %concatenate3A_1104 = tpu.concatenate %slice3A_1102, %slice3A_1103 in 1 : vector<100x1020xi32>, vector<100x4xi32> -> vector<100x1024xi32>
    %broadcast_in_dim3A_1105 = vector.shape_cast %ne3A_1082 : vector<1x1024xi1> to vector<1x1024xi1>
    %broadcast_in_dim3A_1106 = vector.broadcast %broadcast_in_dim3A_1105 : vector<1x1024xi1> to vector<100x1024xi1>
    %select_n3A_1107 = arith.select %broadcast_in_dim3A_1106, %concatenate3A_1101, %concatenate3A_1104 : vector<100x1024xi1>, vector<100x1024xi32>
    %gt3A_1108 = arith.cmpi sgt, %select_n3A_1075, %select_n3A_1098 : vector<100x1024xi32>
    %eq3A_1109 = arith.cmpi eq, %select_n3A_1075, %select_n3A_1098 : vector<100x1024xi32>
    %lt3A_1110 = arith.cmpi slt, %select_n3A_1076, %select_n3A_1107 : vector<100x1024xi32>
    %and3A_1111 = arith.andi %eq3A_1109, %lt3A_1110 : vector<100x1024xi1>
    %or3A_1112 = arith.ori %gt3A_1108, %and3A_1111 : vector<100x1024xi1>
    %eq3A_1113 = vector.broadcast %xor3A_1089 : vector<1x1024xi1> to vector<100x1024xi1>
    %eq3A_1114 = vector.broadcast %eq3A_1113 : vector<100x1024xi1> to vector<100x1024xi1>
    %eq3A_1115 = arith.xori %or3A_1112, %eq3A_1114 : vector<100x1024xi1>
    %eq3A_1116 = arith.constant dense<true> : vector<100x1024xi1>
    %eq3A_1117 = arith.xori %eq3A_1115, %eq3A_1116 : vector<100x1024xi1>
    %select_n3A_1118 = arith.select %eq3A_1117, %select_n3A_1075, %select_n3A_1098 : vector<100x1024xi1>, vector<100x1024xi32>
    %select_n3A_1119 = arith.select %eq3A_1117, %select_n3A_1076, %select_n3A_1107 : vector<100x1024xi1>, vector<100x1024xi32>
    %and3A_1120 = arith.constant 2 : i32
    %and3A_1121 = vector.broadcast %and3A_1120 : i32 to vector<1x1024xi32>
    %and3A_1122 = arith.andi %iota3A_7, %and3A_1121 : vector<1x1024xi32>
    %ne3A_1123 = arith.constant 0 : i32
    %ne3A_1124 = vector.broadcast %ne3A_1123 : i32 to vector<1x1024xi32>
    %ne3A_1125 = arith.cmpi ne, %and3A_1122, %ne3A_1124 : vector<1x1024xi32>
    %and3A_1126 = arith.constant 128 : i32
    %and3A_1127 = vector.broadcast %and3A_1126 : i32 to vector<1x1024xi32>
    %and3A_1128 = arith.andi %iota3A_7, %and3A_1127 : vector<1x1024xi32>
    %eq3A_1129 = arith.constant 0 : i32
    %eq3A_1130 = vector.broadcast %eq3A_1129 : i32 to vector<1x1024xi32>
    %eq3A_1131 = arith.cmpi eq, %and3A_1128, %eq3A_1130 : vector<1x1024xi32>
    %xor3A_1132 = arith.xori %eq3A_1131, %ne3A_1125 : vector<1x1024xi1>
    %slice3A_1133 = vector.extract_strided_slice %select_n3A_1118 {offsets = [0, 1022], sizes = [100, 2], strides = [1, 1]} : vector<100x1024xi32> to vector<100x2xi32>
    %slice3A_1134 = vector.extract_strided_slice %select_n3A_1118 {offsets = [0, 0], sizes = [100, 1022], strides = [1, 1]} : vector<100x1024xi32> to vector<100x1022xi32>
    %concatenate3A_1135 = tpu.concatenate %slice3A_1133, %slice3A_1134 in 1 : vector<100x2xi32>, vector<100x1022xi32> -> vector<100x1024xi32>
    %slice3A_1136 = vector.extract_strided_slice %select_n3A_1118 {offsets = [0, 2], sizes = [100, 1022], strides = [1, 1]} : vector<100x1024xi32> to vector<100x1022xi32>
    %slice3A_1137 = vector.extract_strided_slice %select_n3A_1118 {offsets = [0, 0], sizes = [100, 2], strides = [1, 1]} : vector<100x1024xi32> to vector<100x2xi32>
    %concatenate3A_1138 = tpu.concatenate %slice3A_1136, %slice3A_1137 in 1 : vector<100x1022xi32>, vector<100x2xi32> -> vector<100x1024xi32>
    %broadcast_in_dim3A_1139 = vector.shape_cast %ne3A_1125 : vector<1x1024xi1> to vector<1x1024xi1>
    %broadcast_in_dim3A_1140 = vector.broadcast %broadcast_in_dim3A_1139 : vector<1x1024xi1> to vector<100x1024xi1>
    %select_n3A_1141 = arith.select %broadcast_in_dim3A_1140, %concatenate3A_1135, %concatenate3A_1138 : vector<100x1024xi1>, vector<100x1024xi32>
    %slice3A_1142 = vector.extract_strided_slice %select_n3A_1119 {offsets = [0, 1022], sizes = [100, 2], strides = [1, 1]} : vector<100x1024xi32> to vector<100x2xi32>
    %slice3A_1143 = vector.extract_strided_slice %select_n3A_1119 {offsets = [0, 0], sizes = [100, 1022], strides = [1, 1]} : vector<100x1024xi32> to vector<100x1022xi32>
    %concatenate3A_1144 = tpu.concatenate %slice3A_1142, %slice3A_1143 in 1 : vector<100x2xi32>, vector<100x1022xi32> -> vector<100x1024xi32>
    %slice3A_1145 = vector.extract_strided_slice %select_n3A_1119 {offsets = [0, 2], sizes = [100, 1022], strides = [1, 1]} : vector<100x1024xi32> to vector<100x1022xi32>
    %slice3A_1146 = vector.extract_strided_slice %select_n3A_1119 {offsets = [0, 0], sizes = [100, 2], strides = [1, 1]} : vector<100x1024xi32> to vector<100x2xi32>
    %concatenate3A_1147 = tpu.concatenate %slice3A_1145, %slice3A_1146 in 1 : vector<100x1022xi32>, vector<100x2xi32> -> vector<100x1024xi32>
    %broadcast_in_dim3A_1148 = vector.shape_cast %ne3A_1125 : vector<1x1024xi1> to vector<1x1024xi1>
    %broadcast_in_dim3A_1149 = vector.broadcast %broadcast_in_dim3A_1148 : vector<1x1024xi1> to vector<100x1024xi1>
    %select_n3A_1150 = arith.select %broadcast_in_dim3A_1149, %concatenate3A_1144, %concatenate3A_1147 : vector<100x1024xi1>, vector<100x1024xi32>
    %gt3A_1151 = arith.cmpi sgt, %select_n3A_1118, %select_n3A_1141 : vector<100x1024xi32>
    %eq3A_1152 = arith.cmpi eq, %select_n3A_1118, %select_n3A_1141 : vector<100x1024xi32>
    %lt3A_1153 = arith.cmpi slt, %select_n3A_1119, %select_n3A_1150 : vector<100x1024xi32>
    %and3A_1154 = arith.andi %eq3A_1152, %lt3A_1153 : vector<100x1024xi1>
    %or3A_1155 = arith.ori %gt3A_1151, %and3A_1154 : vector<100x1024xi1>
    %eq3A_1156 = vector.broadcast %xor3A_1132 : vector<1x1024xi1> to vector<100x1024xi1>
    %eq3A_1157 = vector.broadcast %eq3A_1156 : vector<100x1024xi1> to vector<100x1024xi1>
    %eq3A_1158 = arith.xori %or3A_1155, %eq3A_1157 : vector<100x1024xi1>
    %eq3A_1159 = arith.constant dense<true> : vector<100x1024xi1>
    %eq3A_1160 = arith.xori %eq3A_1158, %eq3A_1159 : vector<100x1024xi1>
    %select_n3A_1161 = arith.select %eq3A_1160, %select_n3A_1118, %select_n3A_1141 : vector<100x1024xi1>, vector<100x1024xi32>
    %select_n3A_1162 = arith.select %eq3A_1160, %select_n3A_1119, %select_n3A_1150 : vector<100x1024xi1>, vector<100x1024xi32>
    %and3A_1163 = arith.constant 1 : i32
    %and3A_1164 = vector.broadcast %and3A_1163 : i32 to vector<1x1024xi32>
    %and3A_1165 = arith.andi %iota3A_7, %and3A_1164 : vector<1x1024xi32>
    %ne3A_1166 = arith.constant 0 : i32
    %ne3A_1167 = vector.broadcast %ne3A_1166 : i32 to vector<1x1024xi32>
    %ne3A_1168 = arith.cmpi ne, %and3A_1165, %ne3A_1167 : vector<1x1024xi32>
    %and3A_1169 = arith.constant 128 : i32
    %and3A_1170 = vector.broadcast %and3A_1169 : i32 to vector<1x1024xi32>
    %and3A_1171 = arith.andi %iota3A_7, %and3A_1170 : vector<1x1024xi32>
    %eq3A_1172 = arith.constant 0 : i32
    %eq3A_1173 = vector.broadcast %eq3A_1172 : i32 to vector<1x1024xi32>
    %eq3A_1174 = arith.cmpi eq, %and3A_1171, %eq3A_1173 : vector<1x1024xi32>
    %xor3A_1175 = arith.xori %eq3A_1174, %ne3A_1168 : vector<1x1024xi1>
    %slice3A_1176 = vector.extract_strided_slice %select_n3A_1161 {offsets = [0, 1023], sizes = [100, 1], strides = [1, 1]} : vector<100x1024xi32> to vector<100x1xi32>
    %slice3A_1177 = vector.extract_strided_slice %select_n3A_1161 {offsets = [0, 0], sizes = [100, 1023], strides = [1, 1]} : vector<100x1024xi32> to vector<100x1023xi32>
    %concatenate3A_1178 = tpu.concatenate %slice3A_1176, %slice3A_1177 in 1 : vector<100x1xi32>, vector<100x1023xi32> -> vector<100x1024xi32>
    %slice3A_1179 = vector.extract_strided_slice %select_n3A_1161 {offsets = [0, 1], sizes = [100, 1023], strides = [1, 1]} : vector<100x1024xi32> to vector<100x1023xi32>
    %slice3A_1180 = vector.extract_strided_slice %select_n3A_1161 {offsets = [0, 0], sizes = [100, 1], strides = [1, 1]} : vector<100x1024xi32> to vector<100x1xi32>
    %concatenate3A_1181 = tpu.concatenate %slice3A_1179, %slice3A_1180 in 1 : vector<100x1023xi32>, vector<100x1xi32> -> vector<100x1024xi32>
    %broadcast_in_dim3A_1182 = vector.shape_cast %ne3A_1168 : vector<1x1024xi1> to vector<1x1024xi1>
    %broadcast_in_dim3A_1183 = vector.broadcast %broadcast_in_dim3A_1182 : vector<1x1024xi1> to vector<100x1024xi1>
    %select_n3A_1184 = arith.select %broadcast_in_dim3A_1183, %concatenate3A_1178, %concatenate3A_1181 : vector<100x1024xi1>, vector<100x1024xi32>
    %slice3A_1185 = vector.extract_strided_slice %select_n3A_1162 {offsets = [0, 1023], sizes = [100, 1], strides = [1, 1]} : vector<100x1024xi32> to vector<100x1xi32>
    %slice3A_1186 = vector.extract_strided_slice %select_n3A_1162 {offsets = [0, 0], sizes = [100, 1023], strides = [1, 1]} : vector<100x1024xi32> to vector<100x1023xi32>
    %concatenate3A_1187 = tpu.concatenate %slice3A_1185, %slice3A_1186 in 1 : vector<100x1xi32>, vector<100x1023xi32> -> vector<100x1024xi32>
    %slice3A_1188 = vector.extract_strided_slice %select_n3A_1162 {offsets = [0, 1], sizes = [100, 1023], strides = [1, 1]} : vector<100x1024xi32> to vector<100x1023xi32>
    %slice3A_1189 = vector.extract_strided_slice %select_n3A_1162 {offsets = [0, 0], sizes = [100, 1], strides = [1, 1]} : vector<100x1024xi32> to vector<100x1xi32>
    %concatenate3A_1190 = tpu.concatenate %slice3A_1188, %slice3A_1189 in 1 : vector<100x1023xi32>, vector<100x1xi32> -> vector<100x1024xi32>
    %broadcast_in_dim3A_1191 = vector.shape_cast %ne3A_1168 : vector<1x1024xi1> to vector<1x1024xi1>
    %broadcast_in_dim3A_1192 = vector.broadcast %broadcast_in_dim3A_1191 : vector<1x1024xi1> to vector<100x1024xi1>
    %select_n3A_1193 = arith.select %broadcast_in_dim3A_1192, %concatenate3A_1187, %concatenate3A_1190 : vector<100x1024xi1>, vector<100x1024xi32>
    %gt3A_1194 = arith.cmpi sgt, %select_n3A_1161, %select_n3A_1184 : vector<100x1024xi32>
    %eq3A_1195 = arith.cmpi eq, %select_n3A_1161, %select_n3A_1184 : vector<100x1024xi32>
    %lt3A_1196 = arith.cmpi slt, %select_n3A_1162, %select_n3A_1193 : vector<100x1024xi32>
    %and3A_1197 = arith.andi %eq3A_1195, %lt3A_1196 : vector<100x1024xi1>
    %or3A_1198 = arith.ori %gt3A_1194, %and3A_1197 : vector<100x1024xi1>
    %eq3A_1199 = vector.broadcast %xor3A_1175 : vector<1x1024xi1> to vector<100x1024xi1>
    %eq3A_1200 = vector.broadcast %eq3A_1199 : vector<100x1024xi1> to vector<100x1024xi1>
    %eq3A_1201 = arith.xori %or3A_1198, %eq3A_1200 : vector<100x1024xi1>
    %eq3A_1202 = arith.constant dense<true> : vector<100x1024xi1>
    %eq3A_1203 = arith.xori %eq3A_1201, %eq3A_1202 : vector<100x1024xi1>
    %select_n3A_1204 = arith.select %eq3A_1203, %select_n3A_1161, %select_n3A_1184 : vector<100x1024xi1>, vector<100x1024xi32>
    %select_n3A_1205 = arith.select %eq3A_1203, %select_n3A_1162, %select_n3A_1193 : vector<100x1024xi1>, vector<100x1024xi32>
    %and3A_1206 = arith.constant 128 : i32
    %and3A_1207 = vector.broadcast %and3A_1206 : i32 to vector<1x1024xi32>
    %and3A_1208 = arith.andi %iota3A_7, %and3A_1207 : vector<1x1024xi32>
    %ne3A_1209 = arith.constant 0 : i32
    %ne3A_1210 = vector.broadcast %ne3A_1209 : i32 to vector<1x1024xi32>
    %ne3A_1211 = arith.cmpi ne, %and3A_1208, %ne3A_1210 : vector<1x1024xi32>
    %and3A_1212 = arith.constant 256 : i32
    %and3A_1213 = vector.broadcast %and3A_1212 : i32 to vector<1x1024xi32>
    %and3A_1214 = arith.andi %iota3A_7, %and3A_1213 : vector<1x1024xi32>
    %eq3A_1215 = arith.constant 0 : i32
    %eq3A_1216 = vector.broadcast %eq3A_1215 : i32 to vector<1x1024xi32>
    %eq3A_1217 = arith.cmpi eq, %and3A_1214, %eq3A_1216 : vector<1x1024xi32>
    %xor3A_1218 = arith.xori %eq3A_1217, %ne3A_1211 : vector<1x1024xi1>
    %slice3A_1219 = vector.extract_strided_slice %select_n3A_1204 {offsets = [0, 896], sizes = [100, 128], strides = [1, 1]} : vector<100x1024xi32> to vector<100x128xi32>
    %slice3A_1220 = vector.extract_strided_slice %select_n3A_1204 {offsets = [0, 0], sizes = [100, 896], strides = [1, 1]} : vector<100x1024xi32> to vector<100x896xi32>
    %concatenate3A_1221 = tpu.concatenate %slice3A_1219, %slice3A_1220 in 1 : vector<100x128xi32>, vector<100x896xi32> -> vector<100x1024xi32>
    %slice3A_1222 = vector.extract_strided_slice %select_n3A_1204 {offsets = [0, 128], sizes = [100, 896], strides = [1, 1]} : vector<100x1024xi32> to vector<100x896xi32>
    %slice3A_1223 = vector.extract_strided_slice %select_n3A_1204 {offsets = [0, 0], sizes = [100, 128], strides = [1, 1]} : vector<100x1024xi32> to vector<100x128xi32>
    %concatenate3A_1224 = tpu.concatenate %slice3A_1222, %slice3A_1223 in 1 : vector<100x896xi32>, vector<100x128xi32> -> vector<100x1024xi32>
    %broadcast_in_dim3A_1225 = vector.shape_cast %ne3A_1211 : vector<1x1024xi1> to vector<1x1024xi1>
    %broadcast_in_dim3A_1226 = vector.broadcast %broadcast_in_dim3A_1225 : vector<1x1024xi1> to vector<100x1024xi1>
    %select_n3A_1227 = arith.select %broadcast_in_dim3A_1226, %concatenate3A_1221, %concatenate3A_1224 : vector<100x1024xi1>, vector<100x1024xi32>
    %slice3A_1228 = vector.extract_strided_slice %select_n3A_1205 {offsets = [0, 896], sizes = [100, 128], strides = [1, 1]} : vector<100x1024xi32> to vector<100x128xi32>
    %slice3A_1229 = vector.extract_strided_slice %select_n3A_1205 {offsets = [0, 0], sizes = [100, 896], strides = [1, 1]} : vector<100x1024xi32> to vector<100x896xi32>
    %concatenate3A_1230 = tpu.concatenate %slice3A_1228, %slice3A_1229 in 1 : vector<100x128xi32>, vector<100x896xi32> -> vector<100x1024xi32>
    %slice3A_1231 = vector.extract_strided_slice %select_n3A_1205 {offsets = [0, 128], sizes = [100, 896], strides = [1, 1]} : vector<100x1024xi32> to vector<100x896xi32>
    %slice3A_1232 = vector.extract_strided_slice %select_n3A_1205 {offsets = [0, 0], sizes = [100, 128], strides = [1, 1]} : vector<100x1024xi32> to vector<100x128xi32>
    %concatenate3A_1233 = tpu.concatenate %slice3A_1231, %slice3A_1232 in 1 : vector<100x896xi32>, vector<100x128xi32> -> vector<100x1024xi32>
    %broadcast_in_dim3A_1234 = vector.shape_cast %ne3A_1211 : vector<1x1024xi1> to vector<1x1024xi1>
    %broadcast_in_dim3A_1235 = vector.broadcast %broadcast_in_dim3A_1234 : vector<1x1024xi1> to vector<100x1024xi1>
    %select_n3A_1236 = arith.select %broadcast_in_dim3A_1235, %concatenate3A_1230, %concatenate3A_1233 : vector<100x1024xi1>, vector<100x1024xi32>
    %gt3A_1237 = arith.cmpi sgt, %select_n3A_1204, %select_n3A_1227 : vector<100x1024xi32>
    %eq3A_1238 = arith.cmpi eq, %select_n3A_1204, %select_n3A_1227 : vector<100x1024xi32>
    %lt3A_1239 = arith.cmpi slt, %select_n3A_1205, %select_n3A_1236 : vector<100x1024xi32>
    %and3A_1240 = arith.andi %eq3A_1238, %lt3A_1239 : vector<100x1024xi1>
    %or3A_1241 = arith.ori %gt3A_1237, %and3A_1240 : vector<100x1024xi1>
    %eq3A_1242 = vector.broadcast %xor3A_1218 : vector<1x1024xi1> to vector<100x1024xi1>
    %eq3A_1243 = vector.broadcast %eq3A_1242 : vector<100x1024xi1> to vector<100x1024xi1>
    %eq3A_1244 = arith.xori %or3A_1241, %eq3A_1243 : vector<100x1024xi1>
    %eq3A_1245 = arith.constant dense<true> : vector<100x1024xi1>
    %eq3A_1246 = arith.xori %eq3A_1244, %eq3A_1245 : vector<100x1024xi1>
    %select_n3A_1247 = arith.select %eq3A_1246, %select_n3A_1204, %select_n3A_1227 : vector<100x1024xi1>, vector<100x1024xi32>
    %select_n3A_1248 = arith.select %eq3A_1246, %select_n3A_1205, %select_n3A_1236 : vector<100x1024xi1>, vector<100x1024xi32>
    %and3A_1249 = arith.constant 64 : i32
    %and3A_1250 = vector.broadcast %and3A_1249 : i32 to vector<1x1024xi32>
    %and3A_1251 = arith.andi %iota3A_7, %and3A_1250 : vector<1x1024xi32>
    %ne3A_1252 = arith.constant 0 : i32
    %ne3A_1253 = vector.broadcast %ne3A_1252 : i32 to vector<1x1024xi32>
    %ne3A_1254 = arith.cmpi ne, %and3A_1251, %ne3A_1253 : vector<1x1024xi32>
    %and3A_1255 = arith.constant 256 : i32
    %and3A_1256 = vector.broadcast %and3A_1255 : i32 to vector<1x1024xi32>
    %and3A_1257 = arith.andi %iota3A_7, %and3A_1256 : vector<1x1024xi32>
    %eq3A_1258 = arith.constant 0 : i32
    %eq3A_1259 = vector.broadcast %eq3A_1258 : i32 to vector<1x1024xi32>
    %eq3A_1260 = arith.cmpi eq, %and3A_1257, %eq3A_1259 : vector<1x1024xi32>
    %xor3A_1261 = arith.xori %eq3A_1260, %ne3A_1254 : vector<1x1024xi1>
    %slice3A_1262 = vector.extract_strided_slice %select_n3A_1247 {offsets = [0, 960], sizes = [100, 64], strides = [1, 1]} : vector<100x1024xi32> to vector<100x64xi32>
    %slice3A_1263 = vector.extract_strided_slice %select_n3A_1247 {offsets = [0, 0], sizes = [100, 960], strides = [1, 1]} : vector<100x1024xi32> to vector<100x960xi32>
    %concatenate3A_1264 = tpu.concatenate %slice3A_1262, %slice3A_1263 in 1 : vector<100x64xi32>, vector<100x960xi32> -> vector<100x1024xi32>
    %slice3A_1265 = vector.extract_strided_slice %select_n3A_1247 {offsets = [0, 64], sizes = [100, 960], strides = [1, 1]} : vector<100x1024xi32> to vector<100x960xi32>
    %slice3A_1266 = vector.extract_strided_slice %select_n3A_1247 {offsets = [0, 0], sizes = [100, 64], strides = [1, 1]} : vector<100x1024xi32> to vector<100x64xi32>
    %concatenate3A_1267 = tpu.concatenate %slice3A_1265, %slice3A_1266 in 1 : vector<100x960xi32>, vector<100x64xi32> -> vector<100x1024xi32>
    %broadcast_in_dim3A_1268 = vector.shape_cast %ne3A_1254 : vector<1x1024xi1> to vector<1x1024xi1>
    %broadcast_in_dim3A_1269 = vector.broadcast %broadcast_in_dim3A_1268 : vector<1x1024xi1> to vector<100x1024xi1>
    %select_n3A_1270 = arith.select %broadcast_in_dim3A_1269, %concatenate3A_1264, %concatenate3A_1267 : vector<100x1024xi1>, vector<100x1024xi32>
    %slice3A_1271 = vector.extract_strided_slice %select_n3A_1248 {offsets = [0, 960], sizes = [100, 64], strides = [1, 1]} : vector<100x1024xi32> to vector<100x64xi32>
    %slice3A_1272 = vector.extract_strided_slice %select_n3A_1248 {offsets = [0, 0], sizes = [100, 960], strides = [1, 1]} : vector<100x1024xi32> to vector<100x960xi32>
    %concatenate3A_1273 = tpu.concatenate %slice3A_1271, %slice3A_1272 in 1 : vector<100x64xi32>, vector<100x960xi32> -> vector<100x1024xi32>
    %slice3A_1274 = vector.extract_strided_slice %select_n3A_1248 {offsets = [0, 64], sizes = [100, 960], strides = [1, 1]} : vector<100x1024xi32> to vector<100x960xi32>
    %slice3A_1275 = vector.extract_strided_slice %select_n3A_1248 {offsets = [0, 0], sizes = [100, 64], strides = [1, 1]} : vector<100x1024xi32> to vector<100x64xi32>
    %concatenate3A_1276 = tpu.concatenate %slice3A_1274, %slice3A_1275 in 1 : vector<100x960xi32>, vector<100x64xi32> -> vector<100x1024xi32>
    %broadcast_in_dim3A_1277 = vector.shape_cast %ne3A_1254 : vector<1x1024xi1> to vector<1x1024xi1>
    %broadcast_in_dim3A_1278 = vector.broadcast %broadcast_in_dim3A_1277 : vector<1x1024xi1> to vector<100x1024xi1>
    %select_n3A_1279 = arith.select %broadcast_in_dim3A_1278, %concatenate3A_1273, %concatenate3A_1276 : vector<100x1024xi1>, vector<100x1024xi32>
    %gt3A_1280 = arith.cmpi sgt, %select_n3A_1247, %select_n3A_1270 : vector<100x1024xi32>
    %eq3A_1281 = arith.cmpi eq, %select_n3A_1247, %select_n3A_1270 : vector<100x1024xi32>
    %lt3A_1282 = arith.cmpi slt, %select_n3A_1248, %select_n3A_1279 : vector<100x1024xi32>
    %and3A_1283 = arith.andi %eq3A_1281, %lt3A_1282 : vector<100x1024xi1>
    %or3A_1284 = arith.ori %gt3A_1280, %and3A_1283 : vector<100x1024xi1>
    %eq3A_1285 = vector.broadcast %xor3A_1261 : vector<1x1024xi1> to vector<100x1024xi1>
    %eq3A_1286 = vector.broadcast %eq3A_1285 : vector<100x1024xi1> to vector<100x1024xi1>
    %eq3A_1287 = arith.xori %or3A_1284, %eq3A_1286 : vector<100x1024xi1>
    %eq3A_1288 = arith.constant dense<true> : vector<100x1024xi1>
    %eq3A_1289 = arith.xori %eq3A_1287, %eq3A_1288 : vector<100x1024xi1>
    %select_n3A_1290 = arith.select %eq3A_1289, %select_n3A_1247, %select_n3A_1270 : vector<100x1024xi1>, vector<100x1024xi32>
    %select_n3A_1291 = arith.select %eq3A_1289, %select_n3A_1248, %select_n3A_1279 : vector<100x1024xi1>, vector<100x1024xi32>
    %and3A_1292 = arith.constant 32 : i32
    %and3A_1293 = vector.broadcast %and3A_1292 : i32 to vector<1x1024xi32>
    %and3A_1294 = arith.andi %iota3A_7, %and3A_1293 : vector<1x1024xi32>
    %ne3A_1295 = arith.constant 0 : i32
    %ne3A_1296 = vector.broadcast %ne3A_1295 : i32 to vector<1x1024xi32>
    %ne3A_1297 = arith.cmpi ne, %and3A_1294, %ne3A_1296 : vector<1x1024xi32>
    %and3A_1298 = arith.constant 256 : i32
    %and3A_1299 = vector.broadcast %and3A_1298 : i32 to vector<1x1024xi32>
    %and3A_1300 = arith.andi %iota3A_7, %and3A_1299 : vector<1x1024xi32>
    %eq3A_1301 = arith.constant 0 : i32
    %eq3A_1302 = vector.broadcast %eq3A_1301 : i32 to vector<1x1024xi32>
    %eq3A_1303 = arith.cmpi eq, %and3A_1300, %eq3A_1302 : vector<1x1024xi32>
    %xor3A_1304 = arith.xori %eq3A_1303, %ne3A_1297 : vector<1x1024xi1>
    %slice3A_1305 = vector.extract_strided_slice %select_n3A_1290 {offsets = [0, 992], sizes = [100, 32], strides = [1, 1]} : vector<100x1024xi32> to vector<100x32xi32>
    %slice3A_1306 = vector.extract_strided_slice %select_n3A_1290 {offsets = [0, 0], sizes = [100, 992], strides = [1, 1]} : vector<100x1024xi32> to vector<100x992xi32>
    %concatenate3A_1307 = tpu.concatenate %slice3A_1305, %slice3A_1306 in 1 : vector<100x32xi32>, vector<100x992xi32> -> vector<100x1024xi32>
    %slice3A_1308 = vector.extract_strided_slice %select_n3A_1290 {offsets = [0, 32], sizes = [100, 992], strides = [1, 1]} : vector<100x1024xi32> to vector<100x992xi32>
    %slice3A_1309 = vector.extract_strided_slice %select_n3A_1290 {offsets = [0, 0], sizes = [100, 32], strides = [1, 1]} : vector<100x1024xi32> to vector<100x32xi32>
    %concatenate3A_1310 = tpu.concatenate %slice3A_1308, %slice3A_1309 in 1 : vector<100x992xi32>, vector<100x32xi32> -> vector<100x1024xi32>
    %broadcast_in_dim3A_1311 = vector.shape_cast %ne3A_1297 : vector<1x1024xi1> to vector<1x1024xi1>
    %broadcast_in_dim3A_1312 = vector.broadcast %broadcast_in_dim3A_1311 : vector<1x1024xi1> to vector<100x1024xi1>
    %select_n3A_1313 = arith.select %broadcast_in_dim3A_1312, %concatenate3A_1307, %concatenate3A_1310 : vector<100x1024xi1>, vector<100x1024xi32>
    %slice3A_1314 = vector.extract_strided_slice %select_n3A_1291 {offsets = [0, 992], sizes = [100, 32], strides = [1, 1]} : vector<100x1024xi32> to vector<100x32xi32>
    %slice3A_1315 = vector.extract_strided_slice %select_n3A_1291 {offsets = [0, 0], sizes = [100, 992], strides = [1, 1]} : vector<100x1024xi32> to vector<100x992xi32>
    %concatenate3A_1316 = tpu.concatenate %slice3A_1314, %slice3A_1315 in 1 : vector<100x32xi32>, vector<100x992xi32> -> vector<100x1024xi32>
    %slice3A_1317 = vector.extract_strided_slice %select_n3A_1291 {offsets = [0, 32], sizes = [100, 992], strides = [1, 1]} : vector<100x1024xi32> to vector<100x992xi32>
    %slice3A_1318 = vector.extract_strided_slice %select_n3A_1291 {offsets = [0, 0], sizes = [100, 32], strides = [1, 1]} : vector<100x1024xi32> to vector<100x32xi32>
    %concatenate3A_1319 = tpu.concatenate %slice3A_1317, %slice3A_1318 in 1 : vector<100x992xi32>, vector<100x32xi32> -> vector<100x1024xi32>
    %broadcast_in_dim3A_1320 = vector.shape_cast %ne3A_1297 : vector<1x1024xi1> to vector<1x1024xi1>
    %broadcast_in_dim3A_1321 = vector.broadcast %broadcast_in_dim3A_1320 : vector<1x1024xi1> to vector<100x1024xi1>
    %select_n3A_1322 = arith.select %broadcast_in_dim3A_1321, %concatenate3A_1316, %concatenate3A_1319 : vector<100x1024xi1>, vector<100x1024xi32>
    %gt3A_1323 = arith.cmpi sgt, %select_n3A_1290, %select_n3A_1313 : vector<100x1024xi32>
    %eq3A_1324 = arith.cmpi eq, %select_n3A_1290, %select_n3A_1313 : vector<100x1024xi32>
    %lt3A_1325 = arith.cmpi slt, %select_n3A_1291, %select_n3A_1322 : vector<100x1024xi32>
    %and3A_1326 = arith.andi %eq3A_1324, %lt3A_1325 : vector<100x1024xi1>
    %or3A_1327 = arith.ori %gt3A_1323, %and3A_1326 : vector<100x1024xi1>
    %eq3A_1328 = vector.broadcast %xor3A_1304 : vector<1x1024xi1> to vector<100x1024xi1>
    %eq3A_1329 = vector.broadcast %eq3A_1328 : vector<100x1024xi1> to vector<100x1024xi1>
    %eq3A_1330 = arith.xori %or3A_1327, %eq3A_1329 : vector<100x1024xi1>
    %eq3A_1331 = arith.constant dense<true> : vector<100x1024xi1>
    %eq3A_1332 = arith.xori %eq3A_1330, %eq3A_1331 : vector<100x1024xi1>
    %select_n3A_1333 = arith.select %eq3A_1332, %select_n3A_1290, %select_n3A_1313 : vector<100x1024xi1>, vector<100x1024xi32>
    %select_n3A_1334 = arith.select %eq3A_1332, %select_n3A_1291, %select_n3A_1322 : vector<100x1024xi1>, vector<100x1024xi32>
    %and3A_1335 = arith.constant 16 : i32
    %and3A_1336 = vector.broadcast %and3A_1335 : i32 to vector<1x1024xi32>
    %and3A_1337 = arith.andi %iota3A_7, %and3A_1336 : vector<1x1024xi32>
    %ne3A_1338 = arith.constant 0 : i32
    %ne3A_1339 = vector.broadcast %ne3A_1338 : i32 to vector<1x1024xi32>
    %ne3A_1340 = arith.cmpi ne, %and3A_1337, %ne3A_1339 : vector<1x1024xi32>
    %and3A_1341 = arith.constant 256 : i32
    %and3A_1342 = vector.broadcast %and3A_1341 : i32 to vector<1x1024xi32>
    %and3A_1343 = arith.andi %iota3A_7, %and3A_1342 : vector<1x1024xi32>
    %eq3A_1344 = arith.constant 0 : i32
    %eq3A_1345 = vector.broadcast %eq3A_1344 : i32 to vector<1x1024xi32>
    %eq3A_1346 = arith.cmpi eq, %and3A_1343, %eq3A_1345 : vector<1x1024xi32>
    %xor3A_1347 = arith.xori %eq3A_1346, %ne3A_1340 : vector<1x1024xi1>
    %slice3A_1348 = vector.extract_strided_slice %select_n3A_1333 {offsets = [0, 1008], sizes = [100, 16], strides = [1, 1]} : vector<100x1024xi32> to vector<100x16xi32>
    %slice3A_1349 = vector.extract_strided_slice %select_n3A_1333 {offsets = [0, 0], sizes = [100, 1008], strides = [1, 1]} : vector<100x1024xi32> to vector<100x1008xi32>
    %concatenate3A_1350 = tpu.concatenate %slice3A_1348, %slice3A_1349 in 1 : vector<100x16xi32>, vector<100x1008xi32> -> vector<100x1024xi32>
    %slice3A_1351 = vector.extract_strided_slice %select_n3A_1333 {offsets = [0, 16], sizes = [100, 1008], strides = [1, 1]} : vector<100x1024xi32> to vector<100x1008xi32>
    %slice3A_1352 = vector.extract_strided_slice %select_n3A_1333 {offsets = [0, 0], sizes = [100, 16], strides = [1, 1]} : vector<100x1024xi32> to vector<100x16xi32>
    %concatenate3A_1353 = tpu.concatenate %slice3A_1351, %slice3A_1352 in 1 : vector<100x1008xi32>, vector<100x16xi32> -> vector<100x1024xi32>
    %broadcast_in_dim3A_1354 = vector.shape_cast %ne3A_1340 : vector<1x1024xi1> to vector<1x1024xi1>
    %broadcast_in_dim3A_1355 = vector.broadcast %broadcast_in_dim3A_1354 : vector<1x1024xi1> to vector<100x1024xi1>
    %select_n3A_1356 = arith.select %broadcast_in_dim3A_1355, %concatenate3A_1350, %concatenate3A_1353 : vector<100x1024xi1>, vector<100x1024xi32>
    %slice3A_1357 = vector.extract_strided_slice %select_n3A_1334 {offsets = [0, 1008], sizes = [100, 16], strides = [1, 1]} : vector<100x1024xi32> to vector<100x16xi32>
    %slice3A_1358 = vector.extract_strided_slice %select_n3A_1334 {offsets = [0, 0], sizes = [100, 1008], strides = [1, 1]} : vector<100x1024xi32> to vector<100x1008xi32>
    %concatenate3A_1359 = tpu.concatenate %slice3A_1357, %slice3A_1358 in 1 : vector<100x16xi32>, vector<100x1008xi32> -> vector<100x1024xi32>
    %slice3A_1360 = vector.extract_strided_slice %select_n3A_1334 {offsets = [0, 16], sizes = [100, 1008], strides = [1, 1]} : vector<100x1024xi32> to vector<100x1008xi32>
    %slice3A_1361 = vector.extract_strided_slice %select_n3A_1334 {offsets = [0, 0], sizes = [100, 16], strides = [1, 1]} : vector<100x1024xi32> to vector<100x16xi32>
    %concatenate3A_1362 = tpu.concatenate %slice3A_1360, %slice3A_1361 in 1 : vector<100x1008xi32>, vector<100x16xi32> -> vector<100x1024xi32>
    %broadcast_in_dim3A_1363 = vector.shape_cast %ne3A_1340 : vector<1x1024xi1> to vector<1x1024xi1>
    %broadcast_in_dim3A_1364 = vector.broadcast %broadcast_in_dim3A_1363 : vector<1x1024xi1> to vector<100x1024xi1>
    %select_n3A_1365 = arith.select %broadcast_in_dim3A_1364, %concatenate3A_1359, %concatenate3A_1362 : vector<100x1024xi1>, vector<100x1024xi32>
    %gt3A_1366 = arith.cmpi sgt, %select_n3A_1333, %select_n3A_1356 : vector<100x1024xi32>
    %eq3A_1367 = arith.cmpi eq, %select_n3A_1333, %select_n3A_1356 : vector<100x1024xi32>
    %lt3A_1368 = arith.cmpi slt, %select_n3A_1334, %select_n3A_1365 : vector<100x1024xi32>
    %and3A_1369 = arith.andi %eq3A_1367, %lt3A_1368 : vector<100x1024xi1>
    %or3A_1370 = arith.ori %gt3A_1366, %and3A_1369 : vector<100x1024xi1>
    %eq3A_1371 = vector.broadcast %xor3A_1347 : vector<1x1024xi1> to vector<100x1024xi1>
    %eq3A_1372 = vector.broadcast %eq3A_1371 : vector<100x1024xi1> to vector<100x1024xi1>
    %eq3A_1373 = arith.xori %or3A_1370, %eq3A_1372 : vector<100x1024xi1>
    %eq3A_1374 = arith.constant dense<true> : vector<100x1024xi1>
    %eq3A_1375 = arith.xori %eq3A_1373, %eq3A_1374 : vector<100x1024xi1>
    %select_n3A_1376 = arith.select %eq3A_1375, %select_n3A_1333, %select_n3A_1356 : vector<100x1024xi1>, vector<100x1024xi32>
    %select_n3A_1377 = arith.select %eq3A_1375, %select_n3A_1334, %select_n3A_1365 : vector<100x1024xi1>, vector<100x1024xi32>
    %and3A_1378 = arith.constant 8 : i32
    %and3A_1379 = vector.broadcast %and3A_1378 : i32 to vector<1x1024xi32>
    %and3A_1380 = arith.andi %iota3A_7, %and3A_1379 : vector<1x1024xi32>
    %ne3A_1381 = arith.constant 0 : i32
    %ne3A_1382 = vector.broadcast %ne3A_1381 : i32 to vector<1x1024xi32>
    %ne3A_1383 = arith.cmpi ne, %and3A_1380, %ne3A_1382 : vector<1x1024xi32>
    %and3A_1384 = arith.constant 256 : i32
    %and3A_1385 = vector.broadcast %and3A_1384 : i32 to vector<1x1024xi32>
    %and3A_1386 = arith.andi %iota3A_7, %and3A_1385 : vector<1x1024xi32>
    %eq3A_1387 = arith.constant 0 : i32
    %eq3A_1388 = vector.broadcast %eq3A_1387 : i32 to vector<1x1024xi32>
    %eq3A_1389 = arith.cmpi eq, %and3A_1386, %eq3A_1388 : vector<1x1024xi32>
    %xor3A_1390 = arith.xori %eq3A_1389, %ne3A_1383 : vector<1x1024xi1>
    %slice3A_1391 = vector.extract_strided_slice %select_n3A_1376 {offsets = [0, 1016], sizes = [100, 8], strides = [1, 1]} : vector<100x1024xi32> to vector<100x8xi32>
    %slice3A_1392 = vector.extract_strided_slice %select_n3A_1376 {offsets = [0, 0], sizes = [100, 1016], strides = [1, 1]} : vector<100x1024xi32> to vector<100x1016xi32>
    %concatenate3A_1393 = tpu.concatenate %slice3A_1391, %slice3A_1392 in 1 : vector<100x8xi32>, vector<100x1016xi32> -> vector<100x1024xi32>
    %slice3A_1394 = vector.extract_strided_slice %select_n3A_1376 {offsets = [0, 8], sizes = [100, 1016], strides = [1, 1]} : vector<100x1024xi32> to vector<100x1016xi32>
    %slice3A_1395 = vector.extract_strided_slice %select_n3A_1376 {offsets = [0, 0], sizes = [100, 8], strides = [1, 1]} : vector<100x1024xi32> to vector<100x8xi32>
    %concatenate3A_1396 = tpu.concatenate %slice3A_1394, %slice3A_1395 in 1 : vector<100x1016xi32>, vector<100x8xi32> -> vector<100x1024xi32>
    %broadcast_in_dim3A_1397 = vector.shape_cast %ne3A_1383 : vector<1x1024xi1> to vector<1x1024xi1>
    %broadcast_in_dim3A_1398 = vector.broadcast %broadcast_in_dim3A_1397 : vector<1x1024xi1> to vector<100x1024xi1>
    %select_n3A_1399 = arith.select %broadcast_in_dim3A_1398, %concatenate3A_1393, %concatenate3A_1396 : vector<100x1024xi1>, vector<100x1024xi32>
    %slice3A_1400 = vector.extract_strided_slice %select_n3A_1377 {offsets = [0, 1016], sizes = [100, 8], strides = [1, 1]} : vector<100x1024xi32> to vector<100x8xi32>
    %slice3A_1401 = vector.extract_strided_slice %select_n3A_1377 {offsets = [0, 0], sizes = [100, 1016], strides = [1, 1]} : vector<100x1024xi32> to vector<100x1016xi32>
    %concatenate3A_1402 = tpu.concatenate %slice3A_1400, %slice3A_1401 in 1 : vector<100x8xi32>, vector<100x1016xi32> -> vector<100x1024xi32>
    %slice3A_1403 = vector.extract_strided_slice %select_n3A_1377 {offsets = [0, 8], sizes = [100, 1016], strides = [1, 1]} : vector<100x1024xi32> to vector<100x1016xi32>
    %slice3A_1404 = vector.extract_strided_slice %select_n3A_1377 {offsets = [0, 0], sizes = [100, 8], strides = [1, 1]} : vector<100x1024xi32> to vector<100x8xi32>
    %concatenate3A_1405 = tpu.concatenate %slice3A_1403, %slice3A_1404 in 1 : vector<100x1016xi32>, vector<100x8xi32> -> vector<100x1024xi32>
    %broadcast_in_dim3A_1406 = vector.shape_cast %ne3A_1383 : vector<1x1024xi1> to vector<1x1024xi1>
    %broadcast_in_dim3A_1407 = vector.broadcast %broadcast_in_dim3A_1406 : vector<1x1024xi1> to vector<100x1024xi1>
    %select_n3A_1408 = arith.select %broadcast_in_dim3A_1407, %concatenate3A_1402, %concatenate3A_1405 : vector<100x1024xi1>, vector<100x1024xi32>
    %gt3A_1409 = arith.cmpi sgt, %select_n3A_1376, %select_n3A_1399 : vector<100x1024xi32>
    %eq3A_1410 = arith.cmpi eq, %select_n3A_1376, %select_n3A_1399 : vector<100x1024xi32>
    %lt3A_1411 = arith.cmpi slt, %select_n3A_1377, %select_n3A_1408 : vector<100x1024xi32>
    %and3A_1412 = arith.andi %eq3A_1410, %lt3A_1411 : vector<100x1024xi1>
    %or3A_1413 = arith.ori %gt3A_1409, %and3A_1412 : vector<100x1024xi1>
    %eq3A_1414 = vector.broadcast %xor3A_1390 : vector<1x1024xi1> to vector<100x1024xi1>
    %eq3A_1415 = vector.broadcast %eq3A_1414 : vector<100x1024xi1> to vector<100x1024xi1>
    %eq3A_1416 = arith.xori %or3A_1413, %eq3A_1415 : vector<100x1024xi1>
    %eq3A_1417 = arith.constant dense<true> : vector<100x1024xi1>
    %eq3A_1418 = arith.xori %eq3A_1416, %eq3A_1417 : vector<100x1024xi1>
    %select_n3A_1419 = arith.select %eq3A_1418, %select_n3A_1376, %select_n3A_1399 : vector<100x1024xi1>, vector<100x1024xi32>
    %select_n3A_1420 = arith.select %eq3A_1418, %select_n3A_1377, %select_n3A_1408 : vector<100x1024xi1>, vector<100x1024xi32>
    %and3A_1421 = arith.constant 4 : i32
    %and3A_1422 = vector.broadcast %and3A_1421 : i32 to vector<1x1024xi32>
    %and3A_1423 = arith.andi %iota3A_7, %and3A_1422 : vector<1x1024xi32>
    %ne3A_1424 = arith.constant 0 : i32
    %ne3A_1425 = vector.broadcast %ne3A_1424 : i32 to vector<1x1024xi32>
    %ne3A_1426 = arith.cmpi ne, %and3A_1423, %ne3A_1425 : vector<1x1024xi32>
    %and3A_1427 = arith.constant 256 : i32
    %and3A_1428 = vector.broadcast %and3A_1427 : i32 to vector<1x1024xi32>
    %and3A_1429 = arith.andi %iota3A_7, %and3A_1428 : vector<1x1024xi32>
    %eq3A_1430 = arith.constant 0 : i32
    %eq3A_1431 = vector.broadcast %eq3A_1430 : i32 to vector<1x1024xi32>
    %eq3A_1432 = arith.cmpi eq, %and3A_1429, %eq3A_1431 : vector<1x1024xi32>
    %xor3A_1433 = arith.xori %eq3A_1432, %ne3A_1426 : vector<1x1024xi1>
    %slice3A_1434 = vector.extract_strided_slice %select_n3A_1419 {offsets = [0, 1020], sizes = [100, 4], strides = [1, 1]} : vector<100x1024xi32> to vector<100x4xi32>
    %slice3A_1435 = vector.extract_strided_slice %select_n3A_1419 {offsets = [0, 0], sizes = [100, 1020], strides = [1, 1]} : vector<100x1024xi32> to vector<100x1020xi32>
    %concatenate3A_1436 = tpu.concatenate %slice3A_1434, %slice3A_1435 in 1 : vector<100x4xi32>, vector<100x1020xi32> -> vector<100x1024xi32>
    %slice3A_1437 = vector.extract_strided_slice %select_n3A_1419 {offsets = [0, 4], sizes = [100, 1020], strides = [1, 1]} : vector<100x1024xi32> to vector<100x1020xi32>
    %slice3A_1438 = vector.extract_strided_slice %select_n3A_1419 {offsets = [0, 0], sizes = [100, 4], strides = [1, 1]} : vector<100x1024xi32> to vector<100x4xi32>
    %concatenate3A_1439 = tpu.concatenate %slice3A_1437, %slice3A_1438 in 1 : vector<100x1020xi32>, vector<100x4xi32> -> vector<100x1024xi32>
    %broadcast_in_dim3A_1440 = vector.shape_cast %ne3A_1426 : vector<1x1024xi1> to vector<1x1024xi1>
    %broadcast_in_dim3A_1441 = vector.broadcast %broadcast_in_dim3A_1440 : vector<1x1024xi1> to vector<100x1024xi1>
    %select_n3A_1442 = arith.select %broadcast_in_dim3A_1441, %concatenate3A_1436, %concatenate3A_1439 : vector<100x1024xi1>, vector<100x1024xi32>
    %slice3A_1443 = vector.extract_strided_slice %select_n3A_1420 {offsets = [0, 1020], sizes = [100, 4], strides = [1, 1]} : vector<100x1024xi32> to vector<100x4xi32>
    %slice3A_1444 = vector.extract_strided_slice %select_n3A_1420 {offsets = [0, 0], sizes = [100, 1020], strides = [1, 1]} : vector<100x1024xi32> to vector<100x1020xi32>
    %concatenate3A_1445 = tpu.concatenate %slice3A_1443, %slice3A_1444 in 1 : vector<100x4xi32>, vector<100x1020xi32> -> vector<100x1024xi32>
    %slice3A_1446 = vector.extract_strided_slice %select_n3A_1420 {offsets = [0, 4], sizes = [100, 1020], strides = [1, 1]} : vector<100x1024xi32> to vector<100x1020xi32>
    %slice3A_1447 = vector.extract_strided_slice %select_n3A_1420 {offsets = [0, 0], sizes = [100, 4], strides = [1, 1]} : vector<100x1024xi32> to vector<100x4xi32>
    %concatenate3A_1448 = tpu.concatenate %slice3A_1446, %slice3A_1447 in 1 : vector<100x1020xi32>, vector<100x4xi32> -> vector<100x1024xi32>
    %broadcast_in_dim3A_1449 = vector.shape_cast %ne3A_1426 : vector<1x1024xi1> to vector<1x1024xi1>
    %broadcast_in_dim3A_1450 = vector.broadcast %broadcast_in_dim3A_1449 : vector<1x1024xi1> to vector<100x1024xi1>
    %select_n3A_1451 = arith.select %broadcast_in_dim3A_1450, %concatenate3A_1445, %concatenate3A_1448 : vector<100x1024xi1>, vector<100x1024xi32>
    %gt3A_1452 = arith.cmpi sgt, %select_n3A_1419, %select_n3A_1442 : vector<100x1024xi32>
    %eq3A_1453 = arith.cmpi eq, %select_n3A_1419, %select_n3A_1442 : vector<100x1024xi32>
    %lt3A_1454 = arith.cmpi slt, %select_n3A_1420, %select_n3A_1451 : vector<100x1024xi32>
    %and3A_1455 = arith.andi %eq3A_1453, %lt3A_1454 : vector<100x1024xi1>
    %or3A_1456 = arith.ori %gt3A_1452, %and3A_1455 : vector<100x1024xi1>
    %eq3A_1457 = vector.broadcast %xor3A_1433 : vector<1x1024xi1> to vector<100x1024xi1>
    %eq3A_1458 = vector.broadcast %eq3A_1457 : vector<100x1024xi1> to vector<100x1024xi1>
    %eq3A_1459 = arith.xori %or3A_1456, %eq3A_1458 : vector<100x1024xi1>
    %eq3A_1460 = arith.constant dense<true> : vector<100x1024xi1>
    %eq3A_1461 = arith.xori %eq3A_1459, %eq3A_1460 : vector<100x1024xi1>
    %select_n3A_1462 = arith.select %eq3A_1461, %select_n3A_1419, %select_n3A_1442 : vector<100x1024xi1>, vector<100x1024xi32>
    %select_n3A_1463 = arith.select %eq3A_1461, %select_n3A_1420, %select_n3A_1451 : vector<100x1024xi1>, vector<100x1024xi32>
    %and3A_1464 = arith.constant 2 : i32
    %and3A_1465 = vector.broadcast %and3A_1464 : i32 to vector<1x1024xi32>
    %and3A_1466 = arith.andi %iota3A_7, %and3A_1465 : vector<1x1024xi32>
    %ne3A_1467 = arith.constant 0 : i32
    %ne3A_1468 = vector.broadcast %ne3A_1467 : i32 to vector<1x1024xi32>
    %ne3A_1469 = arith.cmpi ne, %and3A_1466, %ne3A_1468 : vector<1x1024xi32>
    %and3A_1470 = arith.constant 256 : i32
    %and3A_1471 = vector.broadcast %and3A_1470 : i32 to vector<1x1024xi32>
    %and3A_1472 = arith.andi %iota3A_7, %and3A_1471 : vector<1x1024xi32>
    %eq3A_1473 = arith.constant 0 : i32
    %eq3A_1474 = vector.broadcast %eq3A_1473 : i32 to vector<1x1024xi32>
    %eq3A_1475 = arith.cmpi eq, %and3A_1472, %eq3A_1474 : vector<1x1024xi32>
    %xor3A_1476 = arith.xori %eq3A_1475, %ne3A_1469 : vector<1x1024xi1>
    %slice3A_1477 = vector.extract_strided_slice %select_n3A_1462 {offsets = [0, 1022], sizes = [100, 2], strides = [1, 1]} : vector<100x1024xi32> to vector<100x2xi32>
    %slice3A_1478 = vector.extract_strided_slice %select_n3A_1462 {offsets = [0, 0], sizes = [100, 1022], strides = [1, 1]} : vector<100x1024xi32> to vector<100x1022xi32>
    %concatenate3A_1479 = tpu.concatenate %slice3A_1477, %slice3A_1478 in 1 : vector<100x2xi32>, vector<100x1022xi32> -> vector<100x1024xi32>
    %slice3A_1480 = vector.extract_strided_slice %select_n3A_1462 {offsets = [0, 2], sizes = [100, 1022], strides = [1, 1]} : vector<100x1024xi32> to vector<100x1022xi32>
    %slice3A_1481 = vector.extract_strided_slice %select_n3A_1462 {offsets = [0, 0], sizes = [100, 2], strides = [1, 1]} : vector<100x1024xi32> to vector<100x2xi32>
    %concatenate3A_1482 = tpu.concatenate %slice3A_1480, %slice3A_1481 in 1 : vector<100x1022xi32>, vector<100x2xi32> -> vector<100x1024xi32>
    %broadcast_in_dim3A_1483 = vector.shape_cast %ne3A_1469 : vector<1x1024xi1> to vector<1x1024xi1>
    %broadcast_in_dim3A_1484 = vector.broadcast %broadcast_in_dim3A_1483 : vector<1x1024xi1> to vector<100x1024xi1>
    %select_n3A_1485 = arith.select %broadcast_in_dim3A_1484, %concatenate3A_1479, %concatenate3A_1482 : vector<100x1024xi1>, vector<100x1024xi32>
    %slice3A_1486 = vector.extract_strided_slice %select_n3A_1463 {offsets = [0, 1022], sizes = [100, 2], strides = [1, 1]} : vector<100x1024xi32> to vector<100x2xi32>
    %slice3A_1487 = vector.extract_strided_slice %select_n3A_1463 {offsets = [0, 0], sizes = [100, 1022], strides = [1, 1]} : vector<100x1024xi32> to vector<100x1022xi32>
    %concatenate3A_1488 = tpu.concatenate %slice3A_1486, %slice3A_1487 in 1 : vector<100x2xi32>, vector<100x1022xi32> -> vector<100x1024xi32>
    %slice3A_1489 = vector.extract_strided_slice %select_n3A_1463 {offsets = [0, 2], sizes = [100, 1022], strides = [1, 1]} : vector<100x1024xi32> to vector<100x1022xi32>
    %slice3A_1490 = vector.extract_strided_slice %select_n3A_1463 {offsets = [0, 0], sizes = [100, 2], strides = [1, 1]} : vector<100x1024xi32> to vector<100x2xi32>
    %concatenate3A_1491 = tpu.concatenate %slice3A_1489, %slice3A_1490 in 1 : vector<100x1022xi32>, vector<100x2xi32> -> vector<100x1024xi32>
    %broadcast_in_dim3A_1492 = vector.shape_cast %ne3A_1469 : vector<1x1024xi1> to vector<1x1024xi1>
    %broadcast_in_dim3A_1493 = vector.broadcast %broadcast_in_dim3A_1492 : vector<1x1024xi1> to vector<100x1024xi1>
    %select_n3A_1494 = arith.select %broadcast_in_dim3A_1493, %concatenate3A_1488, %concatenate3A_1491 : vector<100x1024xi1>, vector<100x1024xi32>
    %gt3A_1495 = arith.cmpi sgt, %select_n3A_1462, %select_n3A_1485 : vector<100x1024xi32>
    %eq3A_1496 = arith.cmpi eq, %select_n3A_1462, %select_n3A_1485 : vector<100x1024xi32>
    %lt3A_1497 = arith.cmpi slt, %select_n3A_1463, %select_n3A_1494 : vector<100x1024xi32>
    %and3A_1498 = arith.andi %eq3A_1496, %lt3A_1497 : vector<100x1024xi1>
    %or3A_1499 = arith.ori %gt3A_1495, %and3A_1498 : vector<100x1024xi1>
    %eq3A_1500 = vector.broadcast %xor3A_1476 : vector<1x1024xi1> to vector<100x1024xi1>
    %eq3A_1501 = vector.broadcast %eq3A_1500 : vector<100x1024xi1> to vector<100x1024xi1>
    %eq3A_1502 = arith.xori %or3A_1499, %eq3A_1501 : vector<100x1024xi1>
    %eq3A_1503 = arith.constant dense<true> : vector<100x1024xi1>
    %eq3A_1504 = arith.xori %eq3A_1502, %eq3A_1503 : vector<100x1024xi1>
    %select_n3A_1505 = arith.select %eq3A_1504, %select_n3A_1462, %select_n3A_1485 : vector<100x1024xi1>, vector<100x1024xi32>
    %select_n3A_1506 = arith.select %eq3A_1504, %select_n3A_1463, %select_n3A_1494 : vector<100x1024xi1>, vector<100x1024xi32>
    %and3A_1507 = arith.constant 1 : i32
    %and3A_1508 = vector.broadcast %and3A_1507 : i32 to vector<1x1024xi32>
    %and3A_1509 = arith.andi %iota3A_7, %and3A_1508 : vector<1x1024xi32>
    %ne3A_1510 = arith.constant 0 : i32
    %ne3A_1511 = vector.broadcast %ne3A_1510 : i32 to vector<1x1024xi32>
    %ne3A_1512 = arith.cmpi ne, %and3A_1509, %ne3A_1511 : vector<1x1024xi32>
    %and3A_1513 = arith.constant 256 : i32
    %and3A_1514 = vector.broadcast %and3A_1513 : i32 to vector<1x1024xi32>
    %and3A_1515 = arith.andi %iota3A_7, %and3A_1514 : vector<1x1024xi32>
    %eq3A_1516 = arith.constant 0 : i32
    %eq3A_1517 = vector.broadcast %eq3A_1516 : i32 to vector<1x1024xi32>
    %eq3A_1518 = arith.cmpi eq, %and3A_1515, %eq3A_1517 : vector<1x1024xi32>
    %xor3A_1519 = arith.xori %eq3A_1518, %ne3A_1512 : vector<1x1024xi1>
    %slice3A_1520 = vector.extract_strided_slice %select_n3A_1505 {offsets = [0, 1023], sizes = [100, 1], strides = [1, 1]} : vector<100x1024xi32> to vector<100x1xi32>
    %slice3A_1521 = vector.extract_strided_slice %select_n3A_1505 {offsets = [0, 0], sizes = [100, 1023], strides = [1, 1]} : vector<100x1024xi32> to vector<100x1023xi32>
    %concatenate3A_1522 = tpu.concatenate %slice3A_1520, %slice3A_1521 in 1 : vector<100x1xi32>, vector<100x1023xi32> -> vector<100x1024xi32>
    %slice3A_1523 = vector.extract_strided_slice %select_n3A_1505 {offsets = [0, 1], sizes = [100, 1023], strides = [1, 1]} : vector<100x1024xi32> to vector<100x1023xi32>
    %slice3A_1524 = vector.extract_strided_slice %select_n3A_1505 {offsets = [0, 0], sizes = [100, 1], strides = [1, 1]} : vector<100x1024xi32> to vector<100x1xi32>
    %concatenate3A_1525 = tpu.concatenate %slice3A_1523, %slice3A_1524 in 1 : vector<100x1023xi32>, vector<100x1xi32> -> vector<100x1024xi32>
    %broadcast_in_dim3A_1526 = vector.shape_cast %ne3A_1512 : vector<1x1024xi1> to vector<1x1024xi1>
    %broadcast_in_dim3A_1527 = vector.broadcast %broadcast_in_dim3A_1526 : vector<1x1024xi1> to vector<100x1024xi1>
    %select_n3A_1528 = arith.select %broadcast_in_dim3A_1527, %concatenate3A_1522, %concatenate3A_1525 : vector<100x1024xi1>, vector<100x1024xi32>
    %slice3A_1529 = vector.extract_strided_slice %select_n3A_1506 {offsets = [0, 1023], sizes = [100, 1], strides = [1, 1]} : vector<100x1024xi32> to vector<100x1xi32>
    %slice3A_1530 = vector.extract_strided_slice %select_n3A_1506 {offsets = [0, 0], sizes = [100, 1023], strides = [1, 1]} : vector<100x1024xi32> to vector<100x1023xi32>
    %concatenate3A_1531 = tpu.concatenate %slice3A_1529, %slice3A_1530 in 1 : vector<100x1xi32>, vector<100x1023xi32> -> vector<100x1024xi32>
    %slice3A_1532 = vector.extract_strided_slice %select_n3A_1506 {offsets = [0, 1], sizes = [100, 1023], strides = [1, 1]} : vector<100x1024xi32> to vector<100x1023xi32>
    %slice3A_1533 = vector.extract_strided_slice %select_n3A_1506 {offsets = [0, 0], sizes = [100, 1], strides = [1, 1]} : vector<100x1024xi32> to vector<100x1xi32>
    %concatenate3A_1534 = tpu.concatenate %slice3A_1532, %slice3A_1533 in 1 : vector<100x1023xi32>, vector<100x1xi32> -> vector<100x1024xi32>
    %broadcast_in_dim3A_1535 = vector.shape_cast %ne3A_1512 : vector<1x1024xi1> to vector<1x1024xi1>
    %broadcast_in_dim3A_1536 = vector.broadcast %broadcast_in_dim3A_1535 : vector<1x1024xi1> to vector<100x1024xi1>
    %select_n3A_1537 = arith.select %broadcast_in_dim3A_1536, %concatenate3A_1531, %concatenate3A_1534 : vector<100x1024xi1>, vector<100x1024xi32>
    %gt3A_1538 = arith.cmpi sgt, %select_n3A_1505, %select_n3A_1528 : vector<100x1024xi32>
    %eq3A_1539 = arith.cmpi eq, %select_n3A_1505, %select_n3A_1528 : vector<100x1024xi32>
    %lt3A_1540 = arith.cmpi slt, %select_n3A_1506, %select_n3A_1537 : vector<100x1024xi32>
    %and3A_1541 = arith.andi %eq3A_1539, %lt3A_1540 : vector<100x1024xi1>
    %or3A_1542 = arith.ori %gt3A_1538, %and3A_1541 : vector<100x1024xi1>
    %eq3A_1543 = vector.broadcast %xor3A_1519 : vector<1x1024xi1> to vector<100x1024xi1>
    %eq3A_1544 = vector.broadcast %eq3A_1543 : vector<100x1024xi1> to vector<100x1024xi1>
    %eq3A_1545 = arith.xori %or3A_1542, %eq3A_1544 : vector<100x1024xi1>
    %eq3A_1546 = arith.constant dense<true> : vector<100x1024xi1>
    %eq3A_1547 = arith.xori %eq3A_1545, %eq3A_1546 : vector<100x1024xi1>
    %select_n3A_1548 = arith.select %eq3A_1547, %select_n3A_1505, %select_n3A_1528 : vector<100x1024xi1>, vector<100x1024xi32>
    %select_n3A_1549 = arith.select %eq3A_1547, %select_n3A_1506, %select_n3A_1537 : vector<100x1024xi1>, vector<100x1024xi32>
    %and3A_1550 = arith.constant 256 : i32
    %and3A_1551 = vector.broadcast %and3A_1550 : i32 to vector<1x1024xi32>
    %and3A_1552 = arith.andi %iota3A_7, %and3A_1551 : vector<1x1024xi32>
    %ne3A_1553 = arith.constant 0 : i32
    %ne3A_1554 = vector.broadcast %ne3A_1553 : i32 to vector<1x1024xi32>
    %ne3A_1555 = arith.cmpi ne, %and3A_1552, %ne3A_1554 : vector<1x1024xi32>
    %and3A_1556 = arith.constant 512 : i32
    %and3A_1557 = vector.broadcast %and3A_1556 : i32 to vector<1x1024xi32>
    %and3A_1558 = arith.andi %iota3A_7, %and3A_1557 : vector<1x1024xi32>
    %eq3A_1559 = arith.constant 0 : i32
    %eq3A_1560 = vector.broadcast %eq3A_1559 : i32 to vector<1x1024xi32>
    %eq3A_1561 = arith.cmpi eq, %and3A_1558, %eq3A_1560 : vector<1x1024xi32>
    %xor3A_1562 = arith.xori %eq3A_1561, %ne3A_1555 : vector<1x1024xi1>
    %slice3A_1563 = vector.extract_strided_slice %select_n3A_1548 {offsets = [0, 768], sizes = [100, 256], strides = [1, 1]} : vector<100x1024xi32> to vector<100x256xi32>
    %slice3A_1564 = vector.extract_strided_slice %select_n3A_1548 {offsets = [0, 0], sizes = [100, 768], strides = [1, 1]} : vector<100x1024xi32> to vector<100x768xi32>
    %concatenate3A_1565 = tpu.concatenate %slice3A_1563, %slice3A_1564 in 1 : vector<100x256xi32>, vector<100x768xi32> -> vector<100x1024xi32>
    %slice3A_1566 = vector.extract_strided_slice %select_n3A_1548 {offsets = [0, 256], sizes = [100, 768], strides = [1, 1]} : vector<100x1024xi32> to vector<100x768xi32>
    %slice3A_1567 = vector.extract_strided_slice %select_n3A_1548 {offsets = [0, 0], sizes = [100, 256], strides = [1, 1]} : vector<100x1024xi32> to vector<100x256xi32>
    %concatenate3A_1568 = tpu.concatenate %slice3A_1566, %slice3A_1567 in 1 : vector<100x768xi32>, vector<100x256xi32> -> vector<100x1024xi32>
    %broadcast_in_dim3A_1569 = vector.shape_cast %ne3A_1555 : vector<1x1024xi1> to vector<1x1024xi1>
    %broadcast_in_dim3A_1570 = vector.broadcast %broadcast_in_dim3A_1569 : vector<1x1024xi1> to vector<100x1024xi1>
    %select_n3A_1571 = arith.select %broadcast_in_dim3A_1570, %concatenate3A_1565, %concatenate3A_1568 : vector<100x1024xi1>, vector<100x1024xi32>
    %slice3A_1572 = vector.extract_strided_slice %select_n3A_1549 {offsets = [0, 768], sizes = [100, 256], strides = [1, 1]} : vector<100x1024xi32> to vector<100x256xi32>
    %slice3A_1573 = vector.extract_strided_slice %select_n3A_1549 {offsets = [0, 0], sizes = [100, 768], strides = [1, 1]} : vector<100x1024xi32> to vector<100x768xi32>
    %concatenate3A_1574 = tpu.concatenate %slice3A_1572, %slice3A_1573 in 1 : vector<100x256xi32>, vector<100x768xi32> -> vector<100x1024xi32>
    %slice3A_1575 = vector.extract_strided_slice %select_n3A_1549 {offsets = [0, 256], sizes = [100, 768], strides = [1, 1]} : vector<100x1024xi32> to vector<100x768xi32>
    %slice3A_1576 = vector.extract_strided_slice %select_n3A_1549 {offsets = [0, 0], sizes = [100, 256], strides = [1, 1]} : vector<100x1024xi32> to vector<100x256xi32>
    %concatenate3A_1577 = tpu.concatenate %slice3A_1575, %slice3A_1576 in 1 : vector<100x768xi32>, vector<100x256xi32> -> vector<100x1024xi32>
    %broadcast_in_dim3A_1578 = vector.shape_cast %ne3A_1555 : vector<1x1024xi1> to vector<1x1024xi1>
    %broadcast_in_dim3A_1579 = vector.broadcast %broadcast_in_dim3A_1578 : vector<1x1024xi1> to vector<100x1024xi1>
    %select_n3A_1580 = arith.select %broadcast_in_dim3A_1579, %concatenate3A_1574, %concatenate3A_1577 : vector<100x1024xi1>, vector<100x1024xi32>
    %gt3A_1581 = arith.cmpi sgt, %select_n3A_1548, %select_n3A_1571 : vector<100x1024xi32>
    %eq3A_1582 = arith.cmpi eq, %select_n3A_1548, %select_n3A_1571 : vector<100x1024xi32>
    %lt3A_1583 = arith.cmpi slt, %select_n3A_1549, %select_n3A_1580 : vector<100x1024xi32>
    %and3A_1584 = arith.andi %eq3A_1582, %lt3A_1583 : vector<100x1024xi1>
    %or3A_1585 = arith.ori %gt3A_1581, %and3A_1584 : vector<100x1024xi1>
    %eq3A_1586 = vector.broadcast %xor3A_1562 : vector<1x1024xi1> to vector<100x1024xi1>
    %eq3A_1587 = vector.broadcast %eq3A_1586 : vector<100x1024xi1> to vector<100x1024xi1>
    %eq3A_1588 = arith.xori %or3A_1585, %eq3A_1587 : vector<100x1024xi1>
    %eq3A_1589 = arith.constant dense<true> : vector<100x1024xi1>
    %eq3A_1590 = arith.xori %eq3A_1588, %eq3A_1589 : vector<100x1024xi1>
    %select_n3A_1591 = arith.select %eq3A_1590, %select_n3A_1548, %select_n3A_1571 : vector<100x1024xi1>, vector<100x1024xi32>
    %select_n3A_1592 = arith.select %eq3A_1590, %select_n3A_1549, %select_n3A_1580 : vector<100x1024xi1>, vector<100x1024xi32>
    %and3A_1593 = arith.constant 128 : i32
    %and3A_1594 = vector.broadcast %and3A_1593 : i32 to vector<1x1024xi32>
    %and3A_1595 = arith.andi %iota3A_7, %and3A_1594 : vector<1x1024xi32>
    %ne3A_1596 = arith.constant 0 : i32
    %ne3A_1597 = vector.broadcast %ne3A_1596 : i32 to vector<1x1024xi32>
    %ne3A_1598 = arith.cmpi ne, %and3A_1595, %ne3A_1597 : vector<1x1024xi32>
    %and3A_1599 = arith.constant 512 : i32
    %and3A_1600 = vector.broadcast %and3A_1599 : i32 to vector<1x1024xi32>
    %and3A_1601 = arith.andi %iota3A_7, %and3A_1600 : vector<1x1024xi32>
    %eq3A_1602 = arith.constant 0 : i32
    %eq3A_1603 = vector.broadcast %eq3A_1602 : i32 to vector<1x1024xi32>
    %eq3A_1604 = arith.cmpi eq, %and3A_1601, %eq3A_1603 : vector<1x1024xi32>
    %xor3A_1605 = arith.xori %eq3A_1604, %ne3A_1598 : vector<1x1024xi1>
    %slice3A_1606 = vector.extract_strided_slice %select_n3A_1591 {offsets = [0, 896], sizes = [100, 128], strides = [1, 1]} : vector<100x1024xi32> to vector<100x128xi32>
    %slice3A_1607 = vector.extract_strided_slice %select_n3A_1591 {offsets = [0, 0], sizes = [100, 896], strides = [1, 1]} : vector<100x1024xi32> to vector<100x896xi32>
    %concatenate3A_1608 = tpu.concatenate %slice3A_1606, %slice3A_1607 in 1 : vector<100x128xi32>, vector<100x896xi32> -> vector<100x1024xi32>
    %slice3A_1609 = vector.extract_strided_slice %select_n3A_1591 {offsets = [0, 128], sizes = [100, 896], strides = [1, 1]} : vector<100x1024xi32> to vector<100x896xi32>
    %slice3A_1610 = vector.extract_strided_slice %select_n3A_1591 {offsets = [0, 0], sizes = [100, 128], strides = [1, 1]} : vector<100x1024xi32> to vector<100x128xi32>
    %concatenate3A_1611 = tpu.concatenate %slice3A_1609, %slice3A_1610 in 1 : vector<100x896xi32>, vector<100x128xi32> -> vector<100x1024xi32>
    %broadcast_in_dim3A_1612 = vector.shape_cast %ne3A_1598 : vector<1x1024xi1> to vector<1x1024xi1>
    %broadcast_in_dim3A_1613 = vector.broadcast %broadcast_in_dim3A_1612 : vector<1x1024xi1> to vector<100x1024xi1>
    %select_n3A_1614 = arith.select %broadcast_in_dim3A_1613, %concatenate3A_1608, %concatenate3A_1611 : vector<100x1024xi1>, vector<100x1024xi32>
    %slice3A_1615 = vector.extract_strided_slice %select_n3A_1592 {offsets = [0, 896], sizes = [100, 128], strides = [1, 1]} : vector<100x1024xi32> to vector<100x128xi32>
    %slice3A_1616 = vector.extract_strided_slice %select_n3A_1592 {offsets = [0, 0], sizes = [100, 896], strides = [1, 1]} : vector<100x1024xi32> to vector<100x896xi32>
    %concatenate3A_1617 = tpu.concatenate %slice3A_1615, %slice3A_1616 in 1 : vector<100x128xi32>, vector<100x896xi32> -> vector<100x1024xi32>
    %slice3A_1618 = vector.extract_strided_slice %select_n3A_1592 {offsets = [0, 128], sizes = [100, 896], strides = [1, 1]} : vector<100x1024xi32> to vector<100x896xi32>
    %slice3A_1619 = vector.extract_strided_slice %select_n3A_1592 {offsets = [0, 0], sizes = [100, 128], strides = [1, 1]} : vector<100x1024xi32> to vector<100x128xi32>
    %concatenate3A_1620 = tpu.concatenate %slice3A_1618, %slice3A_1619 in 1 : vector<100x896xi32>, vector<100x128xi32> -> vector<100x1024xi32>
    %broadcast_in_dim3A_1621 = vector.shape_cast %ne3A_1598 : vector<1x1024xi1> to vector<1x1024xi1>
    %broadcast_in_dim3A_1622 = vector.broadcast %broadcast_in_dim3A_1621 : vector<1x1024xi1> to vector<100x1024xi1>
    %select_n3A_1623 = arith.select %broadcast_in_dim3A_1622, %concatenate3A_1617, %concatenate3A_1620 : vector<100x1024xi1>, vector<100x1024xi32>
    %gt3A_1624 = arith.cmpi sgt, %select_n3A_1591, %select_n3A_1614 : vector<100x1024xi32>
    %eq3A_1625 = arith.cmpi eq, %select_n3A_1591, %select_n3A_1614 : vector<100x1024xi32>
    %lt3A_1626 = arith.cmpi slt, %select_n3A_1592, %select_n3A_1623 : vector<100x1024xi32>
    %and3A_1627 = arith.andi %eq3A_1625, %lt3A_1626 : vector<100x1024xi1>
    %or3A_1628 = arith.ori %gt3A_1624, %and3A_1627 : vector<100x1024xi1>
    %eq3A_1629 = vector.broadcast %xor3A_1605 : vector<1x1024xi1> to vector<100x1024xi1>
    %eq3A_1630 = vector.broadcast %eq3A_1629 : vector<100x1024xi1> to vector<100x1024xi1>
    %eq3A_1631 = arith.xori %or3A_1628, %eq3A_1630 : vector<100x1024xi1>
    %eq3A_1632 = arith.constant dense<true> : vector<100x1024xi1>
    %eq3A_1633 = arith.xori %eq3A_1631, %eq3A_1632 : vector<100x1024xi1>
    %select_n3A_1634 = arith.select %eq3A_1633, %select_n3A_1591, %select_n3A_1614 : vector<100x1024xi1>, vector<100x1024xi32>
    %select_n3A_1635 = arith.select %eq3A_1633, %select_n3A_1592, %select_n3A_1623 : vector<100x1024xi1>, vector<100x1024xi32>
    %and3A_1636 = arith.constant 64 : i32
    %and3A_1637 = vector.broadcast %and3A_1636 : i32 to vector<1x1024xi32>
    %and3A_1638 = arith.andi %iota3A_7, %and3A_1637 : vector<1x1024xi32>
    %ne3A_1639 = arith.constant 0 : i32
    %ne3A_1640 = vector.broadcast %ne3A_1639 : i32 to vector<1x1024xi32>
    %ne3A_1641 = arith.cmpi ne, %and3A_1638, %ne3A_1640 : vector<1x1024xi32>
    %and3A_1642 = arith.constant 512 : i32
    %and3A_1643 = vector.broadcast %and3A_1642 : i32 to vector<1x1024xi32>
    %and3A_1644 = arith.andi %iota3A_7, %and3A_1643 : vector<1x1024xi32>
    %eq3A_1645 = arith.constant 0 : i32
    %eq3A_1646 = vector.broadcast %eq3A_1645 : i32 to vector<1x1024xi32>
    %eq3A_1647 = arith.cmpi eq, %and3A_1644, %eq3A_1646 : vector<1x1024xi32>
    %xor3A_1648 = arith.xori %eq3A_1647, %ne3A_1641 : vector<1x1024xi1>
    %slice3A_1649 = vector.extract_strided_slice %select_n3A_1634 {offsets = [0, 960], sizes = [100, 64], strides = [1, 1]} : vector<100x1024xi32> to vector<100x64xi32>
    %slice3A_1650 = vector.extract_strided_slice %select_n3A_1634 {offsets = [0, 0], sizes = [100, 960], strides = [1, 1]} : vector<100x1024xi32> to vector<100x960xi32>
    %concatenate3A_1651 = tpu.concatenate %slice3A_1649, %slice3A_1650 in 1 : vector<100x64xi32>, vector<100x960xi32> -> vector<100x1024xi32>
    %slice3A_1652 = vector.extract_strided_slice %select_n3A_1634 {offsets = [0, 64], sizes = [100, 960], strides = [1, 1]} : vector<100x1024xi32> to vector<100x960xi32>
    %slice3A_1653 = vector.extract_strided_slice %select_n3A_1634 {offsets = [0, 0], sizes = [100, 64], strides = [1, 1]} : vector<100x1024xi32> to vector<100x64xi32>
    %concatenate3A_1654 = tpu.concatenate %slice3A_1652, %slice3A_1653 in 1 : vector<100x960xi32>, vector<100x64xi32> -> vector<100x1024xi32>
    %broadcast_in_dim3A_1655 = vector.shape_cast %ne3A_1641 : vector<1x1024xi1> to vector<1x1024xi1>
    %broadcast_in_dim3A_1656 = vector.broadcast %broadcast_in_dim3A_1655 : vector<1x1024xi1> to vector<100x1024xi1>
    %select_n3A_1657 = arith.select %broadcast_in_dim3A_1656, %concatenate3A_1651, %concatenate3A_1654 : vector<100x1024xi1>, vector<100x1024xi32>
    %slice3A_1658 = vector.extract_strided_slice %select_n3A_1635 {offsets = [0, 960], sizes = [100, 64], strides = [1, 1]} : vector<100x1024xi32> to vector<100x64xi32>
    %slice3A_1659 = vector.extract_strided_slice %select_n3A_1635 {offsets = [0, 0], sizes = [100, 960], strides = [1, 1]} : vector<100x1024xi32> to vector<100x960xi32>
    %concatenate3A_1660 = tpu.concatenate %slice3A_1658, %slice3A_1659 in 1 : vector<100x64xi32>, vector<100x960xi32> -> vector<100x1024xi32>
    %slice3A_1661 = vector.extract_strided_slice %select_n3A_1635 {offsets = [0, 64], sizes = [100, 960], strides = [1, 1]} : vector<100x1024xi32> to vector<100x960xi32>
    %slice3A_1662 = vector.extract_strided_slice %select_n3A_1635 {offsets = [0, 0], sizes = [100, 64], strides = [1, 1]} : vector<100x1024xi32> to vector<100x64xi32>
    %concatenate3A_1663 = tpu.concatenate %slice3A_1661, %slice3A_1662 in 1 : vector<100x960xi32>, vector<100x64xi32> -> vector<100x1024xi32>
    %broadcast_in_dim3A_1664 = vector.shape_cast %ne3A_1641 : vector<1x1024xi1> to vector<1x1024xi1>
    %broadcast_in_dim3A_1665 = vector.broadcast %broadcast_in_dim3A_1664 : vector<1x1024xi1> to vector<100x1024xi1>
    %select_n3A_1666 = arith.select %broadcast_in_dim3A_1665, %concatenate3A_1660, %concatenate3A_1663 : vector<100x1024xi1>, vector<100x1024xi32>
    %gt3A_1667 = arith.cmpi sgt, %select_n3A_1634, %select_n3A_1657 : vector<100x1024xi32>
    %eq3A_1668 = arith.cmpi eq, %select_n3A_1634, %select_n3A_1657 : vector<100x1024xi32>
    %lt3A_1669 = arith.cmpi slt, %select_n3A_1635, %select_n3A_1666 : vector<100x1024xi32>
    %and3A_1670 = arith.andi %eq3A_1668, %lt3A_1669 : vector<100x1024xi1>
    %or3A_1671 = arith.ori %gt3A_1667, %and3A_1670 : vector<100x1024xi1>
    %eq3A_1672 = vector.broadcast %xor3A_1648 : vector<1x1024xi1> to vector<100x1024xi1>
    %eq3A_1673 = vector.broadcast %eq3A_1672 : vector<100x1024xi1> to vector<100x1024xi1>
    %eq3A_1674 = arith.xori %or3A_1671, %eq3A_1673 : vector<100x1024xi1>
    %eq3A_1675 = arith.constant dense<true> : vector<100x1024xi1>
    %eq3A_1676 = arith.xori %eq3A_1674, %eq3A_1675 : vector<100x1024xi1>
    %select_n3A_1677 = arith.select %eq3A_1676, %select_n3A_1634, %select_n3A_1657 : vector<100x1024xi1>, vector<100x1024xi32>
    %select_n3A_1678 = arith.select %eq3A_1676, %select_n3A_1635, %select_n3A_1666 : vector<100x1024xi1>, vector<100x1024xi32>
    %and3A_1679 = arith.constant 32 : i32
    %and3A_1680 = vector.broadcast %and3A_1679 : i32 to vector<1x1024xi32>
    %and3A_1681 = arith.andi %iota3A_7, %and3A_1680 : vector<1x1024xi32>
    %ne3A_1682 = arith.constant 0 : i32
    %ne3A_1683 = vector.broadcast %ne3A_1682 : i32 to vector<1x1024xi32>
    %ne3A_1684 = arith.cmpi ne, %and3A_1681, %ne3A_1683 : vector<1x1024xi32>
    %and3A_1685 = arith.constant 512 : i32
    %and3A_1686 = vector.broadcast %and3A_1685 : i32 to vector<1x1024xi32>
    %and3A_1687 = arith.andi %iota3A_7, %and3A_1686 : vector<1x1024xi32>
    %eq3A_1688 = arith.constant 0 : i32
    %eq3A_1689 = vector.broadcast %eq3A_1688 : i32 to vector<1x1024xi32>
    %eq3A_1690 = arith.cmpi eq, %and3A_1687, %eq3A_1689 : vector<1x1024xi32>
    %xor3A_1691 = arith.xori %eq3A_1690, %ne3A_1684 : vector<1x1024xi1>
    %slice3A_1692 = vector.extract_strided_slice %select_n3A_1677 {offsets = [0, 992], sizes = [100, 32], strides = [1, 1]} : vector<100x1024xi32> to vector<100x32xi32>
    %slice3A_1693 = vector.extract_strided_slice %select_n3A_1677 {offsets = [0, 0], sizes = [100, 992], strides = [1, 1]} : vector<100x1024xi32> to vector<100x992xi32>
    %concatenate3A_1694 = tpu.concatenate %slice3A_1692, %slice3A_1693 in 1 : vector<100x32xi32>, vector<100x992xi32> -> vector<100x1024xi32>
    %slice3A_1695 = vector.extract_strided_slice %select_n3A_1677 {offsets = [0, 32], sizes = [100, 992], strides = [1, 1]} : vector<100x1024xi32> to vector<100x992xi32>
    %slice3A_1696 = vector.extract_strided_slice %select_n3A_1677 {offsets = [0, 0], sizes = [100, 32], strides = [1, 1]} : vector<100x1024xi32> to vector<100x32xi32>
    %concatenate3A_1697 = tpu.concatenate %slice3A_1695, %slice3A_1696 in 1 : vector<100x992xi32>, vector<100x32xi32> -> vector<100x1024xi32>
    %broadcast_in_dim3A_1698 = vector.shape_cast %ne3A_1684 : vector<1x1024xi1> to vector<1x1024xi1>
    %broadcast_in_dim3A_1699 = vector.broadcast %broadcast_in_dim3A_1698 : vector<1x1024xi1> to vector<100x1024xi1>
    %select_n3A_1700 = arith.select %broadcast_in_dim3A_1699, %concatenate3A_1694, %concatenate3A_1697 : vector<100x1024xi1>, vector<100x1024xi32>
    %slice3A_1701 = vector.extract_strided_slice %select_n3A_1678 {offsets = [0, 992], sizes = [100, 32], strides = [1, 1]} : vector<100x1024xi32> to vector<100x32xi32>
    %slice3A_1702 = vector.extract_strided_slice %select_n3A_1678 {offsets = [0, 0], sizes = [100, 992], strides = [1, 1]} : vector<100x1024xi32> to vector<100x992xi32>
    %concatenate3A_1703 = tpu.concatenate %slice3A_1701, %slice3A_1702 in 1 : vector<100x32xi32>, vector<100x992xi32> -> vector<100x1024xi32>
    %slice3A_1704 = vector.extract_strided_slice %select_n3A_1678 {offsets = [0, 32], sizes = [100, 992], strides = [1, 1]} : vector<100x1024xi32> to vector<100x992xi32>
    %slice3A_1705 = vector.extract_strided_slice %select_n3A_1678 {offsets = [0, 0], sizes = [100, 32], strides = [1, 1]} : vector<100x1024xi32> to vector<100x32xi32>
    %concatenate3A_1706 = tpu.concatenate %slice3A_1704, %slice3A_1705 in 1 : vector<100x992xi32>, vector<100x32xi32> -> vector<100x1024xi32>
    %broadcast_in_dim3A_1707 = vector.shape_cast %ne3A_1684 : vector<1x1024xi1> to vector<1x1024xi1>
    %broadcast_in_dim3A_1708 = vector.broadcast %broadcast_in_dim3A_1707 : vector<1x1024xi1> to vector<100x1024xi1>
    %select_n3A_1709 = arith.select %broadcast_in_dim3A_1708, %concatenate3A_1703, %concatenate3A_1706 : vector<100x1024xi1>, vector<100x1024xi32>
    %gt3A_1710 = arith.cmpi sgt, %select_n3A_1677, %select_n3A_1700 : vector<100x1024xi32>
    %eq3A_1711 = arith.cmpi eq, %select_n3A_1677, %select_n3A_1700 : vector<100x1024xi32>
    %lt3A_1712 = arith.cmpi slt, %select_n3A_1678, %select_n3A_1709 : vector<100x1024xi32>
    %and3A_1713 = arith.andi %eq3A_1711, %lt3A_1712 : vector<100x1024xi1>
    %or3A_1714 = arith.ori %gt3A_1710, %and3A_1713 : vector<100x1024xi1>
    %eq3A_1715 = vector.broadcast %xor3A_1691 : vector<1x1024xi1> to vector<100x1024xi1>
    %eq3A_1716 = vector.broadcast %eq3A_1715 : vector<100x1024xi1> to vector<100x1024xi1>
    %eq3A_1717 = arith.xori %or3A_1714, %eq3A_1716 : vector<100x1024xi1>
    %eq3A_1718 = arith.constant dense<true> : vector<100x1024xi1>
    %eq3A_1719 = arith.xori %eq3A_1717, %eq3A_1718 : vector<100x1024xi1>
    %select_n3A_1720 = arith.select %eq3A_1719, %select_n3A_1677, %select_n3A_1700 : vector<100x1024xi1>, vector<100x1024xi32>
    %select_n3A_1721 = arith.select %eq3A_1719, %select_n3A_1678, %select_n3A_1709 : vector<100x1024xi1>, vector<100x1024xi32>
    %and3A_1722 = arith.constant 16 : i32
    %and3A_1723 = vector.broadcast %and3A_1722 : i32 to vector<1x1024xi32>
    %and3A_1724 = arith.andi %iota3A_7, %and3A_1723 : vector<1x1024xi32>
    %ne3A_1725 = arith.constant 0 : i32
    %ne3A_1726 = vector.broadcast %ne3A_1725 : i32 to vector<1x1024xi32>
    %ne3A_1727 = arith.cmpi ne, %and3A_1724, %ne3A_1726 : vector<1x1024xi32>
    %and3A_1728 = arith.constant 512 : i32
    %and3A_1729 = vector.broadcast %and3A_1728 : i32 to vector<1x1024xi32>
    %and3A_1730 = arith.andi %iota3A_7, %and3A_1729 : vector<1x1024xi32>
    %eq3A_1731 = arith.constant 0 : i32
    %eq3A_1732 = vector.broadcast %eq3A_1731 : i32 to vector<1x1024xi32>
    %eq3A_1733 = arith.cmpi eq, %and3A_1730, %eq3A_1732 : vector<1x1024xi32>
    %xor3A_1734 = arith.xori %eq3A_1733, %ne3A_1727 : vector<1x1024xi1>
    %slice3A_1735 = vector.extract_strided_slice %select_n3A_1720 {offsets = [0, 1008], sizes = [100, 16], strides = [1, 1]} : vector<100x1024xi32> to vector<100x16xi32>
    %slice3A_1736 = vector.extract_strided_slice %select_n3A_1720 {offsets = [0, 0], sizes = [100, 1008], strides = [1, 1]} : vector<100x1024xi32> to vector<100x1008xi32>
    %concatenate3A_1737 = tpu.concatenate %slice3A_1735, %slice3A_1736 in 1 : vector<100x16xi32>, vector<100x1008xi32> -> vector<100x1024xi32>
    %slice3A_1738 = vector.extract_strided_slice %select_n3A_1720 {offsets = [0, 16], sizes = [100, 1008], strides = [1, 1]} : vector<100x1024xi32> to vector<100x1008xi32>
    %slice3A_1739 = vector.extract_strided_slice %select_n3A_1720 {offsets = [0, 0], sizes = [100, 16], strides = [1, 1]} : vector<100x1024xi32> to vector<100x16xi32>
    %concatenate3A_1740 = tpu.concatenate %slice3A_1738, %slice3A_1739 in 1 : vector<100x1008xi32>, vector<100x16xi32> -> vector<100x1024xi32>
    %broadcast_in_dim3A_1741 = vector.shape_cast %ne3A_1727 : vector<1x1024xi1> to vector<1x1024xi1>
    %broadcast_in_dim3A_1742 = vector.broadcast %broadcast_in_dim3A_1741 : vector<1x1024xi1> to vector<100x1024xi1>
    %select_n3A_1743 = arith.select %broadcast_in_dim3A_1742, %concatenate3A_1737, %concatenate3A_1740 : vector<100x1024xi1>, vector<100x1024xi32>
    %slice3A_1744 = vector.extract_strided_slice %select_n3A_1721 {offsets = [0, 1008], sizes = [100, 16], strides = [1, 1]} : vector<100x1024xi32> to vector<100x16xi32>
    %slice3A_1745 = vector.extract_strided_slice %select_n3A_1721 {offsets = [0, 0], sizes = [100, 1008], strides = [1, 1]} : vector<100x1024xi32> to vector<100x1008xi32>
    %concatenate3A_1746 = tpu.concatenate %slice3A_1744, %slice3A_1745 in 1 : vector<100x16xi32>, vector<100x1008xi32> -> vector<100x1024xi32>
    %slice3A_1747 = vector.extract_strided_slice %select_n3A_1721 {offsets = [0, 16], sizes = [100, 1008], strides = [1, 1]} : vector<100x1024xi32> to vector<100x1008xi32>
    %slice3A_1748 = vector.extract_strided_slice %select_n3A_1721 {offsets = [0, 0], sizes = [100, 16], strides = [1, 1]} : vector<100x1024xi32> to vector<100x16xi32>
    %concatenate3A_1749 = tpu.concatenate %slice3A_1747, %slice3A_1748 in 1 : vector<100x1008xi32>, vector<100x16xi32> -> vector<100x1024xi32>
    %broadcast_in_dim3A_1750 = vector.shape_cast %ne3A_1727 : vector<1x1024xi1> to vector<1x1024xi1>
    %broadcast_in_dim3A_1751 = vector.broadcast %broadcast_in_dim3A_1750 : vector<1x1024xi1> to vector<100x1024xi1>
    %select_n3A_1752 = arith.select %broadcast_in_dim3A_1751, %concatenate3A_1746, %concatenate3A_1749 : vector<100x1024xi1>, vector<100x1024xi32>
    %gt3A_1753 = arith.cmpi sgt, %select_n3A_1720, %select_n3A_1743 : vector<100x1024xi32>
    %eq3A_1754 = arith.cmpi eq, %select_n3A_1720, %select_n3A_1743 : vector<100x1024xi32>
    %lt3A_1755 = arith.cmpi slt, %select_n3A_1721, %select_n3A_1752 : vector<100x1024xi32>
    %and3A_1756 = arith.andi %eq3A_1754, %lt3A_1755 : vector<100x1024xi1>
    %or3A_1757 = arith.ori %gt3A_1753, %and3A_1756 : vector<100x1024xi1>
    %eq3A_1758 = vector.broadcast %xor3A_1734 : vector<1x1024xi1> to vector<100x1024xi1>
    %eq3A_1759 = vector.broadcast %eq3A_1758 : vector<100x1024xi1> to vector<100x1024xi1>
    %eq3A_1760 = arith.xori %or3A_1757, %eq3A_1759 : vector<100x1024xi1>
    %eq3A_1761 = arith.constant dense<true> : vector<100x1024xi1>
    %eq3A_1762 = arith.xori %eq3A_1760, %eq3A_1761 : vector<100x1024xi1>
    %select_n3A_1763 = arith.select %eq3A_1762, %select_n3A_1720, %select_n3A_1743 : vector<100x1024xi1>, vector<100x1024xi32>
    %select_n3A_1764 = arith.select %eq3A_1762, %select_n3A_1721, %select_n3A_1752 : vector<100x1024xi1>, vector<100x1024xi32>
    %and3A_1765 = arith.constant 8 : i32
    %and3A_1766 = vector.broadcast %and3A_1765 : i32 to vector<1x1024xi32>
    %and3A_1767 = arith.andi %iota3A_7, %and3A_1766 : vector<1x1024xi32>
    %ne3A_1768 = arith.constant 0 : i32
    %ne3A_1769 = vector.broadcast %ne3A_1768 : i32 to vector<1x1024xi32>
    %ne3A_1770 = arith.cmpi ne, %and3A_1767, %ne3A_1769 : vector<1x1024xi32>
    %and3A_1771 = arith.constant 512 : i32
    %and3A_1772 = vector.broadcast %and3A_1771 : i32 to vector<1x1024xi32>
    %and3A_1773 = arith.andi %iota3A_7, %and3A_1772 : vector<1x1024xi32>
    %eq3A_1774 = arith.constant 0 : i32
    %eq3A_1775 = vector.broadcast %eq3A_1774 : i32 to vector<1x1024xi32>
    %eq3A_1776 = arith.cmpi eq, %and3A_1773, %eq3A_1775 : vector<1x1024xi32>
    %xor3A_1777 = arith.xori %eq3A_1776, %ne3A_1770 : vector<1x1024xi1>
    %slice3A_1778 = vector.extract_strided_slice %select_n3A_1763 {offsets = [0, 1016], sizes = [100, 8], strides = [1, 1]} : vector<100x1024xi32> to vector<100x8xi32>
    %slice3A_1779 = vector.extract_strided_slice %select_n3A_1763 {offsets = [0, 0], sizes = [100, 1016], strides = [1, 1]} : vector<100x1024xi32> to vector<100x1016xi32>
    %concatenate3A_1780 = tpu.concatenate %slice3A_1778, %slice3A_1779 in 1 : vector<100x8xi32>, vector<100x1016xi32> -> vector<100x1024xi32>
    %slice3A_1781 = vector.extract_strided_slice %select_n3A_1763 {offsets = [0, 8], sizes = [100, 1016], strides = [1, 1]} : vector<100x1024xi32> to vector<100x1016xi32>
    %slice3A_1782 = vector.extract_strided_slice %select_n3A_1763 {offsets = [0, 0], sizes = [100, 8], strides = [1, 1]} : vector<100x1024xi32> to vector<100x8xi32>
    %concatenate3A_1783 = tpu.concatenate %slice3A_1781, %slice3A_1782 in 1 : vector<100x1016xi32>, vector<100x8xi32> -> vector<100x1024xi32>
    %broadcast_in_dim3A_1784 = vector.shape_cast %ne3A_1770 : vector<1x1024xi1> to vector<1x1024xi1>
    %broadcast_in_dim3A_1785 = vector.broadcast %broadcast_in_dim3A_1784 : vector<1x1024xi1> to vector<100x1024xi1>
    %select_n3A_1786 = arith.select %broadcast_in_dim3A_1785, %concatenate3A_1780, %concatenate3A_1783 : vector<100x1024xi1>, vector<100x1024xi32>
    %slice3A_1787 = vector.extract_strided_slice %select_n3A_1764 {offsets = [0, 1016], sizes = [100, 8], strides = [1, 1]} : vector<100x1024xi32> to vector<100x8xi32>
    %slice3A_1788 = vector.extract_strided_slice %select_n3A_1764 {offsets = [0, 0], sizes = [100, 1016], strides = [1, 1]} : vector<100x1024xi32> to vector<100x1016xi32>
    %concatenate3A_1789 = tpu.concatenate %slice3A_1787, %slice3A_1788 in 1 : vector<100x8xi32>, vector<100x1016xi32> -> vector<100x1024xi32>
    %slice3A_1790 = vector.extract_strided_slice %select_n3A_1764 {offsets = [0, 8], sizes = [100, 1016], strides = [1, 1]} : vector<100x1024xi32> to vector<100x1016xi32>
    %slice3A_1791 = vector.extract_strided_slice %select_n3A_1764 {offsets = [0, 0], sizes = [100, 8], strides = [1, 1]} : vector<100x1024xi32> to vector<100x8xi32>
    %concatenate3A_1792 = tpu.concatenate %slice3A_1790, %slice3A_1791 in 1 : vector<100x1016xi32>, vector<100x8xi32> -> vector<100x1024xi32>
    %broadcast_in_dim3A_1793 = vector.shape_cast %ne3A_1770 : vector<1x1024xi1> to vector<1x1024xi1>
    %broadcast_in_dim3A_1794 = vector.broadcast %broadcast_in_dim3A_1793 : vector<1x1024xi1> to vector<100x1024xi1>
    %select_n3A_1795 = arith.select %broadcast_in_dim3A_1794, %concatenate3A_1789, %concatenate3A_1792 : vector<100x1024xi1>, vector<100x1024xi32>
    %gt3A_1796 = arith.cmpi sgt, %select_n3A_1763, %select_n3A_1786 : vector<100x1024xi32>
    %eq3A_1797 = arith.cmpi eq, %select_n3A_1763, %select_n3A_1786 : vector<100x1024xi32>
    %lt3A_1798 = arith.cmpi slt, %select_n3A_1764, %select_n3A_1795 : vector<100x1024xi32>
    %and3A_1799 = arith.andi %eq3A_1797, %lt3A_1798 : vector<100x1024xi1>
    %or3A_1800 = arith.ori %gt3A_1796, %and3A_1799 : vector<100x1024xi1>
    %eq3A_1801 = vector.broadcast %xor3A_1777 : vector<1x1024xi1> to vector<100x1024xi1>
    %eq3A_1802 = vector.broadcast %eq3A_1801 : vector<100x1024xi1> to vector<100x1024xi1>
    %eq3A_1803 = arith.xori %or3A_1800, %eq3A_1802 : vector<100x1024xi1>
    %eq3A_1804 = arith.constant dense<true> : vector<100x1024xi1>
    %eq3A_1805 = arith.xori %eq3A_1803, %eq3A_1804 : vector<100x1024xi1>
    %select_n3A_1806 = arith.select %eq3A_1805, %select_n3A_1763, %select_n3A_1786 : vector<100x1024xi1>, vector<100x1024xi32>
    %select_n3A_1807 = arith.select %eq3A_1805, %select_n3A_1764, %select_n3A_1795 : vector<100x1024xi1>, vector<100x1024xi32>
    %and3A_1808 = arith.constant 4 : i32
    %and3A_1809 = vector.broadcast %and3A_1808 : i32 to vector<1x1024xi32>
    %and3A_1810 = arith.andi %iota3A_7, %and3A_1809 : vector<1x1024xi32>
    %ne3A_1811 = arith.constant 0 : i32
    %ne3A_1812 = vector.broadcast %ne3A_1811 : i32 to vector<1x1024xi32>
    %ne3A_1813 = arith.cmpi ne, %and3A_1810, %ne3A_1812 : vector<1x1024xi32>
    %and3A_1814 = arith.constant 512 : i32
    %and3A_1815 = vector.broadcast %and3A_1814 : i32 to vector<1x1024xi32>
    %and3A_1816 = arith.andi %iota3A_7, %and3A_1815 : vector<1x1024xi32>
    %eq3A_1817 = arith.constant 0 : i32
    %eq3A_1818 = vector.broadcast %eq3A_1817 : i32 to vector<1x1024xi32>
    %eq3A_1819 = arith.cmpi eq, %and3A_1816, %eq3A_1818 : vector<1x1024xi32>
    %xor3A_1820 = arith.xori %eq3A_1819, %ne3A_1813 : vector<1x1024xi1>
    %slice3A_1821 = vector.extract_strided_slice %select_n3A_1806 {offsets = [0, 1020], sizes = [100, 4], strides = [1, 1]} : vector<100x1024xi32> to vector<100x4xi32>
    %slice3A_1822 = vector.extract_strided_slice %select_n3A_1806 {offsets = [0, 0], sizes = [100, 1020], strides = [1, 1]} : vector<100x1024xi32> to vector<100x1020xi32>
    %concatenate3A_1823 = tpu.concatenate %slice3A_1821, %slice3A_1822 in 1 : vector<100x4xi32>, vector<100x1020xi32> -> vector<100x1024xi32>
    %slice3A_1824 = vector.extract_strided_slice %select_n3A_1806 {offsets = [0, 4], sizes = [100, 1020], strides = [1, 1]} : vector<100x1024xi32> to vector<100x1020xi32>
    %slice3A_1825 = vector.extract_strided_slice %select_n3A_1806 {offsets = [0, 0], sizes = [100, 4], strides = [1, 1]} : vector<100x1024xi32> to vector<100x4xi32>
    %concatenate3A_1826 = tpu.concatenate %slice3A_1824, %slice3A_1825 in 1 : vector<100x1020xi32>, vector<100x4xi32> -> vector<100x1024xi32>
    %broadcast_in_dim3A_1827 = vector.shape_cast %ne3A_1813 : vector<1x1024xi1> to vector<1x1024xi1>
    %broadcast_in_dim3A_1828 = vector.broadcast %broadcast_in_dim3A_1827 : vector<1x1024xi1> to vector<100x1024xi1>
    %select_n3A_1829 = arith.select %broadcast_in_dim3A_1828, %concatenate3A_1823, %concatenate3A_1826 : vector<100x1024xi1>, vector<100x1024xi32>
    %slice3A_1830 = vector.extract_strided_slice %select_n3A_1807 {offsets = [0, 1020], sizes = [100, 4], strides = [1, 1]} : vector<100x1024xi32> to vector<100x4xi32>
    %slice3A_1831 = vector.extract_strided_slice %select_n3A_1807 {offsets = [0, 0], sizes = [100, 1020], strides = [1, 1]} : vector<100x1024xi32> to vector<100x1020xi32>
    %concatenate3A_1832 = tpu.concatenate %slice3A_1830, %slice3A_1831 in 1 : vector<100x4xi32>, vector<100x1020xi32> -> vector<100x1024xi32>
    %slice3A_1833 = vector.extract_strided_slice %select_n3A_1807 {offsets = [0, 4], sizes = [100, 1020], strides = [1, 1]} : vector<100x1024xi32> to vector<100x1020xi32>
    %slice3A_1834 = vector.extract_strided_slice %select_n3A_1807 {offsets = [0, 0], sizes = [100, 4], strides = [1, 1]} : vector<100x1024xi32> to vector<100x4xi32>
    %concatenate3A_1835 = tpu.concatenate %slice3A_1833, %slice3A_1834 in 1 : vector<100x1020xi32>, vector<100x4xi32> -> vector<100x1024xi32>
    %broadcast_in_dim3A_1836 = vector.shape_cast %ne3A_1813 : vector<1x1024xi1> to vector<1x1024xi1>
    %broadcast_in_dim3A_1837 = vector.broadcast %broadcast_in_dim3A_1836 : vector<1x1024xi1> to vector<100x1024xi1>
    %select_n3A_1838 = arith.select %broadcast_in_dim3A_1837, %concatenate3A_1832, %concatenate3A_1835 : vector<100x1024xi1>, vector<100x1024xi32>
    %gt3A_1839 = arith.cmpi sgt, %select_n3A_1806, %select_n3A_1829 : vector<100x1024xi32>
    %eq3A_1840 = arith.cmpi eq, %select_n3A_1806, %select_n3A_1829 : vector<100x1024xi32>
    %lt3A_1841 = arith.cmpi slt, %select_n3A_1807, %select_n3A_1838 : vector<100x1024xi32>
    %and3A_1842 = arith.andi %eq3A_1840, %lt3A_1841 : vector<100x1024xi1>
    %or3A_1843 = arith.ori %gt3A_1839, %and3A_1842 : vector<100x1024xi1>
    %eq3A_1844 = vector.broadcast %xor3A_1820 : vector<1x1024xi1> to vector<100x1024xi1>
    %eq3A_1845 = vector.broadcast %eq3A_1844 : vector<100x1024xi1> to vector<100x1024xi1>
    %eq3A_1846 = arith.xori %or3A_1843, %eq3A_1845 : vector<100x1024xi1>
    %eq3A_1847 = arith.constant dense<true> : vector<100x1024xi1>
    %eq3A_1848 = arith.xori %eq3A_1846, %eq3A_1847 : vector<100x1024xi1>
    %select_n3A_1849 = arith.select %eq3A_1848, %select_n3A_1806, %select_n3A_1829 : vector<100x1024xi1>, vector<100x1024xi32>
    %select_n3A_1850 = arith.select %eq3A_1848, %select_n3A_1807, %select_n3A_1838 : vector<100x1024xi1>, vector<100x1024xi32>
    %and3A_1851 = arith.constant 2 : i32
    %and3A_1852 = vector.broadcast %and3A_1851 : i32 to vector<1x1024xi32>
    %and3A_1853 = arith.andi %iota3A_7, %and3A_1852 : vector<1x1024xi32>
    %ne3A_1854 = arith.constant 0 : i32
    %ne3A_1855 = vector.broadcast %ne3A_1854 : i32 to vector<1x1024xi32>
    %ne3A_1856 = arith.cmpi ne, %and3A_1853, %ne3A_1855 : vector<1x1024xi32>
    %and3A_1857 = arith.constant 512 : i32
    %and3A_1858 = vector.broadcast %and3A_1857 : i32 to vector<1x1024xi32>
    %and3A_1859 = arith.andi %iota3A_7, %and3A_1858 : vector<1x1024xi32>
    %eq3A_1860 = arith.constant 0 : i32
    %eq3A_1861 = vector.broadcast %eq3A_1860 : i32 to vector<1x1024xi32>
    %eq3A_1862 = arith.cmpi eq, %and3A_1859, %eq3A_1861 : vector<1x1024xi32>
    %xor3A_1863 = arith.xori %eq3A_1862, %ne3A_1856 : vector<1x1024xi1>
    %slice3A_1864 = vector.extract_strided_slice %select_n3A_1849 {offsets = [0, 1022], sizes = [100, 2], strides = [1, 1]} : vector<100x1024xi32> to vector<100x2xi32>
    %slice3A_1865 = vector.extract_strided_slice %select_n3A_1849 {offsets = [0, 0], sizes = [100, 1022], strides = [1, 1]} : vector<100x1024xi32> to vector<100x1022xi32>
    %concatenate3A_1866 = tpu.concatenate %slice3A_1864, %slice3A_1865 in 1 : vector<100x2xi32>, vector<100x1022xi32> -> vector<100x1024xi32>
    %slice3A_1867 = vector.extract_strided_slice %select_n3A_1849 {offsets = [0, 2], sizes = [100, 1022], strides = [1, 1]} : vector<100x1024xi32> to vector<100x1022xi32>
    %slice3A_1868 = vector.extract_strided_slice %select_n3A_1849 {offsets = [0, 0], sizes = [100, 2], strides = [1, 1]} : vector<100x1024xi32> to vector<100x2xi32>
    %concatenate3A_1869 = tpu.concatenate %slice3A_1867, %slice3A_1868 in 1 : vector<100x1022xi32>, vector<100x2xi32> -> vector<100x1024xi32>
    %broadcast_in_dim3A_1870 = vector.shape_cast %ne3A_1856 : vector<1x1024xi1> to vector<1x1024xi1>
    %broadcast_in_dim3A_1871 = vector.broadcast %broadcast_in_dim3A_1870 : vector<1x1024xi1> to vector<100x1024xi1>
    %select_n3A_1872 = arith.select %broadcast_in_dim3A_1871, %concatenate3A_1866, %concatenate3A_1869 : vector<100x1024xi1>, vector<100x1024xi32>
    %slice3A_1873 = vector.extract_strided_slice %select_n3A_1850 {offsets = [0, 1022], sizes = [100, 2], strides = [1, 1]} : vector<100x1024xi32> to vector<100x2xi32>
    %slice3A_1874 = vector.extract_strided_slice %select_n3A_1850 {offsets = [0, 0], sizes = [100, 1022], strides = [1, 1]} : vector<100x1024xi32> to vector<100x1022xi32>
    %concatenate3A_1875 = tpu.concatenate %slice3A_1873, %slice3A_1874 in 1 : vector<100x2xi32>, vector<100x1022xi32> -> vector<100x1024xi32>
    %slice3A_1876 = vector.extract_strided_slice %select_n3A_1850 {offsets = [0, 2], sizes = [100, 1022], strides = [1, 1]} : vector<100x1024xi32> to vector<100x1022xi32>
    %slice3A_1877 = vector.extract_strided_slice %select_n3A_1850 {offsets = [0, 0], sizes = [100, 2], strides = [1, 1]} : vector<100x1024xi32> to vector<100x2xi32>
    %concatenate3A_1878 = tpu.concatenate %slice3A_1876, %slice3A_1877 in 1 : vector<100x1022xi32>, vector<100x2xi32> -> vector<100x1024xi32>
    %broadcast_in_dim3A_1879 = vector.shape_cast %ne3A_1856 : vector<1x1024xi1> to vector<1x1024xi1>
    %broadcast_in_dim3A_1880 = vector.broadcast %broadcast_in_dim3A_1879 : vector<1x1024xi1> to vector<100x1024xi1>
    %select_n3A_1881 = arith.select %broadcast_in_dim3A_1880, %concatenate3A_1875, %concatenate3A_1878 : vector<100x1024xi1>, vector<100x1024xi32>
    %gt3A_1882 = arith.cmpi sgt, %select_n3A_1849, %select_n3A_1872 : vector<100x1024xi32>
    %eq3A_1883 = arith.cmpi eq, %select_n3A_1849, %select_n3A_1872 : vector<100x1024xi32>
    %lt3A_1884 = arith.cmpi slt, %select_n3A_1850, %select_n3A_1881 : vector<100x1024xi32>
    %and3A_1885 = arith.andi %eq3A_1883, %lt3A_1884 : vector<100x1024xi1>
    %or3A_1886 = arith.ori %gt3A_1882, %and3A_1885 : vector<100x1024xi1>
    %eq3A_1887 = vector.broadcast %xor3A_1863 : vector<1x1024xi1> to vector<100x1024xi1>
    %eq3A_1888 = vector.broadcast %eq3A_1887 : vector<100x1024xi1> to vector<100x1024xi1>
    %eq3A_1889 = arith.xori %or3A_1886, %eq3A_1888 : vector<100x1024xi1>
    %eq3A_1890 = arith.constant dense<true> : vector<100x1024xi1>
    %eq3A_1891 = arith.xori %eq3A_1889, %eq3A_1890 : vector<100x1024xi1>
    %select_n3A_1892 = arith.select %eq3A_1891, %select_n3A_1849, %select_n3A_1872 : vector<100x1024xi1>, vector<100x1024xi32>
    %select_n3A_1893 = arith.select %eq3A_1891, %select_n3A_1850, %select_n3A_1881 : vector<100x1024xi1>, vector<100x1024xi32>
    %and3A_1894 = arith.constant 1 : i32
    %and3A_1895 = vector.broadcast %and3A_1894 : i32 to vector<1x1024xi32>
    %and3A_1896 = arith.andi %iota3A_7, %and3A_1895 : vector<1x1024xi32>
    %ne3A_1897 = arith.constant 0 : i32
    %ne3A_1898 = vector.broadcast %ne3A_1897 : i32 to vector<1x1024xi32>
    %ne3A_1899 = arith.cmpi ne, %and3A_1896, %ne3A_1898 : vector<1x1024xi32>
    %and3A_1900 = arith.constant 512 : i32
    %and3A_1901 = vector.broadcast %and3A_1900 : i32 to vector<1x1024xi32>
    %and3A_1902 = arith.andi %iota3A_7, %and3A_1901 : vector<1x1024xi32>
    %eq3A_1903 = arith.constant 0 : i32
    %eq3A_1904 = vector.broadcast %eq3A_1903 : i32 to vector<1x1024xi32>
    %eq3A_1905 = arith.cmpi eq, %and3A_1902, %eq3A_1904 : vector<1x1024xi32>
    %xor3A_1906 = arith.xori %eq3A_1905, %ne3A_1899 : vector<1x1024xi1>
    %slice3A_1907 = vector.extract_strided_slice %select_n3A_1892 {offsets = [0, 1023], sizes = [100, 1], strides = [1, 1]} : vector<100x1024xi32> to vector<100x1xi32>
    %slice3A_1908 = vector.extract_strided_slice %select_n3A_1892 {offsets = [0, 0], sizes = [100, 1023], strides = [1, 1]} : vector<100x1024xi32> to vector<100x1023xi32>
    %concatenate3A_1909 = tpu.concatenate %slice3A_1907, %slice3A_1908 in 1 : vector<100x1xi32>, vector<100x1023xi32> -> vector<100x1024xi32>
    %slice3A_1910 = vector.extract_strided_slice %select_n3A_1892 {offsets = [0, 1], sizes = [100, 1023], strides = [1, 1]} : vector<100x1024xi32> to vector<100x1023xi32>
    %slice3A_1911 = vector.extract_strided_slice %select_n3A_1892 {offsets = [0, 0], sizes = [100, 1], strides = [1, 1]} : vector<100x1024xi32> to vector<100x1xi32>
    %concatenate3A_1912 = tpu.concatenate %slice3A_1910, %slice3A_1911 in 1 : vector<100x1023xi32>, vector<100x1xi32> -> vector<100x1024xi32>
    %broadcast_in_dim3A_1913 = vector.shape_cast %ne3A_1899 : vector<1x1024xi1> to vector<1x1024xi1>
    %broadcast_in_dim3A_1914 = vector.broadcast %broadcast_in_dim3A_1913 : vector<1x1024xi1> to vector<100x1024xi1>
    %select_n3A_1915 = arith.select %broadcast_in_dim3A_1914, %concatenate3A_1909, %concatenate3A_1912 : vector<100x1024xi1>, vector<100x1024xi32>
    %slice3A_1916 = vector.extract_strided_slice %select_n3A_1893 {offsets = [0, 1023], sizes = [100, 1], strides = [1, 1]} : vector<100x1024xi32> to vector<100x1xi32>
    %slice3A_1917 = vector.extract_strided_slice %select_n3A_1893 {offsets = [0, 0], sizes = [100, 1023], strides = [1, 1]} : vector<100x1024xi32> to vector<100x1023xi32>
    %concatenate3A_1918 = tpu.concatenate %slice3A_1916, %slice3A_1917 in 1 : vector<100x1xi32>, vector<100x1023xi32> -> vector<100x1024xi32>
    %slice3A_1919 = vector.extract_strided_slice %select_n3A_1893 {offsets = [0, 1], sizes = [100, 1023], strides = [1, 1]} : vector<100x1024xi32> to vector<100x1023xi32>
    %slice3A_1920 = vector.extract_strided_slice %select_n3A_1893 {offsets = [0, 0], sizes = [100, 1], strides = [1, 1]} : vector<100x1024xi32> to vector<100x1xi32>
    %concatenate3A_1921 = tpu.concatenate %slice3A_1919, %slice3A_1920 in 1 : vector<100x1023xi32>, vector<100x1xi32> -> vector<100x1024xi32>
    %broadcast_in_dim3A_1922 = vector.shape_cast %ne3A_1899 : vector<1x1024xi1> to vector<1x1024xi1>
    %broadcast_in_dim3A_1923 = vector.broadcast %broadcast_in_dim3A_1922 : vector<1x1024xi1> to vector<100x1024xi1>
    %select_n3A_1924 = arith.select %broadcast_in_dim3A_1923, %concatenate3A_1918, %concatenate3A_1921 : vector<100x1024xi1>, vector<100x1024xi32>
    %gt3A_1925 = arith.cmpi sgt, %select_n3A_1892, %select_n3A_1915 : vector<100x1024xi32>
    %eq3A_1926 = arith.cmpi eq, %select_n3A_1892, %select_n3A_1915 : vector<100x1024xi32>
    %lt3A_1927 = arith.cmpi slt, %select_n3A_1893, %select_n3A_1924 : vector<100x1024xi32>
    %and3A_1928 = arith.andi %eq3A_1926, %lt3A_1927 : vector<100x1024xi1>
    %or3A_1929 = arith.ori %gt3A_1925, %and3A_1928 : vector<100x1024xi1>
    %eq3A_1930 = vector.broadcast %xor3A_1906 : vector<1x1024xi1> to vector<100x1024xi1>
    %eq3A_1931 = vector.broadcast %eq3A_1930 : vector<100x1024xi1> to vector<100x1024xi1>
    %eq3A_1932 = arith.xori %or3A_1929, %eq3A_1931 : vector<100x1024xi1>
    %eq3A_1933 = arith.constant dense<true> : vector<100x1024xi1>
    %eq3A_1934 = arith.xori %eq3A_1932, %eq3A_1933 : vector<100x1024xi1>
    %select_n3A_1935 = arith.select %eq3A_1934, %select_n3A_1892, %select_n3A_1915 : vector<100x1024xi1>, vector<100x1024xi32>
    %select_n3A_1936 = arith.select %eq3A_1934, %select_n3A_1893, %select_n3A_1924 : vector<100x1024xi1>, vector<100x1024xi32>
    %and3A_1937 = arith.constant 512 : i32
    %and3A_1938 = vector.broadcast %and3A_1937 : i32 to vector<1x1024xi32>
    %and3A_1939 = arith.andi %iota3A_7, %and3A_1938 : vector<1x1024xi32>
    %ne3A_1940 = arith.constant 0 : i32
    %ne3A_1941 = vector.broadcast %ne3A_1940 : i32 to vector<1x1024xi32>
    %ne3A_1942 = arith.cmpi ne, %and3A_1939, %ne3A_1941 : vector<1x1024xi32>
    %and3A_1943 = arith.constant 1024 : i32
    %and3A_1944 = vector.broadcast %and3A_1943 : i32 to vector<1x1024xi32>
    %and3A_1945 = arith.andi %iota3A_7, %and3A_1944 : vector<1x1024xi32>
    %eq3A_1946 = arith.constant 0 : i32
    %eq3A_1947 = vector.broadcast %eq3A_1946 : i32 to vector<1x1024xi32>
    %eq3A_1948 = arith.cmpi eq, %and3A_1945, %eq3A_1947 : vector<1x1024xi32>
    %xor3A_1949 = arith.xori %eq3A_1948, %ne3A_1942 : vector<1x1024xi1>
    %slice3A_1950 = vector.extract_strided_slice %select_n3A_1935 {offsets = [0, 512], sizes = [100, 512], strides = [1, 1]} : vector<100x1024xi32> to vector<100x512xi32>
    %slice3A_1951 = vector.extract_strided_slice %select_n3A_1935 {offsets = [0, 0], sizes = [100, 512], strides = [1, 1]} : vector<100x1024xi32> to vector<100x512xi32>
    %concatenate3A_1952 = tpu.concatenate %slice3A_1950, %slice3A_1951 in 1 : vector<100x512xi32>, vector<100x512xi32> -> vector<100x1024xi32>
    %slice3A_1953 = vector.extract_strided_slice %select_n3A_1935 {offsets = [0, 512], sizes = [100, 512], strides = [1, 1]} : vector<100x1024xi32> to vector<100x512xi32>
    %slice3A_1954 = vector.extract_strided_slice %select_n3A_1935 {offsets = [0, 0], sizes = [100, 512], strides = [1, 1]} : vector<100x1024xi32> to vector<100x512xi32>
    %concatenate3A_1955 = tpu.concatenate %slice3A_1953, %slice3A_1954 in 1 : vector<100x512xi32>, vector<100x512xi32> -> vector<100x1024xi32>
    %broadcast_in_dim3A_1956 = vector.shape_cast %ne3A_1942 : vector<1x1024xi1> to vector<1x1024xi1>
    %broadcast_in_dim3A_1957 = vector.broadcast %broadcast_in_dim3A_1956 : vector<1x1024xi1> to vector<100x1024xi1>
    %select_n3A_1958 = arith.select %broadcast_in_dim3A_1957, %concatenate3A_1952, %concatenate3A_1955 : vector<100x1024xi1>, vector<100x1024xi32>
    %slice3A_1959 = vector.extract_strided_slice %select_n3A_1936 {offsets = [0, 512], sizes = [100, 512], strides = [1, 1]} : vector<100x1024xi32> to vector<100x512xi32>
    %slice3A_1960 = vector.extract_strided_slice %select_n3A_1936 {offsets = [0, 0], sizes = [100, 512], strides = [1, 1]} : vector<100x1024xi32> to vector<100x512xi32>
    %concatenate3A_1961 = tpu.concatenate %slice3A_1959, %slice3A_1960 in 1 : vector<100x512xi32>, vector<100x512xi32> -> vector<100x1024xi32>
    %slice3A_1962 = vector.extract_strided_slice %select_n3A_1936 {offsets = [0, 512], sizes = [100, 512], strides = [1, 1]} : vector<100x1024xi32> to vector<100x512xi32>
    %slice3A_1963 = vector.extract_strided_slice %select_n3A_1936 {offsets = [0, 0], sizes = [100, 512], strides = [1, 1]} : vector<100x1024xi32> to vector<100x512xi32>
    %concatenate3A_1964 = tpu.concatenate %slice3A_1962, %slice3A_1963 in 1 : vector<100x512xi32>, vector<100x512xi32> -> vector<100x1024xi32>
    %broadcast_in_dim3A_1965 = vector.shape_cast %ne3A_1942 : vector<1x1024xi1> to vector<1x1024xi1>
    %broadcast_in_dim3A_1966 = vector.broadcast %broadcast_in_dim3A_1965 : vector<1x1024xi1> to vector<100x1024xi1>
    %select_n3A_1967 = arith.select %broadcast_in_dim3A_1966, %concatenate3A_1961, %concatenate3A_1964 : vector<100x1024xi1>, vector<100x1024xi32>
    %gt3A_1968 = arith.cmpi sgt, %select_n3A_1935, %select_n3A_1958 : vector<100x1024xi32>
    %eq3A_1969 = arith.cmpi eq, %select_n3A_1935, %select_n3A_1958 : vector<100x1024xi32>
    %lt3A_1970 = arith.cmpi slt, %select_n3A_1936, %select_n3A_1967 : vector<100x1024xi32>
    %and3A_1971 = arith.andi %eq3A_1969, %lt3A_1970 : vector<100x1024xi1>
    %or3A_1972 = arith.ori %gt3A_1968, %and3A_1971 : vector<100x1024xi1>
    %eq3A_1973 = vector.broadcast %xor3A_1949 : vector<1x1024xi1> to vector<100x1024xi1>
    %eq3A_1974 = vector.broadcast %eq3A_1973 : vector<100x1024xi1> to vector<100x1024xi1>
    %eq3A_1975 = arith.xori %or3A_1972, %eq3A_1974 : vector<100x1024xi1>
    %eq3A_1976 = arith.constant dense<true> : vector<100x1024xi1>
    %eq3A_1977 = arith.xori %eq3A_1975, %eq3A_1976 : vector<100x1024xi1>
    %select_n3A_1978 = arith.select %eq3A_1977, %select_n3A_1935, %select_n3A_1958 : vector<100x1024xi1>, vector<100x1024xi32>
    %select_n3A_1979 = arith.select %eq3A_1977, %select_n3A_1936, %select_n3A_1967 : vector<100x1024xi1>, vector<100x1024xi32>
    %and3A_1980 = arith.constant 256 : i32
    %and3A_1981 = vector.broadcast %and3A_1980 : i32 to vector<1x1024xi32>
    %and3A_1982 = arith.andi %iota3A_7, %and3A_1981 : vector<1x1024xi32>
    %ne3A_1983 = arith.constant 0 : i32
    %ne3A_1984 = vector.broadcast %ne3A_1983 : i32 to vector<1x1024xi32>
    %ne3A_1985 = arith.cmpi ne, %and3A_1982, %ne3A_1984 : vector<1x1024xi32>
    %and3A_1986 = arith.constant 1024 : i32
    %and3A_1987 = vector.broadcast %and3A_1986 : i32 to vector<1x1024xi32>
    %and3A_1988 = arith.andi %iota3A_7, %and3A_1987 : vector<1x1024xi32>
    %eq3A_1989 = arith.constant 0 : i32
    %eq3A_1990 = vector.broadcast %eq3A_1989 : i32 to vector<1x1024xi32>
    %eq3A_1991 = arith.cmpi eq, %and3A_1988, %eq3A_1990 : vector<1x1024xi32>
    %xor3A_1992 = arith.xori %eq3A_1991, %ne3A_1985 : vector<1x1024xi1>
    %slice3A_1993 = vector.extract_strided_slice %select_n3A_1978 {offsets = [0, 768], sizes = [100, 256], strides = [1, 1]} : vector<100x1024xi32> to vector<100x256xi32>
    %slice3A_1994 = vector.extract_strided_slice %select_n3A_1978 {offsets = [0, 0], sizes = [100, 768], strides = [1, 1]} : vector<100x1024xi32> to vector<100x768xi32>
    %concatenate3A_1995 = tpu.concatenate %slice3A_1993, %slice3A_1994 in 1 : vector<100x256xi32>, vector<100x768xi32> -> vector<100x1024xi32>
    %slice3A_1996 = vector.extract_strided_slice %select_n3A_1978 {offsets = [0, 256], sizes = [100, 768], strides = [1, 1]} : vector<100x1024xi32> to vector<100x768xi32>
    %slice3A_1997 = vector.extract_strided_slice %select_n3A_1978 {offsets = [0, 0], sizes = [100, 256], strides = [1, 1]} : vector<100x1024xi32> to vector<100x256xi32>
    %concatenate3A_1998 = tpu.concatenate %slice3A_1996, %slice3A_1997 in 1 : vector<100x768xi32>, vector<100x256xi32> -> vector<100x1024xi32>
    %broadcast_in_dim3A_1999 = vector.shape_cast %ne3A_1985 : vector<1x1024xi1> to vector<1x1024xi1>
    %broadcast_in_dim3A_2000 = vector.broadcast %broadcast_in_dim3A_1999 : vector<1x1024xi1> to vector<100x1024xi1>
    %select_n3A_2001 = arith.select %broadcast_in_dim3A_2000, %concatenate3A_1995, %concatenate3A_1998 : vector<100x1024xi1>, vector<100x1024xi32>
    %slice3A_2002 = vector.extract_strided_slice %select_n3A_1979 {offsets = [0, 768], sizes = [100, 256], strides = [1, 1]} : vector<100x1024xi32> to vector<100x256xi32>
    %slice3A_2003 = vector.extract_strided_slice %select_n3A_1979 {offsets = [0, 0], sizes = [100, 768], strides = [1, 1]} : vector<100x1024xi32> to vector<100x768xi32>
    %concatenate3A_2004 = tpu.concatenate %slice3A_2002, %slice3A_2003 in 1 : vector<100x256xi32>, vector<100x768xi32> -> vector<100x1024xi32>
    %slice3A_2005 = vector.extract_strided_slice %select_n3A_1979 {offsets = [0, 256], sizes = [100, 768], strides = [1, 1]} : vector<100x1024xi32> to vector<100x768xi32>
    %slice3A_2006 = vector.extract_strided_slice %select_n3A_1979 {offsets = [0, 0], sizes = [100, 256], strides = [1, 1]} : vector<100x1024xi32> to vector<100x256xi32>
    %concatenate3A_2007 = tpu.concatenate %slice3A_2005, %slice3A_2006 in 1 : vector<100x768xi32>, vector<100x256xi32> -> vector<100x1024xi32>
    %broadcast_in_dim3A_2008 = vector.shape_cast %ne3A_1985 : vector<1x1024xi1> to vector<1x1024xi1>
    %broadcast_in_dim3A_2009 = vector.broadcast %broadcast_in_dim3A_2008 : vector<1x1024xi1> to vector<100x1024xi1>
    %select_n3A_2010 = arith.select %broadcast_in_dim3A_2009, %concatenate3A_2004, %concatenate3A_2007 : vector<100x1024xi1>, vector<100x1024xi32>
    %gt3A_2011 = arith.cmpi sgt, %select_n3A_1978, %select_n3A_2001 : vector<100x1024xi32>
    %eq3A_2012 = arith.cmpi eq, %select_n3A_1978, %select_n3A_2001 : vector<100x1024xi32>
    %lt3A_2013 = arith.cmpi slt, %select_n3A_1979, %select_n3A_2010 : vector<100x1024xi32>
    %and3A_2014 = arith.andi %eq3A_2012, %lt3A_2013 : vector<100x1024xi1>
    %or3A_2015 = arith.ori %gt3A_2011, %and3A_2014 : vector<100x1024xi1>
    %eq3A_2016 = vector.broadcast %xor3A_1992 : vector<1x1024xi1> to vector<100x1024xi1>
    %eq3A_2017 = vector.broadcast %eq3A_2016 : vector<100x1024xi1> to vector<100x1024xi1>
    %eq3A_2018 = arith.xori %or3A_2015, %eq3A_2017 : vector<100x1024xi1>
    %eq3A_2019 = arith.constant dense<true> : vector<100x1024xi1>
    %eq3A_2020 = arith.xori %eq3A_2018, %eq3A_2019 : vector<100x1024xi1>
    %select_n3A_2021 = arith.select %eq3A_2020, %select_n3A_1978, %select_n3A_2001 : vector<100x1024xi1>, vector<100x1024xi32>
    %select_n3A_2022 = arith.select %eq3A_2020, %select_n3A_1979, %select_n3A_2010 : vector<100x1024xi1>, vector<100x1024xi32>
    %and3A_2023 = arith.constant 128 : i32
    %and3A_2024 = vector.broadcast %and3A_2023 : i32 to vector<1x1024xi32>
    %and3A_2025 = arith.andi %iota3A_7, %and3A_2024 : vector<1x1024xi32>
    %ne3A_2026 = arith.constant 0 : i32
    %ne3A_2027 = vector.broadcast %ne3A_2026 : i32 to vector<1x1024xi32>
    %ne3A_2028 = arith.cmpi ne, %and3A_2025, %ne3A_2027 : vector<1x1024xi32>
    %and3A_2029 = arith.constant 1024 : i32
    %and3A_2030 = vector.broadcast %and3A_2029 : i32 to vector<1x1024xi32>
    %and3A_2031 = arith.andi %iota3A_7, %and3A_2030 : vector<1x1024xi32>
    %eq3A_2032 = arith.constant 0 : i32
    %eq3A_2033 = vector.broadcast %eq3A_2032 : i32 to vector<1x1024xi32>
    %eq3A_2034 = arith.cmpi eq, %and3A_2031, %eq3A_2033 : vector<1x1024xi32>
    %xor3A_2035 = arith.xori %eq3A_2034, %ne3A_2028 : vector<1x1024xi1>
    %slice3A_2036 = vector.extract_strided_slice %select_n3A_2021 {offsets = [0, 896], sizes = [100, 128], strides = [1, 1]} : vector<100x1024xi32> to vector<100x128xi32>
    %slice3A_2037 = vector.extract_strided_slice %select_n3A_2021 {offsets = [0, 0], sizes = [100, 896], strides = [1, 1]} : vector<100x1024xi32> to vector<100x896xi32>
    %concatenate3A_2038 = tpu.concatenate %slice3A_2036, %slice3A_2037 in 1 : vector<100x128xi32>, vector<100x896xi32> -> vector<100x1024xi32>
    %slice3A_2039 = vector.extract_strided_slice %select_n3A_2021 {offsets = [0, 128], sizes = [100, 896], strides = [1, 1]} : vector<100x1024xi32> to vector<100x896xi32>
    %slice3A_2040 = vector.extract_strided_slice %select_n3A_2021 {offsets = [0, 0], sizes = [100, 128], strides = [1, 1]} : vector<100x1024xi32> to vector<100x128xi32>
    %concatenate3A_2041 = tpu.concatenate %slice3A_2039, %slice3A_2040 in 1 : vector<100x896xi32>, vector<100x128xi32> -> vector<100x1024xi32>
    %broadcast_in_dim3A_2042 = vector.shape_cast %ne3A_2028 : vector<1x1024xi1> to vector<1x1024xi1>
    %broadcast_in_dim3A_2043 = vector.broadcast %broadcast_in_dim3A_2042 : vector<1x1024xi1> to vector<100x1024xi1>
    %select_n3A_2044 = arith.select %broadcast_in_dim3A_2043, %concatenate3A_2038, %concatenate3A_2041 : vector<100x1024xi1>, vector<100x1024xi32>
    %slice3A_2045 = vector.extract_strided_slice %select_n3A_2022 {offsets = [0, 896], sizes = [100, 128], strides = [1, 1]} : vector<100x1024xi32> to vector<100x128xi32>
    %slice3A_2046 = vector.extract_strided_slice %select_n3A_2022 {offsets = [0, 0], sizes = [100, 896], strides = [1, 1]} : vector<100x1024xi32> to vector<100x896xi32>
    %concatenate3A_2047 = tpu.concatenate %slice3A_2045, %slice3A_2046 in 1 : vector<100x128xi32>, vector<100x896xi32> -> vector<100x1024xi32>
    %slice3A_2048 = vector.extract_strided_slice %select_n3A_2022 {offsets = [0, 128], sizes = [100, 896], strides = [1, 1]} : vector<100x1024xi32> to vector<100x896xi32>
    %slice3A_2049 = vector.extract_strided_slice %select_n3A_2022 {offsets = [0, 0], sizes = [100, 128], strides = [1, 1]} : vector<100x1024xi32> to vector<100x128xi32>
    %concatenate3A_2050 = tpu.concatenate %slice3A_2048, %slice3A_2049 in 1 : vector<100x896xi32>, vector<100x128xi32> -> vector<100x1024xi32>
    %broadcast_in_dim3A_2051 = vector.shape_cast %ne3A_2028 : vector<1x1024xi1> to vector<1x1024xi1>
    %broadcast_in_dim3A_2052 = vector.broadcast %broadcast_in_dim3A_2051 : vector<1x1024xi1> to vector<100x1024xi1>
    %select_n3A_2053 = arith.select %broadcast_in_dim3A_2052, %concatenate3A_2047, %concatenate3A_2050 : vector<100x1024xi1>, vector<100x1024xi32>
    %gt3A_2054 = arith.cmpi sgt, %select_n3A_2021, %select_n3A_2044 : vector<100x1024xi32>
    %eq3A_2055 = arith.cmpi eq, %select_n3A_2021, %select_n3A_2044 : vector<100x1024xi32>
    %lt3A_2056 = arith.cmpi slt, %select_n3A_2022, %select_n3A_2053 : vector<100x1024xi32>
    %and3A_2057 = arith.andi %eq3A_2055, %lt3A_2056 : vector<100x1024xi1>
    %or3A_2058 = arith.ori %gt3A_2054, %and3A_2057 : vector<100x1024xi1>
    %eq3A_2059 = vector.broadcast %xor3A_2035 : vector<1x1024xi1> to vector<100x1024xi1>
    %eq3A_2060 = vector.broadcast %eq3A_2059 : vector<100x1024xi1> to vector<100x1024xi1>
    %eq3A_2061 = arith.xori %or3A_2058, %eq3A_2060 : vector<100x1024xi1>
    %eq3A_2062 = arith.constant dense<true> : vector<100x1024xi1>
    %eq3A_2063 = arith.xori %eq3A_2061, %eq3A_2062 : vector<100x1024xi1>
    %select_n3A_2064 = arith.select %eq3A_2063, %select_n3A_2021, %select_n3A_2044 : vector<100x1024xi1>, vector<100x1024xi32>
    %select_n3A_2065 = arith.select %eq3A_2063, %select_n3A_2022, %select_n3A_2053 : vector<100x1024xi1>, vector<100x1024xi32>
    %and3A_2066 = arith.constant 64 : i32
    %and3A_2067 = vector.broadcast %and3A_2066 : i32 to vector<1x1024xi32>
    %and3A_2068 = arith.andi %iota3A_7, %and3A_2067 : vector<1x1024xi32>
    %ne3A_2069 = arith.constant 0 : i32
    %ne3A_2070 = vector.broadcast %ne3A_2069 : i32 to vector<1x1024xi32>
    %ne3A_2071 = arith.cmpi ne, %and3A_2068, %ne3A_2070 : vector<1x1024xi32>
    %and3A_2072 = arith.constant 1024 : i32
    %and3A_2073 = vector.broadcast %and3A_2072 : i32 to vector<1x1024xi32>
    %and3A_2074 = arith.andi %iota3A_7, %and3A_2073 : vector<1x1024xi32>
    %eq3A_2075 = arith.constant 0 : i32
    %eq3A_2076 = vector.broadcast %eq3A_2075 : i32 to vector<1x1024xi32>
    %eq3A_2077 = arith.cmpi eq, %and3A_2074, %eq3A_2076 : vector<1x1024xi32>
    %xor3A_2078 = arith.xori %eq3A_2077, %ne3A_2071 : vector<1x1024xi1>
    %slice3A_2079 = vector.extract_strided_slice %select_n3A_2064 {offsets = [0, 960], sizes = [100, 64], strides = [1, 1]} : vector<100x1024xi32> to vector<100x64xi32>
    %slice3A_2080 = vector.extract_strided_slice %select_n3A_2064 {offsets = [0, 0], sizes = [100, 960], strides = [1, 1]} : vector<100x1024xi32> to vector<100x960xi32>
    %concatenate3A_2081 = tpu.concatenate %slice3A_2079, %slice3A_2080 in 1 : vector<100x64xi32>, vector<100x960xi32> -> vector<100x1024xi32>
    %slice3A_2082 = vector.extract_strided_slice %select_n3A_2064 {offsets = [0, 64], sizes = [100, 960], strides = [1, 1]} : vector<100x1024xi32> to vector<100x960xi32>
    %slice3A_2083 = vector.extract_strided_slice %select_n3A_2064 {offsets = [0, 0], sizes = [100, 64], strides = [1, 1]} : vector<100x1024xi32> to vector<100x64xi32>
    %concatenate3A_2084 = tpu.concatenate %slice3A_2082, %slice3A_2083 in 1 : vector<100x960xi32>, vector<100x64xi32> -> vector<100x1024xi32>
    %broadcast_in_dim3A_2085 = vector.shape_cast %ne3A_2071 : vector<1x1024xi1> to vector<1x1024xi1>
    %broadcast_in_dim3A_2086 = vector.broadcast %broadcast_in_dim3A_2085 : vector<1x1024xi1> to vector<100x1024xi1>
    %select_n3A_2087 = arith.select %broadcast_in_dim3A_2086, %concatenate3A_2081, %concatenate3A_2084 : vector<100x1024xi1>, vector<100x1024xi32>
    %slice3A_2088 = vector.extract_strided_slice %select_n3A_2065 {offsets = [0, 960], sizes = [100, 64], strides = [1, 1]} : vector<100x1024xi32> to vector<100x64xi32>
    %slice3A_2089 = vector.extract_strided_slice %select_n3A_2065 {offsets = [0, 0], sizes = [100, 960], strides = [1, 1]} : vector<100x1024xi32> to vector<100x960xi32>
    %concatenate3A_2090 = tpu.concatenate %slice3A_2088, %slice3A_2089 in 1 : vector<100x64xi32>, vector<100x960xi32> -> vector<100x1024xi32>
    %slice3A_2091 = vector.extract_strided_slice %select_n3A_2065 {offsets = [0, 64], sizes = [100, 960], strides = [1, 1]} : vector<100x1024xi32> to vector<100x960xi32>
    %slice3A_2092 = vector.extract_strided_slice %select_n3A_2065 {offsets = [0, 0], sizes = [100, 64], strides = [1, 1]} : vector<100x1024xi32> to vector<100x64xi32>
    %concatenate3A_2093 = tpu.concatenate %slice3A_2091, %slice3A_2092 in 1 : vector<100x960xi32>, vector<100x64xi32> -> vector<100x1024xi32>
    %broadcast_in_dim3A_2094 = vector.shape_cast %ne3A_2071 : vector<1x1024xi1> to vector<1x1024xi1>
    %broadcast_in_dim3A_2095 = vector.broadcast %broadcast_in_dim3A_2094 : vector<1x1024xi1> to vector<100x1024xi1>
    %select_n3A_2096 = arith.select %broadcast_in_dim3A_2095, %concatenate3A_2090, %concatenate3A_2093 : vector<100x1024xi1>, vector<100x1024xi32>
    %gt3A_2097 = arith.cmpi sgt, %select_n3A_2064, %select_n3A_2087 : vector<100x1024xi32>
    %eq3A_2098 = arith.cmpi eq, %select_n3A_2064, %select_n3A_2087 : vector<100x1024xi32>
    %lt3A_2099 = arith.cmpi slt, %select_n3A_2065, %select_n3A_2096 : vector<100x1024xi32>
    %and3A_2100 = arith.andi %eq3A_2098, %lt3A_2099 : vector<100x1024xi1>
    %or3A_2101 = arith.ori %gt3A_2097, %and3A_2100 : vector<100x1024xi1>
    %eq3A_2102 = vector.broadcast %xor3A_2078 : vector<1x1024xi1> to vector<100x1024xi1>
    %eq3A_2103 = vector.broadcast %eq3A_2102 : vector<100x1024xi1> to vector<100x1024xi1>
    %eq3A_2104 = arith.xori %or3A_2101, %eq3A_2103 : vector<100x1024xi1>
    %eq3A_2105 = arith.constant dense<true> : vector<100x1024xi1>
    %eq3A_2106 = arith.xori %eq3A_2104, %eq3A_2105 : vector<100x1024xi1>
    %select_n3A_2107 = arith.select %eq3A_2106, %select_n3A_2064, %select_n3A_2087 : vector<100x1024xi1>, vector<100x1024xi32>
    %select_n3A_2108 = arith.select %eq3A_2106, %select_n3A_2065, %select_n3A_2096 : vector<100x1024xi1>, vector<100x1024xi32>
    %and3A_2109 = arith.constant 32 : i32
    %and3A_2110 = vector.broadcast %and3A_2109 : i32 to vector<1x1024xi32>
    %and3A_2111 = arith.andi %iota3A_7, %and3A_2110 : vector<1x1024xi32>
    %ne3A_2112 = arith.constant 0 : i32
    %ne3A_2113 = vector.broadcast %ne3A_2112 : i32 to vector<1x1024xi32>
    %ne3A_2114 = arith.cmpi ne, %and3A_2111, %ne3A_2113 : vector<1x1024xi32>
    %and3A_2115 = arith.constant 1024 : i32
    %and3A_2116 = vector.broadcast %and3A_2115 : i32 to vector<1x1024xi32>
    %and3A_2117 = arith.andi %iota3A_7, %and3A_2116 : vector<1x1024xi32>
    %eq3A_2118 = arith.constant 0 : i32
    %eq3A_2119 = vector.broadcast %eq3A_2118 : i32 to vector<1x1024xi32>
    %eq3A_2120 = arith.cmpi eq, %and3A_2117, %eq3A_2119 : vector<1x1024xi32>
    %xor3A_2121 = arith.xori %eq3A_2120, %ne3A_2114 : vector<1x1024xi1>
    %slice3A_2122 = vector.extract_strided_slice %select_n3A_2107 {offsets = [0, 992], sizes = [100, 32], strides = [1, 1]} : vector<100x1024xi32> to vector<100x32xi32>
    %slice3A_2123 = vector.extract_strided_slice %select_n3A_2107 {offsets = [0, 0], sizes = [100, 992], strides = [1, 1]} : vector<100x1024xi32> to vector<100x992xi32>
    %concatenate3A_2124 = tpu.concatenate %slice3A_2122, %slice3A_2123 in 1 : vector<100x32xi32>, vector<100x992xi32> -> vector<100x1024xi32>
    %slice3A_2125 = vector.extract_strided_slice %select_n3A_2107 {offsets = [0, 32], sizes = [100, 992], strides = [1, 1]} : vector<100x1024xi32> to vector<100x992xi32>
    %slice3A_2126 = vector.extract_strided_slice %select_n3A_2107 {offsets = [0, 0], sizes = [100, 32], strides = [1, 1]} : vector<100x1024xi32> to vector<100x32xi32>
    %concatenate3A_2127 = tpu.concatenate %slice3A_2125, %slice3A_2126 in 1 : vector<100x992xi32>, vector<100x32xi32> -> vector<100x1024xi32>
    %broadcast_in_dim3A_2128 = vector.shape_cast %ne3A_2114 : vector<1x1024xi1> to vector<1x1024xi1>
    %broadcast_in_dim3A_2129 = vector.broadcast %broadcast_in_dim3A_2128 : vector<1x1024xi1> to vector<100x1024xi1>
    %select_n3A_2130 = arith.select %broadcast_in_dim3A_2129, %concatenate3A_2124, %concatenate3A_2127 : vector<100x1024xi1>, vector<100x1024xi32>
    %slice3A_2131 = vector.extract_strided_slice %select_n3A_2108 {offsets = [0, 992], sizes = [100, 32], strides = [1, 1]} : vector<100x1024xi32> to vector<100x32xi32>
    %slice3A_2132 = vector.extract_strided_slice %select_n3A_2108 {offsets = [0, 0], sizes = [100, 992], strides = [1, 1]} : vector<100x1024xi32> to vector<100x992xi32>
    %concatenate3A_2133 = tpu.concatenate %slice3A_2131, %slice3A_2132 in 1 : vector<100x32xi32>, vector<100x992xi32> -> vector<100x1024xi32>
    %slice3A_2134 = vector.extract_strided_slice %select_n3A_2108 {offsets = [0, 32], sizes = [100, 992], strides = [1, 1]} : vector<100x1024xi32> to vector<100x992xi32>
    %slice3A_2135 = vector.extract_strided_slice %select_n3A_2108 {offsets = [0, 0], sizes = [100, 32], strides = [1, 1]} : vector<100x1024xi32> to vector<100x32xi32>
    %concatenate3A_2136 = tpu.concatenate %slice3A_2134, %slice3A_2135 in 1 : vector<100x992xi32>, vector<100x32xi32> -> vector<100x1024xi32>
    %broadcast_in_dim3A_2137 = vector.shape_cast %ne3A_2114 : vector<1x1024xi1> to vector<1x1024xi1>
    %broadcast_in_dim3A_2138 = vector.broadcast %broadcast_in_dim3A_2137 : vector<1x1024xi1> to vector<100x1024xi1>
    %select_n3A_2139 = arith.select %broadcast_in_dim3A_2138, %concatenate3A_2133, %concatenate3A_2136 : vector<100x1024xi1>, vector<100x1024xi32>
    %gt3A_2140 = arith.cmpi sgt, %select_n3A_2107, %select_n3A_2130 : vector<100x1024xi32>
    %eq3A_2141 = arith.cmpi eq, %select_n3A_2107, %select_n3A_2130 : vector<100x1024xi32>
    %lt3A_2142 = arith.cmpi slt, %select_n3A_2108, %select_n3A_2139 : vector<100x1024xi32>
    %and3A_2143 = arith.andi %eq3A_2141, %lt3A_2142 : vector<100x1024xi1>
    %or3A_2144 = arith.ori %gt3A_2140, %and3A_2143 : vector<100x1024xi1>
    %eq3A_2145 = vector.broadcast %xor3A_2121 : vector<1x1024xi1> to vector<100x1024xi1>
    %eq3A_2146 = vector.broadcast %eq3A_2145 : vector<100x1024xi1> to vector<100x1024xi1>
    %eq3A_2147 = arith.xori %or3A_2144, %eq3A_2146 : vector<100x1024xi1>
    %eq3A_2148 = arith.constant dense<true> : vector<100x1024xi1>
    %eq3A_2149 = arith.xori %eq3A_2147, %eq3A_2148 : vector<100x1024xi1>
    %select_n3A_2150 = arith.select %eq3A_2149, %select_n3A_2107, %select_n3A_2130 : vector<100x1024xi1>, vector<100x1024xi32>
    %select_n3A_2151 = arith.select %eq3A_2149, %select_n3A_2108, %select_n3A_2139 : vector<100x1024xi1>, vector<100x1024xi32>
    %and3A_2152 = arith.constant 16 : i32
    %and3A_2153 = vector.broadcast %and3A_2152 : i32 to vector<1x1024xi32>
    %and3A_2154 = arith.andi %iota3A_7, %and3A_2153 : vector<1x1024xi32>
    %ne3A_2155 = arith.constant 0 : i32
    %ne3A_2156 = vector.broadcast %ne3A_2155 : i32 to vector<1x1024xi32>
    %ne3A_2157 = arith.cmpi ne, %and3A_2154, %ne3A_2156 : vector<1x1024xi32>
    %and3A_2158 = arith.constant 1024 : i32
    %and3A_2159 = vector.broadcast %and3A_2158 : i32 to vector<1x1024xi32>
    %and3A_2160 = arith.andi %iota3A_7, %and3A_2159 : vector<1x1024xi32>
    %eq3A_2161 = arith.constant 0 : i32
    %eq3A_2162 = vector.broadcast %eq3A_2161 : i32 to vector<1x1024xi32>
    %eq3A_2163 = arith.cmpi eq, %and3A_2160, %eq3A_2162 : vector<1x1024xi32>
    %xor3A_2164 = arith.xori %eq3A_2163, %ne3A_2157 : vector<1x1024xi1>
    %slice3A_2165 = vector.extract_strided_slice %select_n3A_2150 {offsets = [0, 1008], sizes = [100, 16], strides = [1, 1]} : vector<100x1024xi32> to vector<100x16xi32>
    %slice3A_2166 = vector.extract_strided_slice %select_n3A_2150 {offsets = [0, 0], sizes = [100, 1008], strides = [1, 1]} : vector<100x1024xi32> to vector<100x1008xi32>
    %concatenate3A_2167 = tpu.concatenate %slice3A_2165, %slice3A_2166 in 1 : vector<100x16xi32>, vector<100x1008xi32> -> vector<100x1024xi32>
    %slice3A_2168 = vector.extract_strided_slice %select_n3A_2150 {offsets = [0, 16], sizes = [100, 1008], strides = [1, 1]} : vector<100x1024xi32> to vector<100x1008xi32>
    %slice3A_2169 = vector.extract_strided_slice %select_n3A_2150 {offsets = [0, 0], sizes = [100, 16], strides = [1, 1]} : vector<100x1024xi32> to vector<100x16xi32>
    %concatenate3A_2170 = tpu.concatenate %slice3A_2168, %slice3A_2169 in 1 : vector<100x1008xi32>, vector<100x16xi32> -> vector<100x1024xi32>
    %broadcast_in_dim3A_2171 = vector.shape_cast %ne3A_2157 : vector<1x1024xi1> to vector<1x1024xi1>
    %broadcast_in_dim3A_2172 = vector.broadcast %broadcast_in_dim3A_2171 : vector<1x1024xi1> to vector<100x1024xi1>
    %select_n3A_2173 = arith.select %broadcast_in_dim3A_2172, %concatenate3A_2167, %concatenate3A_2170 : vector<100x1024xi1>, vector<100x1024xi32>
    %slice3A_2174 = vector.extract_strided_slice %select_n3A_2151 {offsets = [0, 1008], sizes = [100, 16], strides = [1, 1]} : vector<100x1024xi32> to vector<100x16xi32>
    %slice3A_2175 = vector.extract_strided_slice %select_n3A_2151 {offsets = [0, 0], sizes = [100, 1008], strides = [1, 1]} : vector<100x1024xi32> to vector<100x1008xi32>
    %concatenate3A_2176 = tpu.concatenate %slice3A_2174, %slice3A_2175 in 1 : vector<100x16xi32>, vector<100x1008xi32> -> vector<100x1024xi32>
    %slice3A_2177 = vector.extract_strided_slice %select_n3A_2151 {offsets = [0, 16], sizes = [100, 1008], strides = [1, 1]} : vector<100x1024xi32> to vector<100x1008xi32>
    %slice3A_2178 = vector.extract_strided_slice %select_n3A_2151 {offsets = [0, 0], sizes = [100, 16], strides = [1, 1]} : vector<100x1024xi32> to vector<100x16xi32>
    %concatenate3A_2179 = tpu.concatenate %slice3A_2177, %slice3A_2178 in 1 : vector<100x1008xi32>, vector<100x16xi32> -> vector<100x1024xi32>
    %broadcast_in_dim3A_2180 = vector.shape_cast %ne3A_2157 : vector<1x1024xi1> to vector<1x1024xi1>
    %broadcast_in_dim3A_2181 = vector.broadcast %broadcast_in_dim3A_2180 : vector<1x1024xi1> to vector<100x1024xi1>
    %select_n3A_2182 = arith.select %broadcast_in_dim3A_2181, %concatenate3A_2176, %concatenate3A_2179 : vector<100x1024xi1>, vector<100x1024xi32>
    %gt3A_2183 = arith.cmpi sgt, %select_n3A_2150, %select_n3A_2173 : vector<100x1024xi32>
    %eq3A_2184 = arith.cmpi eq, %select_n3A_2150, %select_n3A_2173 : vector<100x1024xi32>
    %lt3A_2185 = arith.cmpi slt, %select_n3A_2151, %select_n3A_2182 : vector<100x1024xi32>
    %and3A_2186 = arith.andi %eq3A_2184, %lt3A_2185 : vector<100x1024xi1>
    %or3A_2187 = arith.ori %gt3A_2183, %and3A_2186 : vector<100x1024xi1>
    %eq3A_2188 = vector.broadcast %xor3A_2164 : vector<1x1024xi1> to vector<100x1024xi1>
    %eq3A_2189 = vector.broadcast %eq3A_2188 : vector<100x1024xi1> to vector<100x1024xi1>
    %eq3A_2190 = arith.xori %or3A_2187, %eq3A_2189 : vector<100x1024xi1>
    %eq3A_2191 = arith.constant dense<true> : vector<100x1024xi1>
    %eq3A_2192 = arith.xori %eq3A_2190, %eq3A_2191 : vector<100x1024xi1>
    %select_n3A_2193 = arith.select %eq3A_2192, %select_n3A_2150, %select_n3A_2173 : vector<100x1024xi1>, vector<100x1024xi32>
    %select_n3A_2194 = arith.select %eq3A_2192, %select_n3A_2151, %select_n3A_2182 : vector<100x1024xi1>, vector<100x1024xi32>
    %and3A_2195 = arith.constant 8 : i32
    %and3A_2196 = vector.broadcast %and3A_2195 : i32 to vector<1x1024xi32>
    %and3A_2197 = arith.andi %iota3A_7, %and3A_2196 : vector<1x1024xi32>
    %ne3A_2198 = arith.constant 0 : i32
    %ne3A_2199 = vector.broadcast %ne3A_2198 : i32 to vector<1x1024xi32>
    %ne3A_2200 = arith.cmpi ne, %and3A_2197, %ne3A_2199 : vector<1x1024xi32>
    %and3A_2201 = arith.constant 1024 : i32
    %and3A_2202 = vector.broadcast %and3A_2201 : i32 to vector<1x1024xi32>
    %and3A_2203 = arith.andi %iota3A_7, %and3A_2202 : vector<1x1024xi32>
    %eq3A_2204 = arith.constant 0 : i32
    %eq3A_2205 = vector.broadcast %eq3A_2204 : i32 to vector<1x1024xi32>
    %eq3A_2206 = arith.cmpi eq, %and3A_2203, %eq3A_2205 : vector<1x1024xi32>
    %xor3A_2207 = arith.xori %eq3A_2206, %ne3A_2200 : vector<1x1024xi1>
    %slice3A_2208 = vector.extract_strided_slice %select_n3A_2193 {offsets = [0, 1016], sizes = [100, 8], strides = [1, 1]} : vector<100x1024xi32> to vector<100x8xi32>
    %slice3A_2209 = vector.extract_strided_slice %select_n3A_2193 {offsets = [0, 0], sizes = [100, 1016], strides = [1, 1]} : vector<100x1024xi32> to vector<100x1016xi32>
    %concatenate3A_2210 = tpu.concatenate %slice3A_2208, %slice3A_2209 in 1 : vector<100x8xi32>, vector<100x1016xi32> -> vector<100x1024xi32>
    %slice3A_2211 = vector.extract_strided_slice %select_n3A_2193 {offsets = [0, 8], sizes = [100, 1016], strides = [1, 1]} : vector<100x1024xi32> to vector<100x1016xi32>
    %slice3A_2212 = vector.extract_strided_slice %select_n3A_2193 {offsets = [0, 0], sizes = [100, 8], strides = [1, 1]} : vector<100x1024xi32> to vector<100x8xi32>
    %concatenate3A_2213 = tpu.concatenate %slice3A_2211, %slice3A_2212 in 1 : vector<100x1016xi32>, vector<100x8xi32> -> vector<100x1024xi32>
    %broadcast_in_dim3A_2214 = vector.shape_cast %ne3A_2200 : vector<1x1024xi1> to vector<1x1024xi1>
    %broadcast_in_dim3A_2215 = vector.broadcast %broadcast_in_dim3A_2214 : vector<1x1024xi1> to vector<100x1024xi1>
    %select_n3A_2216 = arith.select %broadcast_in_dim3A_2215, %concatenate3A_2210, %concatenate3A_2213 : vector<100x1024xi1>, vector<100x1024xi32>
    %slice3A_2217 = vector.extract_strided_slice %select_n3A_2194 {offsets = [0, 1016], sizes = [100, 8], strides = [1, 1]} : vector<100x1024xi32> to vector<100x8xi32>
    %slice3A_2218 = vector.extract_strided_slice %select_n3A_2194 {offsets = [0, 0], sizes = [100, 1016], strides = [1, 1]} : vector<100x1024xi32> to vector<100x1016xi32>
    %concatenate3A_2219 = tpu.concatenate %slice3A_2217, %slice3A_2218 in 1 : vector<100x8xi32>, vector<100x1016xi32> -> vector<100x1024xi32>
    %slice3A_2220 = vector.extract_strided_slice %select_n3A_2194 {offsets = [0, 8], sizes = [100, 1016], strides = [1, 1]} : vector<100x1024xi32> to vector<100x1016xi32>
    %slice3A_2221 = vector.extract_strided_slice %select_n3A_2194 {offsets = [0, 0], sizes = [100, 8], strides = [1, 1]} : vector<100x1024xi32> to vector<100x8xi32>
    %concatenate3A_2222 = tpu.concatenate %slice3A_2220, %slice3A_2221 in 1 : vector<100x1016xi32>, vector<100x8xi32> -> vector<100x1024xi32>
    %broadcast_in_dim3A_2223 = vector.shape_cast %ne3A_2200 : vector<1x1024xi1> to vector<1x1024xi1>
    %broadcast_in_dim3A_2224 = vector.broadcast %broadcast_in_dim3A_2223 : vector<1x1024xi1> to vector<100x1024xi1>
    %select_n3A_2225 = arith.select %broadcast_in_dim3A_2224, %concatenate3A_2219, %concatenate3A_2222 : vector<100x1024xi1>, vector<100x1024xi32>
    %gt3A_2226 = arith.cmpi sgt, %select_n3A_2193, %select_n3A_2216 : vector<100x1024xi32>
    %eq3A_2227 = arith.cmpi eq, %select_n3A_2193, %select_n3A_2216 : vector<100x1024xi32>
    %lt3A_2228 = arith.cmpi slt, %select_n3A_2194, %select_n3A_2225 : vector<100x1024xi32>
    %and3A_2229 = arith.andi %eq3A_2227, %lt3A_2228 : vector<100x1024xi1>
    %or3A_2230 = arith.ori %gt3A_2226, %and3A_2229 : vector<100x1024xi1>
    %eq3A_2231 = vector.broadcast %xor3A_2207 : vector<1x1024xi1> to vector<100x1024xi1>
    %eq3A_2232 = vector.broadcast %eq3A_2231 : vector<100x1024xi1> to vector<100x1024xi1>
    %eq3A_2233 = arith.xori %or3A_2230, %eq3A_2232 : vector<100x1024xi1>
    %eq3A_2234 = arith.constant dense<true> : vector<100x1024xi1>
    %eq3A_2235 = arith.xori %eq3A_2233, %eq3A_2234 : vector<100x1024xi1>
    %select_n3A_2236 = arith.select %eq3A_2235, %select_n3A_2193, %select_n3A_2216 : vector<100x1024xi1>, vector<100x1024xi32>
    %select_n3A_2237 = arith.select %eq3A_2235, %select_n3A_2194, %select_n3A_2225 : vector<100x1024xi1>, vector<100x1024xi32>
    %and3A_2238 = arith.constant 4 : i32
    %and3A_2239 = vector.broadcast %and3A_2238 : i32 to vector<1x1024xi32>
    %and3A_2240 = arith.andi %iota3A_7, %and3A_2239 : vector<1x1024xi32>
    %ne3A_2241 = arith.constant 0 : i32
    %ne3A_2242 = vector.broadcast %ne3A_2241 : i32 to vector<1x1024xi32>
    %ne3A_2243 = arith.cmpi ne, %and3A_2240, %ne3A_2242 : vector<1x1024xi32>
    %and3A_2244 = arith.constant 1024 : i32
    %and3A_2245 = vector.broadcast %and3A_2244 : i32 to vector<1x1024xi32>
    %and3A_2246 = arith.andi %iota3A_7, %and3A_2245 : vector<1x1024xi32>
    %eq3A_2247 = arith.constant 0 : i32
    %eq3A_2248 = vector.broadcast %eq3A_2247 : i32 to vector<1x1024xi32>
    %eq3A_2249 = arith.cmpi eq, %and3A_2246, %eq3A_2248 : vector<1x1024xi32>
    %xor3A_2250 = arith.xori %eq3A_2249, %ne3A_2243 : vector<1x1024xi1>
    %slice3A_2251 = vector.extract_strided_slice %select_n3A_2236 {offsets = [0, 1020], sizes = [100, 4], strides = [1, 1]} : vector<100x1024xi32> to vector<100x4xi32>
    %slice3A_2252 = vector.extract_strided_slice %select_n3A_2236 {offsets = [0, 0], sizes = [100, 1020], strides = [1, 1]} : vector<100x1024xi32> to vector<100x1020xi32>
    %concatenate3A_2253 = tpu.concatenate %slice3A_2251, %slice3A_2252 in 1 : vector<100x4xi32>, vector<100x1020xi32> -> vector<100x1024xi32>
    %slice3A_2254 = vector.extract_strided_slice %select_n3A_2236 {offsets = [0, 4], sizes = [100, 1020], strides = [1, 1]} : vector<100x1024xi32> to vector<100x1020xi32>
    %slice3A_2255 = vector.extract_strided_slice %select_n3A_2236 {offsets = [0, 0], sizes = [100, 4], strides = [1, 1]} : vector<100x1024xi32> to vector<100x4xi32>
    %concatenate3A_2256 = tpu.concatenate %slice3A_2254, %slice3A_2255 in 1 : vector<100x1020xi32>, vector<100x4xi32> -> vector<100x1024xi32>
    %broadcast_in_dim3A_2257 = vector.shape_cast %ne3A_2243 : vector<1x1024xi1> to vector<1x1024xi1>
    %broadcast_in_dim3A_2258 = vector.broadcast %broadcast_in_dim3A_2257 : vector<1x1024xi1> to vector<100x1024xi1>
    %select_n3A_2259 = arith.select %broadcast_in_dim3A_2258, %concatenate3A_2253, %concatenate3A_2256 : vector<100x1024xi1>, vector<100x1024xi32>
    %slice3A_2260 = vector.extract_strided_slice %select_n3A_2237 {offsets = [0, 1020], sizes = [100, 4], strides = [1, 1]} : vector<100x1024xi32> to vector<100x4xi32>
    %slice3A_2261 = vector.extract_strided_slice %select_n3A_2237 {offsets = [0, 0], sizes = [100, 1020], strides = [1, 1]} : vector<100x1024xi32> to vector<100x1020xi32>
    %concatenate3A_2262 = tpu.concatenate %slice3A_2260, %slice3A_2261 in 1 : vector<100x4xi32>, vector<100x1020xi32> -> vector<100x1024xi32>
    %slice3A_2263 = vector.extract_strided_slice %select_n3A_2237 {offsets = [0, 4], sizes = [100, 1020], strides = [1, 1]} : vector<100x1024xi32> to vector<100x1020xi32>
    %slice3A_2264 = vector.extract_strided_slice %select_n3A_2237 {offsets = [0, 0], sizes = [100, 4], strides = [1, 1]} : vector<100x1024xi32> to vector<100x4xi32>
    %concatenate3A_2265 = tpu.concatenate %slice3A_2263, %slice3A_2264 in 1 : vector<100x1020xi32>, vector<100x4xi32> -> vector<100x1024xi32>
    %broadcast_in_dim3A_2266 = vector.shape_cast %ne3A_2243 : vector<1x1024xi1> to vector<1x1024xi1>
    %broadcast_in_dim3A_2267 = vector.broadcast %broadcast_in_dim3A_2266 : vector<1x1024xi1> to vector<100x1024xi1>
    %select_n3A_2268 = arith.select %broadcast_in_dim3A_2267, %concatenate3A_2262, %concatenate3A_2265 : vector<100x1024xi1>, vector<100x1024xi32>
    %gt3A_2269 = arith.cmpi sgt, %select_n3A_2236, %select_n3A_2259 : vector<100x1024xi32>
    %eq3A_2270 = arith.cmpi eq, %select_n3A_2236, %select_n3A_2259 : vector<100x1024xi32>
    %lt3A_2271 = arith.cmpi slt, %select_n3A_2237, %select_n3A_2268 : vector<100x1024xi32>
    %and3A_2272 = arith.andi %eq3A_2270, %lt3A_2271 : vector<100x1024xi1>
    %or3A_2273 = arith.ori %gt3A_2269, %and3A_2272 : vector<100x1024xi1>
    %eq3A_2274 = vector.broadcast %xor3A_2250 : vector<1x1024xi1> to vector<100x1024xi1>
    %eq3A_2275 = vector.broadcast %eq3A_2274 : vector<100x1024xi1> to vector<100x1024xi1>
    %eq3A_2276 = arith.xori %or3A_2273, %eq3A_2275 : vector<100x1024xi1>
    %eq3A_2277 = arith.constant dense<true> : vector<100x1024xi1>
    %eq3A_2278 = arith.xori %eq3A_2276, %eq3A_2277 : vector<100x1024xi1>
    %select_n3A_2279 = arith.select %eq3A_2278, %select_n3A_2236, %select_n3A_2259 : vector<100x1024xi1>, vector<100x1024xi32>
    %select_n3A_2280 = arith.select %eq3A_2278, %select_n3A_2237, %select_n3A_2268 : vector<100x1024xi1>, vector<100x1024xi32>
    %and3A_2281 = arith.constant 2 : i32
    %and3A_2282 = vector.broadcast %and3A_2281 : i32 to vector<1x1024xi32>
    %and3A_2283 = arith.andi %iota3A_7, %and3A_2282 : vector<1x1024xi32>
    %ne3A_2284 = arith.constant 0 : i32
    %ne3A_2285 = vector.broadcast %ne3A_2284 : i32 to vector<1x1024xi32>
    %ne3A_2286 = arith.cmpi ne, %and3A_2283, %ne3A_2285 : vector<1x1024xi32>
    %and3A_2287 = arith.constant 1024 : i32
    %and3A_2288 = vector.broadcast %and3A_2287 : i32 to vector<1x1024xi32>
    %and3A_2289 = arith.andi %iota3A_7, %and3A_2288 : vector<1x1024xi32>
    %eq3A_2290 = arith.constant 0 : i32
    %eq3A_2291 = vector.broadcast %eq3A_2290 : i32 to vector<1x1024xi32>
    %eq3A_2292 = arith.cmpi eq, %and3A_2289, %eq3A_2291 : vector<1x1024xi32>
    %xor3A_2293 = arith.xori %eq3A_2292, %ne3A_2286 : vector<1x1024xi1>
    %slice3A_2294 = vector.extract_strided_slice %select_n3A_2279 {offsets = [0, 1022], sizes = [100, 2], strides = [1, 1]} : vector<100x1024xi32> to vector<100x2xi32>
    %slice3A_2295 = vector.extract_strided_slice %select_n3A_2279 {offsets = [0, 0], sizes = [100, 1022], strides = [1, 1]} : vector<100x1024xi32> to vector<100x1022xi32>
    %concatenate3A_2296 = tpu.concatenate %slice3A_2294, %slice3A_2295 in 1 : vector<100x2xi32>, vector<100x1022xi32> -> vector<100x1024xi32>
    %slice3A_2297 = vector.extract_strided_slice %select_n3A_2279 {offsets = [0, 2], sizes = [100, 1022], strides = [1, 1]} : vector<100x1024xi32> to vector<100x1022xi32>
    %slice3A_2298 = vector.extract_strided_slice %select_n3A_2279 {offsets = [0, 0], sizes = [100, 2], strides = [1, 1]} : vector<100x1024xi32> to vector<100x2xi32>
    %concatenate3A_2299 = tpu.concatenate %slice3A_2297, %slice3A_2298 in 1 : vector<100x1022xi32>, vector<100x2xi32> -> vector<100x1024xi32>
    %broadcast_in_dim3A_2300 = vector.shape_cast %ne3A_2286 : vector<1x1024xi1> to vector<1x1024xi1>
    %broadcast_in_dim3A_2301 = vector.broadcast %broadcast_in_dim3A_2300 : vector<1x1024xi1> to vector<100x1024xi1>
    %select_n3A_2302 = arith.select %broadcast_in_dim3A_2301, %concatenate3A_2296, %concatenate3A_2299 : vector<100x1024xi1>, vector<100x1024xi32>
    %slice3A_2303 = vector.extract_strided_slice %select_n3A_2280 {offsets = [0, 1022], sizes = [100, 2], strides = [1, 1]} : vector<100x1024xi32> to vector<100x2xi32>
    %slice3A_2304 = vector.extract_strided_slice %select_n3A_2280 {offsets = [0, 0], sizes = [100, 1022], strides = [1, 1]} : vector<100x1024xi32> to vector<100x1022xi32>
    %concatenate3A_2305 = tpu.concatenate %slice3A_2303, %slice3A_2304 in 1 : vector<100x2xi32>, vector<100x1022xi32> -> vector<100x1024xi32>
    %slice3A_2306 = vector.extract_strided_slice %select_n3A_2280 {offsets = [0, 2], sizes = [100, 1022], strides = [1, 1]} : vector<100x1024xi32> to vector<100x1022xi32>
    %slice3A_2307 = vector.extract_strided_slice %select_n3A_2280 {offsets = [0, 0], sizes = [100, 2], strides = [1, 1]} : vector<100x1024xi32> to vector<100x2xi32>
    %concatenate3A_2308 = tpu.concatenate %slice3A_2306, %slice3A_2307 in 1 : vector<100x1022xi32>, vector<100x2xi32> -> vector<100x1024xi32>
    %broadcast_in_dim3A_2309 = vector.shape_cast %ne3A_2286 : vector<1x1024xi1> to vector<1x1024xi1>
    %broadcast_in_dim3A_2310 = vector.broadcast %broadcast_in_dim3A_2309 : vector<1x1024xi1> to vector<100x1024xi1>
    %select_n3A_2311 = arith.select %broadcast_in_dim3A_2310, %concatenate3A_2305, %concatenate3A_2308 : vector<100x1024xi1>, vector<100x1024xi32>
    %gt3A_2312 = arith.cmpi sgt, %select_n3A_2279, %select_n3A_2302 : vector<100x1024xi32>
    %eq3A_2313 = arith.cmpi eq, %select_n3A_2279, %select_n3A_2302 : vector<100x1024xi32>
    %lt3A_2314 = arith.cmpi slt, %select_n3A_2280, %select_n3A_2311 : vector<100x1024xi32>
    %and3A_2315 = arith.andi %eq3A_2313, %lt3A_2314 : vector<100x1024xi1>
    %or3A_2316 = arith.ori %gt3A_2312, %and3A_2315 : vector<100x1024xi1>
    %eq3A_2317 = vector.broadcast %xor3A_2293 : vector<1x1024xi1> to vector<100x1024xi1>
    %eq3A_2318 = vector.broadcast %eq3A_2317 : vector<100x1024xi1> to vector<100x1024xi1>
    %eq3A_2319 = arith.xori %or3A_2316, %eq3A_2318 : vector<100x1024xi1>
    %eq3A_2320 = arith.constant dense<true> : vector<100x1024xi1>
    %eq3A_2321 = arith.xori %eq3A_2319, %eq3A_2320 : vector<100x1024xi1>
    %select_n3A_2322 = arith.select %eq3A_2321, %select_n3A_2279, %select_n3A_2302 : vector<100x1024xi1>, vector<100x1024xi32>
    %select_n3A_2323 = arith.select %eq3A_2321, %select_n3A_2280, %select_n3A_2311 : vector<100x1024xi1>, vector<100x1024xi32>
    %and3A_2324 = arith.constant 1 : i32
    %and3A_2325 = vector.broadcast %and3A_2324 : i32 to vector<1x1024xi32>
    %and3A_2326 = arith.andi %iota3A_7, %and3A_2325 : vector<1x1024xi32>
    %ne3A_2327 = arith.constant 0 : i32
    %ne3A_2328 = vector.broadcast %ne3A_2327 : i32 to vector<1x1024xi32>
    %ne3A_2329 = arith.cmpi ne, %and3A_2326, %ne3A_2328 : vector<1x1024xi32>
    %and3A_2330 = arith.constant 1024 : i32
    %and3A_2331 = vector.broadcast %and3A_2330 : i32 to vector<1x1024xi32>
    %and3A_2332 = arith.andi %iota3A_7, %and3A_2331 : vector<1x1024xi32>
    %eq3A_2333 = arith.constant 0 : i32
    %eq3A_2334 = vector.broadcast %eq3A_2333 : i32 to vector<1x1024xi32>
    %eq3A_2335 = arith.cmpi eq, %and3A_2332, %eq3A_2334 : vector<1x1024xi32>
    %xor3A_2336 = arith.xori %eq3A_2335, %ne3A_2329 : vector<1x1024xi1>
    %slice3A_2337 = vector.extract_strided_slice %select_n3A_2322 {offsets = [0, 1023], sizes = [100, 1], strides = [1, 1]} : vector<100x1024xi32> to vector<100x1xi32>
    %slice3A_2338 = vector.extract_strided_slice %select_n3A_2322 {offsets = [0, 0], sizes = [100, 1023], strides = [1, 1]} : vector<100x1024xi32> to vector<100x1023xi32>
    %concatenate3A_2339 = tpu.concatenate %slice3A_2337, %slice3A_2338 in 1 : vector<100x1xi32>, vector<100x1023xi32> -> vector<100x1024xi32>
    %slice3A_2340 = vector.extract_strided_slice %select_n3A_2322 {offsets = [0, 1], sizes = [100, 1023], strides = [1, 1]} : vector<100x1024xi32> to vector<100x1023xi32>
    %slice3A_2341 = vector.extract_strided_slice %select_n3A_2322 {offsets = [0, 0], sizes = [100, 1], strides = [1, 1]} : vector<100x1024xi32> to vector<100x1xi32>
    %concatenate3A_2342 = tpu.concatenate %slice3A_2340, %slice3A_2341 in 1 : vector<100x1023xi32>, vector<100x1xi32> -> vector<100x1024xi32>
    %broadcast_in_dim3A_2343 = vector.shape_cast %ne3A_2329 : vector<1x1024xi1> to vector<1x1024xi1>
    %broadcast_in_dim3A_2344 = vector.broadcast %broadcast_in_dim3A_2343 : vector<1x1024xi1> to vector<100x1024xi1>
    %select_n3A_2345 = arith.select %broadcast_in_dim3A_2344, %concatenate3A_2339, %concatenate3A_2342 : vector<100x1024xi1>, vector<100x1024xi32>
    %slice3A_2346 = vector.extract_strided_slice %select_n3A_2323 {offsets = [0, 1023], sizes = [100, 1], strides = [1, 1]} : vector<100x1024xi32> to vector<100x1xi32>
    %slice3A_2347 = vector.extract_strided_slice %select_n3A_2323 {offsets = [0, 0], sizes = [100, 1023], strides = [1, 1]} : vector<100x1024xi32> to vector<100x1023xi32>
    %concatenate3A_2348 = tpu.concatenate %slice3A_2346, %slice3A_2347 in 1 : vector<100x1xi32>, vector<100x1023xi32> -> vector<100x1024xi32>
    %slice3A_2349 = vector.extract_strided_slice %select_n3A_2323 {offsets = [0, 1], sizes = [100, 1023], strides = [1, 1]} : vector<100x1024xi32> to vector<100x1023xi32>
    %slice3A_2350 = vector.extract_strided_slice %select_n3A_2323 {offsets = [0, 0], sizes = [100, 1], strides = [1, 1]} : vector<100x1024xi32> to vector<100x1xi32>
    %concatenate3A_2351 = tpu.concatenate %slice3A_2349, %slice3A_2350 in 1 : vector<100x1023xi32>, vector<100x1xi32> -> vector<100x1024xi32>
    %broadcast_in_dim3A_2352 = vector.shape_cast %ne3A_2329 : vector<1x1024xi1> to vector<1x1024xi1>
    %broadcast_in_dim3A_2353 = vector.broadcast %broadcast_in_dim3A_2352 : vector<1x1024xi1> to vector<100x1024xi1>
    %select_n3A_2354 = arith.select %broadcast_in_dim3A_2353, %concatenate3A_2348, %concatenate3A_2351 : vector<100x1024xi1>, vector<100x1024xi32>
    %gt3A_2355 = arith.cmpi sgt, %select_n3A_2322, %select_n3A_2345 : vector<100x1024xi32>
    %eq3A_2356 = arith.cmpi eq, %select_n3A_2322, %select_n3A_2345 : vector<100x1024xi32>
    %lt3A_2357 = arith.cmpi slt, %select_n3A_2323, %select_n3A_2354 : vector<100x1024xi32>
    %and3A_2358 = arith.andi %eq3A_2356, %lt3A_2357 : vector<100x1024xi1>
    %or3A_2359 = arith.ori %gt3A_2355, %and3A_2358 : vector<100x1024xi1>
    %eq3A_2360 = vector.broadcast %xor3A_2336 : vector<1x1024xi1> to vector<100x1024xi1>
    %eq3A_2361 = vector.broadcast %eq3A_2360 : vector<100x1024xi1> to vector<100x1024xi1>
    %eq3A_2362 = arith.xori %or3A_2359, %eq3A_2361 : vector<100x1024xi1>
    %eq3A_2363 = arith.constant dense<true> : vector<100x1024xi1>
    %eq3A_2364 = arith.xori %eq3A_2362, %eq3A_2363 : vector<100x1024xi1>
    %select_n3A_2365 = arith.select %eq3A_2364, %select_n3A_2323, %select_n3A_2354 : vector<100x1024xi1>, vector<100x1024xi32>
    %iota3A_2366 = tpu.iota {dimensions = array<i32: 0>} : vector<100x500xi32>
    %mul3A = arith.constant 1000 : i32
    %mul3A_2367 = vector.broadcast %mul3A : i32 to vector<100x500xi32>
    %mul3A_2368 = arith.muli %iota3A_2366, %mul3A_2367 : vector<100x500xi32>
    %slice3A_2369 = vector.extract_strided_slice %select_n3A_2365 {offsets = [0, 0], sizes = [100, 500], strides = [1, 1]} : vector<100x1024xi32> to vector<100x500xi32>
    %add3A = arith.addi %slice3A_2369, %mul3A_2368 : vector<100x500xi32>
    %swap3A = arith.constant 0 : index
    %swap3A_2370 = arith.constant 0 : index
    %swap3A_2371 = vector.load %arg1[%swap3A, %swap3A_2370] : memref<100x500xi32, #tpu.memory_space<vmem>>, vector<100x500xi32>
    tpu.vector_store %arg1[%swap3A, %swap3A_2370], %add3A {strides = array<i32>} : memref<100x500xi32, #tpu.memory_space<vmem>>, vector<100x500xi32>,
    return
  }
}

</mosaic_0001>

<sc_bundles>
// kernel: kernel.5.cloned.1.call-start
scs
__scs_entry_jumppad:
0x0: {  	(pc) =	sbr.rel $0x88, $3  }
0x1: {  	(tag) =	ssettag $0x0;
	lr =	simm.s32 $0x1  }
0x2: {  	[smem:$0x3F9A] =	sst lr;
	_ =	strace $0xD0000000  }
0x3: {  	_ = 	snop  }
0x4: {  	_ = 	snop  }
0x5: {  	_ = 	snop  }
0x6: {  	_ = 	snop  }
0x7: {  	_ = 	snop  }
__scs_overlays_trampoline_lowered:
0x8: {  	[smem:$0x3FA9] =	sst s0  }
0x9: {  	[smem:$0x3FAA] =	sst s1  }
0xa: {  	[smem:$0x3FAB] =	sst s2  }
0xb: {  	[smem:$0x3FAC] =	sst s3  }
0xc: {  	[smem:$0x3FAD] =	sst s4  }
0xd: {  	[smem:$0x3FAE] =	sst s5  }
0xe: {  	[smem:$0x3FAF] =	sst s6  }
0xf: {  	[smem:$0x3FB0] =	sst s7  }
0x10: {  	[smem:$0x3FB1] =	sst s8  }
0x11: {  	[smem:$0x3FB2] =	sst s9;
	s0 =	simm.s32 @!p0 $0x0  }
0x12: {  	s1 =	sld [smem:$0x3F98];
	s0 =	simm.s32 @p0 $0x1  }
0x13: {  	[smem:$0x3FB3] =	sst s0;
	s0 =	simm.s32 @!p1 $0x0  }
0x14: {  	s2 =	sld [smem:$0x3F97];
	s0 =	simm.s32 @p1 $0x1  }
0x15: {  	[smem:$0x3FB4] =	sst s0;
	s0 =	simm.s32 @!p2 $0x0  }
0x16: {  	s3 =	sld [smem:$0x3FDB];
	s0 =	simm.s32 @p2 $0x1  }
0x17: {  	s4 =	simm.s32 $0x1BF5;
	[smem:$0x3FB6] =	sst s0  }
0x18: {  	s0 =	sld [smem:$0x3F99];
	_ =	swait.ge [sflag:s4], $0x0  }
0x19: {  	s7 =	sld [smem:$0x3F9A]  }
0x1a: {  	s8 =	sadd.s32 $0xFFFFE003, lr  }
0x1b: {  	s9 =	sadd.s32 $0xFFFFFEF7, lr;
	s5 =	simm.s32 $0xFFFFFFFF;
	p2 =	slt.u32 s8, $0xFFFFF086  }
0x1c: {  	p1 =	slt.u32 s9, $0xF7A;
	s5 =	simm.s32 @!p2 $0x0  }
0x1d: {  	s5 =	simm.s32 @p1 $0x1;
	p0 =	seq.s32 s7, s2  }
0x1e: {  	s7 =	smul.u32 @!p0 $0xF7A, s2;
	p2 =	seq.s32 @!p0 s5, $0x0  }
0x1f: {  	s9 =	smul.u32 $0xF7A, s1;
	s8 =	simm.s32 @!p0 $0x1BF5;
	p2 =	por !p2, p0  }
0x20: {  	[sflag:s8] =	ssyncset.s32 @!p0 $0xFFFFF086;
	s6 =	sadd.s32 @!p0 s3, s7;
	s7 =	simm.s32 @!p0 $0x108  }
0x21: {  	s3 =	sadd.s32 s3, s9;
	s6 =	sadd.s32 @!p0 $0x88, s6;
	s7 =	simm.s32 @p2 $0x1082  }
0x22: {  	[simem:s7], [sflag:s8] =	dma.local @!p0 [hbm:s6], $0xF7A  }
0x23: {  	s9 =	sor.u32 $0xD0000000, s2;
	s6 =	simm.s32 $0x108;
	_ =	swait.ge @!p0 [sflag:s8], $0x0  }
0x24: {  	s3 =	sadd.s32 $0x88, s3;
	s6 =	simm.s32 @!p1 $0x1082;
	[sflag:s4] =	ssyncset.s32 $0xFFFFF086  }
0x25: {  	[simem:s6], [sflag:s4] =	dma.local [hbm:s3], $0xF7A  }
0x26: {  	[smem:$0x3F9A] =	sst s1;
	(tag) =	ssettag s2;
	_ =	strace s9  }
0x27: {  	s1 =	sld [smem:$0x3FAA]  }
0x28: {  	s2 =	sld [smem:$0x3FAB]  }
0x29: {  	s4 =	sld [smem:$0x3FAD]  }
0x2a: {  	p0 =	seq.s32 s5, $0x0;
	s5 =	sld [smem:$0x3FAE]  }
0x2b: {  	s6 =	sld [smem:$0x3FAF]  }
0x2c: {  	s7 =	sld [smem:$0x3FB0]  }
0x2d: {  	s3 =	simm.s32 $0x108;
	s8 =	sld [smem:$0x3FB1]  }
0x2e: {  	s3 =	simm.s32 @!p0 $0x1082;
	s9 =	sld [smem:$0x3FB2]  }
0x2f: {  	lr =	sadd.s32 s0, s3;
	s0 =	sld [smem:$0x3FA9]  }
0x30: {  	s3 =	sld [smem:$0x3FAC]  }
0x31: {  	[smem:$0x3FB5] =	sst s10  }
0x32: {  	s10 =	sld [smem:$0x3FB3];
	_ =	sdelay $0x3  }
0x33: {  	p0 =	seq.s32 s10, $0x1;
	s10 =	sld [smem:$0x3FB5];
	_ =	sdelay $0x3  }
0x34: {  	[smem:$0x3FB5] =	sst s10  }
0x35: {  	s10 =	sld [smem:$0x3FB4];
	_ =	sdelay $0x3  }
0x36: {  	p1 =	seq.s32 s10, $0x1;
	s10 =	sld [smem:$0x3FB5];
	_ =	sdelay $0x3  }
0x37: {  	[smem:$0x3FB5] =	sst s10  }
0x38: {  	s10 =	sld [smem:$0x3FB6]  }
0x39: {  	_ = 	snop;
	(pc) =	sbr.ind lr, $3  }
0x3a: {  	_ = 	snop  }
0x3b: {  	_ = 	snop  }
0x3c: {  	p2 =	seq.s32 s10, $0x1;
	s10 =	sld [smem:$0x3FB5]  }
0x3d: {  	_ =	shalt  }
0x3e: {  	_ =	shalt  }
0x3f: {  	_ =	shalt  }
0x40: {  	_ =	shalt  }
0x41: {  	_ =	shalt  }
0x42: {  	_ =	shalt  }
0x43: {  	_ =	shalt  }
0x44: {  	_ =	shalt  }
0x45: {  	_ =	shalt  }
0x46: {  	_ =	shalt  }
0x47: {  	_ =	shalt  }
0x48: {  	_ =	shalt  }
0x49: {  	_ =	shalt  }
0x4a: {  	_ =	shalt  }
0x4b: {  	_ =	shalt  }
0x4c: {  	_ =	shalt  }
0x4d: {  	_ =	shalt  }
0x4e: {  	_ =	shalt  }
0x4f: {  	_ =	shalt  }
0x50: {  	_ =	shalt  }
0x51: {  	_ =	shalt  }
0x52: {  	_ =	shalt  }
0x53: {  	_ =	shalt  }
0x54: {  	_ =	shalt  }
0x55: {  	_ =	shalt  }
0x56: {  	_ =	shalt  }
0x57: {  	_ =	shalt  }
0x58: {  	_ =	shalt  }
0x59: {  	_ =	shalt  }
0x5a: {  	_ =	shalt  }
0x5b: {  	_ =	shalt  }
0x5c: {  	_ =	shalt  }
0x5d: {  	_ =	shalt  }
0x5e: {  	_ =	shalt  }
0x5f: {  	_ =	shalt  }
0x60: {  	_ =	shalt  }
0x61: {  	_ =	shalt  }
0x62: {  	_ =	shalt  }
0x63: {  	_ =	shalt  }
0x64: {  	_ =	shalt  }
0x65: {  	_ =	shalt  }
0x66: {  	_ =	shalt  }
0x67: {  	_ =	shalt  }
0x68: {  	_ =	shalt  }
0x69: {  	_ =	shalt  }
0x6a: {  	_ =	shalt  }
0x6b: {  	_ =	shalt  }
0x6c: {  	_ =	shalt  }
0x6d: {  	_ =	shalt  }
0x6e: {  	_ =	shalt  }
0x6f: {  	_ =	shalt  }
0x70: {  	_ =	shalt  }
0x71: {  	_ =	shalt  }
0x72: {  	_ =	shalt  }
0x73: {  	_ =	shalt  }
0x74: {  	_ =	shalt  }
0x75: {  	_ =	shalt  }
0x76: {  	_ =	shalt  }
0x77: {  	_ =	shalt  }
0x78: {  	_ =	shalt  }
0x79: {  	_ =	shalt  }
0x7a: {  	_ =	shalt  }
0x7b: {  	_ =	shalt  }
0x7c: {  	_ =	shalt  }
0x7d: {  	_ =	shalt  }
0x7e: {  	_ =	shalt  }
0x7f: {  	_ =	shalt  }
0x80: {  	_ =	shalt  }
0x81: {  	_ =	shalt  }
0x82: {  	_ =	shalt  }
0x83: {  	_ =	shalt  }
0x84: {  	_ =	shalt  }
0x85: {  	_ =	shalt  }
0x86: {  	_ =	shalt  }
0x87: {  	_ =	shalt  }
.Lfunc_end0:
.L_simem_size_0:
called_computation_lowered:
.L_overlay_start_0:
0x88: {  	s2 =	sld [smem:$0x3FD9]  }
0x89: {  	s3 =	sld [smem:$0x3FFE];
	_ =	sdelay $0x1  }
0x8a: {  	s1 =	srdreg.scid  }
0x8b: {  	s0 =	sand.u32 $0x1, s1  }
0x8c: {  	s15 =	sshll.u32 s0, $0xA;
	s2 =	sadd.s32 s3, s2  }
0x8d: {  	s2 =	sadd.s32 s2, s15  }
0x8e: {  	[smem:$0x3FC1] =	sst s2  }
0x8f: {  	_ = 	snop  }
0x90: {  	s2 =	sld [smem:$0x3FD0];
	_ =	sdelay $0x2  }
0x91: {  	s4 =	simm.s32 $0xA;
	s5 =	simm.s32 $0x10;
	s16 =	sld [smem:$0x3FC9]  }
0x92: {  	[smem:s5], [sflag:s4] =	dma.local [hbm:s2], $0x1  }
0x93: {  	_ =	swait.eq [sflag:s4], $0x1  }
0x94: {  	[sflag:s4] =	ssyncset.done $0x0  }
0x95: {  	s17 =	sld [smem:$0x10];
	[sflag:s4] =	ssyncadd.s32 $0xFFFFFFFF  }
0x96: {  	s18 =	sld [smem:$0x11];
	(tm) =	ssettm $0x1  }
0x97: {  	s19 =	sld [smem:$0x3FFB];
	_ =	sdelay $0x3  }
0x98: {  	_ =	strace s19  }
0x99: {  	s5 =	sld [smem:$0x3FFC];
	_ =	sdelay $0x3  }
0x9a: {  	_ =	strace s5  }
0x9b: {  	s5 =	sld [smem:$0x3FFD];
	_ =	sdelay $0x3  }
0x9c: {  	_ =	strace s5  }
0x9d: {  	_ =	strace $0x8FFFFFFF  }
0x9e: {  	s20 =	sld [smem:$0x3FDB];
	_ =	sdelay $0x1  }
0x9f: {  	s6 =	simm.s32 $_scs_section_size  }
0xa0: {  	s7 =	simm.s32 $_size__tile_overlayer_lowered;
	s8 =	simm.s32 $_tile_overlayer_lowered  }
0xa1: {  	s23 =	simm.s32 $0x1BFF;
	s22 =	sshll.u32 s8, $0x1;
	s5 =	sadd.s32 s6, s20  }
0xa2: {  	s9 =	simm.s32 $0x0;
	s21 =	sshll.u32 s7, $0x1;
	s7 =	sadd.s32 s22, s5  }
0xa3: {  	[timem:s9], [sflag:s23] =	dma.local [hbm:s7], s21  }
0xa4: {  	_ =	swait.ge [sflag:s23], s21  }
0xa5: {  	s6 =	ssub.s32 $0x0, s21;
	[sflag:s23] =	ssyncset.done $0x0  }
0xa6: {  	[sflag:s23] =	ssyncadd.s32 s6;
	_ =	sdelay $0x1  }
0xa7: {  	s24 =	simm.s32 $0x1B8B  }
0xa8: {  	_ =	swait.ge [sflag:s24], $0x1  }
0xa9: {  	[sflag:s24] =	ssyncset.done $0x0  }
0xaa: {  	s25 =	simm.s32 $0x1B8E;
	[sflag:s24] =	ssyncadd.s32 $0xFFFFFFFF  }
0xab: {  	s26 =	simm.s32 $execute0_lowered;
	[smem:$0x3FD2] =	sst s25  }
0xac: {  	s6 =	sshll.u32 s26, $0x1;
	_ =	strace $0x80000046;
	[dreg:$0x1] =	wrdreg $0xFFFFFFFF  }
0xad: {  	s28 =	simm.s32 $_size_execute0_lowered;
	s5 =	sadd.s32 s5, s6;
	[dreg:$0x0] =	wrdreg $0x0  }
0xae: {  	s6 =	sshll.u32 s28, $0x1;
	[dreg:$0x2] =	wrdreg s5  }
0xaf: {  	[dreg:$0x3] =	wrdreg s6  }
0xb0: {  	[dreg:$0x4] =	wrdreg $0xC0  }
0xb1: {  	_ =	task [dreg:s9], $0x5FFFF  }
0xb2: {  	[dreg:$0x1] =	wrdreg $0xFFFFFFFF  }
0xb3: {  	[dreg:$0x0] =	wrdreg $0x60  }
0xb4: {  	[dreg:$0x2] =	wrdreg s16  }
0xb5: {  	[dreg:$0x3] =	wrdreg s18  }
0xb6: {  	[dreg:$0x4] =	wrdreg s17  }
0xb7: {  	[dreg:$0x5] =	wrdreg $0x9  }
0xb8: {  	_ =	task.clear_ibuf [dreg:s9], $0x6FFFF;
	_ =	strace $0x90000046  }
0xb9: {  	s29 =	simm.s32 $0x9;
	_ =	strace $0x80000048  }
0xba: {  	_ =	swait.ge [sflag:s29], $0x1  }
0xbb: {  	[sflag:s29] =	ssyncadd.s32 $0xFFFFFFFF  }
0xbc: {  	_ =	strace $0x90000048  }
0xbd: {  	_ =	sfence  }
0xbe: {  	s30 =	sld [smem:$0x0];
	_ =	sdelay $0x2  }
0xbf: {  	s31 =	sshll.u32 s1, $0xD;
	s1 =	sshrl.u32 s1, $0x2  }
0xc0: {  	s3 =	sand.u32 $0x4000, s31;
	s1 =	sadd.s32 s1, s30  }
0xc1: {  	s0 =	sor.u32 s3, s0;
	s1 =	sshll.u32 s1, $0x11  }
0xc2: {  	s0 =	sor.u32 s1, s0  }
0xc3: {  	s0 =	sadd.s32 $0x8F2B, s0  }
0xc4: {  	[sflag:s0] =	ssyncadd.remote.s32 $0x1  }
0xc5: {  	_ =	sfence.sel $0xFFFF  }
0xc6: {  	[dreg:$0x0] =	wrdreg $0xFFFFFFFF;
	(pc) =	sbr.abs _section_cstart, $3  }
0xc7: {  	[dreg:$0x1] =	wrdreg $0xFFFFFFFF  }
0xc8: {  	_ =	task.clear_ibuf [dreg:s9], $0x2FFFF;
	_ =	strace $0x9FFFFFFF  }
0xc9: {  	(tm) =	ssettm $0x7FFFFFFF  }
tec
execute0_lowered:
.L_overlay_start_1:
0x0: {  	(tag) =	ssettag $0x1  }
0x1: {  	s2 =	rddreg [dreg:$0x0]  }
0x2: {  	s1 =	rddreg [dreg:$0x1]  }
0x3: {  	s0 =	srdreg.scid;
	s5 =	rddreg [dreg:$0x2]  }
0x4: {  	s21 =	stileid.u32;
	s22 =	rddreg [dreg:$0x3];
	s3 =	simm.s32 $0x0  }
0x5: {  	s31 =	simm.s32 $0x100;
	s4 =	sand.u32 $0x1, s0;
	s7 =	sshll.u32 s21, $0x1  }
0x6: {  	p2 =	por $0x0, $0x0;
	[smem:$0x7FF] =	sst s3;
	s0 =	sor.u32 s4, s7  }
0x7: {  	s29 =	sadd.s32 $0xC3000, s5;
	p0 =	sgt.u32 s21, $0x2;
	s6 =	smul.u32 $0xC0, s0  }
0x8: {  	_ =	strace $0x80000047;
	s4 =	ssub.s32 $0x2, s4;
	s7 =	smul.u32 $0x6000, s0  }
0x9: {  	[dreg:$0x13] =	wrdreg s29;
	s8 =	smul.u32 $0x30000, s0;
	s28 =	sshrl.u32 s4, $0x1  }
0xa: {  	[dreg:$0x14] =	wrdreg s31;
	p1 =	sne.s32 s0, $0x6;
	s4 =	ssub.s32 s4, s28  }
0xb: {  	s6 =	sadd.s32 s1, s6;
	s14 =	sadd.s32 s5, s7;
	s7 =	sshrl.u32 s8, $0x3  }
0xc: {  	s8 =	sshll.u32 s0, $0x7;
	[dreg:$0x4] =	wrdreg s6;
	s9 =	sadd.s32 $0x800, s14  }
0xd: {  	s30 =	smax.u32 s4, $0x1;
	s10 =	sadd.s32 $0x1000, s14;
	[dreg:$0x5] =	wrdreg s9  }
0xe: {  	s11 =	sadd.s32 $0x1800, s14;
	s7 =	sadd.s32 s5, s7;
	[dreg:$0x6] =	wrdreg s10  }
0xf: {  	s4 =	simm.s32 $0x3;
	[dreg:$0x7] =	wrdreg s11;
	s12 =	sadd.s32 $0x2000, s7  }
0x10: {  	s8 =	sor.u32 $0xC000, s8;
	s13 =	sadd.s32 $0x2800, s7;
	[dreg:$0x8] =	wrdreg s12  }
0x11: {  	s6 =	simm.s32 $0x4600;
	s15 =	sadd.s32 $0x3000, s7;
	[dreg:$0x9] =	wrdreg s13  }
0x12: {  	s16 =	sadd.s32 $0x3800, s7;
	s17 =	sadd.s32 $0x4000, s7;
	[dreg:$0xa] =	wrdreg s15  }
0x13: {  	s18 =	sadd.s32 $0x4800, s7;
	s19 =	sadd.s32 $0x5000, s7;
	[dreg:$0xb] =	wrdreg s16  }
0x14: {  	s20 =	sadd.s32 $0x5800, s7;
	s23 =	sshrl.u32 s8, $0x3;
	[dreg:$0xc] =	wrdreg s17  }
0x15: {  	s25 =	sshll.u32 s8, $0x4;
	s10 =	simm.s32 $0x80;
	[dreg:$0xd] =	wrdreg s18  }
0x16: {  	s7 =	simm.s32 $0x600;
	s9 =	simm.s32 $0x1;
	[dreg:$0xe] =	wrdreg s19  }
0x17: {  	s8 =	simm.s32 $0x2;
	s11 =	simm.s32 $0x180;
	[dreg:$0xf] =	wrdreg s20  }
0x18: {  	s24 =	sadd.s32 s1, s23;
	[dreg:$0x15] =	wrdreg s11;
	s11 =	sadd.s32 $0xFFFFFFFF, s30  }
0x19: {  	s26 =	sadd.s32 s5, s25;
	s1 =	sadd.s32 $0x1860, s1;
	p3 =	sne.s32 s11, $0x0  }
.Ltmp0:
0x1a: {  	s20 =	simm.s32 $0x6;
	s5 =	simm.s32 $0x4;
	(pc) =	sbr.rel @!p3 .LBB2_1-.Ltmp0, $4  }
0x1b: {  	s23 =	simm.s32 $0x200;
	s19 =	simm.s32 $0x280;
	s12 =	rddreg [dreg:$0x4]  }
0x1c: {  	s18 =	simm.s32 $0x300;
	s17 =	simm.s32 $0x380;
	[dreg:$0x10] =	wrdreg s24  }
0x1d: {  	s16 =	simm.s32 $0x400;
	s15 =	simm.s32 $0x480;
	[dreg:$0x11] =	wrdreg s26  }
0x1e: {  	s13 =	simm.s32 $0x500;
	[dreg:$0x12] =	wrdreg s1;
	s1 =	simm.s32 $0x580  }
0x1f: {  	[tilespmem:s3], [sflag:$0x6] =	stream.linear.gather [hbm4b:s12+s3], $0x600, $0x38;
	[tilespmem:$0xEF00] =	vst v63  }
0x20: {  	_ =	swait.ge [sflag:s20], $0x600  }
0x21: {  	[sflag:s20] =	ssyncset.done $0x0  }
0x22: {  	[sflag:s20] =	ssyncadd.s32 $0xFFFFFA00  }
0x23: {  	[tilespmem:s7], [sflag:$0x1] =	stream.indirect.gather [hbm4b:s2+s10], $0x80, s3, s10, $0xb8;
	[tilespmem:$0xEF00] =	vst v63  }
0x24: {  	_ = 	snop  }
0x25: {  	[tilespmem:s6], [sflag:$0x2] =	stream.indirect.gather [hbm4b:s2+s10], $0x80, s10, s10, $0xb8;
	[tilespmem:$0xEF00] =	vst v63  }
0x26: {  	_ =	swait.ge [sflag:s9], $0x4000  }
0x27: {  	[sflag:s9] =	ssyncset.done $0x0  }
0x28: {  	[sflag:s9] =	ssyncadd.s32 $0xFFFFC000  }
0x29: {  	[hbm4b:s14+s3] =	stream.linear.scatter [tilespmem:s7], [sflag:$0x3], $0x4000, $0x38;
	[tilespmem:$0xEF00] =	vst v63  }
0x2a: {  	_ =	swait.ge [sflag:s4], $0x4000  }
0x2b: {  	[sflag:s4] =	ssyncset.done $0x0  }
0x2c: {  	s0 =	rddreg [dreg:$0x14];
	[sflag:s4] =	ssyncadd.s32 $0xFFFFC000  }
0x2d: {  	[tilespmem:s7], [sflag:$0x1] =	stream.indirect.gather [hbm4b:s2+s10], $0x80, s0, s10, $0xb8;
	[tilespmem:$0xEF00] =	vst v63  }
0x2e: {  	_ =	swait.ge [sflag:s8], $0x4000  }
0x2f: {  	[sflag:s8] =	ssyncset.done $0x0  }
0x30: {  	s22 =	rddreg [dreg:$0x5];
	[sflag:s8] =	ssyncadd.s32 $0xFFFFC000  }
0x31: {  	[hbm4b:s22+s3] =	stream.linear.scatter [tilespmem:s6], [sflag:$0x4], $0x4000, $0x38;
	[tilespmem:$0xEF00] =	vst v63  }
0x32: {  	_ =	swait.ge [sflag:s5], $0x4000  }
0x33: {  	[sflag:s5] =	ssyncset.done $0x0  }
0x34: {  	s24 =	rddreg [dreg:$0x15];
	[sflag:s5] =	ssyncadd.s32 $0xFFFFC000  }
0x35: {  	[tilespmem:s6], [sflag:$0x2] =	stream.indirect.gather [hbm4b:s2+s10], $0x80, s24, s10, $0xb8;
	[tilespmem:$0xEF00] =	vst v63  }
0x36: {  	_ =	swait.ge [sflag:s9], $0x4000  }
0x37: {  	[sflag:s9] =	ssyncset.done $0x0  }
0x38: {  	s25 =	rddreg [dreg:$0x6];
	[sflag:s9] =	ssyncadd.s32 $0xFFFFC000  }
0x39: {  	[hbm4b:s25+s3] =	stream.linear.scatter [tilespmem:s7], [sflag:$0x3], $0x4000, $0x38;
	[tilespmem:$0xEF00] =	vst v63  }
0x3a: {  	_ =	swait.ge [sflag:s4], $0x4000  }
0x3b: {  	[sflag:s4] =	ssyncset.done $0x0  }
0x3c: {  	[sflag:s4] =	ssyncadd.s32 $0xFFFFC000  }
0x3d: {  	[tilespmem:s7], [sflag:$0x1] =	stream.indirect.gather [hbm4b:s2+s10], $0x80, s23, s10, $0xb8;
	[tilespmem:$0xEF00] =	vst v63  }
0x3e: {  	_ =	swait.ge [sflag:s8], $0x4000  }
0x3f: {  	[sflag:s8] =	ssyncset.done $0x0  }
0x40: {  	s26 =	rddreg [dreg:$0x7];
	[sflag:s8] =	ssyncadd.s32 $0xFFFFC000  }
0x41: {  	[hbm4b:s26+s3] =	stream.linear.scatter [tilespmem:s6], [sflag:$0x4], $0x4000, $0x38;
	[tilespmem:$0xEF00] =	vst v63  }
0x42: {  	_ =	swait.ge [sflag:s5], $0x4000  }
0x43: {  	[sflag:s5] =	ssyncset.done $0x0  }
0x44: {  	[sflag:s5] =	ssyncadd.s32 $0xFFFFC000  }
0x45: {  	[tilespmem:s6], [sflag:$0x2] =	stream.indirect.gather [hbm4b:s2+s10], $0x80, s19, s10, $0xb8;
	[tilespmem:$0xEF00] =	vst v63  }
0x46: {  	_ =	swait.ge [sflag:s9], $0x4000  }
0x47: {  	[sflag:s9] =	ssyncset.done $0x0  }
0x48: {  	s12 =	rddreg [dreg:$0x8];
	[sflag:s9] =	ssyncadd.s32 $0xFFFFC000  }
0x49: {  	[hbm4b:s12+s3] =	stream.linear.scatter [tilespmem:s7], [sflag:$0x3], $0x4000, $0x38;
	[tilespmem:$0xEF00] =	vst v63  }
0x4a: {  	_ =	swait.ge [sflag:s4], $0x4000  }
0x4b: {  	[sflag:s4] =	ssyncset.done $0x0  }
0x4c: {  	[sflag:s4] =	ssyncadd.s32 $0xFFFFC000  }
0x4d: {  	[tilespmem:s7], [sflag:$0x1] =	stream.indirect.gather [hbm4b:s2+s10], $0x80, s18, s10, $0xb8;
	[tilespmem:$0xEF00] =	vst v63  }
0x4e: {  	_ =	swait.ge [sflag:s8], $0x4000  }
0x4f: {  	[sflag:s8] =	ssyncset.done $0x0  }
0x50: {  	s19 =	rddreg [dreg:$0x9];
	[sflag:s8] =	ssyncadd.s32 $0xFFFFC000  }
0x51: {  	[hbm4b:s19+s3] =	stream.linear.scatter [tilespmem:s6], [sflag:$0x4], $0x4000, $0x38;
	[tilespmem:$0xEF00] =	vst v63  }
0x52: {  	_ =	swait.ge [sflag:s5], $0x4000  }
0x53: {  	[sflag:s5] =	ssyncset.done $0x0  }
0x54: {  	[sflag:s5] =	ssyncadd.s32 $0xFFFFC000  }
0x55: {  	[tilespmem:s6], [sflag:$0x2] =	stream.indirect.gather [hbm4b:s2+s10], $0x80, s17, s10, $0xb8;
	[tilespmem:$0xEF00] =	vst v63  }
0x56: {  	_ =	swait.ge [sflag:s9], $0x4000  }
0x57: {  	[sflag:s9] =	ssyncset.done $0x0  }
0x58: {  	s21 =	rddreg [dreg:$0xa];
	[sflag:s9] =	ssyncadd.s32 $0xFFFFC000  }
0x59: {  	[hbm4b:s21+s3] =	stream.linear.scatter [tilespmem:s7], [sflag:$0x3], $0x4000, $0x38;
	[tilespmem:$0xEF00] =	vst v63  }
0x5a: {  	_ =	swait.ge [sflag:s4], $0x4000  }
0x5b: {  	[sflag:s4] =	ssyncset.done $0x0  }
0x5c: {  	[sflag:s4] =	ssyncadd.s32 $0xFFFFC000  }
0x5d: {  	[tilespmem:s7], [sflag:$0x1] =	stream.indirect.gather [hbm4b:s2+s10], $0x80, s16, s10, $0xb8;
	[tilespmem:$0xEF00] =	vst v63  }
0x5e: {  	_ =	swait.ge [sflag:s8], $0x4000  }
0x5f: {  	[sflag:s8] =	ssyncset.done $0x0  }
0x60: {  	s22 =	rddreg [dreg:$0xb];
	[sflag:s8] =	ssyncadd.s32 $0xFFFFC000  }
0x61: {  	[hbm4b:s22+s3] =	stream.linear.scatter [tilespmem:s6], [sflag:$0x4], $0x4000, $0x38;
	[tilespmem:$0xEF00] =	vst v63  }
0x62: {  	_ =	swait.ge [sflag:s5], $0x4000  }
0x63: {  	[sflag:s5] =	ssyncset.done $0x0  }
0x64: {  	[sflag:s5] =	ssyncadd.s32 $0xFFFFC000  }
0x65: {  	[tilespmem:s6], [sflag:$0x2] =	stream.indirect.gather [hbm4b:s2+s10], $0x80, s15, s10, $0xb8;
	[tilespmem:$0xEF00] =	vst v63  }
0x66: {  	_ =	swait.ge [sflag:s9], $0x4000  }
0x67: {  	[sflag:s9] =	ssyncset.done $0x0  }
0x68: {  	s23 =	rddreg [dreg:$0xc];
	[sflag:s9] =	ssyncadd.s32 $0xFFFFC000  }
0x69: {  	[hbm4b:s23+s3] =	stream.linear.scatter [tilespmem:s7], [sflag:$0x3], $0x4000, $0x38;
	[tilespmem:$0xEF00] =	vst v63  }
0x6a: {  	_ =	swait.ge [sflag:s4], $0x4000  }
0x6b: {  	[sflag:s4] =	ssyncset.done $0x0  }
0x6c: {  	[sflag:s4] =	ssyncadd.s32 $0xFFFFC000  }
0x6d: {  	[tilespmem:s7], [sflag:$0x1] =	stream.indirect.gather [hbm4b:s2+s10], $0x80, s13, s10, $0xb8;
	[tilespmem:$0xEF00] =	vst v63  }
0x6e: {  	_ =	swait.ge [sflag:s8], $0x4000  }
0x6f: {  	[sflag:s8] =	ssyncset.done $0x0  }
0x70: {  	s24 =	rddreg [dreg:$0xd];
	[sflag:s8] =	ssyncadd.s32 $0xFFFFC000  }
0x71: {  	[hbm4b:s24+s3] =	stream.linear.scatter [tilespmem:s6], [sflag:$0x4], $0x4000, $0x38;
	[tilespmem:$0xEF00] =	vst v63  }
0x72: {  	_ =	swait.ge [sflag:s5], $0x4000  }
0x73: {  	[sflag:s5] =	ssyncset.done $0x0  }
0x74: {  	[sflag:s5] =	ssyncadd.s32 $0xFFFFC000  }
0x75: {  	[tilespmem:s6], [sflag:$0x2] =	stream.indirect.gather [hbm4b:s2+s10], $0x80, s1, s10, $0xb8;
	[tilespmem:$0xEF00] =	vst v63  }
0x76: {  	_ =	swait.ge [sflag:s9], $0x4000  }
0x77: {  	[sflag:s9] =	ssyncset.done $0x0  }
0x78: {  	s25 =	rddreg [dreg:$0xe];
	[sflag:s9] =	ssyncadd.s32 $0xFFFFC000  }
0x79: {  	[hbm4b:s25+s3] =	stream.linear.scatter [tilespmem:s7], [sflag:$0x3], $0x4000, $0x38;
	[tilespmem:$0xEF00] =	vst v63  }
0x7a: {  	_ =	swait.ge [sflag:s8], $0x4000  }
0x7b: {  	[sflag:s8] =	ssyncset.done $0x0  }
0x7c: {  	s26 =	rddreg [dreg:$0xf];
	[sflag:s8] =	ssyncadd.s32 $0xFFFFC000  }
0x7d: {  	[hbm4b:s26+s3] =	stream.linear.scatter [tilespmem:s6], [sflag:$0x4], $0x4000, $0x38;
	[tilespmem:$0xEF00] =	vst v63  }
0x7e: {  	_ =	swait.ge [sflag:s4], $0x4000  }
0x7f: {  	[sflag:s4] =	ssyncset.done $0x0  }
0x80: {  	[sflag:s4] =	ssyncadd.s32 $0xFFFFC000  }
0x81: {  	_ =	swait.ge [sflag:s5], $0x4000  }
0x82: {  	s21 =	simm.s32 @!p0 $0x6;
	s22 =	simm.s32 @!p0 $0x0;
	[sflag:s5] =	ssyncset.done $0x0  }
0x83: {  	s23 =	simm.s32 @!p0 $0x8600;
	s0 =	rddreg [dreg:$0x10];
	[sflag:s5] =	ssyncadd.s32 $0xFFFFC000  }
0x84: {  	[tilespmem:s23], [sflag:$0x6] =	stream.linear.gather @!p0 [hbm4b:s0+s22], $0x80, $0x38;
	[tilespmem:$0xEF00] =	vst v63  }
0x85: {  	_ =	swait.ge @!p0 [sflag:s21], $0x80  }
0x86: {  	s24 =	simm.s32 @!p0 $0x5;
	[sflag:s21] =	ssyncset.done @!p0 $0x0  }
0x87: {  	s26 =	simm.s32 @!p0 $0x8680;
	s0 =	simm.s32 @!p0 $0x80;
	[sflag:s21] =	ssyncadd.s32 @!p0 $0xFFFFFF80  }
0x88: {  	[tilespmem:s26], [sflag:$0x5] =	stream.indirect.gather @!p0 [hbm4b:s2+s0], $0x80, s23, s0, $0xb8;
	[tilespmem:$0xEF00] =	vst v63  }
0x89: {  	_ =	swait.ge @!p0 [sflag:s24], $0x4000  }
0x8a: {  	[sflag:s24] =	ssyncset.done @!p0 $0x0  }
0x8b: {  	s0 =	rddreg [dreg:$0x11];
	[sflag:s24] =	ssyncadd.s32 @!p0 $0xFFFFC000  }
0x8c: {  	[hbm4b:s0+s22] =	stream.linear.scatter @!p0 [tilespmem:s26], [sflag:$0x6], $0x4000, $0x38;
	[tilespmem:$0xEF00] =	vst v63  }
0x8d: {  	_ =	swait.ge @!p0 [sflag:s21], $0x4000  }
0x8e: {  	s28 =	simm.s32 @!p1 $0x6;
	s29 =	simm.s32 @!p1 $0x0;
	[sflag:s21] =	ssyncset.done @!p0 $0x0  }
0x8f: {  	s30 =	simm.s32 @!p1 $0xC680;
	s0 =	rddreg [dreg:$0x12];
	[sflag:s21] =	ssyncadd.s32 @!p0 $0xFFFFC000  }
0x90: {  	[tilespmem:s30], [sflag:$0x6] =	stream.linear.gather @!p1 [hbm4b:s0+s29], $0x50, $0x38;
	[tilespmem:$0xEF00] =	vst v63  }
0x91: {  	s31 =	simm.s32 @!p1 $0x5;
	s11 =	sadd.s32 $0xFFFFFFFF, s11;
	_ =	swait.ge @!p1 [sflag:s28], $0x50  }
0x92: {  	p2 =	por $0x1, $0x1;
	p3 =	sne.s32 s11, $0x0;
	[sflag:s28] =	ssyncset.done @!p1 $0x0  }
0x93: {  	s1 =	simm.s32 @!p1 $0x50;
	s0 =	simm.s32 @!p1 $0xC700;
	[sflag:s28] =	ssyncadd.s32 @!p1 $0xFFFFFFB0  }
0x94: {  	[tilespmem:s0], [sflag:$0x5] =	stream.indirect.gather @!p1 [hbm4b:s2+s1], $0x80, s30, s1, $0xb8;
	[tilespmem:$0xEF00] =	vst v63  }
0x95: {  	s18 =	simm.s32 $0x380;
	s19 =	simm.s32 $0x300;
	_ =	swait.ge @!p1 [sflag:s31], $0x2800  }
.Ltmp1:
0x96: {  	s17 =	simm.s32 $0x400;
	[sflag:s31] =	ssyncset.done @!p1 $0x0;
	(pc) =	sbr.rel @!p3 .LBB2_3-.Ltmp1, $4  }
0x97: {  	s16 =	simm.s32 $0x480;
	s12 =	rddreg [dreg:$0x13];
	[sflag:s31] =	ssyncadd.s32 @!p1 $0xFFFFD800  }
0x98: {  	[hbm4b:s12+s29] =	stream.linear.scatter @!p1 [tilespmem:s0], [sflag:$0x6], $0x2800, $0x38;
	[tilespmem:$0xEF00] =	vst v63  }
0x99: {  	s15 =	simm.s32 $0x500;
	s13 =	simm.s32 $0x580;
	_ =	swait.ge @!p1 [sflag:s28], $0x2800  }
0x9a: {  	s25 =	simm.s32 $0x280;
	s12 =	rddreg [dreg:$0x4];
	[sflag:s28] =	ssyncset.done @!p1 $0x0  }
.LBB2_4:
0x9b: {  	[sflag:s28] =	ssyncadd.s32 @!p1 $0xFFFFD800  }
0x9c: {  	[tilespmem:s3], [sflag:$0x6] =	stream.linear.gather [hbm4b:s12+s3], $0x600, $0x38;
	[tilespmem:$0xEF00] =	vst v63  }
0x9d: {  	_ =	swait.ge [sflag:s20], $0x600  }
0x9e: {  	[sflag:s20] =	ssyncset.done $0x0  }
0x9f: {  	[sflag:s20] =	ssyncadd.s32 $0xFFFFFA00  }
0xa0: {  	[tilespmem:s7], [sflag:$0x1] =	stream.indirect.gather [hbm4b:s2+s10], $0x80, s3, s10, $0xb8;
	[tilespmem:$0xEF00] =	vst v63  }
0xa1: {  	_ = 	snop  }
0xa2: {  	[tilespmem:s6], [sflag:$0x2] =	stream.indirect.gather [hbm4b:s2+s10], $0x80, s10, s10, $0xb8;
	[tilespmem:$0xEF00] =	vst v63  }
0xa3: {  	_ =	swait.ge [sflag:s9], $0x4000  }
0xa4: {  	[sflag:s9] =	ssyncset.done $0x0  }
0xa5: {  	[sflag:s9] =	ssyncadd.s32 $0xFFFFC000  }
0xa6: {  	[hbm4b:s14+s3] =	stream.linear.scatter [tilespmem:s7], [sflag:$0x3], $0x4000, $0x38;
	[tilespmem:$0xEF00] =	vst v63  }
0xa7: {  	_ =	swait.ge [sflag:s4], $0x4000  }
0xa8: {  	[sflag:s4] =	ssyncset.done $0x0  }
0xa9: {  	s12 =	rddreg [dreg:$0x14];
	[sflag:s4] =	ssyncadd.s32 $0xFFFFC000  }
0xaa: {  	[tilespmem:s7], [sflag:$0x1] =	stream.indirect.gather [hbm4b:s2+s10], $0x80, s12, s10, $0xb8;
	[tilespmem:$0xEF00] =	vst v63  }
0xab: {  	_ =	swait.ge [sflag:s8], $0x4000  }
0xac: {  	[sflag:s8] =	ssyncset.done $0x0  }
0xad: {  	s12 =	rddreg [dreg:$0x5];
	[sflag:s8] =	ssyncadd.s32 $0xFFFFC000  }
0xae: {  	[hbm4b:s12+s3] =	stream.linear.scatter [tilespmem:s6], [sflag:$0x4], $0x4000, $0x38;
	[tilespmem:$0xEF00] =	vst v63  }
0xaf: {  	_ =	swait.ge [sflag:s5], $0x4000  }
0xb0: {  	[sflag:s5] =	ssyncset.done $0x0  }
0xb1: {  	s12 =	rddreg [dreg:$0x15];
	[sflag:s5] =	ssyncadd.s32 $0xFFFFC000  }
0xb2: {  	[tilespmem:s6], [sflag:$0x2] =	stream.indirect.gather [hbm4b:s2+s10], $0x80, s12, s10, $0xb8;
	[tilespmem:$0xEF00] =	vst v63  }
0xb3: {  	_ =	swait.ge [sflag:s9], $0x4000  }
0xb4: {  	[sflag:s9] =	ssyncset.done $0x0  }
0xb5: {  	s12 =	rddreg [dreg:$0x6];
	[sflag:s9] =	ssyncadd.s32 $0xFFFFC000  }
0xb6: {  	[hbm4b:s12+s3] =	stream.linear.scatter [tilespmem:s7], [sflag:$0x3], $0x4000, $0x38;
	[tilespmem:$0xEF00] =	vst v63  }
0xb7: {  	_ =	swait.ge [sflag:s4], $0x4000  }
0xb8: {  	[sflag:s4] =	ssyncset.done $0x0  }
0xb9: {  	s12 =	simm.s32 $0x200;
	[sflag:s4] =	ssyncadd.s32 $0xFFFFC000  }
0xba: {  	[tilespmem:s7], [sflag:$0x1] =	stream.indirect.gather [hbm4b:s2+s10], $0x80, s12, s10, $0xb8;
	[tilespmem:$0xEF00] =	vst v63  }
0xbb: {  	_ =	swait.ge [sflag:s8], $0x4000  }
0xbc: {  	[sflag:s8] =	ssyncset.done $0x0  }
0xbd: {  	s12 =	rddreg [dreg:$0x7];
	[sflag:s8] =	ssyncadd.s32 $0xFFFFC000  }
0xbe: {  	[hbm4b:s12+s3] =	stream.linear.scatter [tilespmem:s6], [sflag:$0x4], $0x4000, $0x38;
	[tilespmem:$0xEF00] =	vst v63  }
0xbf: {  	_ =	swait.ge [sflag:s5], $0x4000  }
0xc0: {  	[sflag:s5] =	ssyncset.done $0x0  }
0xc1: {  	[sflag:s5] =	ssyncadd.s32 $0xFFFFC000  }
0xc2: {  	[tilespmem:s6], [sflag:$0x2] =	stream.indirect.gather [hbm4b:s2+s10], $0x80, s25, s10, $0xb8;
	[tilespmem:$0xEF00] =	vst v63  }
0xc3: {  	_ =	swait.ge [sflag:s9], $0x4000  }
0xc4: {  	[sflag:s9] =	ssyncset.done $0x0  }
0xc5: {  	s12 =	rddreg [dreg:$0x8];
	[sflag:s9] =	ssyncadd.s32 $0xFFFFC000  }
0xc6: {  	[hbm4b:s12+s3] =	stream.linear.scatter [tilespmem:s7], [sflag:$0x3], $0x4000, $0x38;
	[tilespmem:$0xEF00] =	vst v63  }
0xc7: {  	_ =	swait.ge [sflag:s4], $0x4000  }
0xc8: {  	[sflag:s4] =	ssyncset.done $0x0  }
0xc9: {  	[sflag:s4] =	ssyncadd.s32 $0xFFFFC000  }
0xca: {  	[tilespmem:s7], [sflag:$0x1] =	stream.indirect.gather [hbm4b:s2+s10], $0x80, s19, s10, $0xb8;
	[tilespmem:$0xEF00] =	vst v63  }
0xcb: {  	_ =	swait.ge [sflag:s8], $0x4000  }
0xcc: {  	[sflag:s8] =	ssyncset.done $0x0  }
0xcd: {  	s12 =	rddreg [dreg:$0x9];
	[sflag:s8] =	ssyncadd.s32 $0xFFFFC000  }
0xce: {  	[hbm4b:s12+s3] =	stream.linear.scatter [tilespmem:s6], [sflag:$0x4], $0x4000, $0x38;
	[tilespmem:$0xEF00] =	vst v63  }
0xcf: {  	_ =	swait.ge [sflag:s5], $0x4000  }
0xd0: {  	[sflag:s5] =	ssyncset.done $0x0  }
0xd1: {  	[sflag:s5] =	ssyncadd.s32 $0xFFFFC000  }
0xd2: {  	[tilespmem:s6], [sflag:$0x2] =	stream.indirect.gather [hbm4b:s2+s10], $0x80, s18, s10, $0xb8;
	[tilespmem:$0xEF00] =	vst v63  }
0xd3: {  	_ =	swait.ge [sflag:s9], $0x4000  }
0xd4: {  	[sflag:s9] =	ssyncset.done $0x0  }
0xd5: {  	s12 =	rddreg [dreg:$0xa];
	[sflag:s9] =	ssyncadd.s32 $0xFFFFC000  }
0xd6: {  	[hbm4b:s12+s3] =	stream.linear.scatter [tilespmem:s7], [sflag:$0x3], $0x4000, $0x38;
	[tilespmem:$0xEF00] =	vst v63  }
0xd7: {  	_ =	swait.ge [sflag:s4], $0x4000  }
0xd8: {  	[sflag:s4] =	ssyncset.done $0x0  }
0xd9: {  	[sflag:s4] =	ssyncadd.s32 $0xFFFFC000  }
0xda: {  	[tilespmem:s7], [sflag:$0x1] =	stream.indirect.gather [hbm4b:s2+s10], $0x80, s17, s10, $0xb8;
	[tilespmem:$0xEF00] =	vst v63  }
0xdb: {  	_ =	swait.ge [sflag:s8], $0x4000  }
0xdc: {  	[sflag:s8] =	ssyncset.done $0x0  }
0xdd: {  	s12 =	rddreg [dreg:$0xb];
	[sflag:s8] =	ssyncadd.s32 $0xFFFFC000  }
0xde: {  	[hbm4b:s12+s3] =	stream.linear.scatter [tilespmem:s6], [sflag:$0x4], $0x4000, $0x38;
	[tilespmem:$0xEF00] =	vst v63  }
0xdf: {  	_ =	swait.ge [sflag:s5], $0x4000  }
0xe0: {  	[sflag:s5] =	ssyncset.done $0x0  }
0xe1: {  	[sflag:s5] =	ssyncadd.s32 $0xFFFFC000  }
0xe2: {  	[tilespmem:s6], [sflag:$0x2] =	stream.indirect.gather [hbm4b:s2+s10], $0x80, s16, s10, $0xb8;
	[tilespmem:$0xEF00] =	vst v63  }
0xe3: {  	_ =	swait.ge [sflag:s9], $0x4000  }
0xe4: {  	[sflag:s9] =	ssyncset.done $0x0  }
0xe5: {  	s12 =	rddreg [dreg:$0xc];
	[sflag:s9] =	ssyncadd.s32 $0xFFFFC000  }
0xe6: {  	[hbm4b:s12+s3] =	stream.linear.scatter [tilespmem:s7], [sflag:$0x3], $0x4000, $0x38;
	[tilespmem:$0xEF00] =	vst v63  }
0xe7: {  	_ =	swait.ge [sflag:s4], $0x4000  }
0xe8: {  	[sflag:s4] =	ssyncset.done $0x0  }
0xe9: {  	[sflag:s4] =	ssyncadd.s32 $0xFFFFC000  }
0xea: {  	[tilespmem:s7], [sflag:$0x1] =	stream.indirect.gather [hbm4b:s2+s10], $0x80, s15, s10, $0xb8;
	[tilespmem:$0xEF00] =	vst v63  }
0xeb: {  	_ =	swait.ge [sflag:s8], $0x4000  }
0xec: {  	[sflag:s8] =	ssyncset.done $0x0  }
0xed: {  	s12 =	rddreg [dreg:$0xd];
	[sflag:s8] =	ssyncadd.s32 $0xFFFFC000  }
0xee: {  	[hbm4b:s12+s3] =	stream.linear.scatter [tilespmem:s6], [sflag:$0x4], $0x4000, $0x38;
	[tilespmem:$0xEF00] =	vst v63  }
0xef: {  	_ =	swait.ge [sflag:s5], $0x4000  }
0xf0: {  	[sflag:s5] =	ssyncset.done $0x0  }
0xf1: {  	[sflag:s5] =	ssyncadd.s32 $0xFFFFC000  }
0xf2: {  	[tilespmem:s6], [sflag:$0x2] =	stream.indirect.gather [hbm4b:s2+s10], $0x80, s13, s10, $0xb8;
	[tilespmem:$0xEF00] =	vst v63  }
0xf3: {  	_ =	swait.ge [sflag:s9], $0x4000  }
0xf4: {  	[sflag:s9] =	ssyncset.done $0x0  }
0xf5: {  	s12 =	rddreg [dreg:$0xe];
	[sflag:s9] =	ssyncadd.s32 $0xFFFFC000  }
0xf6: {  	[hbm4b:s12+s3] =	stream.linear.scatter [tilespmem:s7], [sflag:$0x3], $0x4000, $0x38;
	[tilespmem:$0xEF00] =	vst v63  }
0xf7: {  	_ =	swait.ge [sflag:s8], $0x4000  }
0xf8: {  	[sflag:s8] =	ssyncset.done $0x0  }
0xf9: {  	s12 =	rddreg [dreg:$0xf];
	[sflag:s8] =	ssyncadd.s32 $0xFFFFC000  }
0xfa: {  	[hbm4b:s12+s3] =	stream.linear.scatter [tilespmem:s6], [sflag:$0x4], $0x4000, $0x38;
	[tilespmem:$0xEF00] =	vst v63  }
0xfb: {  	_ =	swait.ge [sflag:s4], $0x4000  }
0xfc: {  	[sflag:s4] =	ssyncset.done $0x0  }
0xfd: {  	[sflag:s4] =	ssyncadd.s32 $0xFFFFC000  }
0xfe: {  	_ =	swait.ge [sflag:s5], $0x4000  }
0xff: {  	[sflag:s5] =	ssyncset.done $0x0  }
0x100: {  	s12 =	rddreg [dreg:$0x10];
	[sflag:s5] =	ssyncadd.s32 $0xFFFFC000  }
0x101: {  	[tilespmem:s23], [sflag:$0x6] =	stream.linear.gather @!p0 [hbm4b:s12+s22], $0x80, $0x38;
	[tilespmem:$0xEF00] =	vst v63  }
0x102: {  	_ =	swait.ge @!p0 [sflag:s21], $0x80  }
0x103: {  	[sflag:s21] =	ssyncset.done @!p0 $0x0  }
0x104: {  	s12 =	simm.s32 @!p0 $0x80;
	[sflag:s21] =	ssyncadd.s32 @!p0 $0xFFFFFF80  }
0x105: {  	[tilespmem:s26], [sflag:$0x5] =	stream.indirect.gather @!p0 [hbm4b:s2+s12], $0x80, s23, s12, $0xb8;
	[tilespmem:$0xEF00] =	vst v63  }
0x106: {  	_ =	swait.ge @!p0 [sflag:s24], $0x4000  }
0x107: {  	[sflag:s24] =	ssyncset.done @!p0 $0x0  }
0x108: {  	s12 =	rddreg [dreg:$0x11];
	[sflag:s24] =	ssyncadd.s32 @!p0 $0xFFFFC000  }
0x109: {  	[hbm4b:s12+s22] =	stream.linear.scatter @!p0 [tilespmem:s26], [sflag:$0x6], $0x4000, $0x38;
	[tilespmem:$0xEF00] =	vst v63  }
0x10a: {  	_ =	swait.ge @!p0 [sflag:s21], $0x4000  }
0x10b: {  	[sflag:s21] =	ssyncset.done @!p0 $0x0  }
0x10c: {  	s12 =	rddreg [dreg:$0x12];
	[sflag:s21] =	ssyncadd.s32 @!p0 $0xFFFFC000  }
0x10d: {  	[tilespmem:s30], [sflag:$0x6] =	stream.linear.gather @!p1 [hbm4b:s12+s29], $0x50, $0x38;
	[tilespmem:$0xEF00] =	vst v63  }
0x10e: {  	_ =	swait.ge @!p1 [sflag:s28], $0x50  }
0x10f: {  	[sflag:s28] =	ssyncset.done @!p1 $0x0  }
0x110: {  	s11 =	sadd.s32 $0xFFFFFFFF, s11;
	[sflag:s28] =	ssyncadd.s32 @!p1 $0xFFFFFFB0  }
0x111: {  	[tilespmem:s0], [sflag:$0x5] =	stream.indirect.gather @!p1 [hbm4b:s2+s1], $0x80, s30, s1, $0xb8;
	[tilespmem:$0xEF00] =	vst v63  }
0x112: {  	p3 =	sne.s32 s11, $0x0;
	_ =	swait.ge @!p1 [sflag:s31], $0x2800  }
.Ltmp2:
0x113: {  	[sflag:s31] =	ssyncset.done @!p1 $0x0;
	(pc) =	sbr.rel @p3 .LBB2_4-.Ltmp2, $4  }
0x114: {  	s12 =	rddreg [dreg:$0x13];
	[sflag:s31] =	ssyncadd.s32 @!p1 $0xFFFFD800  }
0x115: {  	[hbm4b:s12+s29] =	stream.linear.scatter @!p1 [tilespmem:s0], [sflag:$0x6], $0x2800, $0x38;
	[tilespmem:$0xEF00] =	vst v63  }
0x116: {  	_ =	swait.ge @!p1 [sflag:s28], $0x2800  }
0x117: {  	s12 =	rddreg [dreg:$0x4];
	[sflag:s28] =	ssyncset.done @!p1 $0x0  }
0x118: {  	s21 =	stileid.u32  }
0x119: {  	s22 =	rddreg [dreg:$0x3];
	s1 =	simm.s32 $0x580;
	s13 =	simm.s32 $0x500  }
0x11a: {  	s15 =	simm.s32 $0x480;
	s16 =	simm.s32 $0x400;
	s17 =	simm.s32 $0x380  }
0x11b: {  	s18 =	simm.s32 $0x300;
	s19 =	simm.s32 $0x280;
	s23 =	simm.s32 $0x200  }
.LBB2_6:
0x11c: {  	p2 =	por p1, !p2  }
0x11d: {  	[sflag:s28] =	ssyncadd.s32 @!p2 $0xFFFFD800  }
0x11e: {  	[tilespmem:s3], [sflag:$0x6] =	stream.linear.gather [hbm4b:s12+s3], $0x600, $0x38;
	[tilespmem:$0xEF00] =	vst v63  }
0x11f: {  	_ =	swait.ge [sflag:s20], $0x600  }
0x120: {  	[sflag:s20] =	ssyncset.done $0x0  }
0x121: {  	[sflag:s20] =	ssyncadd.s32 $0xFFFFFA00  }
0x122: {  	[tilespmem:s7], [sflag:$0x1] =	stream.indirect.gather [hbm4b:s2+s10], $0x80, s3, s10, $0xb8;
	[tilespmem:$0xEF00] =	vst v63  }
0x123: {  	_ = 	snop  }
0x124: {  	[tilespmem:s6], [sflag:$0x2] =	stream.indirect.gather [hbm4b:s2+s10], $0x80, s10, s10, $0xb8;
	[tilespmem:$0xEF00] =	vst v63  }
0x125: {  	_ =	swait.ge [sflag:s9], $0x4000  }
0x126: {  	[sflag:s9] =	ssyncset.done $0x0  }
0x127: {  	[sflag:s9] =	ssyncadd.s32 $0xFFFFC000  }
0x128: {  	[hbm4b:s14+s3] =	stream.linear.scatter [tilespmem:s7], [sflag:$0x3], $0x4000, $0x38;
	[tilespmem:$0xEF00] =	vst v63  }
0x129: {  	_ =	swait.ge [sflag:s4], $0x4000  }
0x12a: {  	[sflag:s4] =	ssyncset.done $0x0  }
0x12b: {  	s0 =	rddreg [dreg:$0x14];
	[sflag:s4] =	ssyncadd.s32 $0xFFFFC000  }
0x12c: {  	[tilespmem:s7], [sflag:$0x1] =	stream.indirect.gather [hbm4b:s2+s10], $0x80, s0, s10, $0xb8;
	[tilespmem:$0xEF00] =	vst v63  }
0x12d: {  	_ =	swait.ge [sflag:s8], $0x4000  }
0x12e: {  	[sflag:s8] =	ssyncset.done $0x0  }
0x12f: {  	s11 =	rddreg [dreg:$0x5];
	[sflag:s8] =	ssyncadd.s32 $0xFFFFC000  }
0x130: {  	[hbm4b:s11+s3] =	stream.linear.scatter [tilespmem:s6], [sflag:$0x4], $0x4000, $0x38;
	[tilespmem:$0xEF00] =	vst v63  }
0x131: {  	_ =	swait.ge [sflag:s5], $0x4000  }
0x132: {  	[sflag:s5] =	ssyncset.done $0x0  }
0x133: {  	s12 =	rddreg [dreg:$0x15];
	[sflag:s5] =	ssyncadd.s32 $0xFFFFC000  }
0x134: {  	[tilespmem:s6], [sflag:$0x2] =	stream.indirect.gather [hbm4b:s2+s10], $0x80, s12, s10, $0xb8;
	[tilespmem:$0xEF00] =	vst v63  }
0x135: {  	_ =	swait.ge [sflag:s9], $0x4000  }
0x136: {  	[sflag:s9] =	ssyncset.done $0x0  }
0x137: {  	s14 =	rddreg [dreg:$0x6];
	[sflag:s9] =	ssyncadd.s32 $0xFFFFC000  }
0x138: {  	[hbm4b:s14+s3] =	stream.linear.scatter [tilespmem:s7], [sflag:$0x3], $0x4000, $0x38;
	[tilespmem:$0xEF00] =	vst v63  }
0x139: {  	_ =	swait.ge [sflag:s4], $0x4000  }
0x13a: {  	[sflag:s4] =	ssyncset.done $0x0  }
0x13b: {  	[sflag:s4] =	ssyncadd.s32 $0xFFFFC000  }
0x13c: {  	[tilespmem:s7], [sflag:$0x1] =	stream.indirect.gather [hbm4b:s2+s10], $0x80, s23, s10, $0xb8;
	[tilespmem:$0xEF00] =	vst v63  }
0x13d: {  	_ =	swait.ge [sflag:s8], $0x4000  }
0x13e: {  	[sflag:s8] =	ssyncset.done $0x0  }
0x13f: {  	s20 =	rddreg [dreg:$0x7];
	[sflag:s8] =	ssyncadd.s32 $0xFFFFC000  }
0x140: {  	[hbm4b:s20+s3] =	stream.linear.scatter [tilespmem:s6], [sflag:$0x4], $0x4000, $0x38;
	[tilespmem:$0xEF00] =	vst v63  }
0x141: {  	_ =	swait.ge [sflag:s5], $0x4000  }
0x142: {  	[sflag:s5] =	ssyncset.done $0x0  }
0x143: {  	[sflag:s5] =	ssyncadd.s32 $0xFFFFC000  }
0x144: {  	[tilespmem:s6], [sflag:$0x2] =	stream.indirect.gather [hbm4b:s2+s10], $0x80, s19, s10, $0xb8;
	[tilespmem:$0xEF00] =	vst v63  }
0x145: {  	_ =	swait.ge [sflag:s9], $0x4000  }
0x146: {  	[sflag:s9] =	ssyncset.done $0x0  }
0x147: {  	s23 =	rddreg [dreg:$0x8];
	[sflag:s9] =	ssyncadd.s32 $0xFFFFC000  }
0x148: {  	[hbm4b:s23+s3] =	stream.linear.scatter [tilespmem:s7], [sflag:$0x3], $0x4000, $0x38;
	[tilespmem:$0xEF00] =	vst v63  }
0x149: {  	_ =	swait.ge [sflag:s4], $0x4000  }
0x14a: {  	[sflag:s4] =	ssyncset.done $0x0  }
0x14b: {  	[sflag:s4] =	ssyncadd.s32 $0xFFFFC000  }
0x14c: {  	[tilespmem:s7], [sflag:$0x1] =	stream.indirect.gather [hbm4b:s2+s10], $0x80, s18, s10, $0xb8;
	[tilespmem:$0xEF00] =	vst v63  }
0x14d: {  	_ =	swait.ge [sflag:s8], $0x4000  }
0x14e: {  	[sflag:s8] =	ssyncset.done $0x0  }
0x14f: {  	s24 =	rddreg [dreg:$0x9];
	[sflag:s8] =	ssyncadd.s32 $0xFFFFC000  }
0x150: {  	[hbm4b:s24+s3] =	stream.linear.scatter [tilespmem:s6], [sflag:$0x4], $0x4000, $0x38;
	[tilespmem:$0xEF00] =	vst v63  }
0x151: {  	_ =	swait.ge [sflag:s5], $0x4000  }
0x152: {  	[sflag:s5] =	ssyncset.done $0x0  }
0x153: {  	[sflag:s5] =	ssyncadd.s32 $0xFFFFC000  }
0x154: {  	[tilespmem:s6], [sflag:$0x2] =	stream.indirect.gather [hbm4b:s2+s10], $0x80, s17, s10, $0xb8;
	[tilespmem:$0xEF00] =	vst v63  }
0x155: {  	_ =	swait.ge [sflag:s9], $0x4000  }
0x156: {  	[sflag:s9] =	ssyncset.done $0x0  }
0x157: {  	s25 =	rddreg [dreg:$0xa];
	[sflag:s9] =	ssyncadd.s32 $0xFFFFC000  }
0x158: {  	[hbm4b:s25+s3] =	stream.linear.scatter [tilespmem:s7], [sflag:$0x3], $0x4000, $0x38;
	[tilespmem:$0xEF00] =	vst v63  }
0x159: {  	_ =	swait.ge [sflag:s4], $0x4000  }
0x15a: {  	[sflag:s4] =	ssyncset.done $0x0  }
0x15b: {  	[sflag:s4] =	ssyncadd.s32 $0xFFFFC000  }
0x15c: {  	[tilespmem:s7], [sflag:$0x1] =	stream.indirect.gather [hbm4b:s2+s10], $0x80, s16, s10, $0xb8;
	[tilespmem:$0xEF00] =	vst v63  }
0x15d: {  	_ =	swait.ge [sflag:s8], $0x4000  }
0x15e: {  	[sflag:s8] =	ssyncset.done $0x0  }
0x15f: {  	s26 =	rddreg [dreg:$0xb];
	[sflag:s8] =	ssyncadd.s32 $0xFFFFC000  }
0x160: {  	[hbm4b:s26+s3] =	stream.linear.scatter [tilespmem:s6], [sflag:$0x4], $0x4000, $0x38;
	[tilespmem:$0xEF00] =	vst v63  }
0x161: {  	_ =	swait.ge [sflag:s5], $0x4000  }
0x162: {  	[sflag:s5] =	ssyncset.done $0x0  }
0x163: {  	[sflag:s5] =	ssyncadd.s32 $0xFFFFC000  }
0x164: {  	[tilespmem:s6], [sflag:$0x2] =	stream.indirect.gather [hbm4b:s2+s10], $0x80, s15, s10, $0xb8;
	[tilespmem:$0xEF00] =	vst v63  }
0x165: {  	_ =	swait.ge [sflag:s9], $0x4000  }
0x166: {  	[sflag:s9] =	ssyncset.done $0x0  }
0x167: {  	s28 =	rddreg [dreg:$0xc];
	[sflag:s9] =	ssyncadd.s32 $0xFFFFC000  }
0x168: {  	[hbm4b:s28+s3] =	stream.linear.scatter [tilespmem:s7], [sflag:$0x3], $0x4000, $0x38;
	[tilespmem:$0xEF00] =	vst v63  }
0x169: {  	_ =	swait.ge [sflag:s4], $0x4000  }
0x16a: {  	[sflag:s4] =	ssyncset.done $0x0  }
0x16b: {  	[sflag:s4] =	ssyncadd.s32 $0xFFFFC000  }
0x16c: {  	[tilespmem:s7], [sflag:$0x1] =	stream.indirect.gather [hbm4b:s2+s10], $0x80, s13, s10, $0xb8;
	[tilespmem:$0xEF00] =	vst v63  }
0x16d: {  	_ =	swait.ge [sflag:s8], $0x4000  }
0x16e: {  	[sflag:s8] =	ssyncset.done $0x0  }
0x16f: {  	s29 =	rddreg [dreg:$0xd];
	[sflag:s8] =	ssyncadd.s32 $0xFFFFC000  }
0x170: {  	[hbm4b:s29+s3] =	stream.linear.scatter [tilespmem:s6], [sflag:$0x4], $0x4000, $0x38;
	[tilespmem:$0xEF00] =	vst v63  }
0x171: {  	_ =	swait.ge [sflag:s5], $0x4000  }
0x172: {  	[sflag:s5] =	ssyncset.done $0x0  }
0x173: {  	[sflag:s5] =	ssyncadd.s32 $0xFFFFC000  }
0x174: {  	[tilespmem:s6], [sflag:$0x2] =	stream.indirect.gather [hbm4b:s2+s10], $0x80, s1, s10, $0xb8;
	[tilespmem:$0xEF00] =	vst v63  }
0x175: {  	_ =	swait.ge [sflag:s9], $0x4000  }
0x176: {  	[sflag:s9] =	ssyncset.done $0x0  }
0x177: {  	s30 =	rddreg [dreg:$0xe];
	[sflag:s9] =	ssyncadd.s32 $0xFFFFC000  }
0x178: {  	[hbm4b:s30+s3] =	stream.linear.scatter [tilespmem:s7], [sflag:$0x3], $0x4000, $0x38;
	[tilespmem:$0xEF00] =	vst v63  }
0x179: {  	_ =	swait.ge [sflag:s8], $0x4000  }
0x17a: {  	[sflag:s8] =	ssyncset.done $0x0  }
0x17b: {  	s31 =	rddreg [dreg:$0xf];
	[sflag:s8] =	ssyncadd.s32 $0xFFFFC000  }
0x17c: {  	[hbm4b:s31+s3] =	stream.linear.scatter [tilespmem:s6], [sflag:$0x4], $0x4000, $0x38;
	[tilespmem:$0xEF00] =	vst v63  }
0x17d: {  	_ =	swait.ge [sflag:s4], $0x4000  }
0x17e: {  	[sflag:s4] =	ssyncset.done $0x0  }
0x17f: {  	[sflag:s4] =	ssyncadd.s32 $0xFFFFC000  }
0x180: {  	_ =	swait.ge [sflag:s5], $0x4000  }
0x181: {  	s1 =	simm.s32 @!p0 $0x6;
	s3 =	simm.s32 @!p0 $0x0;
	[sflag:s5] =	ssyncset.done $0x0  }
0x182: {  	s4 =	simm.s32 @!p0 $0x8600;
	s0 =	rddreg [dreg:$0x10];
	[sflag:s5] =	ssyncadd.s32 $0xFFFFC000  }
0x183: {  	[tilespmem:s4], [sflag:$0x6] =	stream.linear.gather @!p0 [hbm4b:s0+s3], $0x80, $0x38;
	[tilespmem:$0xEF00] =	vst v63  }
0x184: {  	_ =	swait.ge @!p0 [sflag:s1], $0x80  }
0x185: {  	s6 =	simm.s32 @!p0 $0x8680;
	[sflag:s1] =	ssyncset.done @!p0 $0x0  }
0x186: {  	s5 =	simm.s32 @!p0 $0x80;
	s0 =	simm.s32 @!p0 $0x5;
	[sflag:s1] =	ssyncadd.s32 @!p0 $0xFFFFFF80  }
0x187: {  	[tilespmem:s6], [sflag:$0x5] =	stream.indirect.gather @!p0 [hbm4b:s2+s5], $0x80, s4, s5, $0xb8;
	[tilespmem:$0xEF00] =	vst v63  }
0x188: {  	_ =	swait.ge @!p0 [sflag:s0], $0x4000  }
0x189: {  	[sflag:s0] =	ssyncset.done @!p0 $0x0  }
0x18a: {  	s4 =	rddreg [dreg:$0x11];
	[sflag:s0] =	ssyncadd.s32 @!p0 $0xFFFFC000  }
0x18b: {  	[hbm4b:s4+s3] =	stream.linear.scatter @!p0 [tilespmem:s6], [sflag:$0x6], $0x4000, $0x38;
	[tilespmem:$0xEF00] =	vst v63  }
0x18c: {  	_ =	swait.ge @!p0 [sflag:s1], $0x4000  }
0x18d: {  	s3 =	simm.s32 @!p1 $0x6;
	s4 =	simm.s32 @!p1 $0xC680;
	[sflag:s1] =	ssyncset.done @!p0 $0x0  }
0x18e: {  	s0 =	rddreg [dreg:$0x12];
	[sflag:s1] =	ssyncadd.s32 @!p0 $0xFFFFC000;
	s1 =	simm.s32 @!p1 $0x0  }
0x18f: {  	[tilespmem:s4], [sflag:$0x6] =	stream.linear.gather @!p1 [hbm4b:s0+s1], $0x50, $0x38;
	[tilespmem:$0xEF00] =	vst v63  }
0x190: {  	_ =	swait.ge @!p1 [sflag:s3], $0x50  }
0x191: {  	s5 =	simm.s32 @!p1 $0x50;
	[sflag:s3] =	ssyncset.done @!p1 $0x0  }
0x192: {  	s6 =	simm.s32 @!p1 $0xC700;
	s0 =	simm.s32 @!p1 $0x5;
	[sflag:s3] =	ssyncadd.s32 @!p1 $0xFFFFFFB0  }
0x193: {  	[tilespmem:s6], [sflag:$0x5] =	stream.indirect.gather @!p1 [hbm4b:s2+s5], $0x80, s4, s5, $0xb8;
	[tilespmem:$0xEF00] =	vst v63  }
0x194: {  	_ =	swait.ge @!p1 [sflag:s0], $0x2800  }
0x195: {  	[sflag:s0] =	ssyncset.done @!p1 $0x0  }
0x196: {  	s2 =	rddreg [dreg:$0x13];
	[sflag:s0] =	ssyncadd.s32 @!p1 $0xFFFFD800  }
0x197: {  	[hbm4b:s2+s1] =	stream.linear.scatter @!p1 [tilespmem:s6], [sflag:$0x6], $0x2800, $0x38;
	[tilespmem:$0xEF00] =	vst v63  }
0x198: {  	_ =	swait.ge @!p1 [sflag:s3], $0x2800  }
0x199: {  	[sflag:s3] =	ssyncset.done @!p1 $0x0  }
0x19a: {  	[sflag:s3] =	ssyncadd.s32 @!p1 $0xFFFFD800  }
0x19b: {  	_ =	sfence.sel $0x180000  }
0x19c: {  	[bflag:$0x0] =	sbarrier.arrive $0xFFFF  }
0x19d: {  	p0 =	sne.s32 s21, $0x0;
	_ =	strace $0x90000047  }
0x19e: {  	s0 =	sadd.s32 @!p0 $0x100000, s22;
	[bflag:$0x2] =	sbarrier.arrive $0xFFFF  }
0x19f: {  	[sflag:s0] =	ssyncadd.tile.s32 @!p0 $0x1;
	_ =	shalt  }
.LBB2_1:
.Ltmp3:
0x1a0: {  	(pc) =	sbr.rel .LBB2_6-.Ltmp3, $2  }
0x1a1: {  	_ =	sdelay $0x2  }
0x1a2: {  	_ = 	snop  }
.LBB2_3:
.Ltmp4:
0x1a3: {  	(pc) =	sbr.rel .LBB2_6-.Ltmp4, $4  }
0x1a4: {  	s21 =	stileid.u32  }
0x1a5: {  	s22 =	rddreg [dreg:$0x3];
	s1 =	simm.s32 $0x580;
	s13 =	simm.s32 $0x500  }
0x1a6: {  	s15 =	simm.s32 $0x480;
	s16 =	simm.s32 $0x400;
	s17 =	simm.s32 $0x380  }
0x1a7: {  	s18 =	simm.s32 $0x300;
	s19 =	simm.s32 $0x280;
	s23 =	simm.s32 $0x200  }
.Lfunc_end2:
_tile_overlayer_lowered:
.L_overlay_start_2:
0x1a8: {  	(tag) =	ssettag $0x2  }
0x1a9: {  	s0 =	rddreg [dreg:$0x0];
	s2 =	stileid.u32  }
0x1aa: {  	s1 =	rddreg [dreg:$0x1];
	p0 =	sne.s32 s2, $0x0  }
0x1ab: {  	s3 =	rddreg [dreg:$0x2];
	[bflag:$0x3] =	sbarrier.arrive $0xFFFF;
	s2 =	simm.s32 @!p0 $0x1C06  }
0x1ac: {  	[timem:s3], [sflag:s2] =	dma.local @!p0 [hbm:s0], s1  }
0x1ad: {  	s0 =	simm.s32 @!p0 $0x6  }
0x1ae: {  	_ =	swait.ge @!p0 [sflag:s0], s1  }
0x1af: {  	s1 =	ssub.s32 @!p0 $0x0, s1;
	[sflag:s0] =	ssyncset.done @!p0 $0x0  }
0x1b0: {  	[sflag:s0] =	ssyncadd.s32 @!p0 s1  }
0x1b1: {  	[bflag:$0x3] =	sbarrier.arrive $0xFFFF  }
0x1b2: {  	_ =	shalt  }

</sc_bundles>
